<compile_context>
chip_gen: v7x
topology: tpu7x:2x2x1
jax: 0.10.2.dev20260603
libtpu: 0.0.44.dev20260713+nightly
codegen_flags: <defaults>
</compile_context>

<pallas_src>
import numpy as np
import jax
from jax import lax
import jax.numpy as jnp
from jax.experimental import pallas as pl
from jax.experimental.pallas import tpu as pltpu
from jax.experimental.pallas import tpu_sc as plsc

_A = 9
_STRIDE = 16
_PRE = 6000
_POST = 300
_THRESH = 0.7
_NEG = -1e30
_LANES = 128
_B = 4
_HW = 4096
_N = _A * _HW
_R = _N // _LANES
_RA = _HW // _LANES
_CH = _N // 16
_CPAD = _CH + 16
_ILIST = _PRE + _CH + 16
_CR = 47
_CN = _CR * _LANES


def _anchor_planes():
    base_size = 16.0
    ratios = np.array([0.5, 1.0, 2.0])
    scales = np.array([8.0, 16.0, 32.0])
    ctr = (base_size - 1.0) / 2.0
    size = base_size * base_size
    anchors = []
    for r in ratios:
        ws = np.round(np.sqrt(size / r))
        hs = np.round(ws * r)
        for s in scales:
            w = ws * s
            h = hs * s
            anchors.append([ctr - 0.5 * (w - 1.0), ctr - 0.5 * (h - 1.0),
                            ctr + 0.5 * (w - 1.0), ctr + 0.5 * (h - 1.0)])
    base = np.asarray(anchors, dtype=np.float32)
    shift_x = np.arange(64, dtype=np.float32) * _STRIDE
    shift_y = np.arange(64, dtype=np.float32) * _STRIDE
    sx, sy = np.meshgrid(shift_x, shift_y)
    shifts = np.stack([sx.ravel(), sy.ravel(), sx.ravel(), sy.ravel()],
                      axis=1).astype(np.float32)
    allb = (shifts[None, :, :] + base[:, None, :])
    return np.transpose(allb, (2, 0, 1)).reshape(4, _R, _LANES)


def _decode_kernel(scr, dlt, anc, info, planes, keys_out, thr):
    p3 = (lax.broadcasted_iota(jnp.int32, (1, _R, _LANES), 1) * _LANES
          + lax.broadcasted_iota(jnp.int32, (1, _R, _LANES), 2))
    n3 = (p3 & jnp.int32(_HW - 1)) * _A + lax.shift_right_logical(p3, 12)

    ablk = []
    for a in range(_A):
        ax1 = anc[0, pl.ds(_RA * a, _RA)]
        ay1 = anc[1, pl.ds(_RA * a, _RA)]
        ax2 = anc[2, pl.ds(_RA * a, _RA)]
        ay2 = anc[3, pl.ds(_RA * a, _RA)]
        aw = ax2 - ax1 + 1.0
        ah = ay2 - ay1 + 1.0
        ablk.append((aw, ah, ax1 + 0.5 * aw, ay1 + 0.5 * ah))

    for b in range(_B):
        hmax = info[b, 0] - 1.0
        wmax = info[b, 1] - 1.0
        for a in range(_A):
            aw, ah, acx, acy = ablk[a]
            pcx = dlt[b, 4 * a + 0] * aw + acx
            pcy = dlt[b, 4 * a + 1] * ah + acy
            pw = jnp.exp(dlt[b, 4 * a + 2]) * aw
            ph = jnp.exp(dlt[b, 4 * a + 3]) * ah
            rs = pl.ds(_RA * a, _RA)
            planes[0, b, rs] = jnp.clip(pcx - 0.5 * pw, 0.0, wmax)
            planes[1, b, rs] = jnp.clip(pcy - 0.5 * ph, 0.0, hmax)
            planes[2, b, rs] = jnp.clip(pcx + 0.5 * pw, 0.0, wmax)
            planes[3, b, rs] = jnp.clip(pcy + 0.5 * ph, 0.0, hmax)
            sb = scr[b, _A + a]
            planes[4, b, rs] = sb
            bits = lax.bitcast_convert_type(sb, jnp.int32)
            keys_out[b, rs] = bits ^ (lax.shift_right_arithmetic(bits, 31)
                                      & jnp.int32(0x7FFFFFFF))

    keys = keys_out[...]
    c0 = jnp.sum((keys >= 0).astype(jnp.int32), axis=(1, 2), keepdims=True)
    p0 = jnp.where(c0 >= _PRE, jnp.int32(0), jnp.int32(-(2**31)))

    def sel_body(t, p):
        cand = p | (jnp.int32(1) << (jnp.int32(30) - t))
        c = jnp.sum((keys >= cand).astype(jnp.int32), axis=(1, 2), keepdims=True)
        return jnp.where(c >= _PRE, cand, p)

    kth = lax.fori_loop(0, 31, sel_body, p0)
    strictly = jnp.sum((keys > kth).astype(jnp.int32), axis=(1, 2), keepdims=True)
    tied = keys == kth
    t_allow = jnp.int32(_PRE) - strictly

    def idx_body(t, m):
        cand = m | (jnp.int32(1) << (jnp.int32(16) - t))
        c = jnp.sum((tied & (n3 < cand)).astype(jnp.int32),
                    axis=(1, 2), keepdims=True)
        return jnp.where(c <= t_allow, cand, m)

    mstar = lax.fori_loop(0, 17, idx_body, jnp.zeros((_B, 1, 1), jnp.int32))
    pair = jnp.concatenate([jnp.broadcast_to(kth, (_B, 1, _LANES)),
                            jnp.broadcast_to(mstar, (_B, 1, _LANES))], axis=1)
    thr[...] = pair.reshape(2 * _B, _LANES)


def _compact_kernel(keys_hbm, thr_hbm, ilist_hbm,
                    kbuf, thrbuf, lbuf, cnt16, cbuf, jbuf, obuf, shloc, shcnt):
    cid = lax.axis_index("c")
    sid = lax.axis_index("s")
    for bslot in range(2):
        b = cid + 2 * bslot
        pltpu.sync_copy(keys_hbm.at[pl.ds(b * _N + sid * _CH, _CH)], kbuf)
        pltpu.sync_copy(thr_hbm.at[pl.ds(b * 2 * _LANES, 16)],
                        thrbuf.at[pl.ds(0, 16)])
        pltpu.sync_copy(thr_hbm.at[pl.ds(b * 2 * _LANES + _LANES, 16)],
                        thrbuf.at[pl.ds(16, 16)])
        kv_thr = thrbuf[pl.ds(0, 16)]
        mv_thr = thrbuf[pl.ds(16, 16)]
        chunk0 = sid * _CH

        def body(v, cur):
            kv = kbuf[pl.ds(v * 16, 16)]
            fiv = lax.iota(jnp.int32, 16) + (chunk0 + v * 16)
            nv = ((fiv & jnp.int32(_HW - 1)) * _A
                  + lax.shift_right_logical(fiv, 12))
            mk = (kv > kv_thr) | ((kv == kv_thr) & (nv < mv_thr))
            skey = jnp.where(mk, fiv, fiv | jnp.int32(0x40000000))
            lbuf[pl.ds(cur, 16)] = plsc.sort_key_val(skey, fiv)[1]
            c = plsc.all_reduce_population_count(mk)
            return cur + jnp.max(c)

        cnt = lax.fori_loop(0, _CH // 16, body, jnp.int32(0))
        pltpu.sync_copy(lbuf, shloc.at[pl.ds((bslot * 16 + sid) * _CPAD, _CPAD)])
        cnt16[...] = jnp.full((16,), cnt, jnp.int32)
        pltpu.sync_copy(cnt16, shcnt.at[pl.ds((bslot * 16 + sid) * 16, 16)])
    plsc.subcore_barrier()

    @pl.when(sid < 2)
    def _concat():
        b = cid + 2 * sid
        pltpu.sync_copy(shcnt.at[pl.ds(sid * 256, 256)], cbuf)

        def cbody(j, cur):
            pltpu.sync_copy(shloc.at[pl.ds((sid * 16 + j) * _CPAD, _CPAD)], jbuf)

            def copy16(i, _):
                for u in range(4):
                    off = i * 64 + u * 16
                    obuf[pl.ds(cur + off, 16)] = jbuf[pl.ds(off, 16)]
                return 0

            lax.fori_loop(0, _CH // 64, copy16, 0)
            return cur + jnp.max(cbuf[pl.ds(j * 16, 16)])

        lax.fori_loop(0, 16, cbody, jnp.int32(0))
        pltpu.sync_copy(obuf, ilist_hbm.at[pl.ds(b * _ILIST, _ILIST)])


def _gather_kernel(planes_hbm, ilist_hbm, compact_hbm, pbuf, ibuf, obuf):
    cid = lax.axis_index("c")
    sid = lax.axis_index("s")
    wid = sid * 2 + cid

    @pl.when(wid < 5 * _B)
    def _run():
        b = wid // 5
        comp = wid - 5 * b
        pltpu.sync_copy(planes_hbm.at[pl.ds((comp * _B + b) * _N, _N)], pbuf)
        pltpu.sync_copy(ilist_hbm.at[pl.ds(b * _ILIST, _CN)], ibuf)

        def body(i, _):
            for u in range(4):
                off = i * 64 + u * 16
                iv = ibuf[pl.ds(off, 16)]
                ivc = jnp.minimum(jnp.maximum(iv, jnp.int32(0)),
                                  jnp.int32(_N - 1))
                obuf[pl.ds(off, 16)] = plsc.load_gather(pbuf, [ivc])
            return 0

        lax.fori_loop(0, _CN // 64, body, 0)
        pltpu.sync_copy(obuf, compact_hbm.at[pl.ds((b * 5 + comp) * _CN, _CN)])


def _nms_kernel(cboard, pcomp, out):
    fi3 = (lax.broadcasted_iota(jnp.int32, (1, _CR, _LANES), 1) * _LANES
           + lax.broadcasted_iota(jnp.int32, (1, _CR, _LANES), 2))
    c = cboard[...]
    x1v = c[:, 0]
    y1v = c[:, 1]
    x2v = c[:, 2]
    y2v = c[:, 3]
    pv = pcomp[...]
    nc = jnp.where(fi3 < _PRE,
                   (pv & jnp.int32(_HW - 1)) * _A + lax.shift_right_logical(pv, 12),
                   jnp.int32(2**29))
    v0 = jnp.where(fi3 < _PRE, c[:, 4], jnp.float32(_NEG))
    arv = (x2v - x1v + 1.0) * (y2v - y1v + 1.0)

    def nms_body(i, v):
        m = jnp.max(v, axis=(1, 2), keepdims=True)
        cand = jnp.where(v == m, nc, jnp.int32(2**30))
        mi = jnp.min(cand, axis=(1, 2), keepdims=True)
        issel = nc == mi
        okf = (m > jnp.float32(-0.5e30)).astype(jnp.float32)
        zf = jnp.float32(0.0)
        bx1 = jnp.sum(jnp.where(issel, x1v, zf), axis=(1, 2), keepdims=True)
        by1 = jnp.sum(jnp.where(issel, y1v, zf), axis=(1, 2), keepdims=True)
        bx2 = jnp.sum(jnp.where(issel, x2v, zf), axis=(1, 2), keepdims=True)
        by2 = jnp.sum(jnp.where(issel, y2v, zf), axis=(1, 2), keepdims=True)
        bar = (bx2 - bx1 + 1.0) * (by2 - by1 + 1.0)
        xx1 = jnp.maximum(x1v, bx1)
        yy1 = jnp.maximum(y1v, by1)
        xx2 = jnp.minimum(x2v, bx2)
        yy2 = jnp.minimum(y2v, by2)
        iw = jnp.maximum(xx2 - xx1 + 1.0, 0.0)
        ih = jnp.maximum(yy2 - yy1 + 1.0, 0.0)
        inter = iw * ih
        iou = inter / (bar + arv - inter)
        kill = (iou > jnp.float32(_THRESH)) | issel
        row = jnp.concatenate([
            (bx1 * okf)[:, 0, 0], (by1 * okf)[:, 0, 0],
            (bx2 * okf)[:, 0, 0], (by2 * okf)[:, 0, 0],
            jnp.zeros((_LANES - 4 * _B,), jnp.float32)], axis=0)
        out[pl.ds(i, 1), :] = row[None, :]
        return jnp.where(kill, jnp.float32(_NEG), v)

    lax.fori_loop(0, _POST, nms_body, v0)


def kernel(scores_raw, bbox_deltas, im_info):
    B = scores_raw.shape[0]
    f32, i32 = jnp.float32, jnp.int32

    scr = scores_raw.reshape(B, 2 * _A, _RA, _LANES)
    dlt = bbox_deltas.reshape(B, 4 * _A, _RA, _LANES)
    anc = jnp.asarray(_anchor_planes())

    planes, keys, thr = pl.pallas_call(
        _decode_kernel,
        out_shape=(jax.ShapeDtypeStruct((5, B, _R, _LANES), f32),
                   jax.ShapeDtypeStruct((B, _R, _LANES), i32),
                   jax.ShapeDtypeStruct((2 * B, _LANES), i32)),
        in_specs=[pl.BlockSpec(memory_space=pltpu.VMEM)] * 3
        + [pl.BlockSpec(memory_space=pltpu.SMEM)],
        out_specs=(pl.BlockSpec(memory_space=pltpu.VMEM),
                   pl.BlockSpec(memory_space=pltpu.VMEM),
                   pl.BlockSpec(memory_space=pltpu.VMEM)),
    )(scr, dlt, anc, im_info)

    mesh = plsc.VectorSubcoreMesh(core_axis_name="c", subcore_axis_name="s")

    ilist = pl.kernel(
        _compact_kernel,
        mesh=mesh,
        compiler_params=pltpu.CompilerParams(needs_layout_passes=False),
        out_type=jax.ShapeDtypeStruct((B * _ILIST,), i32),
        scratch_types=[
            pltpu.VMEM((_CH,), i32),
            pltpu.VMEM((32,), i32),
            pltpu.VMEM((_CPAD,), i32),
            pltpu.VMEM((16,), i32),
            pltpu.VMEM((256,), i32),
            pltpu.VMEM((_CPAD,), i32),
            pltpu.VMEM((_ILIST,), i32),
            pltpu.VMEM_SHARED((2 * 16 * _CPAD,), i32),
            pltpu.VMEM_SHARED((2 * 16 * 16,), i32),
        ],
    )(keys.reshape(B * _N), thr.reshape(2 * B * _LANES))

    compact = pl.kernel(
        _gather_kernel,
        mesh=mesh,
        compiler_params=pltpu.CompilerParams(needs_layout_passes=False),
        out_type=jax.ShapeDtypeStruct((B * 5 * _CN,), f32),
        scratch_types=[
            pltpu.VMEM((_N,), f32),
            pltpu.VMEM((_CN,), i32),
            pltpu.VMEM((_CN,), f32),
        ],
    )(planes.reshape(5 * B * _N), ilist)

    pc = ilist.reshape(B, _ILIST)[:, :_CN].reshape(B, _CR, _LANES)

    rows = pl.pallas_call(
        _nms_kernel,
        out_shape=jax.ShapeDtypeStruct((_POST, _LANES), f32),
        in_specs=[pl.BlockSpec(memory_space=pltpu.VMEM)] * 2,
        out_specs=pl.BlockSpec(memory_space=pltpu.VMEM),
    )(compact.reshape(B, 5, _CR, _LANES), pc)

    boxes = jnp.transpose(rows[:, :4 * B].reshape(_POST, 4, B), (2, 0, 1))
    bcol = jnp.broadcast_to(jnp.arange(B, dtype=f32)[:, None, None], (B, _POST, 1))
    return jnp.concatenate([bcol, boxes], axis=2)

# --- scband reference (transcript-rebuilt; emitter-appended) ---
"""Pipeline reference for scband-proposal-layer-24498493456861 (READ-ONLY COPY).

The authoritative reference and input builder live on the scoring server;
editing this copy changes nothing except your own understanding.
"""

import jax, jax.numpy as jnp
import numpy as np

ANCHORS_PER_POINT = 9
FEAT_STRIDE = 16
PRE_NMS_TOP = 6000
POST_NMS_TOP = 300
NMS_THRESH = 0.7


def _base_anchors():
    base_size = 16.0
    ratios = np.array([0.5, 1.0, 2.0])
    scales = np.array([8.0, 16.0, 32.0])
    x_ctr = (base_size - 1.0) / 2.0
    y_ctr = (base_size - 1.0) / 2.0
    size = base_size * base_size
    anchors = []
    for r in ratios:
        ws = np.round(np.sqrt(size / r))
        hs = np.round(ws * r)
        for s in scales:
            w = ws * s
            h = hs * s
            anchors.append([x_ctr - 0.5 * (w - 1.0), y_ctr - 0.5 * (h - 1.0), x_ctr + 0.5 * (w - 1.0), y_ctr + 0.5 * (h - 1.0)])
    return np.asarray(anchors, dtype=np.float32)


def generate(feature_h, feature_w):
    base = _base_anchors()
    shift_x = np.arange(feature_w, dtype=np.float32) * FEAT_STRIDE
    shift_y = np.arange(feature_h, dtype=np.float32) * FEAT_STRIDE
    sx, sy = np.meshgrid(shift_x, shift_y)
    shifts = np.stack([sx.ravel(), sy.ravel(), sx.ravel(), sy.ravel()], axis=1).astype(np.float32)
    all_anchors = (shifts[:, None, :] + base[None, :, :]).reshape(-1, 4)
    return jnp.asarray(all_anchors)


def bbox_transform_inv(anchors, deltas):
    widths = anchors[..., 2] - anchors[..., 0] + 1.0
    heights = anchors[..., 3] - anchors[..., 1] + 1.0
    ctr_x = anchors[..., 0] + 0.5 * widths
    ctr_y = anchors[..., 1] + 0.5 * heights
    dx, dy, dw, dh = deltas[..., 0], deltas[..., 1], deltas[..., 2], deltas[..., 3]
    pred_ctr_x = dx * widths + ctr_x
    pred_ctr_y = dy * heights + ctr_y
    pred_w = jnp.exp(dw) * widths
    pred_h = jnp.exp(dh) * heights
    return jnp.stack([pred_ctr_x - 0.5 * pred_w, pred_ctr_y - 0.5 * pred_h, pred_ctr_x + 0.5 * pred_w, pred_ctr_y + 0.5 * pred_h], axis=-1)


def clip_boxes(boxes, im_info):
    h = im_info[:, 0][:, None]
    w = im_info[:, 1][:, None]
    x1 = jnp.clip(boxes[..., 0], 0.0, w - 1.0)
    y1 = jnp.clip(boxes[..., 1], 0.0, h - 1.0)
    x2 = jnp.clip(boxes[..., 2], 0.0, w - 1.0)
    y2 = jnp.clip(boxes[..., 3], 0.0, h - 1.0)
    return jnp.stack([x1, y1, x2, y2], axis=-1)


def nms_fixed(boxes, scores, thresh, max_out):
    x1, y1, x2, y2 = boxes[:, 0], boxes[:, 1], boxes[:, 2], boxes[:, 3]
    areas = (x2 - x1 + 1.0) * (y2 - y1 + 1.0)
    neg_inf = jnp.float32(-1e30)

    def body(i, state):
        sc, keep, valid = state
        idx = jnp.argmax(sc)
        ok = sc[idx] > neg_inf * 0.5
        keep = keep.at[i].set(idx.astype(jnp.int32))
        valid = valid.at[i].set(ok)
        xx1 = jnp.maximum(x1[idx], x1)
        yy1 = jnp.maximum(y1[idx], y1)
        xx2 = jnp.minimum(x2[idx], x2)
        yy2 = jnp.minimum(y2[idx], y2)
        iw = jnp.maximum(xx2 - xx1 + 1.0, 0.0)
        ih = jnp.maximum(yy2 - yy1 + 1.0, 0.0)
        inter = iw * ih
        iou = inter / (areas[idx] + areas - inter)
        sc = jnp.where(iou > thresh, neg_inf, sc)
        sc = sc.at[idx].set(neg_inf)
        return sc, keep, valid

    keep0 = jnp.zeros((max_out,), jnp.int32)
    valid0 = jnp.zeros((max_out,), dtype=bool)
    _, keep, valid = jax.lax.fori_loop(0, max_out, body, (scores, keep0, valid0))
    return keep, valid


def setup_inputs(seed: int = 0):
    key = jax.random.key(seed)
    k1, k2 = jax.random.split(key)
    B, A, H, W = 4, ANCHORS_PER_POINT, 64, 64
    scores_raw = jax.random.normal(k1, (B, 2 * A, H, W), dtype=jnp.float32)
    bbox_deltas = jax.random.normal(k2, (B, 4 * A, H, W), dtype=jnp.float32) * 0.2
    im_info = jnp.ones((B, 3), dtype=jnp.float32) * jnp.array([1024.0, 1024.0, 1.0], dtype=jnp.float32)
    return {"scores_raw": scores_raw, "bbox_deltas": bbox_deltas, "im_info": im_info}


def reference(scores_raw, bbox_deltas, im_info):
    A = ANCHORS_PER_POINT
    scores = scores_raw[:, A:, :, :]
    B = bbox_deltas.shape[0]
    H, W = scores.shape[2], scores.shape[3]
    anchors = generate(H, W)
    anchors = jnp.broadcast_to(anchors[None, :, :], (B, anchors.shape[0], 4)).astype(bbox_deltas.dtype)
    deltas = jnp.transpose(bbox_deltas, (0, 2, 3, 1)).reshape(B, -1, 4)
    sc = jnp.transpose(scores, (0, 2, 3, 1)).reshape(B, -1)
    proposals = bbox_transform_inv(anchors, deltas)
    proposals = clip_boxes(proposals, im_info)
    order = jnp.argsort(-sc, axis=1)
    rows = []
    for i in range(B):
        ord_i = order[i][:PRE_NMS_TOP]
        props_i = proposals[i][ord_i]
        sc_i = sc[i][ord_i]
        keep, valid = nms_fixed(jax.lax.stop_gradient(props_i), jax.lax.stop_gradient(sc_i), NMS_THRESH, POST_NMS_TOP)
        props_k = props_i[keep] * valid.astype(props_i.dtype)[:, None]
        row = jnp.concatenate([jnp.full((POST_NMS_TOP, 1), float(i), dtype=props_i.dtype), props_k], axis=1)
        rows.append(row)
    return jnp.stack(rows, axis=0)

if __name__ == "__main__":
    import jax
    _d = setup_inputs()
    print(jax.jit(kernel)(*tuple(_d.values())))

</pallas_src>

<mosaic_0001>
#map = affine_map<(d0, d1) -> (0)>
module attributes {stable_mosaic.version = 14 : i64} {
  func.func @_compact_kernel(%arg0: i32, %arg1: i32, %arg2: memref<147456xi32, #tpu.memory_space<hbm>>, %arg3: memref<1024xi32, #tpu.memory_space<hbm>>, %arg4: memref<33280xi32, #tpu.memory_space<hbm>>, %arg5: memref<2304xi32, #tpu.memory_space<vmem>>, %arg6: memref<32xi32, #tpu.memory_space<vmem>>, %arg7: memref<2320xi32, #tpu.memory_space<vmem>>, %arg8: memref<16xi32, #tpu.memory_space<vmem>>, %arg9: memref<256xi32, #tpu.memory_space<vmem>>, %arg10: memref<2320xi32, #tpu.memory_space<vmem>>, %arg11: memref<8320xi32, #tpu.memory_space<vmem>>, %arg12: memref<74240xi32, #tpu.memory_space<vmem_shared>>, %arg13: memref<512xi32, #tpu.memory_space<vmem_shared>>) attributes {dimension_semantics = [#tpu.dimension_semantics<core_parallel>, #tpu.dimension_semantics<subcore_parallel>], iteration_bounds = array<i64: 2, 16>, scalar_prefetch = 0 : i64, scratch_operands = 9 : i64, tpu.core_type = #tpu.core_type<sc_vector_subcore>, window_params = [{transform_indices = #map}, {transform_indices = #map}, {transform_indices = #map}]} {
    %add3A = arith.constant 0 : i32
    %add3A_0 = arith.addi %arg0, %add3A : i32
    %mul3A = arith.constant 36864 : i32
    %mul3A_1 = arith.muli %add3A_0, %mul3A : i32
    %mul3A_2 = arith.constant 2304 : i32
    %mul3A_3 = arith.muli %arg1, %mul3A_2 : i32
    %add3A_4 = arith.addi %mul3A_1, %mul3A_3 : i32
    "tpu.region"() ({
      %run_scoped3A = tpu.sem_alloc : memref<!tpu.dma_semaphore, #tpu.memory_space<semaphore_mem>>
      %dma_start3A = tpu.memref_slice %arg2[%add3A_4] : memref<147456xi32, #tpu.memory_space<hbm>> -> memref<2304xi32, #tpu.memory_space<hbm>>
      %dma_start3A_78 = tpu.memref_slice %arg2[%add3A_4] : memref<147456xi32, #tpu.memory_space<hbm>> -> memref<2304xi32, #tpu.memory_space<hbm>>
      tpu.enqueue_dma source(%dma_start3A_78 : memref<2304xi32, #tpu.memory_space<hbm>>) target(%arg5 : memref<2304xi32, #tpu.memory_space<vmem>>) target_semaphore(%run_scoped3A : memref<!tpu.dma_semaphore, #tpu.memory_space<semaphore_mem>>)
      %dma_wait3A = tpu.memref_slice %arg2[%add3A_4] : memref<147456xi32, #tpu.memory_space<hbm>> -> memref<2304xi32, #tpu.memory_space<hbm>>
      %dma_wait3A_79 = tpu.memref_slice %arg2[%add3A_4] : memref<147456xi32, #tpu.memory_space<hbm>> -> memref<2304xi32, #tpu.memory_space<hbm>>
      tpu.wait_dma2 semaphore(%run_scoped3A : memref<!tpu.dma_semaphore, #tpu.memory_space<semaphore_mem>>) src(%dma_wait3A_79 : memref<2304xi32, #tpu.memory_space<hbm>>) dst(%arg5 : memref<2304xi32, #tpu.memory_space<vmem>>)
      tpu.yield
    }) : () -> ()
    %mul3A_5 = arith.constant 2 : i32
    %mul3A_6 = arith.muli %add3A_0, %mul3A_5 : i32
    %mul3A_7 = arith.constant 128 : i32
    %mul3A_8 = arith.muli %mul3A_6, %mul3A_7 : i32
    "tpu.region"() ({
      %run_scoped3A = tpu.sem_alloc : memref<!tpu.dma_semaphore, #tpu.memory_space<semaphore_mem>>
      %dma_start3A = arith.constant 0 : i32
      %dma_start3A_78 = tpu.memref_slice %arg6[%dma_start3A] : memref<32xi32, #tpu.memory_space<vmem>> -> memref<16xi32, #tpu.memory_space<vmem>>
      %dma_start3A_79 = tpu.memref_slice %arg3[%mul3A_8] : memref<1024xi32, #tpu.memory_space<hbm>> -> memref<16xi32, #tpu.memory_space<hbm>>
      %dma_start3A_80 = arith.constant 0 : i32
      %dma_start3A_81 = tpu.memref_slice %arg6[%dma_start3A_80] : memref<32xi32, #tpu.memory_space<vmem>> -> memref<16xi32, #tpu.memory_space<vmem>>
      %dma_start3A_82 = tpu.memref_slice %arg3[%mul3A_8] : memref<1024xi32, #tpu.memory_space<hbm>> -> memref<16xi32, #tpu.memory_space<hbm>>
      tpu.enqueue_dma source(%dma_start3A_82 : memref<16xi32, #tpu.memory_space<hbm>>) target(%dma_start3A_81 : memref<16xi32, #tpu.memory_space<vmem>>) target_semaphore(%run_scoped3A : memref<!tpu.dma_semaphore, #tpu.memory_space<semaphore_mem>>)
      %dma_wait3A = arith.constant 0 : i32
      %dma_wait3A_83 = tpu.memref_slice %arg6[%dma_wait3A] : memref<32xi32, #tpu.memory_space<vmem>> -> memref<16xi32, #tpu.memory_space<vmem>>
      %dma_wait3A_84 = tpu.memref_slice %arg3[%mul3A_8] : memref<1024xi32, #tpu.memory_space<hbm>> -> memref<16xi32, #tpu.memory_space<hbm>>
      %dma_wait3A_85 = arith.constant 0 : i32
      %dma_wait3A_86 = tpu.memref_slice %arg6[%dma_wait3A_85] : memref<32xi32, #tpu.memory_space<vmem>> -> memref<16xi32, #tpu.memory_space<vmem>>
      %dma_wait3A_87 = tpu.memref_slice %arg3[%mul3A_8] : memref<1024xi32, #tpu.memory_space<hbm>> -> memref<16xi32, #tpu.memory_space<hbm>>
      tpu.wait_dma2 semaphore(%run_scoped3A : memref<!tpu.dma_semaphore, #tpu.memory_space<semaphore_mem>>) src(%dma_wait3A_87 : memref<16xi32, #tpu.memory_space<hbm>>) dst(%dma_wait3A_86 : memref<16xi32, #tpu.memory_space<vmem>>)
      tpu.yield
    }) : () -> ()
    %mul3A_9 = arith.constant 2 : i32
    %mul3A_10 = arith.muli %add3A_0, %mul3A_9 : i32
    %mul3A_11 = arith.constant 128 : i32
    %mul3A_12 = arith.muli %mul3A_10, %mul3A_11 : i32
    %add3A_13 = arith.constant 128 : i32
    %add3A_14 = arith.addi %mul3A_12, %add3A_13 : i32
    "tpu.region"() ({
      %run_scoped3A = tpu.sem_alloc : memref<!tpu.dma_semaphore, #tpu.memory_space<semaphore_mem>>
      %dma_start3A = arith.constant 16 : i32
      %dma_start3A_78 = tpu.memref_slice %arg6[%dma_start3A] : memref<32xi32, #tpu.memory_space<vmem>> -> memref<16xi32, #tpu.memory_space<vmem>>
      %dma_start3A_79 = tpu.memref_slice %arg3[%add3A_14] : memref<1024xi32, #tpu.memory_space<hbm>> -> memref<16xi32, #tpu.memory_space<hbm>>
      %dma_start3A_80 = arith.constant 16 : i32
      %dma_start3A_81 = tpu.memref_slice %arg6[%dma_start3A_80] : memref<32xi32, #tpu.memory_space<vmem>> -> memref<16xi32, #tpu.memory_space<vmem>>
      %dma_start3A_82 = tpu.memref_slice %arg3[%add3A_14] : memref<1024xi32, #tpu.memory_space<hbm>> -> memref<16xi32, #tpu.memory_space<hbm>>
      tpu.enqueue_dma source(%dma_start3A_82 : memref<16xi32, #tpu.memory_space<hbm>>) target(%dma_start3A_81 : memref<16xi32, #tpu.memory_space<vmem>>) target_semaphore(%run_scoped3A : memref<!tpu.dma_semaphore, #tpu.memory_space<semaphore_mem>>)
      %dma_wait3A = arith.constant 16 : i32
      %dma_wait3A_83 = tpu.memref_slice %arg6[%dma_wait3A] : memref<32xi32, #tpu.memory_space<vmem>> -> memref<16xi32, #tpu.memory_space<vmem>>
      %dma_wait3A_84 = tpu.memref_slice %arg3[%add3A_14] : memref<1024xi32, #tpu.memory_space<hbm>> -> memref<16xi32, #tpu.memory_space<hbm>>
      %dma_wait3A_85 = arith.constant 16 : i32
      %dma_wait3A_86 = tpu.memref_slice %arg6[%dma_wait3A_85] : memref<32xi32, #tpu.memory_space<vmem>> -> memref<16xi32, #tpu.memory_space<vmem>>
      %dma_wait3A_87 = tpu.memref_slice %arg3[%add3A_14] : memref<1024xi32, #tpu.memory_space<hbm>> -> memref<16xi32, #tpu.memory_space<hbm>>
      tpu.wait_dma2 semaphore(%run_scoped3A : memref<!tpu.dma_semaphore, #tpu.memory_space<semaphore_mem>>) src(%dma_wait3A_87 : memref<16xi32, #tpu.memory_space<hbm>>) dst(%dma_wait3A_86 : memref<16xi32, #tpu.memory_space<vmem>>)
      tpu.yield
    }) : () -> ()
    %get3A = arith.constant 0 : index
    %get3A_15 = tpu.vector_load %arg6[%get3A] {strides = array<i32>} : memref<32xi32, #tpu.memory_space<vmem>>, vector<16xi32>,
    %get3A_16 = arith.constant 16 : index
    %get3A_17 = tpu.vector_load %arg6[%get3A_16] {strides = array<i32>} : memref<32xi32, #tpu.memory_space<vmem>>, vector<16xi32>,
    %mul3A_18 = arith.constant 2304 : i32
    %mul3A_19 = arith.muli %arg1, %mul3A_18 : i32
    %scan3A = arith.constant 0 : i32
    %scan3A_20 = arith.constant 0 : i32
    %scan3A_21 = arith.constant 144 : i32
    %scan3A_22 = arith.addi %scan3A_20, %scan3A_21 : i32
    %scan3A_23 = arith.constant 1 : i32
    %scan3A_24 = scf.for %scan3A_78 = %scan3A_20 to %scan3A_22 step %scan3A_23 iter_args(%scan3A_79 = %scan3A) -> (i32)  : i32 {
      %mul3A_80 = arith.constant 16 : i32
      %mul3A_81 = arith.muli %scan3A_78, %mul3A_80 : i32
      %get3A_82 = arith.index_cast %mul3A_81 : i32 to index
      %get3A_83 = tpu.vector_load %arg5[%get3A_82] {strides = array<i32>} : memref<2304xi32, #tpu.memory_space<vmem>>, vector<16xi32>,
      %iota3A = tpu.iota {dimensions = array<i32: 0>} : vector<16xi32>
      %mul3A_84 = arith.constant 16 : i32
      %mul3A_85 = arith.muli %scan3A_78, %mul3A_84 : i32
      %add3A_86 = arith.addi %mul3A_19, %mul3A_85 : i32
      %add3A_87 = vector.broadcast %add3A_86 : i32 to vector<16xi32>
      %add3A_88 = arith.addi %iota3A, %add3A_87 : vector<16xi32>
      %and3A = arith.constant 4095 : i32
      %and3A_89 = vector.broadcast %and3A : i32 to vector<16xi32>
      %and3A_90 = arith.andi %add3A_88, %and3A_89 : vector<16xi32>
      %mul3A_91 = arith.constant 9 : i32
      %mul3A_92 = vector.broadcast %mul3A_91 : i32 to vector<16xi32>
      %mul3A_93 = arith.muli %and3A_90, %mul3A_92 : vector<16xi32>
      %shift_right_logical3A = arith.constant 12 : i32
      %shift_right_logical3A_94 = vector.broadcast %shift_right_logical3A : i32 to vector<16xi32>
      %shift_right_logical3A_95 = arith.shrui %add3A_88, %shift_right_logical3A_94 : vector<16xi32>
      %add3A_96 = arith.addi %mul3A_93, %shift_right_logical3A_95 : vector<16xi32>
      %gt3A = arith.cmpi sgt, %get3A_83, %get3A_15 : vector<16xi32>
      %eq3A = arith.cmpi eq, %get3A_83, %get3A_15 : vector<16xi32>
      %lt3A_97 = arith.cmpi slt, %add3A_96, %get3A_17 : vector<16xi32>
      %and3A_98 = arith.andi %eq3A, %lt3A_97 : vector<16xi1>
      %or3A = arith.ori %gt3A, %and3A_98 : vector<16xi1>
      %or3A_99 = arith.constant 1073741824 : i32
      %or3A_100 = vector.broadcast %or3A_99 : i32 to vector<16xi32>
      %or3A_101 = arith.ori %add3A_88, %or3A_100 : vector<16xi32>
      %select_n3A = arith.select %or3A, %add3A_88, %or3A_101 : vector<16xi1>, vector<16xi32>
      %masked_sort3A = arith.constant dense<true> : vector<16xi1>
      %masked_sort3A_102 = arith.constant -2147483648 : i32
      %masked_sort3A_103 = vector.broadcast %masked_sort3A_102 : i32 to vector<16xi32>
      %masked_sort3A_104 = arith.xori %select_n3A, %masked_sort3A_103 : vector<16xi32>
      %masked_sort3A_105, %masked_sort3A_106, %masked_sort3A_107 = tpu.sort %masked_sort3A_104, %add3A_88 masked %masked_sort3A : (vector<16xi32>, vector<16xi32>, vector<16xi1>) -> (vector<16xi1>, vector<16xi32>, vector<16xi32>)
      %masked_sort3A_108 = arith.xori %masked_sort3A_106, %masked_sort3A_103 : vector<16xi32>
      %swap3A_109 = arith.index_cast %scan3A_79 : i32 to index
      %swap3A_110 = tpu.vector_load %arg7[%swap3A_109] {strides = array<i32>} : memref<2320xi32, #tpu.memory_space<vmem>>, vector<16xi32>,
      tpu.vector_store %arg7[%swap3A_109], %masked_sort3A_107 {strides = array<i32>} : memref<2320xi32, #tpu.memory_space<vmem>>, vector<16xi32>,
      %all_reduce_population_count3A = tpu.all_reduce %or3A {dim = 0 : i64, kind = #tpu.reduction_kind<sum>} : vector<16xi1> -> vector<16xi32>
      %reduce_max3A = arith.constant true
      %reduce_max3A_111 = vector.broadcast %reduce_max3A : i1 to vector<16xi1>
      %reduce_max3A_112 = arith.constant -2147483648 : i32
      %reduce_max3A_113 = vector.broadcast %reduce_max3A_112 : i32 to vector<16xi32>
      %reduce_max3A_114 = arith.xori %all_reduce_population_count3A, %reduce_max3A_113 : vector<16xi32>
      %reduce_max3A_115 = tpu.scan <max>, %reduce_max3A_114 masked %reduce_max3A_111 : vector<16xi32>, vector<16xi1> -> vector<16xi32>
      %reduce_max3A_116 = arith.xori %reduce_max3A_115, %reduce_max3A_113 : vector<16xi32>
      %reduce_max3A_117 = vector.extract %reduce_max3A_116[15] : i32 from vector<16xi32>
      %add3A_118 = arith.addi %scan3A_79, %reduce_max3A_117 : i32
      scf.yield %add3A_118 : i32
    }
    %scan3A_25 = arith.constant 144 : i32
    %add3A_26 = arith.constant 0 : i32
    %add3A_27 = arith.addi %add3A_26, %arg1 : i32
    %mul3A_28 = arith.constant 2320 : i32
    %mul3A_29 = arith.muli %add3A_27, %mul3A_28 : i32
    "tpu.region"() ({
      %run_scoped3A = tpu.sem_alloc : memref<!tpu.dma_semaphore, #tpu.memory_space<semaphore_mem>>
      %dma_start3A = tpu.memref_slice %arg12[%mul3A_29] : memref<74240xi32, #tpu.memory_space<vmem_shared>> -> memref<2320xi32, #tpu.memory_space<vmem_shared>>
      %dma_start3A_78 = tpu.memref_slice %arg12[%mul3A_29] : memref<74240xi32, #tpu.memory_space<vmem_shared>> -> memref<2320xi32, #tpu.memory_space<vmem_shared>>
      tpu.enqueue_dma source(%arg7 : memref<2320xi32, #tpu.memory_space<vmem>>) target(%dma_start3A_78 : memref<2320xi32, #tpu.memory_space<vmem_shared>>) target_semaphore(%run_scoped3A : memref<!tpu.dma_semaphore, #tpu.memory_space<semaphore_mem>>)
      %dma_wait3A = tpu.memref_slice %arg12[%mul3A_29] : memref<74240xi32, #tpu.memory_space<vmem_shared>> -> memref<2320xi32, #tpu.memory_space<vmem_shared>>
      %dma_wait3A_79 = tpu.memref_slice %arg12[%mul3A_29] : memref<74240xi32, #tpu.memory_space<vmem_shared>> -> memref<2320xi32, #tpu.memory_space<vmem_shared>>
      tpu.wait_dma2 semaphore(%run_scoped3A : memref<!tpu.dma_semaphore, #tpu.memory_space<semaphore_mem>>) src(%arg7 : memref<2320xi32, #tpu.memory_space<vmem>>) dst(%dma_wait3A_79 : memref<2320xi32, #tpu.memory_space<vmem_shared>>)
      tpu.yield
    }) : () -> ()
    %broadcast_in_dim3A = vector.broadcast %scan3A_24 : i32 to vector<16xi32>
    %swap3A = arith.constant 0 : index
    %swap3A_30 = tpu.vector_load %arg8[%swap3A] {strides = array<i32>} : memref<16xi32, #tpu.memory_space<vmem>>, vector<16xi32>,
    tpu.vector_store %arg8[%swap3A], %broadcast_in_dim3A {strides = array<i32>} : memref<16xi32, #tpu.memory_space<vmem>>, vector<16xi32>,
    %add3A_31 = arith.constant 0 : i32
    %add3A_32 = arith.addi %add3A_31, %arg1 : i32
    %mul3A_33 = arith.constant 16 : i32
    %mul3A_34 = arith.muli %add3A_32, %mul3A_33 : i32
    "tpu.region"() ({
      %run_scoped3A = tpu.sem_alloc : memref<!tpu.dma_semaphore, #tpu.memory_space<semaphore_mem>>
      %dma_start3A = tpu.memref_slice %arg13[%mul3A_34] : memref<512xi32, #tpu.memory_space<vmem_shared>> -> memref<16xi32, #tpu.memory_space<vmem_shared>>
      %dma_start3A_78 = tpu.memref_slice %arg13[%mul3A_34] : memref<512xi32, #tpu.memory_space<vmem_shared>> -> memref<16xi32, #tpu.memory_space<vmem_shared>>
      tpu.enqueue_dma source(%arg8 : memref<16xi32, #tpu.memory_space<vmem>>) target(%dma_start3A_78 : memref<16xi32, #tpu.memory_space<vmem_shared>>) target_semaphore(%run_scoped3A : memref<!tpu.dma_semaphore, #tpu.memory_space<semaphore_mem>>)
      %dma_wait3A = tpu.memref_slice %arg13[%mul3A_34] : memref<512xi32, #tpu.memory_space<vmem_shared>> -> memref<16xi32, #tpu.memory_space<vmem_shared>>
      %dma_wait3A_79 = tpu.memref_slice %arg13[%mul3A_34] : memref<512xi32, #tpu.memory_space<vmem_shared>> -> memref<16xi32, #tpu.memory_space<vmem_shared>>
      tpu.wait_dma2 semaphore(%run_scoped3A : memref<!tpu.dma_semaphore, #tpu.memory_space<semaphore_mem>>) src(%arg8 : memref<16xi32, #tpu.memory_space<vmem>>) dst(%dma_wait3A_79 : memref<16xi32, #tpu.memory_space<vmem_shared>>)
      tpu.yield
    }) : () -> ()
    %add3A_35 = arith.constant 2 : i32
    %add3A_36 = arith.addi %arg0, %add3A_35 : i32
    %mul3A_37 = arith.constant 36864 : i32
    %mul3A_38 = arith.muli %add3A_36, %mul3A_37 : i32
    %mul3A_39 = arith.constant 2304 : i32
    %mul3A_40 = arith.muli %arg1, %mul3A_39 : i32
    %add3A_41 = arith.addi %mul3A_38, %mul3A_40 : i32
    "tpu.region"() ({
      %run_scoped3A = tpu.sem_alloc : memref<!tpu.dma_semaphore, #tpu.memory_space<semaphore_mem>>
      %dma_start3A = tpu.memref_slice %arg2[%add3A_41] : memref<147456xi32, #tpu.memory_space<hbm>> -> memref<2304xi32, #tpu.memory_space<hbm>>
      %dma_start3A_78 = tpu.memref_slice %arg2[%add3A_41] : memref<147456xi32, #tpu.memory_space<hbm>> -> memref<2304xi32, #tpu.memory_space<hbm>>
      tpu.enqueue_dma source(%dma_start3A_78 : memref<2304xi32, #tpu.memory_space<hbm>>) target(%arg5 : memref<2304xi32, #tpu.memory_space<vmem>>) target_semaphore(%run_scoped3A : memref<!tpu.dma_semaphore, #tpu.memory_space<semaphore_mem>>)
      %dma_wait3A = tpu.memref_slice %arg2[%add3A_41] : memref<147456xi32, #tpu.memory_space<hbm>> -> memref<2304xi32, #tpu.memory_space<hbm>>
      %dma_wait3A_79 = tpu.memref_slice %arg2[%add3A_41] : memref<147456xi32, #tpu.memory_space<hbm>> -> memref<2304xi32, #tpu.memory_space<hbm>>
      tpu.wait_dma2 semaphore(%run_scoped3A : memref<!tpu.dma_semaphore, #tpu.memory_space<semaphore_mem>>) src(%dma_wait3A_79 : memref<2304xi32, #tpu.memory_space<hbm>>) dst(%arg5 : memref<2304xi32, #tpu.memory_space<vmem>>)
      tpu.yield
    }) : () -> ()
    %mul3A_42 = arith.constant 2 : i32
    %mul3A_43 = arith.muli %add3A_36, %mul3A_42 : i32
    %mul3A_44 = arith.constant 128 : i32
    %mul3A_45 = arith.muli %mul3A_43, %mul3A_44 : i32
    "tpu.region"() ({
      %run_scoped3A = tpu.sem_alloc : memref<!tpu.dma_semaphore, #tpu.memory_space<semaphore_mem>>
      %dma_start3A = arith.constant 0 : i32
      %dma_start3A_78 = tpu.memref_slice %arg6[%dma_start3A] : memref<32xi32, #tpu.memory_space<vmem>> -> memref<16xi32, #tpu.memory_space<vmem>>
      %dma_start3A_79 = tpu.memref_slice %arg3[%mul3A_45] : memref<1024xi32, #tpu.memory_space<hbm>> -> memref<16xi32, #tpu.memory_space<hbm>>
      %dma_start3A_80 = arith.constant 0 : i32
      %dma_start3A_81 = tpu.memref_slice %arg6[%dma_start3A_80] : memref<32xi32, #tpu.memory_space<vmem>> -> memref<16xi32, #tpu.memory_space<vmem>>
      %dma_start3A_82 = tpu.memref_slice %arg3[%mul3A_45] : memref<1024xi32, #tpu.memory_space<hbm>> -> memref<16xi32, #tpu.memory_space<hbm>>
      tpu.enqueue_dma source(%dma_start3A_82 : memref<16xi32, #tpu.memory_space<hbm>>) target(%dma_start3A_81 : memref<16xi32, #tpu.memory_space<vmem>>) target_semaphore(%run_scoped3A : memref<!tpu.dma_semaphore, #tpu.memory_space<semaphore_mem>>)
      %dma_wait3A = arith.constant 0 : i32
      %dma_wait3A_83 = tpu.memref_slice %arg6[%dma_wait3A] : memref<32xi32, #tpu.memory_space<vmem>> -> memref<16xi32, #tpu.memory_space<vmem>>
      %dma_wait3A_84 = tpu.memref_slice %arg3[%mul3A_45] : memref<1024xi32, #tpu.memory_space<hbm>> -> memref<16xi32, #tpu.memory_space<hbm>>
      %dma_wait3A_85 = arith.constant 0 : i32
      %dma_wait3A_86 = tpu.memref_slice %arg6[%dma_wait3A_85] : memref<32xi32, #tpu.memory_space<vmem>> -> memref<16xi32, #tpu.memory_space<vmem>>
      %dma_wait3A_87 = tpu.memref_slice %arg3[%mul3A_45] : memref<1024xi32, #tpu.memory_space<hbm>> -> memref<16xi32, #tpu.memory_space<hbm>>
      tpu.wait_dma2 semaphore(%run_scoped3A : memref<!tpu.dma_semaphore, #tpu.memory_space<semaphore_mem>>) src(%dma_wait3A_87 : memref<16xi32, #tpu.memory_space<hbm>>) dst(%dma_wait3A_86 : memref<16xi32, #tpu.memory_space<vmem>>)
      tpu.yield
    }) : () -> ()
    %mul3A_46 = arith.constant 2 : i32
    %mul3A_47 = arith.muli %add3A_36, %mul3A_46 : i32
    %mul3A_48 = arith.constant 128 : i32
    %mul3A_49 = arith.muli %mul3A_47, %mul3A_48 : i32
    %add3A_50 = arith.constant 128 : i32
    %add3A_51 = arith.addi %mul3A_49, %add3A_50 : i32
    "tpu.region"() ({
      %run_scoped3A = tpu.sem_alloc : memref<!tpu.dma_semaphore, #tpu.memory_space<semaphore_mem>>
      %dma_start3A = arith.constant 16 : i32
      %dma_start3A_78 = tpu.memref_slice %arg6[%dma_start3A] : memref<32xi32, #tpu.memory_space<vmem>> -> memref<16xi32, #tpu.memory_space<vmem>>
      %dma_start3A_79 = tpu.memref_slice %arg3[%add3A_51] : memref<1024xi32, #tpu.memory_space<hbm>> -> memref<16xi32, #tpu.memory_space<hbm>>
      %dma_start3A_80 = arith.constant 16 : i32
      %dma_start3A_81 = tpu.memref_slice %arg6[%dma_start3A_80] : memref<32xi32, #tpu.memory_space<vmem>> -> memref<16xi32, #tpu.memory_space<vmem>>
      %dma_start3A_82 = tpu.memref_slice %arg3[%add3A_51] : memref<1024xi32, #tpu.memory_space<hbm>> -> memref<16xi32, #tpu.memory_space<hbm>>
      tpu.enqueue_dma source(%dma_start3A_82 : memref<16xi32, #tpu.memory_space<hbm>>) target(%dma_start3A_81 : memref<16xi32, #tpu.memory_space<vmem>>) target_semaphore(%run_scoped3A : memref<!tpu.dma_semaphore, #tpu.memory_space<semaphore_mem>>)
      %dma_wait3A = arith.constant 16 : i32
      %dma_wait3A_83 = tpu.memref_slice %arg6[%dma_wait3A] : memref<32xi32, #tpu.memory_space<vmem>> -> memref<16xi32, #tpu.memory_space<vmem>>
      %dma_wait3A_84 = tpu.memref_slice %arg3[%add3A_51] : memref<1024xi32, #tpu.memory_space<hbm>> -> memref<16xi32, #tpu.memory_space<hbm>>
      %dma_wait3A_85 = arith.constant 16 : i32
      %dma_wait3A_86 = tpu.memref_slice %arg6[%dma_wait3A_85] : memref<32xi32, #tpu.memory_space<vmem>> -> memref<16xi32, #tpu.memory_space<vmem>>
      %dma_wait3A_87 = tpu.memref_slice %arg3[%add3A_51] : memref<1024xi32, #tpu.memory_space<hbm>> -> memref<16xi32, #tpu.memory_space<hbm>>
      tpu.wait_dma2 semaphore(%run_scoped3A : memref<!tpu.dma_semaphore, #tpu.memory_space<semaphore_mem>>) src(%dma_wait3A_87 : memref<16xi32, #tpu.memory_space<hbm>>) dst(%dma_wait3A_86 : memref<16xi32, #tpu.memory_space<vmem>>)
      tpu.yield
    }) : () -> ()
    %get3A_52 = arith.constant 0 : index
    %get3A_53 = tpu.vector_load %arg6[%get3A_52] {strides = array<i32>} : memref<32xi32, #tpu.memory_space<vmem>>, vector<16xi32>,
    %get3A_54 = arith.constant 16 : index
    %get3A_55 = tpu.vector_load %arg6[%get3A_54] {strides = array<i32>} : memref<32xi32, #tpu.memory_space<vmem>>, vector<16xi32>,
    %mul3A_56 = arith.constant 2304 : i32
    %mul3A_57 = arith.muli %arg1, %mul3A_56 : i32
    %scan3A_58 = arith.constant 0 : i32
    %scan3A_59 = arith.constant 0 : i32
    %scan3A_60 = arith.constant 144 : i32
    %scan3A_61 = arith.addi %scan3A_59, %scan3A_60 : i32
    %scan3A_62 = arith.constant 1 : i32
    %scan3A_63 = scf.for %scan3A_78 = %scan3A_59 to %scan3A_61 step %scan3A_62 iter_args(%scan3A_79 = %scan3A_58) -> (i32)  : i32 {
      %mul3A_80 = arith.constant 16 : i32
      %mul3A_81 = arith.muli %scan3A_78, %mul3A_80 : i32
      %get3A_82 = arith.index_cast %mul3A_81 : i32 to index
      %get3A_83 = tpu.vector_load %arg5[%get3A_82] {strides = array<i32>} : memref<2304xi32, #tpu.memory_space<vmem>>, vector<16xi32>,
      %iota3A = tpu.iota {dimensions = array<i32: 0>} : vector<16xi32>
      %mul3A_84 = arith.constant 16 : i32
      %mul3A_85 = arith.muli %scan3A_78, %mul3A_84 : i32
      %add3A_86 = arith.addi %mul3A_57, %mul3A_85 : i32
      %add3A_87 = vector.broadcast %add3A_86 : i32 to vector<16xi32>
      %add3A_88 = arith.addi %iota3A, %add3A_87 : vector<16xi32>
      %and3A = arith.constant 4095 : i32
      %and3A_89 = vector.broadcast %and3A : i32 to vector<16xi32>
      %and3A_90 = arith.andi %add3A_88, %and3A_89 : vector<16xi32>
      %mul3A_91 = arith.constant 9 : i32
      %mul3A_92 = vector.broadcast %mul3A_91 : i32 to vector<16xi32>
      %mul3A_93 = arith.muli %and3A_90, %mul3A_92 : vector<16xi32>
      %shift_right_logical3A = arith.constant 12 : i32
      %shift_right_logical3A_94 = vector.broadcast %shift_right_logical3A : i32 to vector<16xi32>
      %shift_right_logical3A_95 = arith.shrui %add3A_88, %shift_right_logical3A_94 : vector<16xi32>
      %add3A_96 = arith.addi %mul3A_93, %shift_right_logical3A_95 : vector<16xi32>
      %gt3A = arith.cmpi sgt, %get3A_83, %get3A_53 : vector<16xi32>
      %eq3A = arith.cmpi eq, %get3A_83, %get3A_53 : vector<16xi32>
      %lt3A_97 = arith.cmpi slt, %add3A_96, %get3A_55 : vector<16xi32>
      %and3A_98 = arith.andi %eq3A, %lt3A_97 : vector<16xi1>
      %or3A = arith.ori %gt3A, %and3A_98 : vector<16xi1>
      %or3A_99 = arith.constant 1073741824 : i32
      %or3A_100 = vector.broadcast %or3A_99 : i32 to vector<16xi32>
      %or3A_101 = arith.ori %add3A_88, %or3A_100 : vector<16xi32>
      %select_n3A = arith.select %or3A, %add3A_88, %or3A_101 : vector<16xi1>, vector<16xi32>
      %masked_sort3A = arith.constant dense<true> : vector<16xi1>
      %masked_sort3A_102 = arith.constant -2147483648 : i32
      %masked_sort3A_103 = vector.broadcast %masked_sort3A_102 : i32 to vector<16xi32>
      %masked_sort3A_104 = arith.xori %select_n3A, %masked_sort3A_103 : vector<16xi32>
      %masked_sort3A_105, %masked_sort3A_106, %masked_sort3A_107 = tpu.sort %masked_sort3A_104, %add3A_88 masked %masked_sort3A : (vector<16xi32>, vector<16xi32>, vector<16xi1>) -> (vector<16xi1>, vector<16xi32>, vector<16xi32>)
      %masked_sort3A_108 = arith.xori %masked_sort3A_106, %masked_sort3A_103 : vector<16xi32>
      %swap3A_109 = arith.index_cast %scan3A_79 : i32 to index
      %swap3A_110 = tpu.vector_load %arg7[%swap3A_109] {strides = array<i32>} : memref<2320xi32, #tpu.memory_space<vmem>>, vector<16xi32>,
      tpu.vector_store %arg7[%swap3A_109], %masked_sort3A_107 {strides = array<i32>} : memref<2320xi32, #tpu.memory_space<vmem>>, vector<16xi32>,
      %all_reduce_population_count3A = tpu.all_reduce %or3A {dim = 0 : i64, kind = #tpu.reduction_kind<sum>} : vector<16xi1> -> vector<16xi32>
      %reduce_max3A = arith.constant true
      %reduce_max3A_111 = vector.broadcast %reduce_max3A : i1 to vector<16xi1>
      %reduce_max3A_112 = arith.constant -2147483648 : i32
      %reduce_max3A_113 = vector.broadcast %reduce_max3A_112 : i32 to vector<16xi32>
      %reduce_max3A_114 = arith.xori %all_reduce_population_count3A, %reduce_max3A_113 : vector<16xi32>
      %reduce_max3A_115 = tpu.scan <max>, %reduce_max3A_114 masked %reduce_max3A_111 : vector<16xi32>, vector<16xi1> -> vector<16xi32>
      %reduce_max3A_116 = arith.xori %reduce_max3A_115, %reduce_max3A_113 : vector<16xi32>
      %reduce_max3A_117 = vector.extract %reduce_max3A_116[15] : i32 from vector<16xi32>
      %add3A_118 = arith.addi %scan3A_79, %reduce_max3A_117 : i32
      scf.yield %add3A_118 : i32
    }
    %scan3A_64 = arith.constant 144 : i32
    %add3A_65 = arith.constant 16 : i32
    %add3A_66 = arith.addi %add3A_65, %arg1 : i32
    %mul3A_67 = arith.constant 2320 : i32
    %mul3A_68 = arith.muli %add3A_66, %mul3A_67 : i32
    "tpu.region"() ({
      %run_scoped3A = tpu.sem_alloc : memref<!tpu.dma_semaphore, #tpu.memory_space<semaphore_mem>>
      %dma_start3A = tpu.memref_slice %arg12[%mul3A_68] : memref<74240xi32, #tpu.memory_space<vmem_shared>> -> memref<2320xi32, #tpu.memory_space<vmem_shared>>
      %dma_start3A_78 = tpu.memref_slice %arg12[%mul3A_68] : memref<74240xi32, #tpu.memory_space<vmem_shared>> -> memref<2320xi32, #tpu.memory_space<vmem_shared>>
      tpu.enqueue_dma source(%arg7 : memref<2320xi32, #tpu.memory_space<vmem>>) target(%dma_start3A_78 : memref<2320xi32, #tpu.memory_space<vmem_shared>>) target_semaphore(%run_scoped3A : memref<!tpu.dma_semaphore, #tpu.memory_space<semaphore_mem>>)
      %dma_wait3A = tpu.memref_slice %arg12[%mul3A_68] : memref<74240xi32, #tpu.memory_space<vmem_shared>> -> memref<2320xi32, #tpu.memory_space<vmem_shared>>
      %dma_wait3A_79 = tpu.memref_slice %arg12[%mul3A_68] : memref<74240xi32, #tpu.memory_space<vmem_shared>> -> memref<2320xi32, #tpu.memory_space<vmem_shared>>
      tpu.wait_dma2 semaphore(%run_scoped3A : memref<!tpu.dma_semaphore, #tpu.memory_space<semaphore_mem>>) src(%arg7 : memref<2320xi32, #tpu.memory_space<vmem>>) dst(%dma_wait3A_79 : memref<2320xi32, #tpu.memory_space<vmem_shared>>)
      tpu.yield
    }) : () -> ()
    %broadcast_in_dim3A_69 = vector.broadcast %scan3A_63 : i32 to vector<16xi32>
    %swap3A_70 = arith.constant 0 : index
    %swap3A_71 = tpu.vector_load %arg8[%swap3A_70] {strides = array<i32>} : memref<16xi32, #tpu.memory_space<vmem>>, vector<16xi32>,
    tpu.vector_store %arg8[%swap3A_70], %broadcast_in_dim3A_69 {strides = array<i32>} : memref<16xi32, #tpu.memory_space<vmem>>, vector<16xi32>,
    %add3A_72 = arith.constant 16 : i32
    %add3A_73 = arith.addi %add3A_72, %arg1 : i32
    %mul3A_74 = arith.constant 16 : i32
    %mul3A_75 = arith.muli %add3A_73, %mul3A_74 : i32
    "tpu.region"() ({
      %run_scoped3A = tpu.sem_alloc : memref<!tpu.dma_semaphore, #tpu.memory_space<semaphore_mem>>
      %dma_start3A = tpu.memref_slice %arg13[%mul3A_75] : memref<512xi32, #tpu.memory_space<vmem_shared>> -> memref<16xi32, #tpu.memory_space<vmem_shared>>
      %dma_start3A_78 = tpu.memref_slice %arg13[%mul3A_75] : memref<512xi32, #tpu.memory_space<vmem_shared>> -> memref<16xi32, #tpu.memory_space<vmem_shared>>
      tpu.enqueue_dma source(%arg8 : memref<16xi32, #tpu.memory_space<vmem>>) target(%dma_start3A_78 : memref<16xi32, #tpu.memory_space<vmem_shared>>) target_semaphore(%run_scoped3A : memref<!tpu.dma_semaphore, #tpu.memory_space<semaphore_mem>>)
      %dma_wait3A = tpu.memref_slice %arg13[%mul3A_75] : memref<512xi32, #tpu.memory_space<vmem_shared>> -> memref<16xi32, #tpu.memory_space<vmem_shared>>
      %dma_wait3A_79 = tpu.memref_slice %arg13[%mul3A_75] : memref<512xi32, #tpu.memory_space<vmem_shared>> -> memref<16xi32, #tpu.memory_space<vmem_shared>>
      tpu.wait_dma2 semaphore(%run_scoped3A : memref<!tpu.dma_semaphore, #tpu.memory_space<semaphore_mem>>) src(%arg8 : memref<16xi32, #tpu.memory_space<vmem>>) dst(%dma_wait3A_79 : memref<16xi32, #tpu.memory_space<vmem_shared>>)
      tpu.yield
    }) : () -> ()
    %barrier3A = arith.constant 0 : index
    tpu.barrier barrier_id(%barrier3A)
    %lt3A = arith.constant 2 : i32
    %lt3A_76 = arith.cmpi slt, %arg1, %lt3A : i32
    %convert_element_type3A = arith.extui %lt3A_76 : i1 to i32
    %cond3A = arith.constant 0 : i32
    %cond3A_77 = arith.cmpi ne, %convert_element_type3A, %cond3A : i32
    scf.if %cond3A_77 {
      %mul3A_78 = arith.constant 2 : i32
      %mul3A_79 = arith.muli %mul3A_78, %arg1 : i32
      %add3A_80 = arith.addi %arg0, %mul3A_79 : i32
      %mul3A_81 = arith.constant 256 : i32
      %mul3A_82 = arith.muli %arg1, %mul3A_81 : i32
      "tpu.region"() ({
        %run_scoped3A = tpu.sem_alloc : memref<!tpu.dma_semaphore, #tpu.memory_space<semaphore_mem>>
        %dma_start3A = tpu.memref_slice %arg13[%mul3A_82] : memref<512xi32, #tpu.memory_space<vmem_shared>> -> memref<256xi32, #tpu.memory_space<vmem_shared>>
        %dma_start3A_92 = tpu.memref_slice %arg13[%mul3A_82] : memref<512xi32, #tpu.memory_space<vmem_shared>> -> memref<256xi32, #tpu.memory_space<vmem_shared>>
        tpu.enqueue_dma source(%dma_start3A_92 : memref<256xi32, #tpu.memory_space<vmem_shared>>) target(%arg9 : memref<256xi32, #tpu.memory_space<vmem>>) target_semaphore(%run_scoped3A : memref<!tpu.dma_semaphore, #tpu.memory_space<semaphore_mem>>)
        %dma_wait3A = tpu.memref_slice %arg13[%mul3A_82] : memref<512xi32, #tpu.memory_space<vmem_shared>> -> memref<256xi32, #tpu.memory_space<vmem_shared>>
        %dma_wait3A_93 = tpu.memref_slice %arg13[%mul3A_82] : memref<512xi32, #tpu.memory_space<vmem_shared>> -> memref<256xi32, #tpu.memory_space<vmem_shared>>
        tpu.wait_dma2 semaphore(%run_scoped3A : memref<!tpu.dma_semaphore, #tpu.memory_space<semaphore_mem>>) src(%dma_wait3A_93 : memref<256xi32, #tpu.memory_space<vmem_shared>>) dst(%arg9 : memref<256xi32, #tpu.memory_space<vmem>>)
        tpu.yield
      }) : () -> ()
      %scan3A_83 = arith.constant 0 : i32
      %scan3A_84 = arith.constant 0 : i32
      %scan3A_85 = arith.constant 16 : i32
      %scan3A_86 = arith.addi %scan3A_84, %scan3A_85 : i32
      %scan3A_87 = arith.constant 1 : i32
      %scan3A_88 = scf.for %scan3A_92 = %scan3A_84 to %scan3A_86 step %scan3A_87 iter_args(%scan3A_93 = %scan3A_83) -> (i32)  : i32 {
        %mul3A_94 = arith.constant 16 : i32
        %mul3A_95 = arith.muli %arg1, %mul3A_94 : i32
        %add3A_96 = arith.addi %mul3A_95, %scan3A_92 : i32
        %mul3A_97 = arith.constant 2320 : i32
        %mul3A_98 = arith.muli %add3A_96, %mul3A_97 : i32
        "tpu.region"() ({
          %run_scoped3A = tpu.sem_alloc : memref<!tpu.dma_semaphore, #tpu.memory_space<semaphore_mem>>
          %dma_start3A = tpu.memref_slice %arg12[%mul3A_98] : memref<74240xi32, #tpu.memory_space<vmem_shared>> -> memref<2320xi32, #tpu.memory_space<vmem_shared>>
          %dma_start3A_118 = tpu.memref_slice %arg12[%mul3A_98] : memref<74240xi32, #tpu.memory_space<vmem_shared>> -> memref<2320xi32, #tpu.memory_space<vmem_shared>>
          tpu.enqueue_dma source(%dma_start3A_118 : memref<2320xi32, #tpu.memory_space<vmem_shared>>) target(%arg10 : memref<2320xi32, #tpu.memory_space<vmem>>) target_semaphore(%run_scoped3A : memref<!tpu.dma_semaphore, #tpu.memory_space<semaphore_mem>>)
          %dma_wait3A = tpu.memref_slice %arg12[%mul3A_98] : memref<74240xi32, #tpu.memory_space<vmem_shared>> -> memref<2320xi32, #tpu.memory_space<vmem_shared>>
          %dma_wait3A_119 = tpu.memref_slice %arg12[%mul3A_98] : memref<74240xi32, #tpu.memory_space<vmem_shared>> -> memref<2320xi32, #tpu.memory_space<vmem_shared>>
          tpu.wait_dma2 semaphore(%run_scoped3A : memref<!tpu.dma_semaphore, #tpu.memory_space<semaphore_mem>>) src(%dma_wait3A_119 : memref<2320xi32, #tpu.memory_space<vmem_shared>>) dst(%arg10 : memref<2320xi32, #tpu.memory_space<vmem>>)
          tpu.yield
        }) : () -> ()
        %scan3A_99 = arith.constant 0 : i32
        %scan3A_100 = arith.constant 0 : i32
        %scan3A_101 = arith.constant 36 : i32
        %scan3A_102 = arith.addi %scan3A_100, %scan3A_101 : i32
        %scan3A_103 = arith.constant 1 : i32
        %scan3A_104 = scf.for %scan3A_118 = %scan3A_100 to %scan3A_102 step %scan3A_103 iter_args(%scan3A_119 = %scan3A_99) -> (i32)  : i32 {
          %mul3A_120 = arith.constant 64 : i32
          %mul3A_121 = arith.muli %scan3A_118, %mul3A_120 : i32
          %add3A_122 = arith.constant 0 : i32
          %add3A_123 = arith.addi %mul3A_121, %add3A_122 : i32
          %get3A_124 = arith.index_cast %add3A_123 : i32 to index
          %get3A_125 = tpu.vector_load %arg10[%get3A_124] {strides = array<i32>} : memref<2320xi32, #tpu.memory_space<vmem>>, vector<16xi32>,
          %add3A_126 = arith.addi %scan3A_93, %add3A_123 : i32
          %swap3A_127 = arith.index_cast %add3A_126 : i32 to index
          %swap3A_128 = tpu.vector_load %arg11[%swap3A_127] {strides = array<i32>} : memref<8320xi32, #tpu.memory_space<vmem>>, vector<16xi32>,
          tpu.vector_store %arg11[%swap3A_127], %get3A_125 {strides = array<i32>} : memref<8320xi32, #tpu.memory_space<vmem>>, vector<16xi32>,
          %mul3A_129 = arith.constant 64 : i32
          %mul3A_130 = arith.muli %scan3A_118, %mul3A_129 : i32
          %add3A_131 = arith.constant 16 : i32
          %add3A_132 = arith.addi %mul3A_130, %add3A_131 : i32
          %get3A_133 = arith.index_cast %add3A_132 : i32 to index
          %get3A_134 = tpu.vector_load %arg10[%get3A_133] {strides = array<i32>} : memref<2320xi32, #tpu.memory_space<vmem>>, vector<16xi32>,
          %add3A_135 = arith.addi %scan3A_93, %add3A_132 : i32
          %swap3A_136 = arith.index_cast %add3A_135 : i32 to index
          %swap3A_137 = tpu.vector_load %arg11[%swap3A_136] {strides = array<i32>} : memref<8320xi32, #tpu.memory_space<vmem>>, vector<16xi32>,
          tpu.vector_store %arg11[%swap3A_136], %get3A_134 {strides = array<i32>} : memref<8320xi32, #tpu.memory_space<vmem>>, vector<16xi32>,
          %mul3A_138 = arith.constant 64 : i32
          %mul3A_139 = arith.muli %scan3A_118, %mul3A_138 : i32
          %add3A_140 = arith.constant 32 : i32
          %add3A_141 = arith.addi %mul3A_139, %add3A_140 : i32
          %get3A_142 = arith.index_cast %add3A_141 : i32 to index
          %get3A_143 = tpu.vector_load %arg10[%get3A_142] {strides = array<i32>} : memref<2320xi32, #tpu.memory_space<vmem>>, vector<16xi32>,
          %add3A_144 = arith.addi %scan3A_93, %add3A_141 : i32
          %swap3A_145 = arith.index_cast %add3A_144 : i32 to index
          %swap3A_146 = tpu.vector_load %arg11[%swap3A_145] {strides = array<i32>} : memref<8320xi32, #tpu.memory_space<vmem>>, vector<16xi32>,
          tpu.vector_store %arg11[%swap3A_145], %get3A_143 {strides = array<i32>} : memref<8320xi32, #tpu.memory_space<vmem>>, vector<16xi32>,
          %mul3A_147 = arith.constant 64 : i32
          %mul3A_148 = arith.muli %scan3A_118, %mul3A_147 : i32
          %add3A_149 = arith.constant 48 : i32
          %add3A_150 = arith.addi %mul3A_148, %add3A_149 : i32
          %get3A_151 = arith.index_cast %add3A_150 : i32 to index
          %get3A_152 = tpu.vector_load %arg10[%get3A_151] {strides = array<i32>} : memref<2320xi32, #tpu.memory_space<vmem>>, vector<16xi32>,
          %add3A_153 = arith.addi %scan3A_93, %add3A_150 : i32
          %swap3A_154 = arith.index_cast %add3A_153 : i32 to index
          %swap3A_155 = tpu.vector_load %arg11[%swap3A_154] {strides = array<i32>} : memref<8320xi32, #tpu.memory_space<vmem>>, vector<16xi32>,
          tpu.vector_store %arg11[%swap3A_154], %get3A_152 {strides = array<i32>} : memref<8320xi32, #tpu.memory_space<vmem>>, vector<16xi32>,
          %scan3A_156 = arith.constant 0 : i32
          scf.yield %scan3A_156 : i32
        }
        %scan3A_105 = arith.constant 36 : i32
        %mul3A_106 = arith.constant 16 : i32
        %mul3A_107 = arith.muli %scan3A_92, %mul3A_106 : i32
        %get3A_108 = arith.index_cast %mul3A_107 : i32 to index
        %get3A_109 = tpu.vector_load %arg9[%get3A_108] {strides = array<i32>} : memref<256xi32, #tpu.memory_space<vmem>>, vector<16xi32>,
        %reduce_max3A = arith.constant true
        %reduce_max3A_110 = vector.broadcast %reduce_max3A : i1 to vector<16xi1>
        %reduce_max3A_111 = arith.constant -2147483648 : i32
        %reduce_max3A_112 = vector.broadcast %reduce_max3A_111 : i32 to vector<16xi32>
        %reduce_max3A_113 = arith.xori %get3A_109, %reduce_max3A_112 : vector<16xi32>
        %reduce_max3A_114 = tpu.scan <max>, %reduce_max3A_113 masked %reduce_max3A_110 : vector<16xi32>, vector<16xi1> -> vector<16xi32>
        %reduce_max3A_115 = arith.xori %reduce_max3A_114, %reduce_max3A_112 : vector<16xi32>
        %reduce_max3A_116 = vector.extract %reduce_max3A_115[15] : i32 from vector<16xi32>
        %add3A_117 = arith.addi %scan3A_93, %reduce_max3A_116 : i32
        scf.yield %add3A_117 : i32
      }
      %scan3A_89 = arith.constant 16 : i32
      %mul3A_90 = arith.constant 8320 : i32
      %mul3A_91 = arith.muli %add3A_80, %mul3A_90 : i32
      "tpu.region"() ({
        %run_scoped3A = tpu.sem_alloc : memref<!tpu.dma_semaphore, #tpu.memory_space<semaphore_mem>>
        %dma_start3A = tpu.memref_slice %arg4[%mul3A_91] : memref<33280xi32, #tpu.memory_space<hbm>> -> memref<8320xi32, #tpu.memory_space<hbm>>
        %dma_start3A_92 = tpu.memref_slice %arg4[%mul3A_91] : memref<33280xi32, #tpu.memory_space<hbm>> -> memref<8320xi32, #tpu.memory_space<hbm>>
        tpu.enqueue_dma source(%arg11 : memref<8320xi32, #tpu.memory_space<vmem>>) target(%dma_start3A_92 : memref<8320xi32, #tpu.memory_space<hbm>>) target_semaphore(%run_scoped3A : memref<!tpu.dma_semaphore, #tpu.memory_space<semaphore_mem>>)
        %dma_wait3A = tpu.memref_slice %arg4[%mul3A_91] : memref<33280xi32, #tpu.memory_space<hbm>> -> memref<8320xi32, #tpu.memory_space<hbm>>
        %dma_wait3A_93 = tpu.memref_slice %arg4[%mul3A_91] : memref<33280xi32, #tpu.memory_space<hbm>> -> memref<8320xi32, #tpu.memory_space<hbm>>
        tpu.wait_dma2 semaphore(%run_scoped3A : memref<!tpu.dma_semaphore, #tpu.memory_space<semaphore_mem>>) src(%arg11 : memref<8320xi32, #tpu.memory_space<vmem>>) dst(%dma_wait3A_93 : memref<8320xi32, #tpu.memory_space<hbm>>)
        tpu.yield
      }) : () -> ()
    } else {
    }
    return
  }
}

#map = affine_map<(d0, d1) -> (0)>
module attributes {stable_mosaic.version = 14 : i64} {
  func.func @_gather_kernel(%arg0: i32, %arg1: i32, %arg2: memref<737280xf32, #tpu.memory_space<hbm>>, %arg3: memref<33280xi32, #tpu.memory_space<hbm>>, %arg4: memref<120320xf32, #tpu.memory_space<hbm>>, %arg5: memref<36864xf32, #tpu.memory_space<vmem>>, %arg6: memref<6016xi32, #tpu.memory_space<vmem>>, %arg7: memref<6016xf32, #tpu.memory_space<vmem>>) attributes {dimension_semantics = [#tpu.dimension_semantics<core_parallel>, #tpu.dimension_semantics<subcore_parallel>], iteration_bounds = array<i64: 2, 16>, scalar_prefetch = 0 : i64, scratch_operands = 3 : i64, tpu.core_type = #tpu.core_type<sc_vector_subcore>, window_params = [{transform_indices = #map}, {transform_indices = #map}, {transform_indices = #map}]} {
    %mul3A = arith.constant 2 : i32
    %mul3A_0 = arith.muli %arg1, %mul3A : i32
    %add3A = arith.addi %mul3A_0, %arg0 : i32
    %lt3A = arith.constant 20 : i32
    %lt3A_1 = arith.cmpi slt, %add3A, %lt3A : i32
    %convert_element_type3A = arith.extui %lt3A_1 : i1 to i32
    %cond3A = arith.constant 0 : i32
    %cond3A_2 = arith.cmpi ne, %convert_element_type3A, %cond3A : i32
    scf.if %cond3A_2 {
      %jit3A = arith.constant 5 : i32
      %div3A = arith.divsi %add3A, %jit3A : i32
      %sign3A = arith.constant 0 : i32
      %sign3A_3 = arith.cmpi sgt, %add3A, %sign3A : i32
      %sign3A_4 = arith.extui %sign3A_3 : i1 to i32
      %sign3A_5 = arith.constant 0 : i32
      %sign3A_6 = arith.cmpi slt, %add3A, %sign3A_5 : i32
      %sign3A_7 = arith.extui %sign3A_6 : i1 to i32
      %sign3A_8 = arith.subi %sign3A_4, %sign3A_7 : i32
      %sign3A_9 = arith.constant 0 : i32
      %sign3A_10 = arith.cmpi sgt, %jit3A, %sign3A_9 : i32
      %sign3A_11 = arith.extui %sign3A_10 : i1 to i32
      %sign3A_12 = arith.constant 0 : i32
      %sign3A_13 = arith.cmpi slt, %jit3A, %sign3A_12 : i32
      %sign3A_14 = arith.extui %sign3A_13 : i1 to i32
      %sign3A_15 = arith.subi %sign3A_11, %sign3A_14 : i32
      %ne3A = arith.cmpi ne, %sign3A_8, %sign3A_15 : i32
      %rem3A = arith.remsi %add3A, %jit3A : i32
      %ne3A_16 = arith.constant 0 : i32
      %ne3A_17 = arith.cmpi ne, %rem3A, %ne3A_16 : i32
      %and3A = arith.andi %ne3A, %ne3A_17 : i1
      %sub3A = arith.constant 1 : i32
      %sub3A_18 = arith.subi %div3A, %sub3A : i32
      %select_n3A = arith.select %and3A, %sub3A_18, %div3A : i32
      %mul3A_19 = arith.constant 5 : i32
      %mul3A_20 = arith.muli %mul3A_19, %select_n3A : i32
      %sub3A_21 = arith.subi %add3A, %mul3A_20 : i32
      %mul3A_22 = arith.constant 4 : i32
      %mul3A_23 = arith.muli %sub3A_21, %mul3A_22 : i32
      %add3A_24 = arith.addi %mul3A_23, %select_n3A : i32
      %mul3A_25 = arith.constant 36864 : i32
      %mul3A_26 = arith.muli %add3A_24, %mul3A_25 : i32
      "tpu.region"() ({
        %run_scoped3A = tpu.sem_alloc : memref<!tpu.dma_semaphore, #tpu.memory_space<semaphore_mem>>
        %dma_start3A = tpu.memref_slice %arg2[%mul3A_26] : memref<737280xf32, #tpu.memory_space<hbm>> -> memref<36864xf32, #tpu.memory_space<hbm>>
        %dma_start3A_40 = tpu.memref_slice %arg2[%mul3A_26] : memref<737280xf32, #tpu.memory_space<hbm>> -> memref<36864xf32, #tpu.memory_space<hbm>>
        tpu.enqueue_dma source(%dma_start3A_40 : memref<36864xf32, #tpu.memory_space<hbm>>) target(%arg5 : memref<36864xf32, #tpu.memory_space<vmem>>) target_semaphore(%run_scoped3A : memref<!tpu.dma_semaphore, #tpu.memory_space<semaphore_mem>>)
        %dma_wait3A = tpu.memref_slice %arg2[%mul3A_26] : memref<737280xf32, #tpu.memory_space<hbm>> -> memref<36864xf32, #tpu.memory_space<hbm>>
        %dma_wait3A_41 = tpu.memref_slice %arg2[%mul3A_26] : memref<737280xf32, #tpu.memory_space<hbm>> -> memref<36864xf32, #tpu.memory_space<hbm>>
        tpu.wait_dma2 semaphore(%run_scoped3A : memref<!tpu.dma_semaphore, #tpu.memory_space<semaphore_mem>>) src(%dma_wait3A_41 : memref<36864xf32, #tpu.memory_space<hbm>>) dst(%arg5 : memref<36864xf32, #tpu.memory_space<vmem>>)
        tpu.yield
      }) : () -> ()
      %mul3A_27 = arith.constant 8320 : i32
      %mul3A_28 = arith.muli %select_n3A, %mul3A_27 : i32
      "tpu.region"() ({
        %run_scoped3A = tpu.sem_alloc : memref<!tpu.dma_semaphore, #tpu.memory_space<semaphore_mem>>
        %dma_start3A = tpu.memref_slice %arg3[%mul3A_28] : memref<33280xi32, #tpu.memory_space<hbm>> -> memref<6016xi32, #tpu.memory_space<hbm>>
        %dma_start3A_40 = tpu.memref_slice %arg3[%mul3A_28] : memref<33280xi32, #tpu.memory_space<hbm>> -> memref<6016xi32, #tpu.memory_space<hbm>>
        tpu.enqueue_dma source(%dma_start3A_40 : memref<6016xi32, #tpu.memory_space<hbm>>) target(%arg6 : memref<6016xi32, #tpu.memory_space<vmem>>) target_semaphore(%run_scoped3A : memref<!tpu.dma_semaphore, #tpu.memory_space<semaphore_mem>>)
        %dma_wait3A = tpu.memref_slice %arg3[%mul3A_28] : memref<33280xi32, #tpu.memory_space<hbm>> -> memref<6016xi32, #tpu.memory_space<hbm>>
        %dma_wait3A_41 = tpu.memref_slice %arg3[%mul3A_28] : memref<33280xi32, #tpu.memory_space<hbm>> -> memref<6016xi32, #tpu.memory_space<hbm>>
        tpu.wait_dma2 semaphore(%run_scoped3A : memref<!tpu.dma_semaphore, #tpu.memory_space<semaphore_mem>>) src(%dma_wait3A_41 : memref<6016xi32, #tpu.memory_space<hbm>>) dst(%arg6 : memref<6016xi32, #tpu.memory_space<vmem>>)
        tpu.yield
      }) : () -> ()
      %scan3A = arith.constant 0 : i32
      %scan3A_29 = arith.constant 0 : i32
      %scan3A_30 = arith.constant 94 : i32
      %scan3A_31 = arith.addi %scan3A_29, %scan3A_30 : i32
      %scan3A_32 = arith.constant 1 : i32
      %scan3A_33 = scf.for %scan3A_40 = %scan3A_29 to %scan3A_31 step %scan3A_32 iter_args(%scan3A_41 = %scan3A) -> (i32)  : i32 {
        %mul3A_42 = arith.constant 64 : i32
        %mul3A_43 = arith.muli %scan3A_40, %mul3A_42 : i32
        %add3A_44 = arith.constant 0 : i32
        %add3A_45 = arith.addi %mul3A_43, %add3A_44 : i32
        %get3A = arith.index_cast %add3A_45 : i32 to index
        %get3A_46 = tpu.vector_load %arg6[%get3A] {strides = array<i32>} : memref<6016xi32, #tpu.memory_space<vmem>>, vector<16xi32>,
        %max3A = arith.constant 0 : i32
        %max3A_47 = vector.broadcast %max3A : i32 to vector<16xi32>
        %max3A_48 = arith.maxsi %get3A_46, %max3A_47 : vector<16xi32>
        %min3A = arith.constant 36863 : i32
        %min3A_49 = vector.broadcast %min3A : i32 to vector<16xi32>
        %min3A_50 = arith.minsi %max3A_48, %min3A_49 : vector<16xi32>
        %gather3A = tpu.vector_load_idx %arg5[%min3A_50] : memref<36864xf32, #tpu.memory_space<vmem>>[vector<16xi32>], vector<16xf32>,
        %swap3A = arith.index_cast %add3A_45 : i32 to index
        %swap3A_51 = tpu.vector_load %arg7[%swap3A] {strides = array<i32>} : memref<6016xf32, #tpu.memory_space<vmem>>, vector<16xf32>,
        tpu.vector_store %arg7[%swap3A], %gather3A {strides = array<i32>} : memref<6016xf32, #tpu.memory_space<vmem>>, vector<16xf32>,
        %mul3A_52 = arith.constant 64 : i32
        %mul3A_53 = arith.muli %scan3A_40, %mul3A_52 : i32
        %add3A_54 = arith.constant 16 : i32
        %add3A_55 = arith.addi %mul3A_53, %add3A_54 : i32
        %get3A_56 = arith.index_cast %add3A_55 : i32 to index
        %get3A_57 = tpu.vector_load %arg6[%get3A_56] {strides = array<i32>} : memref<6016xi32, #tpu.memory_space<vmem>>, vector<16xi32>,
        %max3A_58 = arith.constant 0 : i32
        %max3A_59 = vector.broadcast %max3A_58 : i32 to vector<16xi32>
        %max3A_60 = arith.maxsi %get3A_57, %max3A_59 : vector<16xi32>
        %min3A_61 = arith.constant 36863 : i32
        %min3A_62 = vector.broadcast %min3A_61 : i32 to vector<16xi32>
        %min3A_63 = arith.minsi %max3A_60, %min3A_62 : vector<16xi32>
        %gather3A_64 = tpu.vector_load_idx %arg5[%min3A_63] : memref<36864xf32, #tpu.memory_space<vmem>>[vector<16xi32>], vector<16xf32>,
        %swap3A_65 = arith.index_cast %add3A_55 : i32 to index
        %swap3A_66 = tpu.vector_load %arg7[%swap3A_65] {strides = array<i32>} : memref<6016xf32, #tpu.memory_space<vmem>>, vector<16xf32>,
        tpu.vector_store %arg7[%swap3A_65], %gather3A_64 {strides = array<i32>} : memref<6016xf32, #tpu.memory_space<vmem>>, vector<16xf32>,
        %mul3A_67 = arith.constant 64 : i32
        %mul3A_68 = arith.muli %scan3A_40, %mul3A_67 : i32
        %add3A_69 = arith.constant 32 : i32
        %add3A_70 = arith.addi %mul3A_68, %add3A_69 : i32
        %get3A_71 = arith.index_cast %add3A_70 : i32 to index
        %get3A_72 = tpu.vector_load %arg6[%get3A_71] {strides = array<i32>} : memref<6016xi32, #tpu.memory_space<vmem>>, vector<16xi32>,
        %max3A_73 = arith.constant 0 : i32
        %max3A_74 = vector.broadcast %max3A_73 : i32 to vector<16xi32>
        %max3A_75 = arith.maxsi %get3A_72, %max3A_74 : vector<16xi32>
        %min3A_76 = arith.constant 36863 : i32
        %min3A_77 = vector.broadcast %min3A_76 : i32 to vector<16xi32>
        %min3A_78 = arith.minsi %max3A_75, %min3A_77 : vector<16xi32>
        %gather3A_79 = tpu.vector_load_idx %arg5[%min3A_78] : memref<36864xf32, #tpu.memory_space<vmem>>[vector<16xi32>], vector<16xf32>,
        %swap3A_80 = arith.index_cast %add3A_70 : i32 to index
        %swap3A_81 = tpu.vector_load %arg7[%swap3A_80] {strides = array<i32>} : memref<6016xf32, #tpu.memory_space<vmem>>, vector<16xf32>,
        tpu.vector_store %arg7[%swap3A_80], %gather3A_79 {strides = array<i32>} : memref<6016xf32, #tpu.memory_space<vmem>>, vector<16xf32>,
        %mul3A_82 = arith.constant 64 : i32
        %mul3A_83 = arith.muli %scan3A_40, %mul3A_82 : i32
        %add3A_84 = arith.constant 48 : i32
        %add3A_85 = arith.addi %mul3A_83, %add3A_84 : i32
        %get3A_86 = arith.index_cast %add3A_85 : i32 to index
        %get3A_87 = tpu.vector_load %arg6[%get3A_86] {strides = array<i32>} : memref<6016xi32, #tpu.memory_space<vmem>>, vector<16xi32>,
        %max3A_88 = arith.constant 0 : i32
        %max3A_89 = vector.broadcast %max3A_88 : i32 to vector<16xi32>
        %max3A_90 = arith.maxsi %get3A_87, %max3A_89 : vector<16xi32>
        %min3A_91 = arith.constant 36863 : i32
        %min3A_92 = vector.broadcast %min3A_91 : i32 to vector<16xi32>
        %min3A_93 = arith.minsi %max3A_90, %min3A_92 : vector<16xi32>
        %gather3A_94 = tpu.vector_load_idx %arg5[%min3A_93] : memref<36864xf32, #tpu.memory_space<vmem>>[vector<16xi32>], vector<16xf32>,
        %swap3A_95 = arith.index_cast %add3A_85 : i32 to index
        %swap3A_96 = tpu.vector_load %arg7[%swap3A_95] {strides = array<i32>} : memref<6016xf32, #tpu.memory_space<vmem>>, vector<16xf32>,
        tpu.vector_store %arg7[%swap3A_95], %gather3A_94 {strides = array<i32>} : memref<6016xf32, #tpu.memory_space<vmem>>, vector<16xf32>,
        %scan3A_97 = arith.constant 0 : i32
        scf.yield %scan3A_97 : i32
      }
      %scan3A_34 = arith.constant 94 : i32
      %mul3A_35 = arith.constant 5 : i32
      %mul3A_36 = arith.muli %select_n3A, %mul3A_35 : i32
      %add3A_37 = arith.addi %mul3A_36, %sub3A_21 : i32
      %mul3A_38 = arith.constant 6016 : i32
      %mul3A_39 = arith.muli %add3A_37, %mul3A_38 : i32
      "tpu.region"() ({
        %run_scoped3A = tpu.sem_alloc : memref<!tpu.dma_semaphore, #tpu.memory_space<semaphore_mem>>
        %dma_start3A = tpu.memref_slice %arg4[%mul3A_39] : memref<120320xf32, #tpu.memory_space<hbm>> -> memref<6016xf32, #tpu.memory_space<hbm>>
        %dma_start3A_40 = tpu.memref_slice %arg4[%mul3A_39] : memref<120320xf32, #tpu.memory_space<hbm>> -> memref<6016xf32, #tpu.memory_space<hbm>>
        tpu.enqueue_dma source(%arg7 : memref<6016xf32, #tpu.memory_space<vmem>>) target(%dma_start3A_40 : memref<6016xf32, #tpu.memory_space<hbm>>) target_semaphore(%run_scoped3A : memref<!tpu.dma_semaphore, #tpu.memory_space<semaphore_mem>>)
        %dma_wait3A = tpu.memref_slice %arg4[%mul3A_39] : memref<120320xf32, #tpu.memory_space<hbm>> -> memref<6016xf32, #tpu.memory_space<hbm>>
        %dma_wait3A_41 = tpu.memref_slice %arg4[%mul3A_39] : memref<120320xf32, #tpu.memory_space<hbm>> -> memref<6016xf32, #tpu.memory_space<hbm>>
        tpu.wait_dma2 semaphore(%run_scoped3A : memref<!tpu.dma_semaphore, #tpu.memory_space<semaphore_mem>>) src(%arg7 : memref<6016xf32, #tpu.memory_space<vmem>>) dst(%dma_wait3A_41 : memref<6016xf32, #tpu.memory_space<hbm>>)
        tpu.yield
      }) : () -> ()
    } else {
    }
    return
  }
}

module attributes {stable_mosaic.version = 14 : i64} {
  func.func @_nms_kernel(%arg0: memref<4x5x47x128xf32, #tpu.memory_space<vmem>>, %arg1: memref<4x47x128xi32, #tpu.memory_space<vmem>>, %arg2: memref<300x128xf32, #tpu.memory_space<vmem>>) attributes {dimension_semantics = [], scalar_prefetch = 0 : i64, scratch_operands = 0 : i64, tpu.core_type = #tpu.core_type<tc>} {
    %iota3A = tpu.iota {dimensions = array<i32: 1>} : vector<1x47x128xi32>
    %mul3A = arith.constant 128 : i32
    %mul3A_0 = vector.broadcast %mul3A : i32 to vector<1x47x128xi32>
    %mul3A_1 = arith.muli %iota3A, %mul3A_0 : vector<1x47x128xi32>
    %iota3A_2 = tpu.iota {dimensions = array<i32: 2>} : vector<1x47x128xi32>
    %add3A = arith.addi %mul3A_1, %iota3A_2 : vector<1x47x128xi32>
    %get3A = arith.constant 0 : index
    %get3A_3 = arith.constant 0 : index
    %get3A_4 = arith.constant 0 : index
    %get3A_5 = arith.constant 0 : index
    %get3A_6 = vector.load %arg0[%get3A, %get3A_3, %get3A_4, %get3A_5] : memref<4x5x47x128xf32, #tpu.memory_space<vmem>>, vector<4x5x47x128xf32>
    %slice3A = vector.extract_strided_slice %get3A_6 {offsets = [0, 0, 0, 0], sizes = [4, 1, 47, 128], strides = [1, 1, 1, 1]} : vector<4x5x47x128xf32> to vector<4x1x47x128xf32>
    %squeeze3A = vector.shape_cast %slice3A : vector<4x1x47x128xf32> to vector<4x47x128xf32>
    %slice3A_7 = vector.extract_strided_slice %get3A_6 {offsets = [0, 1, 0, 0], sizes = [4, 1, 47, 128], strides = [1, 1, 1, 1]} : vector<4x5x47x128xf32> to vector<4x1x47x128xf32>
    %squeeze3A_8 = vector.shape_cast %slice3A_7 : vector<4x1x47x128xf32> to vector<4x47x128xf32>
    %slice3A_9 = vector.extract_strided_slice %get3A_6 {offsets = [0, 2, 0, 0], sizes = [4, 1, 47, 128], strides = [1, 1, 1, 1]} : vector<4x5x47x128xf32> to vector<4x1x47x128xf32>
    %squeeze3A_10 = vector.shape_cast %slice3A_9 : vector<4x1x47x128xf32> to vector<4x47x128xf32>
    %slice3A_11 = vector.extract_strided_slice %get3A_6 {offsets = [0, 3, 0, 0], sizes = [4, 1, 47, 128], strides = [1, 1, 1, 1]} : vector<4x5x47x128xf32> to vector<4x1x47x128xf32>
    %squeeze3A_12 = vector.shape_cast %slice3A_11 : vector<4x1x47x128xf32> to vector<4x47x128xf32>
    %get3A_13 = arith.constant 0 : index
    %get3A_14 = arith.constant 0 : index
    %get3A_15 = arith.constant 0 : index
    %get3A_16 = vector.load %arg1[%get3A_13, %get3A_14, %get3A_15] : memref<4x47x128xi32, #tpu.memory_space<vmem>>, vector<4x47x128xi32>
    %lt3A = arith.constant 6000 : i32
    %lt3A_17 = vector.broadcast %lt3A : i32 to vector<1x47x128xi32>
    %lt3A_18 = arith.cmpi slt, %add3A, %lt3A_17 : vector<1x47x128xi32>
    %and3A = arith.constant 4095 : i32
    %and3A_19 = vector.broadcast %and3A : i32 to vector<4x47x128xi32>
    %and3A_20 = arith.andi %get3A_16, %and3A_19 : vector<4x47x128xi32>
    %mul3A_21 = arith.constant 9 : i32
    %mul3A_22 = vector.broadcast %mul3A_21 : i32 to vector<4x47x128xi32>
    %mul3A_23 = arith.muli %and3A_20, %mul3A_22 : vector<4x47x128xi32>
    %shift_right_logical3A = arith.constant 12 : i32
    %shift_right_logical3A_24 = vector.broadcast %shift_right_logical3A : i32 to vector<4x47x128xi32>
    %shift_right_logical3A_25 = arith.shrui %get3A_16, %shift_right_logical3A_24 : vector<4x47x128xi32>
    %add3A_26 = arith.addi %mul3A_23, %shift_right_logical3A_25 : vector<4x47x128xi32>
    %jit3A = arith.constant 536870912 : i32
    %broadcast_in_dim3A = vector.shape_cast %lt3A_18 : vector<1x47x128xi1> to vector<1x47x128xi1>
    %broadcast_in_dim3A_27 = vector.broadcast %broadcast_in_dim3A : vector<1x47x128xi1> to vector<4x47x128xi1>
    %broadcast_in_dim3A_28 = vector.broadcast %jit3A : i32 to vector<4x47x128xi32>
    %select_n3A = arith.select %broadcast_in_dim3A_27, %add3A_26, %broadcast_in_dim3A_28 : vector<4x47x128xi1>, vector<4x47x128xi32>
    %lt3A_29 = arith.constant 6000 : i32
    %lt3A_30 = vector.broadcast %lt3A_29 : i32 to vector<1x47x128xi32>
    %lt3A_31 = arith.cmpi slt, %add3A, %lt3A_30 : vector<1x47x128xi32>
    %slice3A_32 = vector.extract_strided_slice %get3A_6 {offsets = [0, 4, 0, 0], sizes = [4, 1, 47, 128], strides = [1, 1, 1, 1]} : vector<4x5x47x128xf32> to vector<4x1x47x128xf32>
    %squeeze3A_33 = vector.shape_cast %slice3A_32 : vector<4x1x47x128xf32> to vector<4x47x128xf32>
    %jit3A_34 = arith.constant -1.000000e+30 : f32
    %broadcast_in_dim3A_35 = vector.shape_cast %lt3A_31 : vector<1x47x128xi1> to vector<1x47x128xi1>
    %broadcast_in_dim3A_36 = vector.broadcast %broadcast_in_dim3A_35 : vector<1x47x128xi1> to vector<4x47x128xi1>
    %broadcast_in_dim3A_37 = vector.broadcast %jit3A_34 : f32 to vector<4x47x128xf32>
    %select_n3A_38 = arith.select %broadcast_in_dim3A_36, %squeeze3A_33, %broadcast_in_dim3A_37 : vector<4x47x128xi1>, vector<4x47x128xf32>
    %sub3A = arith.subf %squeeze3A_10, %squeeze3A : vector<4x47x128xf32>
    %add3A_39 = arith.constant 1.000000e+00 : f32
    %add3A_40 = vector.broadcast %add3A_39 : f32 to vector<4x47x128xf32>
    %add3A_41 = arith.addf %sub3A, %add3A_40 : vector<4x47x128xf32>
    %sub3A_42 = arith.subf %squeeze3A_12, %squeeze3A_8 : vector<4x47x128xf32>
    %add3A_43 = arith.constant 1.000000e+00 : f32
    %add3A_44 = vector.broadcast %add3A_43 : f32 to vector<4x47x128xf32>
    %add3A_45 = arith.addf %sub3A_42, %add3A_44 : vector<4x47x128xf32>
    %mul3A_46 = arith.mulf %add3A_41, %add3A_45 : vector<4x47x128xf32>
    %scan3A = arith.constant 0 : i32
    %scan3A_47 = arith.constant 300 : i32
    %scan3A_48 = arith.addi %scan3A, %scan3A_47 : i32
    %scan3A_49 = arith.constant 1 : i32
    %scan3A_50 = scf.for %scan3A_52 = %scan3A to %scan3A_48 step %scan3A_49 iter_args(%scan3A_53 = %select_n3A_38) -> (vector<4x47x128xf32>)  : i32 {
      %reduce_max3A = arith.constant dense<0xFF800000> : vector<4xf32>
      %reduce_max3A_54 = vector.multi_reduction <maximumf>, %scan3A_53, %reduce_max3A [1, 2] : vector<4x47x128xf32> to vector<4xf32>
      %broadcast_in_dim3A_55 = vector.shape_cast %reduce_max3A_54 : vector<4xf32> to vector<4x1x1xf32>
      %eq3A = vector.broadcast %broadcast_in_dim3A_55 : vector<4x1x1xf32> to vector<4x47x128xf32>
      %eq3A_56 = arith.cmpf oeq, %scan3A_53, %eq3A : vector<4x47x128xf32>
      %jit3A_57 = arith.constant 1073741824 : i32
      %broadcast_in_dim3A_58 = vector.broadcast %jit3A_57 : i32 to vector<4x47x128xi32>
      %select_n3A_59 = arith.select %eq3A_56, %select_n3A, %broadcast_in_dim3A_58 : vector<4x47x128xi1>, vector<4x47x128xi32>
      %reduce_min3A = arith.constant dense<2147483647> : vector<4xi32>
      %reduce_min3A_60 = vector.multi_reduction <minsi>, %select_n3A_59, %reduce_min3A [1, 2] : vector<4x47x128xi32> to vector<4xi32>
      %broadcast_in_dim3A_61 = vector.shape_cast %reduce_min3A_60 : vector<4xi32> to vector<4x1x1xi32>
      %eq3A_62 = vector.broadcast %broadcast_in_dim3A_61 : vector<4x1x1xi32> to vector<4x47x128xi32>
      %eq3A_63 = arith.cmpi eq, %select_n3A, %eq3A_62 : vector<4x47x128xi32>
      %gt3A = arith.constant -5.000000e+29 : f32
      %gt3A_64 = vector.broadcast %gt3A : f32 to vector<4x1x1xf32>
      %gt3A_65 = arith.cmpf ogt, %broadcast_in_dim3A_55, %gt3A_64 : vector<4x1x1xf32>
      %convert_element_type3A = arith.extui %gt3A_65 : vector<4x1x1xi1> to vector<4x1x1xi32>
      %convert_element_type3A_66 = arith.sitofp %convert_element_type3A : vector<4x1x1xi32> to vector<4x1x1xf32>
      %jit3A_67 = arith.constant 0.000000e+00 : f32
      %broadcast_in_dim3A_68 = vector.broadcast %jit3A_67 : f32 to vector<4x47x128xf32>
      %select_n3A_69 = arith.select %eq3A_63, %squeeze3A, %broadcast_in_dim3A_68 : vector<4x47x128xi1>, vector<4x47x128xf32>
      %reduce_sum3A = arith.constant dense<0.000000e+00> : vector<4xf32>
      %reduce_sum3A_70 = vector.multi_reduction <add>, %select_n3A_69, %reduce_sum3A [1, 2] : vector<4x47x128xf32> to vector<4xf32>
      %broadcast_in_dim3A_71 = vector.shape_cast %reduce_sum3A_70 : vector<4xf32> to vector<4x1x1xf32>
      %jit3A_72 = arith.constant 0.000000e+00 : f32
      %broadcast_in_dim3A_73 = vector.broadcast %jit3A_72 : f32 to vector<4x47x128xf32>
      %select_n3A_74 = arith.select %eq3A_63, %squeeze3A_8, %broadcast_in_dim3A_73 : vector<4x47x128xi1>, vector<4x47x128xf32>
      %reduce_sum3A_75 = arith.constant dense<0.000000e+00> : vector<4xf32>
      %reduce_sum3A_76 = vector.multi_reduction <add>, %select_n3A_74, %reduce_sum3A_75 [1, 2] : vector<4x47x128xf32> to vector<4xf32>
      %broadcast_in_dim3A_77 = vector.shape_cast %reduce_sum3A_76 : vector<4xf32> to vector<4x1x1xf32>
      %jit3A_78 = arith.constant 0.000000e+00 : f32
      %broadcast_in_dim3A_79 = vector.broadcast %jit3A_78 : f32 to vector<4x47x128xf32>
      %select_n3A_80 = arith.select %eq3A_63, %squeeze3A_10, %broadcast_in_dim3A_79 : vector<4x47x128xi1>, vector<4x47x128xf32>
      %reduce_sum3A_81 = arith.constant dense<0.000000e+00> : vector<4xf32>
      %reduce_sum3A_82 = vector.multi_reduction <add>, %select_n3A_80, %reduce_sum3A_81 [1, 2] : vector<4x47x128xf32> to vector<4xf32>
      %broadcast_in_dim3A_83 = vector.shape_cast %reduce_sum3A_82 : vector<4xf32> to vector<4x1x1xf32>
      %jit3A_84 = arith.constant 0.000000e+00 : f32
      %broadcast_in_dim3A_85 = vector.broadcast %jit3A_84 : f32 to vector<4x47x128xf32>
      %select_n3A_86 = arith.select %eq3A_63, %squeeze3A_12, %broadcast_in_dim3A_85 : vector<4x47x128xi1>, vector<4x47x128xf32>
      %reduce_sum3A_87 = arith.constant dense<0.000000e+00> : vector<4xf32>
      %reduce_sum3A_88 = vector.multi_reduction <add>, %select_n3A_86, %reduce_sum3A_87 [1, 2] : vector<4x47x128xf32> to vector<4xf32>
      %broadcast_in_dim3A_89 = vector.shape_cast %reduce_sum3A_88 : vector<4xf32> to vector<4x1x1xf32>
      %sub3A_90 = arith.subf %broadcast_in_dim3A_83, %broadcast_in_dim3A_71 : vector<4x1x1xf32>
      %add3A_91 = arith.constant 1.000000e+00 : f32
      %add3A_92 = vector.broadcast %add3A_91 : f32 to vector<4x1x1xf32>
      %add3A_93 = arith.addf %sub3A_90, %add3A_92 : vector<4x1x1xf32>
      %sub3A_94 = arith.subf %broadcast_in_dim3A_89, %broadcast_in_dim3A_77 : vector<4x1x1xf32>
      %add3A_95 = arith.constant 1.000000e+00 : f32
      %add3A_96 = vector.broadcast %add3A_95 : f32 to vector<4x1x1xf32>
      %add3A_97 = arith.addf %sub3A_94, %add3A_96 : vector<4x1x1xf32>
      %mul3A_98 = arith.mulf %add3A_93, %add3A_97 : vector<4x1x1xf32>
      %max3A = vector.broadcast %broadcast_in_dim3A_71 : vector<4x1x1xf32> to vector<4x47x128xf32>
      %max3A_99 = arith.maximumf %squeeze3A, %max3A : vector<4x47x128xf32>
      %max3A_100 = vector.broadcast %broadcast_in_dim3A_77 : vector<4x1x1xf32> to vector<4x47x128xf32>
      %max3A_101 = arith.maximumf %squeeze3A_8, %max3A_100 : vector<4x47x128xf32>
      %min3A = vector.broadcast %broadcast_in_dim3A_83 : vector<4x1x1xf32> to vector<4x47x128xf32>
      %min3A_102 = arith.minimumf %squeeze3A_10, %min3A : vector<4x47x128xf32>
      %min3A_103 = vector.broadcast %broadcast_in_dim3A_89 : vector<4x1x1xf32> to vector<4x47x128xf32>
      %min3A_104 = arith.minimumf %squeeze3A_12, %min3A_103 : vector<4x47x128xf32>
      %sub3A_105 = arith.subf %min3A_102, %max3A_99 : vector<4x47x128xf32>
      %add3A_106 = arith.constant 1.000000e+00 : f32
      %add3A_107 = vector.broadcast %add3A_106 : f32 to vector<4x47x128xf32>
      %add3A_108 = arith.addf %sub3A_105, %add3A_107 : vector<4x47x128xf32>
      %max3A_109 = arith.constant 0.000000e+00 : f32
      %max3A_110 = vector.broadcast %max3A_109 : f32 to vector<4x47x128xf32>
      %max3A_111 = arith.maximumf %add3A_108, %max3A_110 : vector<4x47x128xf32>
      %sub3A_112 = arith.subf %min3A_104, %max3A_101 : vector<4x47x128xf32>
      %add3A_113 = arith.constant 1.000000e+00 : f32
      %add3A_114 = vector.broadcast %add3A_113 : f32 to vector<4x47x128xf32>
      %add3A_115 = arith.addf %sub3A_112, %add3A_114 : vector<4x47x128xf32>
      %max3A_116 = arith.constant 0.000000e+00 : f32
      %max3A_117 = vector.broadcast %max3A_116 : f32 to vector<4x47x128xf32>
      %max3A_118 = arith.maximumf %add3A_115, %max3A_117 : vector<4x47x128xf32>
      %mul3A_119 = arith.mulf %max3A_111, %max3A_118 : vector<4x47x128xf32>
      %add3A_120 = vector.broadcast %mul3A_98 : vector<4x1x1xf32> to vector<4x47x128xf32>
      %add3A_121 = arith.addf %add3A_120, %mul3A_46 : vector<4x47x128xf32>
      %sub3A_122 = arith.subf %add3A_121, %mul3A_119 : vector<4x47x128xf32>
      %div3A = arith.divf %mul3A_119, %sub3A_122 : vector<4x47x128xf32>
      %gt3A_123 = arith.constant 0.699999988 : f32
      %gt3A_124 = vector.broadcast %gt3A_123 : f32 to vector<4x47x128xf32>
      %gt3A_125 = arith.cmpf ogt, %div3A, %gt3A_124 : vector<4x47x128xf32>
      %or3A = arith.ori %gt3A_125, %eq3A_63 : vector<4x47x128xi1>
      %mul3A_126 = arith.mulf %broadcast_in_dim3A_71, %convert_element_type3A_66 : vector<4x1x1xf32>
      %squeeze3A_127 = vector.shape_cast %mul3A_126 : vector<4x1x1xf32> to vector<4xf32>
      %mul3A_128 = arith.mulf %broadcast_in_dim3A_77, %convert_element_type3A_66 : vector<4x1x1xf32>
      %squeeze3A_129 = vector.shape_cast %mul3A_128 : vector<4x1x1xf32> to vector<4xf32>
      %mul3A_130 = arith.mulf %broadcast_in_dim3A_83, %convert_element_type3A_66 : vector<4x1x1xf32>
      %squeeze3A_131 = vector.shape_cast %mul3A_130 : vector<4x1x1xf32> to vector<4xf32>
      %mul3A_132 = arith.mulf %broadcast_in_dim3A_89, %convert_element_type3A_66 : vector<4x1x1xf32>
      %squeeze3A_133 = vector.shape_cast %mul3A_132 : vector<4x1x1xf32> to vector<4xf32>
      %broadcast_in_dim3A_134 = arith.constant 0.000000e+00 : f32
      %broadcast_in_dim3A_135 = vector.broadcast %broadcast_in_dim3A_134 : f32 to vector<112xf32>
      %concatenate3A = tpu.concatenate %squeeze3A_127, %squeeze3A_129, %squeeze3A_131, %squeeze3A_133, %broadcast_in_dim3A_135 in 0 : vector<4xf32>, vector<4xf32>, vector<4xf32>, vector<4xf32>, vector<112xf32> -> vector<128xf32>
      %broadcast_in_dim3A_136 = vector.shape_cast %concatenate3A : vector<128xf32> to vector<1x128xf32>
      %swap3A = arith.index_cast %scan3A_52 : i32 to index
      %swap3A_137 = arith.constant 0 : index
      %swap3A_138 = vector.load %arg2[%swap3A, %swap3A_137] : memref<300x128xf32, #tpu.memory_space<vmem>>, vector<1x128xf32>
      tpu.vector_store %arg2[%swap3A, %swap3A_137], %broadcast_in_dim3A_136 {strides = array<i32>} : memref<300x128xf32, #tpu.memory_space<vmem>>, vector<1x128xf32>,
      %jit3A_139 = arith.constant -1.000000e+30 : f32
      %broadcast_in_dim3A_140 = vector.broadcast %jit3A_139 : f32 to vector<4x47x128xf32>
      %select_n3A_141 = arith.select %or3A, %broadcast_in_dim3A_140, %scan3A_53 : vector<4x47x128xi1>, vector<4x47x128xf32>
      scf.yield %select_n3A_141 : vector<4x47x128xf32>
    }
    %scan3A_51 = arith.constant 300 : i32
    return
  }
}

module attributes {stable_mosaic.version = 14 : i64} {
  func.func @_decode_kernel(%arg0: memref<4x18x32x128xf32, #tpu.memory_space<vmem>>, %arg1: memref<4x36x32x128xf32, #tpu.memory_space<vmem>>, %arg2: memref<4x288x128xf32, #tpu.memory_space<vmem>>, %arg3: memref<4x3xf32, #tpu.memory_space<smem>>, %arg4: memref<5x4x288x128xf32, #tpu.memory_space<vmem>>, %arg5: memref<4x288x128xi32, #tpu.memory_space<vmem>>, %arg6: memref<8x128xi32, #tpu.memory_space<vmem>>) attributes {dimension_semantics = [], scalar_prefetch = 0 : i64, scratch_operands = 0 : i64, tpu.core_type = #tpu.core_type<tc>} {
    %iota3A = tpu.iota {dimensions = array<i32: 1>} : vector<1x288x128xi32>
    %mul3A = arith.constant 128 : i32
    %mul3A_0 = vector.broadcast %mul3A : i32 to vector<1x288x128xi32>
    %mul3A_1 = arith.muli %iota3A, %mul3A_0 : vector<1x288x128xi32>
    %iota3A_2 = tpu.iota {dimensions = array<i32: 2>} : vector<1x288x128xi32>
    %add3A = arith.addi %mul3A_1, %iota3A_2 : vector<1x288x128xi32>
    %and3A = arith.constant 4095 : i32
    %and3A_3 = vector.broadcast %and3A : i32 to vector<1x288x128xi32>
    %and3A_4 = arith.andi %add3A, %and3A_3 : vector<1x288x128xi32>
    %mul3A_5 = arith.constant 9 : i32
    %mul3A_6 = vector.broadcast %mul3A_5 : i32 to vector<1x288x128xi32>
    %mul3A_7 = arith.muli %and3A_4, %mul3A_6 : vector<1x288x128xi32>
    %shift_right_logical3A = arith.constant 12 : i32
    %shift_right_logical3A_8 = vector.broadcast %shift_right_logical3A : i32 to vector<1x288x128xi32>
    %shift_right_logical3A_9 = arith.shrui %add3A, %shift_right_logical3A_8 : vector<1x288x128xi32>
    %add3A_10 = arith.addi %mul3A_7, %shift_right_logical3A_9 : vector<1x288x128xi32>
    %get3A = arith.constant 0 : index
    %get3A_11 = arith.constant 0 : index
    %get3A_12 = arith.constant 0 : index
    %get3A_13 = vector.load %arg2[%get3A, %get3A_11, %get3A_12] : memref<4x288x128xf32, #tpu.memory_space<vmem>>, vector<1x32x128xf32>
    %get3A_14 = vector.shape_cast %get3A_13 : vector<1x32x128xf32> to vector<32x128xf32>
    %get3A_15 = arith.constant 1 : index
    %get3A_16 = arith.constant 0 : index
    %get3A_17 = arith.constant 0 : index
    %get3A_18 = vector.load %arg2[%get3A_15, %get3A_16, %get3A_17] : memref<4x288x128xf32, #tpu.memory_space<vmem>>, vector<1x32x128xf32>
    %get3A_19 = vector.shape_cast %get3A_18 : vector<1x32x128xf32> to vector<32x128xf32>
    %get3A_20 = arith.constant 2 : index
    %get3A_21 = arith.constant 0 : index
    %get3A_22 = arith.constant 0 : index
    %get3A_23 = vector.load %arg2[%get3A_20, %get3A_21, %get3A_22] : memref<4x288x128xf32, #tpu.memory_space<vmem>>, vector<1x32x128xf32>
    %get3A_24 = vector.shape_cast %get3A_23 : vector<1x32x128xf32> to vector<32x128xf32>
    %get3A_25 = arith.constant 3 : index
    %get3A_26 = arith.constant 0 : index
    %get3A_27 = arith.constant 0 : index
    %get3A_28 = vector.load %arg2[%get3A_25, %get3A_26, %get3A_27] : memref<4x288x128xf32, #tpu.memory_space<vmem>>, vector<1x32x128xf32>
    %get3A_29 = vector.shape_cast %get3A_28 : vector<1x32x128xf32> to vector<32x128xf32>
    %sub3A = arith.subf %get3A_24, %get3A_14 : vector<32x128xf32>
    %add3A_30 = arith.constant 1.000000e+00 : f32
    %add3A_31 = vector.broadcast %add3A_30 : f32 to vector<32x128xf32>
    %add3A_32 = arith.addf %sub3A, %add3A_31 : vector<32x128xf32>
    %sub3A_33 = arith.subf %get3A_29, %get3A_19 : vector<32x128xf32>
    %add3A_34 = arith.constant 1.000000e+00 : f32
    %add3A_35 = vector.broadcast %add3A_34 : f32 to vector<32x128xf32>
    %add3A_36 = arith.addf %sub3A_33, %add3A_35 : vector<32x128xf32>
    %mul3A_37 = arith.constant 5.000000e-01 : f32
    %mul3A_38 = vector.broadcast %mul3A_37 : f32 to vector<32x128xf32>
    %mul3A_39 = arith.mulf %mul3A_38, %add3A_32 : vector<32x128xf32>
    %add3A_40 = arith.addf %get3A_14, %mul3A_39 : vector<32x128xf32>
    %mul3A_41 = arith.constant 5.000000e-01 : f32
    %mul3A_42 = vector.broadcast %mul3A_41 : f32 to vector<32x128xf32>
    %mul3A_43 = arith.mulf %mul3A_42, %add3A_36 : vector<32x128xf32>
    %add3A_44 = arith.addf %get3A_19, %mul3A_43 : vector<32x128xf32>
    %get3A_45 = arith.constant 0 : index
    %get3A_46 = arith.constant 32 : index
    %get3A_47 = arith.constant 0 : index
    %get3A_48 = vector.load %arg2[%get3A_45, %get3A_46, %get3A_47] : memref<4x288x128xf32, #tpu.memory_space<vmem>>, vector<1x32x128xf32>
    %get3A_49 = vector.shape_cast %get3A_48 : vector<1x32x128xf32> to vector<32x128xf32>
    %get3A_50 = arith.constant 1 : index
    %get3A_51 = arith.constant 32 : index
    %get3A_52 = arith.constant 0 : index
    %get3A_53 = vector.load %arg2[%get3A_50, %get3A_51, %get3A_52] : memref<4x288x128xf32, #tpu.memory_space<vmem>>, vector<1x32x128xf32>
    %get3A_54 = vector.shape_cast %get3A_53 : vector<1x32x128xf32> to vector<32x128xf32>
    %get3A_55 = arith.constant 2 : index
    %get3A_56 = arith.constant 32 : index
    %get3A_57 = arith.constant 0 : index
    %get3A_58 = vector.load %arg2[%get3A_55, %get3A_56, %get3A_57] : memref<4x288x128xf32, #tpu.memory_space<vmem>>, vector<1x32x128xf32>
    %get3A_59 = vector.shape_cast %get3A_58 : vector<1x32x128xf32> to vector<32x128xf32>
    %get3A_60 = arith.constant 3 : index
    %get3A_61 = arith.constant 32 : index
    %get3A_62 = arith.constant 0 : index
    %get3A_63 = vector.load %arg2[%get3A_60, %get3A_61, %get3A_62] : memref<4x288x128xf32, #tpu.memory_space<vmem>>, vector<1x32x128xf32>
    %get3A_64 = vector.shape_cast %get3A_63 : vector<1x32x128xf32> to vector<32x128xf32>
    %sub3A_65 = arith.subf %get3A_59, %get3A_49 : vector<32x128xf32>
    %add3A_66 = arith.constant 1.000000e+00 : f32
    %add3A_67 = vector.broadcast %add3A_66 : f32 to vector<32x128xf32>
    %add3A_68 = arith.addf %sub3A_65, %add3A_67 : vector<32x128xf32>
    %sub3A_69 = arith.subf %get3A_64, %get3A_54 : vector<32x128xf32>
    %add3A_70 = arith.constant 1.000000e+00 : f32
    %add3A_71 = vector.broadcast %add3A_70 : f32 to vector<32x128xf32>
    %add3A_72 = arith.addf %sub3A_69, %add3A_71 : vector<32x128xf32>
    %mul3A_73 = arith.constant 5.000000e-01 : f32
    %mul3A_74 = vector.broadcast %mul3A_73 : f32 to vector<32x128xf32>
    %mul3A_75 = arith.mulf %mul3A_74, %add3A_68 : vector<32x128xf32>
    %add3A_76 = arith.addf %get3A_49, %mul3A_75 : vector<32x128xf32>
    %mul3A_77 = arith.constant 5.000000e-01 : f32
    %mul3A_78 = vector.broadcast %mul3A_77 : f32 to vector<32x128xf32>
    %mul3A_79 = arith.mulf %mul3A_78, %add3A_72 : vector<32x128xf32>
    %add3A_80 = arith.addf %get3A_54, %mul3A_79 : vector<32x128xf32>
    %get3A_81 = arith.constant 0 : index
    %get3A_82 = arith.constant 64 : index
    %get3A_83 = arith.constant 0 : index
    %get3A_84 = vector.load %arg2[%get3A_81, %get3A_82, %get3A_83] : memref<4x288x128xf32, #tpu.memory_space<vmem>>, vector<1x32x128xf32>
    %get3A_85 = vector.shape_cast %get3A_84 : vector<1x32x128xf32> to vector<32x128xf32>
    %get3A_86 = arith.constant 1 : index
    %get3A_87 = arith.constant 64 : index
    %get3A_88 = arith.constant 0 : index
    %get3A_89 = vector.load %arg2[%get3A_86, %get3A_87, %get3A_88] : memref<4x288x128xf32, #tpu.memory_space<vmem>>, vector<1x32x128xf32>
    %get3A_90 = vector.shape_cast %get3A_89 : vector<1x32x128xf32> to vector<32x128xf32>
    %get3A_91 = arith.constant 2 : index
    %get3A_92 = arith.constant 64 : index
    %get3A_93 = arith.constant 0 : index
    %get3A_94 = vector.load %arg2[%get3A_91, %get3A_92, %get3A_93] : memref<4x288x128xf32, #tpu.memory_space<vmem>>, vector<1x32x128xf32>
    %get3A_95 = vector.shape_cast %get3A_94 : vector<1x32x128xf32> to vector<32x128xf32>
    %get3A_96 = arith.constant 3 : index
    %get3A_97 = arith.constant 64 : index
    %get3A_98 = arith.constant 0 : index
    %get3A_99 = vector.load %arg2[%get3A_96, %get3A_97, %get3A_98] : memref<4x288x128xf32, #tpu.memory_space<vmem>>, vector<1x32x128xf32>
    %get3A_100 = vector.shape_cast %get3A_99 : vector<1x32x128xf32> to vector<32x128xf32>
    %sub3A_101 = arith.subf %get3A_95, %get3A_85 : vector<32x128xf32>
    %add3A_102 = arith.constant 1.000000e+00 : f32
    %add3A_103 = vector.broadcast %add3A_102 : f32 to vector<32x128xf32>
    %add3A_104 = arith.addf %sub3A_101, %add3A_103 : vector<32x128xf32>
    %sub3A_105 = arith.subf %get3A_100, %get3A_90 : vector<32x128xf32>
    %add3A_106 = arith.constant 1.000000e+00 : f32
    %add3A_107 = vector.broadcast %add3A_106 : f32 to vector<32x128xf32>
    %add3A_108 = arith.addf %sub3A_105, %add3A_107 : vector<32x128xf32>
    %mul3A_109 = arith.constant 5.000000e-01 : f32
    %mul3A_110 = vector.broadcast %mul3A_109 : f32 to vector<32x128xf32>
    %mul3A_111 = arith.mulf %mul3A_110, %add3A_104 : vector<32x128xf32>
    %add3A_112 = arith.addf %get3A_85, %mul3A_111 : vector<32x128xf32>
    %mul3A_113 = arith.constant 5.000000e-01 : f32
    %mul3A_114 = vector.broadcast %mul3A_113 : f32 to vector<32x128xf32>
    %mul3A_115 = arith.mulf %mul3A_114, %add3A_108 : vector<32x128xf32>
    %add3A_116 = arith.addf %get3A_90, %mul3A_115 : vector<32x128xf32>
    %get3A_117 = arith.constant 0 : index
    %get3A_118 = arith.constant 96 : index
    %get3A_119 = arith.constant 0 : index
    %get3A_120 = vector.load %arg2[%get3A_117, %get3A_118, %get3A_119] : memref<4x288x128xf32, #tpu.memory_space<vmem>>, vector<1x32x128xf32>
    %get3A_121 = vector.shape_cast %get3A_120 : vector<1x32x128xf32> to vector<32x128xf32>
    %get3A_122 = arith.constant 1 : index
    %get3A_123 = arith.constant 96 : index
    %get3A_124 = arith.constant 0 : index
    %get3A_125 = vector.load %arg2[%get3A_122, %get3A_123, %get3A_124] : memref<4x288x128xf32, #tpu.memory_space<vmem>>, vector<1x32x128xf32>
    %get3A_126 = vector.shape_cast %get3A_125 : vector<1x32x128xf32> to vector<32x128xf32>
    %get3A_127 = arith.constant 2 : index
    %get3A_128 = arith.constant 96 : index
    %get3A_129 = arith.constant 0 : index
    %get3A_130 = vector.load %arg2[%get3A_127, %get3A_128, %get3A_129] : memref<4x288x128xf32, #tpu.memory_space<vmem>>, vector<1x32x128xf32>
    %get3A_131 = vector.shape_cast %get3A_130 : vector<1x32x128xf32> to vector<32x128xf32>
    %get3A_132 = arith.constant 3 : index
    %get3A_133 = arith.constant 96 : index
    %get3A_134 = arith.constant 0 : index
    %get3A_135 = vector.load %arg2[%get3A_132, %get3A_133, %get3A_134] : memref<4x288x128xf32, #tpu.memory_space<vmem>>, vector<1x32x128xf32>
    %get3A_136 = vector.shape_cast %get3A_135 : vector<1x32x128xf32> to vector<32x128xf32>
    %sub3A_137 = arith.subf %get3A_131, %get3A_121 : vector<32x128xf32>
    %add3A_138 = arith.constant 1.000000e+00 : f32
    %add3A_139 = vector.broadcast %add3A_138 : f32 to vector<32x128xf32>
    %add3A_140 = arith.addf %sub3A_137, %add3A_139 : vector<32x128xf32>
    %sub3A_141 = arith.subf %get3A_136, %get3A_126 : vector<32x128xf32>
    %add3A_142 = arith.constant 1.000000e+00 : f32
    %add3A_143 = vector.broadcast %add3A_142 : f32 to vector<32x128xf32>
    %add3A_144 = arith.addf %sub3A_141, %add3A_143 : vector<32x128xf32>
    %mul3A_145 = arith.constant 5.000000e-01 : f32
    %mul3A_146 = vector.broadcast %mul3A_145 : f32 to vector<32x128xf32>
    %mul3A_147 = arith.mulf %mul3A_146, %add3A_140 : vector<32x128xf32>
    %add3A_148 = arith.addf %get3A_121, %mul3A_147 : vector<32x128xf32>
    %mul3A_149 = arith.constant 5.000000e-01 : f32
    %mul3A_150 = vector.broadcast %mul3A_149 : f32 to vector<32x128xf32>
    %mul3A_151 = arith.mulf %mul3A_150, %add3A_144 : vector<32x128xf32>
    %add3A_152 = arith.addf %get3A_126, %mul3A_151 : vector<32x128xf32>
    %get3A_153 = arith.constant 0 : index
    %get3A_154 = arith.constant 128 : index
    %get3A_155 = arith.constant 0 : index
    %get3A_156 = vector.load %arg2[%get3A_153, %get3A_154, %get3A_155] : memref<4x288x128xf32, #tpu.memory_space<vmem>>, vector<1x32x128xf32>
    %get3A_157 = vector.shape_cast %get3A_156 : vector<1x32x128xf32> to vector<32x128xf32>
    %get3A_158 = arith.constant 1 : index
    %get3A_159 = arith.constant 128 : index
    %get3A_160 = arith.constant 0 : index
    %get3A_161 = vector.load %arg2[%get3A_158, %get3A_159, %get3A_160] : memref<4x288x128xf32, #tpu.memory_space<vmem>>, vector<1x32x128xf32>
    %get3A_162 = vector.shape_cast %get3A_161 : vector<1x32x128xf32> to vector<32x128xf32>
    %get3A_163 = arith.constant 2 : index
    %get3A_164 = arith.constant 128 : index
    %get3A_165 = arith.constant 0 : index
    %get3A_166 = vector.load %arg2[%get3A_163, %get3A_164, %get3A_165] : memref<4x288x128xf32, #tpu.memory_space<vmem>>, vector<1x32x128xf32>
    %get3A_167 = vector.shape_cast %get3A_166 : vector<1x32x128xf32> to vector<32x128xf32>
    %get3A_168 = arith.constant 3 : index
    %get3A_169 = arith.constant 128 : index
    %get3A_170 = arith.constant 0 : index
    %get3A_171 = vector.load %arg2[%get3A_168, %get3A_169, %get3A_170] : memref<4x288x128xf32, #tpu.memory_space<vmem>>, vector<1x32x128xf32>
    %get3A_172 = vector.shape_cast %get3A_171 : vector<1x32x128xf32> to vector<32x128xf32>
    %sub3A_173 = arith.subf %get3A_167, %get3A_157 : vector<32x128xf32>
    %add3A_174 = arith.constant 1.000000e+00 : f32
    %add3A_175 = vector.broadcast %add3A_174 : f32 to vector<32x128xf32>
    %add3A_176 = arith.addf %sub3A_173, %add3A_175 : vector<32x128xf32>
    %sub3A_177 = arith.subf %get3A_172, %get3A_162 : vector<32x128xf32>
    %add3A_178 = arith.constant 1.000000e+00 : f32
    %add3A_179 = vector.broadcast %add3A_178 : f32 to vector<32x128xf32>
    %add3A_180 = arith.addf %sub3A_177, %add3A_179 : vector<32x128xf32>
    %mul3A_181 = arith.constant 5.000000e-01 : f32
    %mul3A_182 = vector.broadcast %mul3A_181 : f32 to vector<32x128xf32>
    %mul3A_183 = arith.mulf %mul3A_182, %add3A_176 : vector<32x128xf32>
    %add3A_184 = arith.addf %get3A_157, %mul3A_183 : vector<32x128xf32>
    %mul3A_185 = arith.constant 5.000000e-01 : f32
    %mul3A_186 = vector.broadcast %mul3A_185 : f32 to vector<32x128xf32>
    %mul3A_187 = arith.mulf %mul3A_186, %add3A_180 : vector<32x128xf32>
    %add3A_188 = arith.addf %get3A_162, %mul3A_187 : vector<32x128xf32>
    %get3A_189 = arith.constant 0 : index
    %get3A_190 = arith.constant 160 : index
    %get3A_191 = arith.constant 0 : index
    %get3A_192 = vector.load %arg2[%get3A_189, %get3A_190, %get3A_191] : memref<4x288x128xf32, #tpu.memory_space<vmem>>, vector<1x32x128xf32>
    %get3A_193 = vector.shape_cast %get3A_192 : vector<1x32x128xf32> to vector<32x128xf32>
    %get3A_194 = arith.constant 1 : index
    %get3A_195 = arith.constant 160 : index
    %get3A_196 = arith.constant 0 : index
    %get3A_197 = vector.load %arg2[%get3A_194, %get3A_195, %get3A_196] : memref<4x288x128xf32, #tpu.memory_space<vmem>>, vector<1x32x128xf32>
    %get3A_198 = vector.shape_cast %get3A_197 : vector<1x32x128xf32> to vector<32x128xf32>
    %get3A_199 = arith.constant 2 : index
    %get3A_200 = arith.constant 160 : index
    %get3A_201 = arith.constant 0 : index
    %get3A_202 = vector.load %arg2[%get3A_199, %get3A_200, %get3A_201] : memref<4x288x128xf32, #tpu.memory_space<vmem>>, vector<1x32x128xf32>
    %get3A_203 = vector.shape_cast %get3A_202 : vector<1x32x128xf32> to vector<32x128xf32>
    %get3A_204 = arith.constant 3 : index
    %get3A_205 = arith.constant 160 : index
    %get3A_206 = arith.constant 0 : index
    %get3A_207 = vector.load %arg2[%get3A_204, %get3A_205, %get3A_206] : memref<4x288x128xf32, #tpu.memory_space<vmem>>, vector<1x32x128xf32>
    %get3A_208 = vector.shape_cast %get3A_207 : vector<1x32x128xf32> to vector<32x128xf32>
    %sub3A_209 = arith.subf %get3A_203, %get3A_193 : vector<32x128xf32>
    %add3A_210 = arith.constant 1.000000e+00 : f32
    %add3A_211 = vector.broadcast %add3A_210 : f32 to vector<32x128xf32>
    %add3A_212 = arith.addf %sub3A_209, %add3A_211 : vector<32x128xf32>
    %sub3A_213 = arith.subf %get3A_208, %get3A_198 : vector<32x128xf32>
    %add3A_214 = arith.constant 1.000000e+00 : f32
    %add3A_215 = vector.broadcast %add3A_214 : f32 to vector<32x128xf32>
    %add3A_216 = arith.addf %sub3A_213, %add3A_215 : vector<32x128xf32>
    %mul3A_217 = arith.constant 5.000000e-01 : f32
    %mul3A_218 = vector.broadcast %mul3A_217 : f32 to vector<32x128xf32>
    %mul3A_219 = arith.mulf %mul3A_218, %add3A_212 : vector<32x128xf32>
    %add3A_220 = arith.addf %get3A_193, %mul3A_219 : vector<32x128xf32>
    %mul3A_221 = arith.constant 5.000000e-01 : f32
    %mul3A_222 = vector.broadcast %mul3A_221 : f32 to vector<32x128xf32>
    %mul3A_223 = arith.mulf %mul3A_222, %add3A_216 : vector<32x128xf32>
    %add3A_224 = arith.addf %get3A_198, %mul3A_223 : vector<32x128xf32>
    %get3A_225 = arith.constant 0 : index
    %get3A_226 = arith.constant 192 : index
    %get3A_227 = arith.constant 0 : index
    %get3A_228 = vector.load %arg2[%get3A_225, %get3A_226, %get3A_227] : memref<4x288x128xf32, #tpu.memory_space<vmem>>, vector<1x32x128xf32>
    %get3A_229 = vector.shape_cast %get3A_228 : vector<1x32x128xf32> to vector<32x128xf32>
    %get3A_230 = arith.constant 1 : index
    %get3A_231 = arith.constant 192 : index
    %get3A_232 = arith.constant 0 : index
    %get3A_233 = vector.load %arg2[%get3A_230, %get3A_231, %get3A_232] : memref<4x288x128xf32, #tpu.memory_space<vmem>>, vector<1x32x128xf32>
    %get3A_234 = vector.shape_cast %get3A_233 : vector<1x32x128xf32> to vector<32x128xf32>
    %get3A_235 = arith.constant 2 : index
    %get3A_236 = arith.constant 192 : index
    %get3A_237 = arith.constant 0 : index
    %get3A_238 = vector.load %arg2[%get3A_235, %get3A_236, %get3A_237] : memref<4x288x128xf32, #tpu.memory_space<vmem>>, vector<1x32x128xf32>
    %get3A_239 = vector.shape_cast %get3A_238 : vector<1x32x128xf32> to vector<32x128xf32>
    %get3A_240 = arith.constant 3 : index
    %get3A_241 = arith.constant 192 : index
    %get3A_242 = arith.constant 0 : index
    %get3A_243 = vector.load %arg2[%get3A_240, %get3A_241, %get3A_242] : memref<4x288x128xf32, #tpu.memory_space<vmem>>, vector<1x32x128xf32>
    %get3A_244 = vector.shape_cast %get3A_243 : vector<1x32x128xf32> to vector<32x128xf32>
    %sub3A_245 = arith.subf %get3A_239, %get3A_229 : vector<32x128xf32>
    %add3A_246 = arith.constant 1.000000e+00 : f32
    %add3A_247 = vector.broadcast %add3A_246 : f32 to vector<32x128xf32>
    %add3A_248 = arith.addf %sub3A_245, %add3A_247 : vector<32x128xf32>
    %sub3A_249 = arith.subf %get3A_244, %get3A_234 : vector<32x128xf32>
    %add3A_250 = arith.constant 1.000000e+00 : f32
    %add3A_251 = vector.broadcast %add3A_250 : f32 to vector<32x128xf32>
    %add3A_252 = arith.addf %sub3A_249, %add3A_251 : vector<32x128xf32>
    %mul3A_253 = arith.constant 5.000000e-01 : f32
    %mul3A_254 = vector.broadcast %mul3A_253 : f32 to vector<32x128xf32>
    %mul3A_255 = arith.mulf %mul3A_254, %add3A_248 : vector<32x128xf32>
    %add3A_256 = arith.addf %get3A_229, %mul3A_255 : vector<32x128xf32>
    %mul3A_257 = arith.constant 5.000000e-01 : f32
    %mul3A_258 = vector.broadcast %mul3A_257 : f32 to vector<32x128xf32>
    %mul3A_259 = arith.mulf %mul3A_258, %add3A_252 : vector<32x128xf32>
    %add3A_260 = arith.addf %get3A_234, %mul3A_259 : vector<32x128xf32>
    %get3A_261 = arith.constant 0 : index
    %get3A_262 = arith.constant 224 : index
    %get3A_263 = arith.constant 0 : index
    %get3A_264 = vector.load %arg2[%get3A_261, %get3A_262, %get3A_263] : memref<4x288x128xf32, #tpu.memory_space<vmem>>, vector<1x32x128xf32>
    %get3A_265 = vector.shape_cast %get3A_264 : vector<1x32x128xf32> to vector<32x128xf32>
    %get3A_266 = arith.constant 1 : index
    %get3A_267 = arith.constant 224 : index
    %get3A_268 = arith.constant 0 : index
    %get3A_269 = vector.load %arg2[%get3A_266, %get3A_267, %get3A_268] : memref<4x288x128xf32, #tpu.memory_space<vmem>>, vector<1x32x128xf32>
    %get3A_270 = vector.shape_cast %get3A_269 : vector<1x32x128xf32> to vector<32x128xf32>
    %get3A_271 = arith.constant 2 : index
    %get3A_272 = arith.constant 224 : index
    %get3A_273 = arith.constant 0 : index
    %get3A_274 = vector.load %arg2[%get3A_271, %get3A_272, %get3A_273] : memref<4x288x128xf32, #tpu.memory_space<vmem>>, vector<1x32x128xf32>
    %get3A_275 = vector.shape_cast %get3A_274 : vector<1x32x128xf32> to vector<32x128xf32>
    %get3A_276 = arith.constant 3 : index
    %get3A_277 = arith.constant 224 : index
    %get3A_278 = arith.constant 0 : index
    %get3A_279 = vector.load %arg2[%get3A_276, %get3A_277, %get3A_278] : memref<4x288x128xf32, #tpu.memory_space<vmem>>, vector<1x32x128xf32>
    %get3A_280 = vector.shape_cast %get3A_279 : vector<1x32x128xf32> to vector<32x128xf32>
    %sub3A_281 = arith.subf %get3A_275, %get3A_265 : vector<32x128xf32>
    %add3A_282 = arith.constant 1.000000e+00 : f32
    %add3A_283 = vector.broadcast %add3A_282 : f32 to vector<32x128xf32>
    %add3A_284 = arith.addf %sub3A_281, %add3A_283 : vector<32x128xf32>
    %sub3A_285 = arith.subf %get3A_280, %get3A_270 : vector<32x128xf32>
    %add3A_286 = arith.constant 1.000000e+00 : f32
    %add3A_287 = vector.broadcast %add3A_286 : f32 to vector<32x128xf32>
    %add3A_288 = arith.addf %sub3A_285, %add3A_287 : vector<32x128xf32>
    %mul3A_289 = arith.constant 5.000000e-01 : f32
    %mul3A_290 = vector.broadcast %mul3A_289 : f32 to vector<32x128xf32>
    %mul3A_291 = arith.mulf %mul3A_290, %add3A_284 : vector<32x128xf32>
    %add3A_292 = arith.addf %get3A_265, %mul3A_291 : vector<32x128xf32>
    %mul3A_293 = arith.constant 5.000000e-01 : f32
    %mul3A_294 = vector.broadcast %mul3A_293 : f32 to vector<32x128xf32>
    %mul3A_295 = arith.mulf %mul3A_294, %add3A_288 : vector<32x128xf32>
    %add3A_296 = arith.addf %get3A_270, %mul3A_295 : vector<32x128xf32>
    %get3A_297 = arith.constant 0 : index
    %get3A_298 = arith.constant 256 : index
    %get3A_299 = arith.constant 0 : index
    %get3A_300 = vector.load %arg2[%get3A_297, %get3A_298, %get3A_299] : memref<4x288x128xf32, #tpu.memory_space<vmem>>, vector<1x32x128xf32>
    %get3A_301 = vector.shape_cast %get3A_300 : vector<1x32x128xf32> to vector<32x128xf32>
    %get3A_302 = arith.constant 1 : index
    %get3A_303 = arith.constant 256 : index
    %get3A_304 = arith.constant 0 : index
    %get3A_305 = vector.load %arg2[%get3A_302, %get3A_303, %get3A_304] : memref<4x288x128xf32, #tpu.memory_space<vmem>>, vector<1x32x128xf32>
    %get3A_306 = vector.shape_cast %get3A_305 : vector<1x32x128xf32> to vector<32x128xf32>
    %get3A_307 = arith.constant 2 : index
    %get3A_308 = arith.constant 256 : index
    %get3A_309 = arith.constant 0 : index
    %get3A_310 = vector.load %arg2[%get3A_307, %get3A_308, %get3A_309] : memref<4x288x128xf32, #tpu.memory_space<vmem>>, vector<1x32x128xf32>
    %get3A_311 = vector.shape_cast %get3A_310 : vector<1x32x128xf32> to vector<32x128xf32>
    %get3A_312 = arith.constant 3 : index
    %get3A_313 = arith.constant 256 : index
    %get3A_314 = arith.constant 0 : index
    %get3A_315 = vector.load %arg2[%get3A_312, %get3A_313, %get3A_314] : memref<4x288x128xf32, #tpu.memory_space<vmem>>, vector<1x32x128xf32>
    %get3A_316 = vector.shape_cast %get3A_315 : vector<1x32x128xf32> to vector<32x128xf32>
    %sub3A_317 = arith.subf %get3A_311, %get3A_301 : vector<32x128xf32>
    %add3A_318 = arith.constant 1.000000e+00 : f32
    %add3A_319 = vector.broadcast %add3A_318 : f32 to vector<32x128xf32>
    %add3A_320 = arith.addf %sub3A_317, %add3A_319 : vector<32x128xf32>
    %sub3A_321 = arith.subf %get3A_316, %get3A_306 : vector<32x128xf32>
    %add3A_322 = arith.constant 1.000000e+00 : f32
    %add3A_323 = vector.broadcast %add3A_322 : f32 to vector<32x128xf32>
    %add3A_324 = arith.addf %sub3A_321, %add3A_323 : vector<32x128xf32>
    %mul3A_325 = arith.constant 5.000000e-01 : f32
    %mul3A_326 = vector.broadcast %mul3A_325 : f32 to vector<32x128xf32>
    %mul3A_327 = arith.mulf %mul3A_326, %add3A_320 : vector<32x128xf32>
    %add3A_328 = arith.addf %get3A_301, %mul3A_327 : vector<32x128xf32>
    %mul3A_329 = arith.constant 5.000000e-01 : f32
    %mul3A_330 = vector.broadcast %mul3A_329 : f32 to vector<32x128xf32>
    %mul3A_331 = arith.mulf %mul3A_330, %add3A_324 : vector<32x128xf32>
    %add3A_332 = arith.addf %get3A_306, %mul3A_331 : vector<32x128xf32>
    %get3A_333 = arith.constant 0 : index
    %get3A_334 = arith.constant 0 : index
    %get3A_335 = memref.load %arg3[%get3A_333, %get3A_334] : memref<4x3xf32, #tpu.memory_space<smem>>
    %sub3A_336 = arith.constant 1.000000e+00 : f32
    %sub3A_337 = arith.subf %get3A_335, %sub3A_336 : f32
    %get3A_338 = arith.constant 0 : index
    %get3A_339 = arith.constant 1 : index
    %get3A_340 = memref.load %arg3[%get3A_338, %get3A_339] : memref<4x3xf32, #tpu.memory_space<smem>>
    %sub3A_341 = arith.constant 1.000000e+00 : f32
    %sub3A_342 = arith.subf %get3A_340, %sub3A_341 : f32
    %get3A_343 = arith.constant 0 : index
    %get3A_344 = arith.constant 0 : index
    %get3A_345 = arith.constant 0 : index
    %get3A_346 = arith.constant 0 : index
    %get3A_347 = vector.load %arg1[%get3A_343, %get3A_344, %get3A_345, %get3A_346] : memref<4x36x32x128xf32, #tpu.memory_space<vmem>>, vector<1x1x32x128xf32>
    %get3A_348 = vector.shape_cast %get3A_347 : vector<1x1x32x128xf32> to vector<32x128xf32>
    %mul3A_349 = arith.mulf %get3A_348, %add3A_32 : vector<32x128xf32>
    %add3A_350 = arith.addf %mul3A_349, %add3A_40 : vector<32x128xf32>
    %get3A_351 = arith.constant 0 : index
    %get3A_352 = arith.constant 1 : index
    %get3A_353 = arith.constant 0 : index
    %get3A_354 = arith.constant 0 : index
    %get3A_355 = vector.load %arg1[%get3A_351, %get3A_352, %get3A_353, %get3A_354] : memref<4x36x32x128xf32, #tpu.memory_space<vmem>>, vector<1x1x32x128xf32>
    %get3A_356 = vector.shape_cast %get3A_355 : vector<1x1x32x128xf32> to vector<32x128xf32>
    %mul3A_357 = arith.mulf %get3A_356, %add3A_36 : vector<32x128xf32>
    %add3A_358 = arith.addf %mul3A_357, %add3A_44 : vector<32x128xf32>
    %get3A_359 = arith.constant 0 : index
    %get3A_360 = arith.constant 2 : index
    %get3A_361 = arith.constant 0 : index
    %get3A_362 = arith.constant 0 : index
    %get3A_363 = vector.load %arg1[%get3A_359, %get3A_360, %get3A_361, %get3A_362] : memref<4x36x32x128xf32, #tpu.memory_space<vmem>>, vector<1x1x32x128xf32>
    %get3A_364 = vector.shape_cast %get3A_363 : vector<1x1x32x128xf32> to vector<32x128xf32>
    %exp3A = math.exp %get3A_364 : vector<32x128xf32>
    %mul3A_365 = arith.mulf %exp3A, %add3A_32 : vector<32x128xf32>
    %get3A_366 = arith.constant 0 : index
    %get3A_367 = arith.constant 3 : index
    %get3A_368 = arith.constant 0 : index
    %get3A_369 = arith.constant 0 : index
    %get3A_370 = vector.load %arg1[%get3A_366, %get3A_367, %get3A_368, %get3A_369] : memref<4x36x32x128xf32, #tpu.memory_space<vmem>>, vector<1x1x32x128xf32>
    %get3A_371 = vector.shape_cast %get3A_370 : vector<1x1x32x128xf32> to vector<32x128xf32>
    %exp3A_372 = math.exp %get3A_371 : vector<32x128xf32>
    %mul3A_373 = arith.mulf %exp3A_372, %add3A_36 : vector<32x128xf32>
    %mul3A_374 = arith.constant 5.000000e-01 : f32
    %mul3A_375 = vector.broadcast %mul3A_374 : f32 to vector<32x128xf32>
    %mul3A_376 = arith.mulf %mul3A_375, %mul3A_365 : vector<32x128xf32>
    %sub3A_377 = arith.subf %add3A_350, %mul3A_376 : vector<32x128xf32>
    %jit3A = arith.constant 0.000000e+00 : f32
    %max3A = vector.broadcast %jit3A : f32 to vector<32x128xf32>
    %max3A_378 = arith.maximumf %max3A, %sub3A_377 : vector<32x128xf32>
    %min3A = vector.broadcast %sub3A_342 : f32 to vector<32x128xf32>
    %min3A_379 = arith.minimumf %min3A, %max3A_378 : vector<32x128xf32>
    %swap3A = arith.constant 0 : index
    %swap3A_380 = arith.constant 0 : index
    %swap3A_381 = arith.constant 0 : index
    %swap3A_382 = arith.constant 0 : index
    %swap3A_383 = vector.load %arg4[%swap3A, %swap3A_380, %swap3A_381, %swap3A_382] : memref<5x4x288x128xf32, #tpu.memory_space<vmem>>, vector<1x1x32x128xf32>
    %swap3A_384 = vector.shape_cast %swap3A_383 : vector<1x1x32x128xf32> to vector<32x128xf32>
    %swap3A_385 = vector.shape_cast %min3A_379 : vector<32x128xf32> to vector<1x1x32x128xf32>
    tpu.vector_store %arg4[%swap3A, %swap3A_380, %swap3A_381, %swap3A_382], %swap3A_385 {strides = array<i32>} : memref<5x4x288x128xf32, #tpu.memory_space<vmem>>, vector<1x1x32x128xf32>,
    %mul3A_386 = arith.constant 5.000000e-01 : f32
    %mul3A_387 = vector.broadcast %mul3A_386 : f32 to vector<32x128xf32>
    %mul3A_388 = arith.mulf %mul3A_387, %mul3A_373 : vector<32x128xf32>
    %sub3A_389 = arith.subf %add3A_358, %mul3A_388 : vector<32x128xf32>
    %jit3A_390 = arith.constant 0.000000e+00 : f32
    %max3A_391 = vector.broadcast %jit3A_390 : f32 to vector<32x128xf32>
    %max3A_392 = arith.maximumf %max3A_391, %sub3A_389 : vector<32x128xf32>
    %min3A_393 = vector.broadcast %sub3A_337 : f32 to vector<32x128xf32>
    %min3A_394 = arith.minimumf %min3A_393, %max3A_392 : vector<32x128xf32>
    %swap3A_395 = arith.constant 1 : index
    %swap3A_396 = arith.constant 0 : index
    %swap3A_397 = arith.constant 0 : index
    %swap3A_398 = arith.constant 0 : index
    %swap3A_399 = vector.load %arg4[%swap3A_395, %swap3A_396, %swap3A_397, %swap3A_398] : memref<5x4x288x128xf32, #tpu.memory_space<vmem>>, vector<1x1x32x128xf32>
    %swap3A_400 = vector.shape_cast %swap3A_399 : vector<1x1x32x128xf32> to vector<32x128xf32>
    %swap3A_401 = vector.shape_cast %min3A_394 : vector<32x128xf32> to vector<1x1x32x128xf32>
    tpu.vector_store %arg4[%swap3A_395, %swap3A_396, %swap3A_397, %swap3A_398], %swap3A_401 {strides = array<i32>} : memref<5x4x288x128xf32, #tpu.memory_space<vmem>>, vector<1x1x32x128xf32>,
    %mul3A_402 = arith.constant 5.000000e-01 : f32
    %mul3A_403 = vector.broadcast %mul3A_402 : f32 to vector<32x128xf32>
    %mul3A_404 = arith.mulf %mul3A_403, %mul3A_365 : vector<32x128xf32>
    %add3A_405 = arith.addf %add3A_350, %mul3A_404 : vector<32x128xf32>
    %jit3A_406 = arith.constant 0.000000e+00 : f32
    %max3A_407 = vector.broadcast %jit3A_406 : f32 to vector<32x128xf32>
    %max3A_408 = arith.maximumf %max3A_407, %add3A_405 : vector<32x128xf32>
    %min3A_409 = vector.broadcast %sub3A_342 : f32 to vector<32x128xf32>
    %min3A_410 = arith.minimumf %min3A_409, %max3A_408 : vector<32x128xf32>
    %swap3A_411 = arith.constant 2 : index
    %swap3A_412 = arith.constant 0 : index
    %swap3A_413 = arith.constant 0 : index
    %swap3A_414 = arith.constant 0 : index
    %swap3A_415 = vector.load %arg4[%swap3A_411, %swap3A_412, %swap3A_413, %swap3A_414] : memref<5x4x288x128xf32, #tpu.memory_space<vmem>>, vector<1x1x32x128xf32>
    %swap3A_416 = vector.shape_cast %swap3A_415 : vector<1x1x32x128xf32> to vector<32x128xf32>
    %swap3A_417 = vector.shape_cast %min3A_410 : vector<32x128xf32> to vector<1x1x32x128xf32>
    tpu.vector_store %arg4[%swap3A_411, %swap3A_412, %swap3A_413, %swap3A_414], %swap3A_417 {strides = array<i32>} : memref<5x4x288x128xf32, #tpu.memory_space<vmem>>, vector<1x1x32x128xf32>,
    %mul3A_418 = arith.constant 5.000000e-01 : f32
    %mul3A_419 = vector.broadcast %mul3A_418 : f32 to vector<32x128xf32>
    %mul3A_420 = arith.mulf %mul3A_419, %mul3A_373 : vector<32x128xf32>
    %add3A_421 = arith.addf %add3A_358, %mul3A_420 : vector<32x128xf32>
    %jit3A_422 = arith.constant 0.000000e+00 : f32
    %max3A_423 = vector.broadcast %jit3A_422 : f32 to vector<32x128xf32>
    %max3A_424 = arith.maximumf %max3A_423, %add3A_421 : vector<32x128xf32>
    %min3A_425 = vector.broadcast %sub3A_337 : f32 to vector<32x128xf32>
    %min3A_426 = arith.minimumf %min3A_425, %max3A_424 : vector<32x128xf32>
    %swap3A_427 = arith.constant 3 : index
    %swap3A_428 = arith.constant 0 : index
    %swap3A_429 = arith.constant 0 : index
    %swap3A_430 = arith.constant 0 : index
    %swap3A_431 = vector.load %arg4[%swap3A_427, %swap3A_428, %swap3A_429, %swap3A_430] : memref<5x4x288x128xf32, #tpu.memory_space<vmem>>, vector<1x1x32x128xf32>
    %swap3A_432 = vector.shape_cast %swap3A_431 : vector<1x1x32x128xf32> to vector<32x128xf32>
    %swap3A_433 = vector.shape_cast %min3A_426 : vector<32x128xf32> to vector<1x1x32x128xf32>
    tpu.vector_store %arg4[%swap3A_427, %swap3A_428, %swap3A_429, %swap3A_430], %swap3A_433 {strides = array<i32>} : memref<5x4x288x128xf32, #tpu.memory_space<vmem>>, vector<1x1x32x128xf32>,
    %get3A_434 = arith.constant 0 : index
    %get3A_435 = arith.constant 9 : index
    %get3A_436 = arith.constant 0 : index
    %get3A_437 = arith.constant 0 : index
    %get3A_438 = vector.load %arg0[%get3A_434, %get3A_435, %get3A_436, %get3A_437] : memref<4x18x32x128xf32, #tpu.memory_space<vmem>>, vector<1x1x32x128xf32>
    %get3A_439 = vector.shape_cast %get3A_438 : vector<1x1x32x128xf32> to vector<32x128xf32>
    %swap3A_440 = arith.constant 4 : index
    %swap3A_441 = arith.constant 0 : index
    %swap3A_442 = arith.constant 0 : index
    %swap3A_443 = arith.constant 0 : index
    %swap3A_444 = vector.load %arg4[%swap3A_440, %swap3A_441, %swap3A_442, %swap3A_443] : memref<5x4x288x128xf32, #tpu.memory_space<vmem>>, vector<1x1x32x128xf32>
    %swap3A_445 = vector.shape_cast %swap3A_444 : vector<1x1x32x128xf32> to vector<32x128xf32>
    %swap3A_446 = vector.shape_cast %get3A_439 : vector<32x128xf32> to vector<1x1x32x128xf32>
    tpu.vector_store %arg4[%swap3A_440, %swap3A_441, %swap3A_442, %swap3A_443], %swap3A_446 {strides = array<i32>} : memref<5x4x288x128xf32, #tpu.memory_space<vmem>>, vector<1x1x32x128xf32>,
    %bitcast_convert_type3A = tpu.bitcast %get3A_439 : vector<32x128xf32> -> vector<32x128xi32>
    %shift_right_arithmetic3A = arith.constant 31 : i32
    %shift_right_arithmetic3A_447 = vector.broadcast %shift_right_arithmetic3A : i32 to vector<32x128xi32>
    %shift_right_arithmetic3A_448 = arith.shrsi %bitcast_convert_type3A, %shift_right_arithmetic3A_447 : vector<32x128xi32>
    %and3A_449 = arith.constant 2147483647 : i32
    %and3A_450 = vector.broadcast %and3A_449 : i32 to vector<32x128xi32>
    %and3A_451 = arith.andi %shift_right_arithmetic3A_448, %and3A_450 : vector<32x128xi32>
    %xor3A = arith.xori %bitcast_convert_type3A, %and3A_451 : vector<32x128xi32>
    %swap3A_452 = arith.constant 0 : index
    %swap3A_453 = arith.constant 0 : index
    %swap3A_454 = arith.constant 0 : index
    %swap3A_455 = vector.load %arg5[%swap3A_452, %swap3A_453, %swap3A_454] : memref<4x288x128xi32, #tpu.memory_space<vmem>>, vector<1x32x128xi32>
    %swap3A_456 = vector.shape_cast %swap3A_455 : vector<1x32x128xi32> to vector<32x128xi32>
    %swap3A_457 = vector.shape_cast %xor3A : vector<32x128xi32> to vector<1x32x128xi32>
    tpu.vector_store %arg5[%swap3A_452, %swap3A_453, %swap3A_454], %swap3A_457 {strides = array<i32>} : memref<4x288x128xi32, #tpu.memory_space<vmem>>, vector<1x32x128xi32>,
    %get3A_458 = arith.constant 0 : index
    %get3A_459 = arith.constant 4 : index
    %get3A_460 = arith.constant 0 : index
    %get3A_461 = arith.constant 0 : index
    %get3A_462 = vector.load %arg1[%get3A_458, %get3A_459, %get3A_460, %get3A_461] : memref<4x36x32x128xf32, #tpu.memory_space<vmem>>, vector<1x1x32x128xf32>
    %get3A_463 = vector.shape_cast %get3A_462 : vector<1x1x32x128xf32> to vector<32x128xf32>
    %mul3A_464 = arith.mulf %get3A_463, %add3A_68 : vector<32x128xf32>
    %add3A_465 = arith.addf %mul3A_464, %add3A_76 : vector<32x128xf32>
    %get3A_466 = arith.constant 0 : index
    %get3A_467 = arith.constant 5 : index
    %get3A_468 = arith.constant 0 : index
    %get3A_469 = arith.constant 0 : index
    %get3A_470 = vector.load %arg1[%get3A_466, %get3A_467, %get3A_468, %get3A_469] : memref<4x36x32x128xf32, #tpu.memory_space<vmem>>, vector<1x1x32x128xf32>
    %get3A_471 = vector.shape_cast %get3A_470 : vector<1x1x32x128xf32> to vector<32x128xf32>
    %mul3A_472 = arith.mulf %get3A_471, %add3A_72 : vector<32x128xf32>
    %add3A_473 = arith.addf %mul3A_472, %add3A_80 : vector<32x128xf32>
    %get3A_474 = arith.constant 0 : index
    %get3A_475 = arith.constant 6 : index
    %get3A_476 = arith.constant 0 : index
    %get3A_477 = arith.constant 0 : index
    %get3A_478 = vector.load %arg1[%get3A_474, %get3A_475, %get3A_476, %get3A_477] : memref<4x36x32x128xf32, #tpu.memory_space<vmem>>, vector<1x1x32x128xf32>
    %get3A_479 = vector.shape_cast %get3A_478 : vector<1x1x32x128xf32> to vector<32x128xf32>
    %exp3A_480 = math.exp %get3A_479 : vector<32x128xf32>
    %mul3A_481 = arith.mulf %exp3A_480, %add3A_68 : vector<32x128xf32>
    %get3A_482 = arith.constant 0 : index
    %get3A_483 = arith.constant 7 : index
    %get3A_484 = arith.constant 0 : index
    %get3A_485 = arith.constant 0 : index
    %get3A_486 = vector.load %arg1[%get3A_482, %get3A_483, %get3A_484, %get3A_485] : memref<4x36x32x128xf32, #tpu.memory_space<vmem>>, vector<1x1x32x128xf32>
    %get3A_487 = vector.shape_cast %get3A_486 : vector<1x1x32x128xf32> to vector<32x128xf32>
    %exp3A_488 = math.exp %get3A_487 : vector<32x128xf32>
    %mul3A_489 = arith.mulf %exp3A_488, %add3A_72 : vector<32x128xf32>
    %mul3A_490 = arith.constant 5.000000e-01 : f32
    %mul3A_491 = vector.broadcast %mul3A_490 : f32 to vector<32x128xf32>
    %mul3A_492 = arith.mulf %mul3A_491, %mul3A_481 : vector<32x128xf32>
    %sub3A_493 = arith.subf %add3A_465, %mul3A_492 : vector<32x128xf32>
    %jit3A_494 = arith.constant 0.000000e+00 : f32
    %max3A_495 = vector.broadcast %jit3A_494 : f32 to vector<32x128xf32>
    %max3A_496 = arith.maximumf %max3A_495, %sub3A_493 : vector<32x128xf32>
    %min3A_497 = vector.broadcast %sub3A_342 : f32 to vector<32x128xf32>
    %min3A_498 = arith.minimumf %min3A_497, %max3A_496 : vector<32x128xf32>
    %swap3A_499 = arith.constant 0 : index
    %swap3A_500 = arith.constant 0 : index
    %swap3A_501 = arith.constant 32 : index
    %swap3A_502 = arith.constant 0 : index
    %swap3A_503 = vector.load %arg4[%swap3A_499, %swap3A_500, %swap3A_501, %swap3A_502] : memref<5x4x288x128xf32, #tpu.memory_space<vmem>>, vector<1x1x32x128xf32>
    %swap3A_504 = vector.shape_cast %swap3A_503 : vector<1x1x32x128xf32> to vector<32x128xf32>
    %swap3A_505 = vector.shape_cast %min3A_498 : vector<32x128xf32> to vector<1x1x32x128xf32>
    tpu.vector_store %arg4[%swap3A_499, %swap3A_500, %swap3A_501, %swap3A_502], %swap3A_505 {strides = array<i32>} : memref<5x4x288x128xf32, #tpu.memory_space<vmem>>, vector<1x1x32x128xf32>,
    %mul3A_506 = arith.constant 5.000000e-01 : f32
    %mul3A_507 = vector.broadcast %mul3A_506 : f32 to vector<32x128xf32>
    %mul3A_508 = arith.mulf %mul3A_507, %mul3A_489 : vector<32x128xf32>
    %sub3A_509 = arith.subf %add3A_473, %mul3A_508 : vector<32x128xf32>
    %jit3A_510 = arith.constant 0.000000e+00 : f32
    %max3A_511 = vector.broadcast %jit3A_510 : f32 to vector<32x128xf32>
    %max3A_512 = arith.maximumf %max3A_511, %sub3A_509 : vector<32x128xf32>
    %min3A_513 = vector.broadcast %sub3A_337 : f32 to vector<32x128xf32>
    %min3A_514 = arith.minimumf %min3A_513, %max3A_512 : vector<32x128xf32>
    %swap3A_515 = arith.constant 1 : index
    %swap3A_516 = arith.constant 0 : index
    %swap3A_517 = arith.constant 32 : index
    %swap3A_518 = arith.constant 0 : index
    %swap3A_519 = vector.load %arg4[%swap3A_515, %swap3A_516, %swap3A_517, %swap3A_518] : memref<5x4x288x128xf32, #tpu.memory_space<vmem>>, vector<1x1x32x128xf32>
    %swap3A_520 = vector.shape_cast %swap3A_519 : vector<1x1x32x128xf32> to vector<32x128xf32>
    %swap3A_521 = vector.shape_cast %min3A_514 : vector<32x128xf32> to vector<1x1x32x128xf32>
    tpu.vector_store %arg4[%swap3A_515, %swap3A_516, %swap3A_517, %swap3A_518], %swap3A_521 {strides = array<i32>} : memref<5x4x288x128xf32, #tpu.memory_space<vmem>>, vector<1x1x32x128xf32>,
    %mul3A_522 = arith.constant 5.000000e-01 : f32
    %mul3A_523 = vector.broadcast %mul3A_522 : f32 to vector<32x128xf32>
    %mul3A_524 = arith.mulf %mul3A_523, %mul3A_481 : vector<32x128xf32>
    %add3A_525 = arith.addf %add3A_465, %mul3A_524 : vector<32x128xf32>
    %jit3A_526 = arith.constant 0.000000e+00 : f32
    %max3A_527 = vector.broadcast %jit3A_526 : f32 to vector<32x128xf32>
    %max3A_528 = arith.maximumf %max3A_527, %add3A_525 : vector<32x128xf32>
    %min3A_529 = vector.broadcast %sub3A_342 : f32 to vector<32x128xf32>
    %min3A_530 = arith.minimumf %min3A_529, %max3A_528 : vector<32x128xf32>
    %swap3A_531 = arith.constant 2 : index
    %swap3A_532 = arith.constant 0 : index
    %swap3A_533 = arith.constant 32 : index
    %swap3A_534 = arith.constant 0 : index
    %swap3A_535 = vector.load %arg4[%swap3A_531, %swap3A_532, %swap3A_533, %swap3A_534] : memref<5x4x288x128xf32, #tpu.memory_space<vmem>>, vector<1x1x32x128xf32>
    %swap3A_536 = vector.shape_cast %swap3A_535 : vector<1x1x32x128xf32> to vector<32x128xf32>
    %swap3A_537 = vector.shape_cast %min3A_530 : vector<32x128xf32> to vector<1x1x32x128xf32>
    tpu.vector_store %arg4[%swap3A_531, %swap3A_532, %swap3A_533, %swap3A_534], %swap3A_537 {strides = array<i32>} : memref<5x4x288x128xf32, #tpu.memory_space<vmem>>, vector<1x1x32x128xf32>,
    %mul3A_538 = arith.constant 5.000000e-01 : f32
    %mul3A_539 = vector.broadcast %mul3A_538 : f32 to vector<32x128xf32>
    %mul3A_540 = arith.mulf %mul3A_539, %mul3A_489 : vector<32x128xf32>
    %add3A_541 = arith.addf %add3A_473, %mul3A_540 : vector<32x128xf32>
    %jit3A_542 = arith.constant 0.000000e+00 : f32
    %max3A_543 = vector.broadcast %jit3A_542 : f32 to vector<32x128xf32>
    %max3A_544 = arith.maximumf %max3A_543, %add3A_541 : vector<32x128xf32>
    %min3A_545 = vector.broadcast %sub3A_337 : f32 to vector<32x128xf32>
    %min3A_546 = arith.minimumf %min3A_545, %max3A_544 : vector<32x128xf32>
    %swap3A_547 = arith.constant 3 : index
    %swap3A_548 = arith.constant 0 : index
    %swap3A_549 = arith.constant 32 : index
    %swap3A_550 = arith.constant 0 : index
    %swap3A_551 = vector.load %arg4[%swap3A_547, %swap3A_548, %swap3A_549, %swap3A_550] : memref<5x4x288x128xf32, #tpu.memory_space<vmem>>, vector<1x1x32x128xf32>
    %swap3A_552 = vector.shape_cast %swap3A_551 : vector<1x1x32x128xf32> to vector<32x128xf32>
    %swap3A_553 = vector.shape_cast %min3A_546 : vector<32x128xf32> to vector<1x1x32x128xf32>
    tpu.vector_store %arg4[%swap3A_547, %swap3A_548, %swap3A_549, %swap3A_550], %swap3A_553 {strides = array<i32>} : memref<5x4x288x128xf32, #tpu.memory_space<vmem>>, vector<1x1x32x128xf32>,
    %get3A_554 = arith.constant 0 : index
    %get3A_555 = arith.constant 10 : index
    %get3A_556 = arith.constant 0 : index
    %get3A_557 = arith.constant 0 : index
    %get3A_558 = vector.load %arg0[%get3A_554, %get3A_555, %get3A_556, %get3A_557] : memref<4x18x32x128xf32, #tpu.memory_space<vmem>>, vector<1x1x32x128xf32>
    %get3A_559 = vector.shape_cast %get3A_558 : vector<1x1x32x128xf32> to vector<32x128xf32>
    %swap3A_560 = arith.constant 4 : index
    %swap3A_561 = arith.constant 0 : index
    %swap3A_562 = arith.constant 32 : index
    %swap3A_563 = arith.constant 0 : index
    %swap3A_564 = vector.load %arg4[%swap3A_560, %swap3A_561, %swap3A_562, %swap3A_563] : memref<5x4x288x128xf32, #tpu.memory_space<vmem>>, vector<1x1x32x128xf32>
    %swap3A_565 = vector.shape_cast %swap3A_564 : vector<1x1x32x128xf32> to vector<32x128xf32>
    %swap3A_566 = vector.shape_cast %get3A_559 : vector<32x128xf32> to vector<1x1x32x128xf32>
    tpu.vector_store %arg4[%swap3A_560, %swap3A_561, %swap3A_562, %swap3A_563], %swap3A_566 {strides = array<i32>} : memref<5x4x288x128xf32, #tpu.memory_space<vmem>>, vector<1x1x32x128xf32>,
    %bitcast_convert_type3A_567 = tpu.bitcast %get3A_559 : vector<32x128xf32> -> vector<32x128xi32>
    %shift_right_arithmetic3A_568 = arith.constant 31 : i32
    %shift_right_arithmetic3A_569 = vector.broadcast %shift_right_arithmetic3A_568 : i32 to vector<32x128xi32>
    %shift_right_arithmetic3A_570 = arith.shrsi %bitcast_convert_type3A_567, %shift_right_arithmetic3A_569 : vector<32x128xi32>
    %and3A_571 = arith.constant 2147483647 : i32
    %and3A_572 = vector.broadcast %and3A_571 : i32 to vector<32x128xi32>
    %and3A_573 = arith.andi %shift_right_arithmetic3A_570, %and3A_572 : vector<32x128xi32>
    %xor3A_574 = arith.xori %bitcast_convert_type3A_567, %and3A_573 : vector<32x128xi32>
    %swap3A_575 = arith.constant 0 : index
    %swap3A_576 = arith.constant 32 : index
    %swap3A_577 = arith.constant 0 : index
    %swap3A_578 = vector.load %arg5[%swap3A_575, %swap3A_576, %swap3A_577] : memref<4x288x128xi32, #tpu.memory_space<vmem>>, vector<1x32x128xi32>
    %swap3A_579 = vector.shape_cast %swap3A_578 : vector<1x32x128xi32> to vector<32x128xi32>
    %swap3A_580 = vector.shape_cast %xor3A_574 : vector<32x128xi32> to vector<1x32x128xi32>
    tpu.vector_store %arg5[%swap3A_575, %swap3A_576, %swap3A_577], %swap3A_580 {strides = array<i32>} : memref<4x288x128xi32, #tpu.memory_space<vmem>>, vector<1x32x128xi32>,
    %get3A_581 = arith.constant 0 : index
    %get3A_582 = arith.constant 8 : index
    %get3A_583 = arith.constant 0 : index
    %get3A_584 = arith.constant 0 : index
    %get3A_585 = vector.load %arg1[%get3A_581, %get3A_582, %get3A_583, %get3A_584] : memref<4x36x32x128xf32, #tpu.memory_space<vmem>>, vector<1x1x32x128xf32>
    %get3A_586 = vector.shape_cast %get3A_585 : vector<1x1x32x128xf32> to vector<32x128xf32>
    %mul3A_587 = arith.mulf %get3A_586, %add3A_104 : vector<32x128xf32>
    %add3A_588 = arith.addf %mul3A_587, %add3A_112 : vector<32x128xf32>
    %get3A_589 = arith.constant 0 : index
    %get3A_590 = arith.constant 9 : index
    %get3A_591 = arith.constant 0 : index
    %get3A_592 = arith.constant 0 : index
    %get3A_593 = vector.load %arg1[%get3A_589, %get3A_590, %get3A_591, %get3A_592] : memref<4x36x32x128xf32, #tpu.memory_space<vmem>>, vector<1x1x32x128xf32>
    %get3A_594 = vector.shape_cast %get3A_593 : vector<1x1x32x128xf32> to vector<32x128xf32>
    %mul3A_595 = arith.mulf %get3A_594, %add3A_108 : vector<32x128xf32>
    %add3A_596 = arith.addf %mul3A_595, %add3A_116 : vector<32x128xf32>
    %get3A_597 = arith.constant 0 : index
    %get3A_598 = arith.constant 10 : index
    %get3A_599 = arith.constant 0 : index
    %get3A_600 = arith.constant 0 : index
    %get3A_601 = vector.load %arg1[%get3A_597, %get3A_598, %get3A_599, %get3A_600] : memref<4x36x32x128xf32, #tpu.memory_space<vmem>>, vector<1x1x32x128xf32>
    %get3A_602 = vector.shape_cast %get3A_601 : vector<1x1x32x128xf32> to vector<32x128xf32>
    %exp3A_603 = math.exp %get3A_602 : vector<32x128xf32>
    %mul3A_604 = arith.mulf %exp3A_603, %add3A_104 : vector<32x128xf32>
    %get3A_605 = arith.constant 0 : index
    %get3A_606 = arith.constant 11 : index
    %get3A_607 = arith.constant 0 : index
    %get3A_608 = arith.constant 0 : index
    %get3A_609 = vector.load %arg1[%get3A_605, %get3A_606, %get3A_607, %get3A_608] : memref<4x36x32x128xf32, #tpu.memory_space<vmem>>, vector<1x1x32x128xf32>
    %get3A_610 = vector.shape_cast %get3A_609 : vector<1x1x32x128xf32> to vector<32x128xf32>
    %exp3A_611 = math.exp %get3A_610 : vector<32x128xf32>
    %mul3A_612 = arith.mulf %exp3A_611, %add3A_108 : vector<32x128xf32>
    %mul3A_613 = arith.constant 5.000000e-01 : f32
    %mul3A_614 = vector.broadcast %mul3A_613 : f32 to vector<32x128xf32>
    %mul3A_615 = arith.mulf %mul3A_614, %mul3A_604 : vector<32x128xf32>
    %sub3A_616 = arith.subf %add3A_588, %mul3A_615 : vector<32x128xf32>
    %jit3A_617 = arith.constant 0.000000e+00 : f32
    %max3A_618 = vector.broadcast %jit3A_617 : f32 to vector<32x128xf32>
    %max3A_619 = arith.maximumf %max3A_618, %sub3A_616 : vector<32x128xf32>
    %min3A_620 = vector.broadcast %sub3A_342 : f32 to vector<32x128xf32>
    %min3A_621 = arith.minimumf %min3A_620, %max3A_619 : vector<32x128xf32>
    %swap3A_622 = arith.constant 0 : index
    %swap3A_623 = arith.constant 0 : index
    %swap3A_624 = arith.constant 64 : index
    %swap3A_625 = arith.constant 0 : index
    %swap3A_626 = vector.load %arg4[%swap3A_622, %swap3A_623, %swap3A_624, %swap3A_625] : memref<5x4x288x128xf32, #tpu.memory_space<vmem>>, vector<1x1x32x128xf32>
    %swap3A_627 = vector.shape_cast %swap3A_626 : vector<1x1x32x128xf32> to vector<32x128xf32>
    %swap3A_628 = vector.shape_cast %min3A_621 : vector<32x128xf32> to vector<1x1x32x128xf32>
    tpu.vector_store %arg4[%swap3A_622, %swap3A_623, %swap3A_624, %swap3A_625], %swap3A_628 {strides = array<i32>} : memref<5x4x288x128xf32, #tpu.memory_space<vmem>>, vector<1x1x32x128xf32>,
    %mul3A_629 = arith.constant 5.000000e-01 : f32
    %mul3A_630 = vector.broadcast %mul3A_629 : f32 to vector<32x128xf32>
    %mul3A_631 = arith.mulf %mul3A_630, %mul3A_612 : vector<32x128xf32>
    %sub3A_632 = arith.subf %add3A_596, %mul3A_631 : vector<32x128xf32>
    %jit3A_633 = arith.constant 0.000000e+00 : f32
    %max3A_634 = vector.broadcast %jit3A_633 : f32 to vector<32x128xf32>
    %max3A_635 = arith.maximumf %max3A_634, %sub3A_632 : vector<32x128xf32>
    %min3A_636 = vector.broadcast %sub3A_337 : f32 to vector<32x128xf32>
    %min3A_637 = arith.minimumf %min3A_636, %max3A_635 : vector<32x128xf32>
    %swap3A_638 = arith.constant 1 : index
    %swap3A_639 = arith.constant 0 : index
    %swap3A_640 = arith.constant 64 : index
    %swap3A_641 = arith.constant 0 : index
    %swap3A_642 = vector.load %arg4[%swap3A_638, %swap3A_639, %swap3A_640, %swap3A_641] : memref<5x4x288x128xf32, #tpu.memory_space<vmem>>, vector<1x1x32x128xf32>
    %swap3A_643 = vector.shape_cast %swap3A_642 : vector<1x1x32x128xf32> to vector<32x128xf32>
    %swap3A_644 = vector.shape_cast %min3A_637 : vector<32x128xf32> to vector<1x1x32x128xf32>
    tpu.vector_store %arg4[%swap3A_638, %swap3A_639, %swap3A_640, %swap3A_641], %swap3A_644 {strides = array<i32>} : memref<5x4x288x128xf32, #tpu.memory_space<vmem>>, vector<1x1x32x128xf32>,
    %mul3A_645 = arith.constant 5.000000e-01 : f32
    %mul3A_646 = vector.broadcast %mul3A_645 : f32 to vector<32x128xf32>
    %mul3A_647 = arith.mulf %mul3A_646, %mul3A_604 : vector<32x128xf32>
    %add3A_648 = arith.addf %add3A_588, %mul3A_647 : vector<32x128xf32>
    %jit3A_649 = arith.constant 0.000000e+00 : f32
    %max3A_650 = vector.broadcast %jit3A_649 : f32 to vector<32x128xf32>
    %max3A_651 = arith.maximumf %max3A_650, %add3A_648 : vector<32x128xf32>
    %min3A_652 = vector.broadcast %sub3A_342 : f32 to vector<32x128xf32>
    %min3A_653 = arith.minimumf %min3A_652, %max3A_651 : vector<32x128xf32>
    %swap3A_654 = arith.constant 2 : index
    %swap3A_655 = arith.constant 0 : index
    %swap3A_656 = arith.constant 64 : index
    %swap3A_657 = arith.constant 0 : index
    %swap3A_658 = vector.load %arg4[%swap3A_654, %swap3A_655, %swap3A_656, %swap3A_657] : memref<5x4x288x128xf32, #tpu.memory_space<vmem>>, vector<1x1x32x128xf32>
    %swap3A_659 = vector.shape_cast %swap3A_658 : vector<1x1x32x128xf32> to vector<32x128xf32>
    %swap3A_660 = vector.shape_cast %min3A_653 : vector<32x128xf32> to vector<1x1x32x128xf32>
    tpu.vector_store %arg4[%swap3A_654, %swap3A_655, %swap3A_656, %swap3A_657], %swap3A_660 {strides = array<i32>} : memref<5x4x288x128xf32, #tpu.memory_space<vmem>>, vector<1x1x32x128xf32>,
    %mul3A_661 = arith.constant 5.000000e-01 : f32
    %mul3A_662 = vector.broadcast %mul3A_661 : f32 to vector<32x128xf32>
    %mul3A_663 = arith.mulf %mul3A_662, %mul3A_612 : vector<32x128xf32>
    %add3A_664 = arith.addf %add3A_596, %mul3A_663 : vector<32x128xf32>
    %jit3A_665 = arith.constant 0.000000e+00 : f32
    %max3A_666 = vector.broadcast %jit3A_665 : f32 to vector<32x128xf32>
    %max3A_667 = arith.maximumf %max3A_666, %add3A_664 : vector<32x128xf32>
    %min3A_668 = vector.broadcast %sub3A_337 : f32 to vector<32x128xf32>
    %min3A_669 = arith.minimumf %min3A_668, %max3A_667 : vector<32x128xf32>
    %swap3A_670 = arith.constant 3 : index
    %swap3A_671 = arith.constant 0 : index
    %swap3A_672 = arith.constant 64 : index
    %swap3A_673 = arith.constant 0 : index
    %swap3A_674 = vector.load %arg4[%swap3A_670, %swap3A_671, %swap3A_672, %swap3A_673] : memref<5x4x288x128xf32, #tpu.memory_space<vmem>>, vector<1x1x32x128xf32>
    %swap3A_675 = vector.shape_cast %swap3A_674 : vector<1x1x32x128xf32> to vector<32x128xf32>
    %swap3A_676 = vector.shape_cast %min3A_669 : vector<32x128xf32> to vector<1x1x32x128xf32>
    tpu.vector_store %arg4[%swap3A_670, %swap3A_671, %swap3A_672, %swap3A_673], %swap3A_676 {strides = array<i32>} : memref<5x4x288x128xf32, #tpu.memory_space<vmem>>, vector<1x1x32x128xf32>,
    %get3A_677 = arith.constant 0 : index
    %get3A_678 = arith.constant 11 : index
    %get3A_679 = arith.constant 0 : index
    %get3A_680 = arith.constant 0 : index
    %get3A_681 = vector.load %arg0[%get3A_677, %get3A_678, %get3A_679, %get3A_680] : memref<4x18x32x128xf32, #tpu.memory_space<vmem>>, vector<1x1x32x128xf32>
    %get3A_682 = vector.shape_cast %get3A_681 : vector<1x1x32x128xf32> to vector<32x128xf32>
    %swap3A_683 = arith.constant 4 : index
    %swap3A_684 = arith.constant 0 : index
    %swap3A_685 = arith.constant 64 : index
    %swap3A_686 = arith.constant 0 : index
    %swap3A_687 = vector.load %arg4[%swap3A_683, %swap3A_684, %swap3A_685, %swap3A_686] : memref<5x4x288x128xf32, #tpu.memory_space<vmem>>, vector<1x1x32x128xf32>
    %swap3A_688 = vector.shape_cast %swap3A_687 : vector<1x1x32x128xf32> to vector<32x128xf32>
    %swap3A_689 = vector.shape_cast %get3A_682 : vector<32x128xf32> to vector<1x1x32x128xf32>
    tpu.vector_store %arg4[%swap3A_683, %swap3A_684, %swap3A_685, %swap3A_686], %swap3A_689 {strides = array<i32>} : memref<5x4x288x128xf32, #tpu.memory_space<vmem>>, vector<1x1x32x128xf32>,
    %bitcast_convert_type3A_690 = tpu.bitcast %get3A_682 : vector<32x128xf32> -> vector<32x128xi32>
    %shift_right_arithmetic3A_691 = arith.constant 31 : i32
    %shift_right_arithmetic3A_692 = vector.broadcast %shift_right_arithmetic3A_691 : i32 to vector<32x128xi32>
    %shift_right_arithmetic3A_693 = arith.shrsi %bitcast_convert_type3A_690, %shift_right_arithmetic3A_692 : vector<32x128xi32>
    %and3A_694 = arith.constant 2147483647 : i32
    %and3A_695 = vector.broadcast %and3A_694 : i32 to vector<32x128xi32>
    %and3A_696 = arith.andi %shift_right_arithmetic3A_693, %and3A_695 : vector<32x128xi32>
    %xor3A_697 = arith.xori %bitcast_convert_type3A_690, %and3A_696 : vector<32x128xi32>
    %swap3A_698 = arith.constant 0 : index
    %swap3A_699 = arith.constant 64 : index
    %swap3A_700 = arith.constant 0 : index
    %swap3A_701 = vector.load %arg5[%swap3A_698, %swap3A_699, %swap3A_700] : memref<4x288x128xi32, #tpu.memory_space<vmem>>, vector<1x32x128xi32>
    %swap3A_702 = vector.shape_cast %swap3A_701 : vector<1x32x128xi32> to vector<32x128xi32>
    %swap3A_703 = vector.shape_cast %xor3A_697 : vector<32x128xi32> to vector<1x32x128xi32>
    tpu.vector_store %arg5[%swap3A_698, %swap3A_699, %swap3A_700], %swap3A_703 {strides = array<i32>} : memref<4x288x128xi32, #tpu.memory_space<vmem>>, vector<1x32x128xi32>,
    %get3A_704 = arith.constant 0 : index
    %get3A_705 = arith.constant 12 : index
    %get3A_706 = arith.constant 0 : index
    %get3A_707 = arith.constant 0 : index
    %get3A_708 = vector.load %arg1[%get3A_704, %get3A_705, %get3A_706, %get3A_707] : memref<4x36x32x128xf32, #tpu.memory_space<vmem>>, vector<1x1x32x128xf32>
    %get3A_709 = vector.shape_cast %get3A_708 : vector<1x1x32x128xf32> to vector<32x128xf32>
    %mul3A_710 = arith.mulf %get3A_709, %add3A_140 : vector<32x128xf32>
    %add3A_711 = arith.addf %mul3A_710, %add3A_148 : vector<32x128xf32>
    %get3A_712 = arith.constant 0 : index
    %get3A_713 = arith.constant 13 : index
    %get3A_714 = arith.constant 0 : index
    %get3A_715 = arith.constant 0 : index
    %get3A_716 = vector.load %arg1[%get3A_712, %get3A_713, %get3A_714, %get3A_715] : memref<4x36x32x128xf32, #tpu.memory_space<vmem>>, vector<1x1x32x128xf32>
    %get3A_717 = vector.shape_cast %get3A_716 : vector<1x1x32x128xf32> to vector<32x128xf32>
    %mul3A_718 = arith.mulf %get3A_717, %add3A_144 : vector<32x128xf32>
    %add3A_719 = arith.addf %mul3A_718, %add3A_152 : vector<32x128xf32>
    %get3A_720 = arith.constant 0 : index
    %get3A_721 = arith.constant 14 : index
    %get3A_722 = arith.constant 0 : index
    %get3A_723 = arith.constant 0 : index
    %get3A_724 = vector.load %arg1[%get3A_720, %get3A_721, %get3A_722, %get3A_723] : memref<4x36x32x128xf32, #tpu.memory_space<vmem>>, vector<1x1x32x128xf32>
    %get3A_725 = vector.shape_cast %get3A_724 : vector<1x1x32x128xf32> to vector<32x128xf32>
    %exp3A_726 = math.exp %get3A_725 : vector<32x128xf32>
    %mul3A_727 = arith.mulf %exp3A_726, %add3A_140 : vector<32x128xf32>
    %get3A_728 = arith.constant 0 : index
    %get3A_729 = arith.constant 15 : index
    %get3A_730 = arith.constant 0 : index
    %get3A_731 = arith.constant 0 : index
    %get3A_732 = vector.load %arg1[%get3A_728, %get3A_729, %get3A_730, %get3A_731] : memref<4x36x32x128xf32, #tpu.memory_space<vmem>>, vector<1x1x32x128xf32>
    %get3A_733 = vector.shape_cast %get3A_732 : vector<1x1x32x128xf32> to vector<32x128xf32>
    %exp3A_734 = math.exp %get3A_733 : vector<32x128xf32>
    %mul3A_735 = arith.mulf %exp3A_734, %add3A_144 : vector<32x128xf32>
    %mul3A_736 = arith.constant 5.000000e-01 : f32
    %mul3A_737 = vector.broadcast %mul3A_736 : f32 to vector<32x128xf32>
    %mul3A_738 = arith.mulf %mul3A_737, %mul3A_727 : vector<32x128xf32>
    %sub3A_739 = arith.subf %add3A_711, %mul3A_738 : vector<32x128xf32>
    %jit3A_740 = arith.constant 0.000000e+00 : f32
    %max3A_741 = vector.broadcast %jit3A_740 : f32 to vector<32x128xf32>
    %max3A_742 = arith.maximumf %max3A_741, %sub3A_739 : vector<32x128xf32>
    %min3A_743 = vector.broadcast %sub3A_342 : f32 to vector<32x128xf32>
    %min3A_744 = arith.minimumf %min3A_743, %max3A_742 : vector<32x128xf32>
    %swap3A_745 = arith.constant 0 : index
    %swap3A_746 = arith.constant 0 : index
    %swap3A_747 = arith.constant 96 : index
    %swap3A_748 = arith.constant 0 : index
    %swap3A_749 = vector.load %arg4[%swap3A_745, %swap3A_746, %swap3A_747, %swap3A_748] : memref<5x4x288x128xf32, #tpu.memory_space<vmem>>, vector<1x1x32x128xf32>
    %swap3A_750 = vector.shape_cast %swap3A_749 : vector<1x1x32x128xf32> to vector<32x128xf32>
    %swap3A_751 = vector.shape_cast %min3A_744 : vector<32x128xf32> to vector<1x1x32x128xf32>
    tpu.vector_store %arg4[%swap3A_745, %swap3A_746, %swap3A_747, %swap3A_748], %swap3A_751 {strides = array<i32>} : memref<5x4x288x128xf32, #tpu.memory_space<vmem>>, vector<1x1x32x128xf32>,
    %mul3A_752 = arith.constant 5.000000e-01 : f32
    %mul3A_753 = vector.broadcast %mul3A_752 : f32 to vector<32x128xf32>
    %mul3A_754 = arith.mulf %mul3A_753, %mul3A_735 : vector<32x128xf32>
    %sub3A_755 = arith.subf %add3A_719, %mul3A_754 : vector<32x128xf32>
    %jit3A_756 = arith.constant 0.000000e+00 : f32
    %max3A_757 = vector.broadcast %jit3A_756 : f32 to vector<32x128xf32>
    %max3A_758 = arith.maximumf %max3A_757, %sub3A_755 : vector<32x128xf32>
    %min3A_759 = vector.broadcast %sub3A_337 : f32 to vector<32x128xf32>
    %min3A_760 = arith.minimumf %min3A_759, %max3A_758 : vector<32x128xf32>
    %swap3A_761 = arith.constant 1 : index
    %swap3A_762 = arith.constant 0 : index
    %swap3A_763 = arith.constant 96 : index
    %swap3A_764 = arith.constant 0 : index
    %swap3A_765 = vector.load %arg4[%swap3A_761, %swap3A_762, %swap3A_763, %swap3A_764] : memref<5x4x288x128xf32, #tpu.memory_space<vmem>>, vector<1x1x32x128xf32>
    %swap3A_766 = vector.shape_cast %swap3A_765 : vector<1x1x32x128xf32> to vector<32x128xf32>
    %swap3A_767 = vector.shape_cast %min3A_760 : vector<32x128xf32> to vector<1x1x32x128xf32>
    tpu.vector_store %arg4[%swap3A_761, %swap3A_762, %swap3A_763, %swap3A_764], %swap3A_767 {strides = array<i32>} : memref<5x4x288x128xf32, #tpu.memory_space<vmem>>, vector<1x1x32x128xf32>,
    %mul3A_768 = arith.constant 5.000000e-01 : f32
    %mul3A_769 = vector.broadcast %mul3A_768 : f32 to vector<32x128xf32>
    %mul3A_770 = arith.mulf %mul3A_769, %mul3A_727 : vector<32x128xf32>
    %add3A_771 = arith.addf %add3A_711, %mul3A_770 : vector<32x128xf32>
    %jit3A_772 = arith.constant 0.000000e+00 : f32
    %max3A_773 = vector.broadcast %jit3A_772 : f32 to vector<32x128xf32>
    %max3A_774 = arith.maximumf %max3A_773, %add3A_771 : vector<32x128xf32>
    %min3A_775 = vector.broadcast %sub3A_342 : f32 to vector<32x128xf32>
    %min3A_776 = arith.minimumf %min3A_775, %max3A_774 : vector<32x128xf32>
    %swap3A_777 = arith.constant 2 : index
    %swap3A_778 = arith.constant 0 : index
    %swap3A_779 = arith.constant 96 : index
    %swap3A_780 = arith.constant 0 : index
    %swap3A_781 = vector.load %arg4[%swap3A_777, %swap3A_778, %swap3A_779, %swap3A_780] : memref<5x4x288x128xf32, #tpu.memory_space<vmem>>, vector<1x1x32x128xf32>
    %swap3A_782 = vector.shape_cast %swap3A_781 : vector<1x1x32x128xf32> to vector<32x128xf32>
    %swap3A_783 = vector.shape_cast %min3A_776 : vector<32x128xf32> to vector<1x1x32x128xf32>
    tpu.vector_store %arg4[%swap3A_777, %swap3A_778, %swap3A_779, %swap3A_780], %swap3A_783 {strides = array<i32>} : memref<5x4x288x128xf32, #tpu.memory_space<vmem>>, vector<1x1x32x128xf32>,
    %mul3A_784 = arith.constant 5.000000e-01 : f32
    %mul3A_785 = vector.broadcast %mul3A_784 : f32 to vector<32x128xf32>
    %mul3A_786 = arith.mulf %mul3A_785, %mul3A_735 : vector<32x128xf32>
    %add3A_787 = arith.addf %add3A_719, %mul3A_786 : vector<32x128xf32>
    %jit3A_788 = arith.constant 0.000000e+00 : f32
    %max3A_789 = vector.broadcast %jit3A_788 : f32 to vector<32x128xf32>
    %max3A_790 = arith.maximumf %max3A_789, %add3A_787 : vector<32x128xf32>
    %min3A_791 = vector.broadcast %sub3A_337 : f32 to vector<32x128xf32>
    %min3A_792 = arith.minimumf %min3A_791, %max3A_790 : vector<32x128xf32>
    %swap3A_793 = arith.constant 3 : index
    %swap3A_794 = arith.constant 0 : index
    %swap3A_795 = arith.constant 96 : index
    %swap3A_796 = arith.constant 0 : index
    %swap3A_797 = vector.load %arg4[%swap3A_793, %swap3A_794, %swap3A_795, %swap3A_796] : memref<5x4x288x128xf32, #tpu.memory_space<vmem>>, vector<1x1x32x128xf32>
    %swap3A_798 = vector.shape_cast %swap3A_797 : vector<1x1x32x128xf32> to vector<32x128xf32>
    %swap3A_799 = vector.shape_cast %min3A_792 : vector<32x128xf32> to vector<1x1x32x128xf32>
    tpu.vector_store %arg4[%swap3A_793, %swap3A_794, %swap3A_795, %swap3A_796], %swap3A_799 {strides = array<i32>} : memref<5x4x288x128xf32, #tpu.memory_space<vmem>>, vector<1x1x32x128xf32>,
    %get3A_800 = arith.constant 0 : index
    %get3A_801 = arith.constant 12 : index
    %get3A_802 = arith.constant 0 : index
    %get3A_803 = arith.constant 0 : index
    %get3A_804 = vector.load %arg0[%get3A_800, %get3A_801, %get3A_802, %get3A_803] : memref<4x18x32x128xf32, #tpu.memory_space<vmem>>, vector<1x1x32x128xf32>
    %get3A_805 = vector.shape_cast %get3A_804 : vector<1x1x32x128xf32> to vector<32x128xf32>
    %swap3A_806 = arith.constant 4 : index
    %swap3A_807 = arith.constant 0 : index
    %swap3A_808 = arith.constant 96 : index
    %swap3A_809 = arith.constant 0 : index
    %swap3A_810 = vector.load %arg4[%swap3A_806, %swap3A_807, %swap3A_808, %swap3A_809] : memref<5x4x288x128xf32, #tpu.memory_space<vmem>>, vector<1x1x32x128xf32>
    %swap3A_811 = vector.shape_cast %swap3A_810 : vector<1x1x32x128xf32> to vector<32x128xf32>
    %swap3A_812 = vector.shape_cast %get3A_805 : vector<32x128xf32> to vector<1x1x32x128xf32>
    tpu.vector_store %arg4[%swap3A_806, %swap3A_807, %swap3A_808, %swap3A_809], %swap3A_812 {strides = array<i32>} : memref<5x4x288x128xf32, #tpu.memory_space<vmem>>, vector<1x1x32x128xf32>,
    %bitcast_convert_type3A_813 = tpu.bitcast %get3A_805 : vector<32x128xf32> -> vector<32x128xi32>
    %shift_right_arithmetic3A_814 = arith.constant 31 : i32
    %shift_right_arithmetic3A_815 = vector.broadcast %shift_right_arithmetic3A_814 : i32 to vector<32x128xi32>
    %shift_right_arithmetic3A_816 = arith.shrsi %bitcast_convert_type3A_813, %shift_right_arithmetic3A_815 : vector<32x128xi32>
    %and3A_817 = arith.constant 2147483647 : i32
    %and3A_818 = vector.broadcast %and3A_817 : i32 to vector<32x128xi32>
    %and3A_819 = arith.andi %shift_right_arithmetic3A_816, %and3A_818 : vector<32x128xi32>
    %xor3A_820 = arith.xori %bitcast_convert_type3A_813, %and3A_819 : vector<32x128xi32>
    %swap3A_821 = arith.constant 0 : index
    %swap3A_822 = arith.constant 96 : index
    %swap3A_823 = arith.constant 0 : index
    %swap3A_824 = vector.load %arg5[%swap3A_821, %swap3A_822, %swap3A_823] : memref<4x288x128xi32, #tpu.memory_space<vmem>>, vector<1x32x128xi32>
    %swap3A_825 = vector.shape_cast %swap3A_824 : vector<1x32x128xi32> to vector<32x128xi32>
    %swap3A_826 = vector.shape_cast %xor3A_820 : vector<32x128xi32> to vector<1x32x128xi32>
    tpu.vector_store %arg5[%swap3A_821, %swap3A_822, %swap3A_823], %swap3A_826 {strides = array<i32>} : memref<4x288x128xi32, #tpu.memory_space<vmem>>, vector<1x32x128xi32>,
    %get3A_827 = arith.constant 0 : index
    %get3A_828 = arith.constant 16 : index
    %get3A_829 = arith.constant 0 : index
    %get3A_830 = arith.constant 0 : index
    %get3A_831 = vector.load %arg1[%get3A_827, %get3A_828, %get3A_829, %get3A_830] : memref<4x36x32x128xf32, #tpu.memory_space<vmem>>, vector<1x1x32x128xf32>
    %get3A_832 = vector.shape_cast %get3A_831 : vector<1x1x32x128xf32> to vector<32x128xf32>
    %mul3A_833 = arith.mulf %get3A_832, %add3A_176 : vector<32x128xf32>
    %add3A_834 = arith.addf %mul3A_833, %add3A_184 : vector<32x128xf32>
    %get3A_835 = arith.constant 0 : index
    %get3A_836 = arith.constant 17 : index
    %get3A_837 = arith.constant 0 : index
    %get3A_838 = arith.constant 0 : index
    %get3A_839 = vector.load %arg1[%get3A_835, %get3A_836, %get3A_837, %get3A_838] : memref<4x36x32x128xf32, #tpu.memory_space<vmem>>, vector<1x1x32x128xf32>
    %get3A_840 = vector.shape_cast %get3A_839 : vector<1x1x32x128xf32> to vector<32x128xf32>
    %mul3A_841 = arith.mulf %get3A_840, %add3A_180 : vector<32x128xf32>
    %add3A_842 = arith.addf %mul3A_841, %add3A_188 : vector<32x128xf32>
    %get3A_843 = arith.constant 0 : index
    %get3A_844 = arith.constant 18 : index
    %get3A_845 = arith.constant 0 : index
    %get3A_846 = arith.constant 0 : index
    %get3A_847 = vector.load %arg1[%get3A_843, %get3A_844, %get3A_845, %get3A_846] : memref<4x36x32x128xf32, #tpu.memory_space<vmem>>, vector<1x1x32x128xf32>
    %get3A_848 = vector.shape_cast %get3A_847 : vector<1x1x32x128xf32> to vector<32x128xf32>
    %exp3A_849 = math.exp %get3A_848 : vector<32x128xf32>
    %mul3A_850 = arith.mulf %exp3A_849, %add3A_176 : vector<32x128xf32>
    %get3A_851 = arith.constant 0 : index
    %get3A_852 = arith.constant 19 : index
    %get3A_853 = arith.constant 0 : index
    %get3A_854 = arith.constant 0 : index
    %get3A_855 = vector.load %arg1[%get3A_851, %get3A_852, %get3A_853, %get3A_854] : memref<4x36x32x128xf32, #tpu.memory_space<vmem>>, vector<1x1x32x128xf32>
    %get3A_856 = vector.shape_cast %get3A_855 : vector<1x1x32x128xf32> to vector<32x128xf32>
    %exp3A_857 = math.exp %get3A_856 : vector<32x128xf32>
    %mul3A_858 = arith.mulf %exp3A_857, %add3A_180 : vector<32x128xf32>
    %mul3A_859 = arith.constant 5.000000e-01 : f32
    %mul3A_860 = vector.broadcast %mul3A_859 : f32 to vector<32x128xf32>
    %mul3A_861 = arith.mulf %mul3A_860, %mul3A_850 : vector<32x128xf32>
    %sub3A_862 = arith.subf %add3A_834, %mul3A_861 : vector<32x128xf32>
    %jit3A_863 = arith.constant 0.000000e+00 : f32
    %max3A_864 = vector.broadcast %jit3A_863 : f32 to vector<32x128xf32>
    %max3A_865 = arith.maximumf %max3A_864, %sub3A_862 : vector<32x128xf32>
    %min3A_866 = vector.broadcast %sub3A_342 : f32 to vector<32x128xf32>
    %min3A_867 = arith.minimumf %min3A_866, %max3A_865 : vector<32x128xf32>
    %swap3A_868 = arith.constant 0 : index
    %swap3A_869 = arith.constant 0 : index
    %swap3A_870 = arith.constant 128 : index
    %swap3A_871 = arith.constant 0 : index
    %swap3A_872 = vector.load %arg4[%swap3A_868, %swap3A_869, %swap3A_870, %swap3A_871] : memref<5x4x288x128xf32, #tpu.memory_space<vmem>>, vector<1x1x32x128xf32>
    %swap3A_873 = vector.shape_cast %swap3A_872 : vector<1x1x32x128xf32> to vector<32x128xf32>
    %swap3A_874 = vector.shape_cast %min3A_867 : vector<32x128xf32> to vector<1x1x32x128xf32>
    tpu.vector_store %arg4[%swap3A_868, %swap3A_869, %swap3A_870, %swap3A_871], %swap3A_874 {strides = array<i32>} : memref<5x4x288x128xf32, #tpu.memory_space<vmem>>, vector<1x1x32x128xf32>,
    %mul3A_875 = arith.constant 5.000000e-01 : f32
    %mul3A_876 = vector.broadcast %mul3A_875 : f32 to vector<32x128xf32>
    %mul3A_877 = arith.mulf %mul3A_876, %mul3A_858 : vector<32x128xf32>
    %sub3A_878 = arith.subf %add3A_842, %mul3A_877 : vector<32x128xf32>
    %jit3A_879 = arith.constant 0.000000e+00 : f32
    %max3A_880 = vector.broadcast %jit3A_879 : f32 to vector<32x128xf32>
    %max3A_881 = arith.maximumf %max3A_880, %sub3A_878 : vector<32x128xf32>
    %min3A_882 = vector.broadcast %sub3A_337 : f32 to vector<32x128xf32>
    %min3A_883 = arith.minimumf %min3A_882, %max3A_881 : vector<32x128xf32>
    %swap3A_884 = arith.constant 1 : index
    %swap3A_885 = arith.constant 0 : index
    %swap3A_886 = arith.constant 128 : index
    %swap3A_887 = arith.constant 0 : index
    %swap3A_888 = vector.load %arg4[%swap3A_884, %swap3A_885, %swap3A_886, %swap3A_887] : memref<5x4x288x128xf32, #tpu.memory_space<vmem>>, vector<1x1x32x128xf32>
    %swap3A_889 = vector.shape_cast %swap3A_888 : vector<1x1x32x128xf32> to vector<32x128xf32>
    %swap3A_890 = vector.shape_cast %min3A_883 : vector<32x128xf32> to vector<1x1x32x128xf32>
    tpu.vector_store %arg4[%swap3A_884, %swap3A_885, %swap3A_886, %swap3A_887], %swap3A_890 {strides = array<i32>} : memref<5x4x288x128xf32, #tpu.memory_space<vmem>>, vector<1x1x32x128xf32>,
    %mul3A_891 = arith.constant 5.000000e-01 : f32
    %mul3A_892 = vector.broadcast %mul3A_891 : f32 to vector<32x128xf32>
    %mul3A_893 = arith.mulf %mul3A_892, %mul3A_850 : vector<32x128xf32>
    %add3A_894 = arith.addf %add3A_834, %mul3A_893 : vector<32x128xf32>
    %jit3A_895 = arith.constant 0.000000e+00 : f32
    %max3A_896 = vector.broadcast %jit3A_895 : f32 to vector<32x128xf32>
    %max3A_897 = arith.maximumf %max3A_896, %add3A_894 : vector<32x128xf32>
    %min3A_898 = vector.broadcast %sub3A_342 : f32 to vector<32x128xf32>
    %min3A_899 = arith.minimumf %min3A_898, %max3A_897 : vector<32x128xf32>
    %swap3A_900 = arith.constant 2 : index
    %swap3A_901 = arith.constant 0 : index
    %swap3A_902 = arith.constant 128 : index
    %swap3A_903 = arith.constant 0 : index
    %swap3A_904 = vector.load %arg4[%swap3A_900, %swap3A_901, %swap3A_902, %swap3A_903] : memref<5x4x288x128xf32, #tpu.memory_space<vmem>>, vector<1x1x32x128xf32>
    %swap3A_905 = vector.shape_cast %swap3A_904 : vector<1x1x32x128xf32> to vector<32x128xf32>
    %swap3A_906 = vector.shape_cast %min3A_899 : vector<32x128xf32> to vector<1x1x32x128xf32>
    tpu.vector_store %arg4[%swap3A_900, %swap3A_901, %swap3A_902, %swap3A_903], %swap3A_906 {strides = array<i32>} : memref<5x4x288x128xf32, #tpu.memory_space<vmem>>, vector<1x1x32x128xf32>,
    %mul3A_907 = arith.constant 5.000000e-01 : f32
    %mul3A_908 = vector.broadcast %mul3A_907 : f32 to vector<32x128xf32>
    %mul3A_909 = arith.mulf %mul3A_908, %mul3A_858 : vector<32x128xf32>
    %add3A_910 = arith.addf %add3A_842, %mul3A_909 : vector<32x128xf32>
    %jit3A_911 = arith.constant 0.000000e+00 : f32
    %max3A_912 = vector.broadcast %jit3A_911 : f32 to vector<32x128xf32>
    %max3A_913 = arith.maximumf %max3A_912, %add3A_910 : vector<32x128xf32>
    %min3A_914 = vector.broadcast %sub3A_337 : f32 to vector<32x128xf32>
    %min3A_915 = arith.minimumf %min3A_914, %max3A_913 : vector<32x128xf32>
    %swap3A_916 = arith.constant 3 : index
    %swap3A_917 = arith.constant 0 : index
    %swap3A_918 = arith.constant 128 : index
    %swap3A_919 = arith.constant 0 : index
    %swap3A_920 = vector.load %arg4[%swap3A_916, %swap3A_917, %swap3A_918, %swap3A_919] : memref<5x4x288x128xf32, #tpu.memory_space<vmem>>, vector<1x1x32x128xf32>
    %swap3A_921 = vector.shape_cast %swap3A_920 : vector<1x1x32x128xf32> to vector<32x128xf32>
    %swap3A_922 = vector.shape_cast %min3A_915 : vector<32x128xf32> to vector<1x1x32x128xf32>
    tpu.vector_store %arg4[%swap3A_916, %swap3A_917, %swap3A_918, %swap3A_919], %swap3A_922 {strides = array<i32>} : memref<5x4x288x128xf32, #tpu.memory_space<vmem>>, vector<1x1x32x128xf32>,
    %get3A_923 = arith.constant 0 : index
    %get3A_924 = arith.constant 13 : index
    %get3A_925 = arith.constant 0 : index
    %get3A_926 = arith.constant 0 : index
    %get3A_927 = vector.load %arg0[%get3A_923, %get3A_924, %get3A_925, %get3A_926] : memref<4x18x32x128xf32, #tpu.memory_space<vmem>>, vector<1x1x32x128xf32>
    %get3A_928 = vector.shape_cast %get3A_927 : vector<1x1x32x128xf32> to vector<32x128xf32>
    %swap3A_929 = arith.constant 4 : index
    %swap3A_930 = arith.constant 0 : index
    %swap3A_931 = arith.constant 128 : index
    %swap3A_932 = arith.constant 0 : index
    %swap3A_933 = vector.load %arg4[%swap3A_929, %swap3A_930, %swap3A_931, %swap3A_932] : memref<5x4x288x128xf32, #tpu.memory_space<vmem>>, vector<1x1x32x128xf32>
    %swap3A_934 = vector.shape_cast %swap3A_933 : vector<1x1x32x128xf32> to vector<32x128xf32>
    %swap3A_935 = vector.shape_cast %get3A_928 : vector<32x128xf32> to vector<1x1x32x128xf32>
    tpu.vector_store %arg4[%swap3A_929, %swap3A_930, %swap3A_931, %swap3A_932], %swap3A_935 {strides = array<i32>} : memref<5x4x288x128xf32, #tpu.memory_space<vmem>>, vector<1x1x32x128xf32>,
    %bitcast_convert_type3A_936 = tpu.bitcast %get3A_928 : vector<32x128xf32> -> vector<32x128xi32>
    %shift_right_arithmetic3A_937 = arith.constant 31 : i32
    %shift_right_arithmetic3A_938 = vector.broadcast %shift_right_arithmetic3A_937 : i32 to vector<32x128xi32>
    %shift_right_arithmetic3A_939 = arith.shrsi %bitcast_convert_type3A_936, %shift_right_arithmetic3A_938 : vector<32x128xi32>
    %and3A_940 = arith.constant 2147483647 : i32
    %and3A_941 = vector.broadcast %and3A_940 : i32 to vector<32x128xi32>
    %and3A_942 = arith.andi %shift_right_arithmetic3A_939, %and3A_941 : vector<32x128xi32>
    %xor3A_943 = arith.xori %bitcast_convert_type3A_936, %and3A_942 : vector<32x128xi32>
    %swap3A_944 = arith.constant 0 : index
    %swap3A_945 = arith.constant 128 : index
    %swap3A_946 = arith.constant 0 : index
    %swap3A_947 = vector.load %arg5[%swap3A_944, %swap3A_945, %swap3A_946] : memref<4x288x128xi32, #tpu.memory_space<vmem>>, vector<1x32x128xi32>
    %swap3A_948 = vector.shape_cast %swap3A_947 : vector<1x32x128xi32> to vector<32x128xi32>
    %swap3A_949 = vector.shape_cast %xor3A_943 : vector<32x128xi32> to vector<1x32x128xi32>
    tpu.vector_store %arg5[%swap3A_944, %swap3A_945, %swap3A_946], %swap3A_949 {strides = array<i32>} : memref<4x288x128xi32, #tpu.memory_space<vmem>>, vector<1x32x128xi32>,
    %get3A_950 = arith.constant 0 : index
    %get3A_951 = arith.constant 20 : index
    %get3A_952 = arith.constant 0 : index
    %get3A_953 = arith.constant 0 : index
    %get3A_954 = vector.load %arg1[%get3A_950, %get3A_951, %get3A_952, %get3A_953] : memref<4x36x32x128xf32, #tpu.memory_space<vmem>>, vector<1x1x32x128xf32>
    %get3A_955 = vector.shape_cast %get3A_954 : vector<1x1x32x128xf32> to vector<32x128xf32>
    %mul3A_956 = arith.mulf %get3A_955, %add3A_212 : vector<32x128xf32>
    %add3A_957 = arith.addf %mul3A_956, %add3A_220 : vector<32x128xf32>
    %get3A_958 = arith.constant 0 : index
    %get3A_959 = arith.constant 21 : index
    %get3A_960 = arith.constant 0 : index
    %get3A_961 = arith.constant 0 : index
    %get3A_962 = vector.load %arg1[%get3A_958, %get3A_959, %get3A_960, %get3A_961] : memref<4x36x32x128xf32, #tpu.memory_space<vmem>>, vector<1x1x32x128xf32>
    %get3A_963 = vector.shape_cast %get3A_962 : vector<1x1x32x128xf32> to vector<32x128xf32>
    %mul3A_964 = arith.mulf %get3A_963, %add3A_216 : vector<32x128xf32>
    %add3A_965 = arith.addf %mul3A_964, %add3A_224 : vector<32x128xf32>
    %get3A_966 = arith.constant 0 : index
    %get3A_967 = arith.constant 22 : index
    %get3A_968 = arith.constant 0 : index
    %get3A_969 = arith.constant 0 : index
    %get3A_970 = vector.load %arg1[%get3A_966, %get3A_967, %get3A_968, %get3A_969] : memref<4x36x32x128xf32, #tpu.memory_space<vmem>>, vector<1x1x32x128xf32>
    %get3A_971 = vector.shape_cast %get3A_970 : vector<1x1x32x128xf32> to vector<32x128xf32>
    %exp3A_972 = math.exp %get3A_971 : vector<32x128xf32>
    %mul3A_973 = arith.mulf %exp3A_972, %add3A_212 : vector<32x128xf32>
    %get3A_974 = arith.constant 0 : index
    %get3A_975 = arith.constant 23 : index
    %get3A_976 = arith.constant 0 : index
    %get3A_977 = arith.constant 0 : index
    %get3A_978 = vector.load %arg1[%get3A_974, %get3A_975, %get3A_976, %get3A_977] : memref<4x36x32x128xf32, #tpu.memory_space<vmem>>, vector<1x1x32x128xf32>
    %get3A_979 = vector.shape_cast %get3A_978 : vector<1x1x32x128xf32> to vector<32x128xf32>
    %exp3A_980 = math.exp %get3A_979 : vector<32x128xf32>
    %mul3A_981 = arith.mulf %exp3A_980, %add3A_216 : vector<32x128xf32>
    %mul3A_982 = arith.constant 5.000000e-01 : f32
    %mul3A_983 = vector.broadcast %mul3A_982 : f32 to vector<32x128xf32>
    %mul3A_984 = arith.mulf %mul3A_983, %mul3A_973 : vector<32x128xf32>
    %sub3A_985 = arith.subf %add3A_957, %mul3A_984 : vector<32x128xf32>
    %jit3A_986 = arith.constant 0.000000e+00 : f32
    %max3A_987 = vector.broadcast %jit3A_986 : f32 to vector<32x128xf32>
    %max3A_988 = arith.maximumf %max3A_987, %sub3A_985 : vector<32x128xf32>
    %min3A_989 = vector.broadcast %sub3A_342 : f32 to vector<32x128xf32>
    %min3A_990 = arith.minimumf %min3A_989, %max3A_988 : vector<32x128xf32>
    %swap3A_991 = arith.constant 0 : index
    %swap3A_992 = arith.constant 0 : index
    %swap3A_993 = arith.constant 160 : index
    %swap3A_994 = arith.constant 0 : index
    %swap3A_995 = vector.load %arg4[%swap3A_991, %swap3A_992, %swap3A_993, %swap3A_994] : memref<5x4x288x128xf32, #tpu.memory_space<vmem>>, vector<1x1x32x128xf32>
    %swap3A_996 = vector.shape_cast %swap3A_995 : vector<1x1x32x128xf32> to vector<32x128xf32>
    %swap3A_997 = vector.shape_cast %min3A_990 : vector<32x128xf32> to vector<1x1x32x128xf32>
    tpu.vector_store %arg4[%swap3A_991, %swap3A_992, %swap3A_993, %swap3A_994], %swap3A_997 {strides = array<i32>} : memref<5x4x288x128xf32, #tpu.memory_space<vmem>>, vector<1x1x32x128xf32>,
    %mul3A_998 = arith.constant 5.000000e-01 : f32
    %mul3A_999 = vector.broadcast %mul3A_998 : f32 to vector<32x128xf32>
    %mul3A_1000 = arith.mulf %mul3A_999, %mul3A_981 : vector<32x128xf32>
    %sub3A_1001 = arith.subf %add3A_965, %mul3A_1000 : vector<32x128xf32>
    %jit3A_1002 = arith.constant 0.000000e+00 : f32
    %max3A_1003 = vector.broadcast %jit3A_1002 : f32 to vector<32x128xf32>
    %max3A_1004 = arith.maximumf %max3A_1003, %sub3A_1001 : vector<32x128xf32>
    %min3A_1005 = vector.broadcast %sub3A_337 : f32 to vector<32x128xf32>
    %min3A_1006 = arith.minimumf %min3A_1005, %max3A_1004 : vector<32x128xf32>
    %swap3A_1007 = arith.constant 1 : index
    %swap3A_1008 = arith.constant 0 : index
    %swap3A_1009 = arith.constant 160 : index
    %swap3A_1010 = arith.constant 0 : index
    %swap3A_1011 = vector.load %arg4[%swap3A_1007, %swap3A_1008, %swap3A_1009, %swap3A_1010] : memref<5x4x288x128xf32, #tpu.memory_space<vmem>>, vector<1x1x32x128xf32>
    %swap3A_1012 = vector.shape_cast %swap3A_1011 : vector<1x1x32x128xf32> to vector<32x128xf32>
    %swap3A_1013 = vector.shape_cast %min3A_1006 : vector<32x128xf32> to vector<1x1x32x128xf32>
    tpu.vector_store %arg4[%swap3A_1007, %swap3A_1008, %swap3A_1009, %swap3A_1010], %swap3A_1013 {strides = array<i32>} : memref<5x4x288x128xf32, #tpu.memory_space<vmem>>, vector<1x1x32x128xf32>,
    %mul3A_1014 = arith.constant 5.000000e-01 : f32
    %mul3A_1015 = vector.broadcast %mul3A_1014 : f32 to vector<32x128xf32>
    %mul3A_1016 = arith.mulf %mul3A_1015, %mul3A_973 : vector<32x128xf32>
    %add3A_1017 = arith.addf %add3A_957, %mul3A_1016 : vector<32x128xf32>
    %jit3A_1018 = arith.constant 0.000000e+00 : f32
    %max3A_1019 = vector.broadcast %jit3A_1018 : f32 to vector<32x128xf32>
    %max3A_1020 = arith.maximumf %max3A_1019, %add3A_1017 : vector<32x128xf32>
    %min3A_1021 = vector.broadcast %sub3A_342 : f32 to vector<32x128xf32>
    %min3A_1022 = arith.minimumf %min3A_1021, %max3A_1020 : vector<32x128xf32>
    %swap3A_1023 = arith.constant 2 : index
    %swap3A_1024 = arith.constant 0 : index
    %swap3A_1025 = arith.constant 160 : index
    %swap3A_1026 = arith.constant 0 : index
    %swap3A_1027 = vector.load %arg4[%swap3A_1023, %swap3A_1024, %swap3A_1025, %swap3A_1026] : memref<5x4x288x128xf32, #tpu.memory_space<vmem>>, vector<1x1x32x128xf32>
    %swap3A_1028 = vector.shape_cast %swap3A_1027 : vector<1x1x32x128xf32> to vector<32x128xf32>
    %swap3A_1029 = vector.shape_cast %min3A_1022 : vector<32x128xf32> to vector<1x1x32x128xf32>
    tpu.vector_store %arg4[%swap3A_1023, %swap3A_1024, %swap3A_1025, %swap3A_1026], %swap3A_1029 {strides = array<i32>} : memref<5x4x288x128xf32, #tpu.memory_space<vmem>>, vector<1x1x32x128xf32>,
    %mul3A_1030 = arith.constant 5.000000e-01 : f32
    %mul3A_1031 = vector.broadcast %mul3A_1030 : f32 to vector<32x128xf32>
    %mul3A_1032 = arith.mulf %mul3A_1031, %mul3A_981 : vector<32x128xf32>
    %add3A_1033 = arith.addf %add3A_965, %mul3A_1032 : vector<32x128xf32>
    %jit3A_1034 = arith.constant 0.000000e+00 : f32
    %max3A_1035 = vector.broadcast %jit3A_1034 : f32 to vector<32x128xf32>
    %max3A_1036 = arith.maximumf %max3A_1035, %add3A_1033 : vector<32x128xf32>
    %min3A_1037 = vector.broadcast %sub3A_337 : f32 to vector<32x128xf32>
    %min3A_1038 = arith.minimumf %min3A_1037, %max3A_1036 : vector<32x128xf32>
    %swap3A_1039 = arith.constant 3 : index
    %swap3A_1040 = arith.constant 0 : index
    %swap3A_1041 = arith.constant 160 : index
    %swap3A_1042 = arith.constant 0 : index
    %swap3A_1043 = vector.load %arg4[%swap3A_1039, %swap3A_1040, %swap3A_1041, %swap3A_1042] : memref<5x4x288x128xf32, #tpu.memory_space<vmem>>, vector<1x1x32x128xf32>
    %swap3A_1044 = vector.shape_cast %swap3A_1043 : vector<1x1x32x128xf32> to vector<32x128xf32>
    %swap3A_1045 = vector.shape_cast %min3A_1038 : vector<32x128xf32> to vector<1x1x32x128xf32>
    tpu.vector_store %arg4[%swap3A_1039, %swap3A_1040, %swap3A_1041, %swap3A_1042], %swap3A_1045 {strides = array<i32>} : memref<5x4x288x128xf32, #tpu.memory_space<vmem>>, vector<1x1x32x128xf32>,
    %get3A_1046 = arith.constant 0 : index
    %get3A_1047 = arith.constant 14 : index
    %get3A_1048 = arith.constant 0 : index
    %get3A_1049 = arith.constant 0 : index
    %get3A_1050 = vector.load %arg0[%get3A_1046, %get3A_1047, %get3A_1048, %get3A_1049] : memref<4x18x32x128xf32, #tpu.memory_space<vmem>>, vector<1x1x32x128xf32>
    %get3A_1051 = vector.shape_cast %get3A_1050 : vector<1x1x32x128xf32> to vector<32x128xf32>
    %swap3A_1052 = arith.constant 4 : index
    %swap3A_1053 = arith.constant 0 : index
    %swap3A_1054 = arith.constant 160 : index
    %swap3A_1055 = arith.constant 0 : index
    %swap3A_1056 = vector.load %arg4[%swap3A_1052, %swap3A_1053, %swap3A_1054, %swap3A_1055] : memref<5x4x288x128xf32, #tpu.memory_space<vmem>>, vector<1x1x32x128xf32>
    %swap3A_1057 = vector.shape_cast %swap3A_1056 : vector<1x1x32x128xf32> to vector<32x128xf32>
    %swap3A_1058 = vector.shape_cast %get3A_1051 : vector<32x128xf32> to vector<1x1x32x128xf32>
    tpu.vector_store %arg4[%swap3A_1052, %swap3A_1053, %swap3A_1054, %swap3A_1055], %swap3A_1058 {strides = array<i32>} : memref<5x4x288x128xf32, #tpu.memory_space<vmem>>, vector<1x1x32x128xf32>,
    %bitcast_convert_type3A_1059 = tpu.bitcast %get3A_1051 : vector<32x128xf32> -> vector<32x128xi32>
    %shift_right_arithmetic3A_1060 = arith.constant 31 : i32
    %shift_right_arithmetic3A_1061 = vector.broadcast %shift_right_arithmetic3A_1060 : i32 to vector<32x128xi32>
    %shift_right_arithmetic3A_1062 = arith.shrsi %bitcast_convert_type3A_1059, %shift_right_arithmetic3A_1061 : vector<32x128xi32>
    %and3A_1063 = arith.constant 2147483647 : i32
    %and3A_1064 = vector.broadcast %and3A_1063 : i32 to vector<32x128xi32>
    %and3A_1065 = arith.andi %shift_right_arithmetic3A_1062, %and3A_1064 : vector<32x128xi32>
    %xor3A_1066 = arith.xori %bitcast_convert_type3A_1059, %and3A_1065 : vector<32x128xi32>
    %swap3A_1067 = arith.constant 0 : index
    %swap3A_1068 = arith.constant 160 : index
    %swap3A_1069 = arith.constant 0 : index
    %swap3A_1070 = vector.load %arg5[%swap3A_1067, %swap3A_1068, %swap3A_1069] : memref<4x288x128xi32, #tpu.memory_space<vmem>>, vector<1x32x128xi32>
    %swap3A_1071 = vector.shape_cast %swap3A_1070 : vector<1x32x128xi32> to vector<32x128xi32>
    %swap3A_1072 = vector.shape_cast %xor3A_1066 : vector<32x128xi32> to vector<1x32x128xi32>
    tpu.vector_store %arg5[%swap3A_1067, %swap3A_1068, %swap3A_1069], %swap3A_1072 {strides = array<i32>} : memref<4x288x128xi32, #tpu.memory_space<vmem>>, vector<1x32x128xi32>,
    %get3A_1073 = arith.constant 0 : index
    %get3A_1074 = arith.constant 24 : index
    %get3A_1075 = arith.constant 0 : index
    %get3A_1076 = arith.constant 0 : index
    %get3A_1077 = vector.load %arg1[%get3A_1073, %get3A_1074, %get3A_1075, %get3A_1076] : memref<4x36x32x128xf32, #tpu.memory_space<vmem>>, vector<1x1x32x128xf32>
    %get3A_1078 = vector.shape_cast %get3A_1077 : vector<1x1x32x128xf32> to vector<32x128xf32>
    %mul3A_1079 = arith.mulf %get3A_1078, %add3A_248 : vector<32x128xf32>
    %add3A_1080 = arith.addf %mul3A_1079, %add3A_256 : vector<32x128xf32>
    %get3A_1081 = arith.constant 0 : index
    %get3A_1082 = arith.constant 25 : index
    %get3A_1083 = arith.constant 0 : index
    %get3A_1084 = arith.constant 0 : index
    %get3A_1085 = vector.load %arg1[%get3A_1081, %get3A_1082, %get3A_1083, %get3A_1084] : memref<4x36x32x128xf32, #tpu.memory_space<vmem>>, vector<1x1x32x128xf32>
    %get3A_1086 = vector.shape_cast %get3A_1085 : vector<1x1x32x128xf32> to vector<32x128xf32>
    %mul3A_1087 = arith.mulf %get3A_1086, %add3A_252 : vector<32x128xf32>
    %add3A_1088 = arith.addf %mul3A_1087, %add3A_260 : vector<32x128xf32>
    %get3A_1089 = arith.constant 0 : index
    %get3A_1090 = arith.constant 26 : index
    %get3A_1091 = arith.constant 0 : index
    %get3A_1092 = arith.constant 0 : index
    %get3A_1093 = vector.load %arg1[%get3A_1089, %get3A_1090, %get3A_1091, %get3A_1092] : memref<4x36x32x128xf32, #tpu.memory_space<vmem>>, vector<1x1x32x128xf32>
    %get3A_1094 = vector.shape_cast %get3A_1093 : vector<1x1x32x128xf32> to vector<32x128xf32>
    %exp3A_1095 = math.exp %get3A_1094 : vector<32x128xf32>
    %mul3A_1096 = arith.mulf %exp3A_1095, %add3A_248 : vector<32x128xf32>
    %get3A_1097 = arith.constant 0 : index
    %get3A_1098 = arith.constant 27 : index
    %get3A_1099 = arith.constant 0 : index
    %get3A_1100 = arith.constant 0 : index
    %get3A_1101 = vector.load %arg1[%get3A_1097, %get3A_1098, %get3A_1099, %get3A_1100] : memref<4x36x32x128xf32, #tpu.memory_space<vmem>>, vector<1x1x32x128xf32>
    %get3A_1102 = vector.shape_cast %get3A_1101 : vector<1x1x32x128xf32> to vector<32x128xf32>
    %exp3A_1103 = math.exp %get3A_1102 : vector<32x128xf32>
    %mul3A_1104 = arith.mulf %exp3A_1103, %add3A_252 : vector<32x128xf32>
    %mul3A_1105 = arith.constant 5.000000e-01 : f32
    %mul3A_1106 = vector.broadcast %mul3A_1105 : f32 to vector<32x128xf32>
    %mul3A_1107 = arith.mulf %mul3A_1106, %mul3A_1096 : vector<32x128xf32>
    %sub3A_1108 = arith.subf %add3A_1080, %mul3A_1107 : vector<32x128xf32>
    %jit3A_1109 = arith.constant 0.000000e+00 : f32
    %max3A_1110 = vector.broadcast %jit3A_1109 : f32 to vector<32x128xf32>
    %max3A_1111 = arith.maximumf %max3A_1110, %sub3A_1108 : vector<32x128xf32>
    %min3A_1112 = vector.broadcast %sub3A_342 : f32 to vector<32x128xf32>
    %min3A_1113 = arith.minimumf %min3A_1112, %max3A_1111 : vector<32x128xf32>
    %swap3A_1114 = arith.constant 0 : index
    %swap3A_1115 = arith.constant 0 : index
    %swap3A_1116 = arith.constant 192 : index
    %swap3A_1117 = arith.constant 0 : index
    %swap3A_1118 = vector.load %arg4[%swap3A_1114, %swap3A_1115, %swap3A_1116, %swap3A_1117] : memref<5x4x288x128xf32, #tpu.memory_space<vmem>>, vector<1x1x32x128xf32>
    %swap3A_1119 = vector.shape_cast %swap3A_1118 : vector<1x1x32x128xf32> to vector<32x128xf32>
    %swap3A_1120 = vector.shape_cast %min3A_1113 : vector<32x128xf32> to vector<1x1x32x128xf32>
    tpu.vector_store %arg4[%swap3A_1114, %swap3A_1115, %swap3A_1116, %swap3A_1117], %swap3A_1120 {strides = array<i32>} : memref<5x4x288x128xf32, #tpu.memory_space<vmem>>, vector<1x1x32x128xf32>,
    %mul3A_1121 = arith.constant 5.000000e-01 : f32
    %mul3A_1122 = vector.broadcast %mul3A_1121 : f32 to vector<32x128xf32>
    %mul3A_1123 = arith.mulf %mul3A_1122, %mul3A_1104 : vector<32x128xf32>
    %sub3A_1124 = arith.subf %add3A_1088, %mul3A_1123 : vector<32x128xf32>
    %jit3A_1125 = arith.constant 0.000000e+00 : f32
    %max3A_1126 = vector.broadcast %jit3A_1125 : f32 to vector<32x128xf32>
    %max3A_1127 = arith.maximumf %max3A_1126, %sub3A_1124 : vector<32x128xf32>
    %min3A_1128 = vector.broadcast %sub3A_337 : f32 to vector<32x128xf32>
    %min3A_1129 = arith.minimumf %min3A_1128, %max3A_1127 : vector<32x128xf32>
    %swap3A_1130 = arith.constant 1 : index
    %swap3A_1131 = arith.constant 0 : index
    %swap3A_1132 = arith.constant 192 : index
    %swap3A_1133 = arith.constant 0 : index
    %swap3A_1134 = vector.load %arg4[%swap3A_1130, %swap3A_1131, %swap3A_1132, %swap3A_1133] : memref<5x4x288x128xf32, #tpu.memory_space<vmem>>, vector<1x1x32x128xf32>
    %swap3A_1135 = vector.shape_cast %swap3A_1134 : vector<1x1x32x128xf32> to vector<32x128xf32>
    %swap3A_1136 = vector.shape_cast %min3A_1129 : vector<32x128xf32> to vector<1x1x32x128xf32>
    tpu.vector_store %arg4[%swap3A_1130, %swap3A_1131, %swap3A_1132, %swap3A_1133], %swap3A_1136 {strides = array<i32>} : memref<5x4x288x128xf32, #tpu.memory_space<vmem>>, vector<1x1x32x128xf32>,
    %mul3A_1137 = arith.constant 5.000000e-01 : f32
    %mul3A_1138 = vector.broadcast %mul3A_1137 : f32 to vector<32x128xf32>
    %mul3A_1139 = arith.mulf %mul3A_1138, %mul3A_1096 : vector<32x128xf32>
    %add3A_1140 = arith.addf %add3A_1080, %mul3A_1139 : vector<32x128xf32>
    %jit3A_1141 = arith.constant 0.000000e+00 : f32
    %max3A_1142 = vector.broadcast %jit3A_1141 : f32 to vector<32x128xf32>
    %max3A_1143 = arith.maximumf %max3A_1142, %add3A_1140 : vector<32x128xf32>
    %min3A_1144 = vector.broadcast %sub3A_342 : f32 to vector<32x128xf32>
    %min3A_1145 = arith.minimumf %min3A_1144, %max3A_1143 : vector<32x128xf32>
    %swap3A_1146 = arith.constant 2 : index
    %swap3A_1147 = arith.constant 0 : index
    %swap3A_1148 = arith.constant 192 : index
    %swap3A_1149 = arith.constant 0 : index
    %swap3A_1150 = vector.load %arg4[%swap3A_1146, %swap3A_1147, %swap3A_1148, %swap3A_1149] : memref<5x4x288x128xf32, #tpu.memory_space<vmem>>, vector<1x1x32x128xf32>
    %swap3A_1151 = vector.shape_cast %swap3A_1150 : vector<1x1x32x128xf32> to vector<32x128xf32>
    %swap3A_1152 = vector.shape_cast %min3A_1145 : vector<32x128xf32> to vector<1x1x32x128xf32>
    tpu.vector_store %arg4[%swap3A_1146, %swap3A_1147, %swap3A_1148, %swap3A_1149], %swap3A_1152 {strides = array<i32>} : memref<5x4x288x128xf32, #tpu.memory_space<vmem>>, vector<1x1x32x128xf32>,
    %mul3A_1153 = arith.constant 5.000000e-01 : f32
    %mul3A_1154 = vector.broadcast %mul3A_1153 : f32 to vector<32x128xf32>
    %mul3A_1155 = arith.mulf %mul3A_1154, %mul3A_1104 : vector<32x128xf32>
    %add3A_1156 = arith.addf %add3A_1088, %mul3A_1155 : vector<32x128xf32>
    %jit3A_1157 = arith.constant 0.000000e+00 : f32
    %max3A_1158 = vector.broadcast %jit3A_1157 : f32 to vector<32x128xf32>
    %max3A_1159 = arith.maximumf %max3A_1158, %add3A_1156 : vector<32x128xf32>
    %min3A_1160 = vector.broadcast %sub3A_337 : f32 to vector<32x128xf32>
    %min3A_1161 = arith.minimumf %min3A_1160, %max3A_1159 : vector<32x128xf32>
    %swap3A_1162 = arith.constant 3 : index
    %swap3A_1163 = arith.constant 0 : index
    %swap3A_1164 = arith.constant 192 : index
    %swap3A_1165 = arith.constant 0 : index
    %swap3A_1166 = vector.load %arg4[%swap3A_1162, %swap3A_1163, %swap3A_1164, %swap3A_1165] : memref<5x4x288x128xf32, #tpu.memory_space<vmem>>, vector<1x1x32x128xf32>
    %swap3A_1167 = vector.shape_cast %swap3A_1166 : vector<1x1x32x128xf32> to vector<32x128xf32>
    %swap3A_1168 = vector.shape_cast %min3A_1161 : vector<32x128xf32> to vector<1x1x32x128xf32>
    tpu.vector_store %arg4[%swap3A_1162, %swap3A_1163, %swap3A_1164, %swap3A_1165], %swap3A_1168 {strides = array<i32>} : memref<5x4x288x128xf32, #tpu.memory_space<vmem>>, vector<1x1x32x128xf32>,
    %get3A_1169 = arith.constant 0 : index
    %get3A_1170 = arith.constant 15 : index
    %get3A_1171 = arith.constant 0 : index
    %get3A_1172 = arith.constant 0 : index
    %get3A_1173 = vector.load %arg0[%get3A_1169, %get3A_1170, %get3A_1171, %get3A_1172] : memref<4x18x32x128xf32, #tpu.memory_space<vmem>>, vector<1x1x32x128xf32>
    %get3A_1174 = vector.shape_cast %get3A_1173 : vector<1x1x32x128xf32> to vector<32x128xf32>
    %swap3A_1175 = arith.constant 4 : index
    %swap3A_1176 = arith.constant 0 : index
    %swap3A_1177 = arith.constant 192 : index
    %swap3A_1178 = arith.constant 0 : index
    %swap3A_1179 = vector.load %arg4[%swap3A_1175, %swap3A_1176, %swap3A_1177, %swap3A_1178] : memref<5x4x288x128xf32, #tpu.memory_space<vmem>>, vector<1x1x32x128xf32>
    %swap3A_1180 = vector.shape_cast %swap3A_1179 : vector<1x1x32x128xf32> to vector<32x128xf32>
    %swap3A_1181 = vector.shape_cast %get3A_1174 : vector<32x128xf32> to vector<1x1x32x128xf32>
    tpu.vector_store %arg4[%swap3A_1175, %swap3A_1176, %swap3A_1177, %swap3A_1178], %swap3A_1181 {strides = array<i32>} : memref<5x4x288x128xf32, #tpu.memory_space<vmem>>, vector<1x1x32x128xf32>,
    %bitcast_convert_type3A_1182 = tpu.bitcast %get3A_1174 : vector<32x128xf32> -> vector<32x128xi32>
    %shift_right_arithmetic3A_1183 = arith.constant 31 : i32
    %shift_right_arithmetic3A_1184 = vector.broadcast %shift_right_arithmetic3A_1183 : i32 to vector<32x128xi32>
    %shift_right_arithmetic3A_1185 = arith.shrsi %bitcast_convert_type3A_1182, %shift_right_arithmetic3A_1184 : vector<32x128xi32>
    %and3A_1186 = arith.constant 2147483647 : i32
    %and3A_1187 = vector.broadcast %and3A_1186 : i32 to vector<32x128xi32>
    %and3A_1188 = arith.andi %shift_right_arithmetic3A_1185, %and3A_1187 : vector<32x128xi32>
    %xor3A_1189 = arith.xori %bitcast_convert_type3A_1182, %and3A_1188 : vector<32x128xi32>
    %swap3A_1190 = arith.constant 0 : index
    %swap3A_1191 = arith.constant 192 : index
    %swap3A_1192 = arith.constant 0 : index
    %swap3A_1193 = vector.load %arg5[%swap3A_1190, %swap3A_1191, %swap3A_1192] : memref<4x288x128xi32, #tpu.memory_space<vmem>>, vector<1x32x128xi32>
    %swap3A_1194 = vector.shape_cast %swap3A_1193 : vector<1x32x128xi32> to vector<32x128xi32>
    %swap3A_1195 = vector.shape_cast %xor3A_1189 : vector<32x128xi32> to vector<1x32x128xi32>
    tpu.vector_store %arg5[%swap3A_1190, %swap3A_1191, %swap3A_1192], %swap3A_1195 {strides = array<i32>} : memref<4x288x128xi32, #tpu.memory_space<vmem>>, vector<1x32x128xi32>,
    %get3A_1196 = arith.constant 0 : index
    %get3A_1197 = arith.constant 28 : index
    %get3A_1198 = arith.constant 0 : index
    %get3A_1199 = arith.constant 0 : index
    %get3A_1200 = vector.load %arg1[%get3A_1196, %get3A_1197, %get3A_1198, %get3A_1199] : memref<4x36x32x128xf32, #tpu.memory_space<vmem>>, vector<1x1x32x128xf32>
    %get3A_1201 = vector.shape_cast %get3A_1200 : vector<1x1x32x128xf32> to vector<32x128xf32>
    %mul3A_1202 = arith.mulf %get3A_1201, %add3A_284 : vector<32x128xf32>
    %add3A_1203 = arith.addf %mul3A_1202, %add3A_292 : vector<32x128xf32>
    %get3A_1204 = arith.constant 0 : index
    %get3A_1205 = arith.constant 29 : index
    %get3A_1206 = arith.constant 0 : index
    %get3A_1207 = arith.constant 0 : index
    %get3A_1208 = vector.load %arg1[%get3A_1204, %get3A_1205, %get3A_1206, %get3A_1207] : memref<4x36x32x128xf32, #tpu.memory_space<vmem>>, vector<1x1x32x128xf32>
    %get3A_1209 = vector.shape_cast %get3A_1208 : vector<1x1x32x128xf32> to vector<32x128xf32>
    %mul3A_1210 = arith.mulf %get3A_1209, %add3A_288 : vector<32x128xf32>
    %add3A_1211 = arith.addf %mul3A_1210, %add3A_296 : vector<32x128xf32>
    %get3A_1212 = arith.constant 0 : index
    %get3A_1213 = arith.constant 30 : index
    %get3A_1214 = arith.constant 0 : index
    %get3A_1215 = arith.constant 0 : index
    %get3A_1216 = vector.load %arg1[%get3A_1212, %get3A_1213, %get3A_1214, %get3A_1215] : memref<4x36x32x128xf32, #tpu.memory_space<vmem>>, vector<1x1x32x128xf32>
    %get3A_1217 = vector.shape_cast %get3A_1216 : vector<1x1x32x128xf32> to vector<32x128xf32>
    %exp3A_1218 = math.exp %get3A_1217 : vector<32x128xf32>
    %mul3A_1219 = arith.mulf %exp3A_1218, %add3A_284 : vector<32x128xf32>
    %get3A_1220 = arith.constant 0 : index
    %get3A_1221 = arith.constant 31 : index
    %get3A_1222 = arith.constant 0 : index
    %get3A_1223 = arith.constant 0 : index
    %get3A_1224 = vector.load %arg1[%get3A_1220, %get3A_1221, %get3A_1222, %get3A_1223] : memref<4x36x32x128xf32, #tpu.memory_space<vmem>>, vector<1x1x32x128xf32>
    %get3A_1225 = vector.shape_cast %get3A_1224 : vector<1x1x32x128xf32> to vector<32x128xf32>
    %exp3A_1226 = math.exp %get3A_1225 : vector<32x128xf32>
    %mul3A_1227 = arith.mulf %exp3A_1226, %add3A_288 : vector<32x128xf32>
    %mul3A_1228 = arith.constant 5.000000e-01 : f32
    %mul3A_1229 = vector.broadcast %mul3A_1228 : f32 to vector<32x128xf32>
    %mul3A_1230 = arith.mulf %mul3A_1229, %mul3A_1219 : vector<32x128xf32>
    %sub3A_1231 = arith.subf %add3A_1203, %mul3A_1230 : vector<32x128xf32>
    %jit3A_1232 = arith.constant 0.000000e+00 : f32
    %max3A_1233 = vector.broadcast %jit3A_1232 : f32 to vector<32x128xf32>
    %max3A_1234 = arith.maximumf %max3A_1233, %sub3A_1231 : vector<32x128xf32>
    %min3A_1235 = vector.broadcast %sub3A_342 : f32 to vector<32x128xf32>
    %min3A_1236 = arith.minimumf %min3A_1235, %max3A_1234 : vector<32x128xf32>
    %swap3A_1237 = arith.constant 0 : index
    %swap3A_1238 = arith.constant 0 : index
    %swap3A_1239 = arith.constant 224 : index
    %swap3A_1240 = arith.constant 0 : index
    %swap3A_1241 = vector.load %arg4[%swap3A_1237, %swap3A_1238, %swap3A_1239, %swap3A_1240] : memref<5x4x288x128xf32, #tpu.memory_space<vmem>>, vector<1x1x32x128xf32>
    %swap3A_1242 = vector.shape_cast %swap3A_1241 : vector<1x1x32x128xf32> to vector<32x128xf32>
    %swap3A_1243 = vector.shape_cast %min3A_1236 : vector<32x128xf32> to vector<1x1x32x128xf32>
    tpu.vector_store %arg4[%swap3A_1237, %swap3A_1238, %swap3A_1239, %swap3A_1240], %swap3A_1243 {strides = array<i32>} : memref<5x4x288x128xf32, #tpu.memory_space<vmem>>, vector<1x1x32x128xf32>,
    %mul3A_1244 = arith.constant 5.000000e-01 : f32
    %mul3A_1245 = vector.broadcast %mul3A_1244 : f32 to vector<32x128xf32>
    %mul3A_1246 = arith.mulf %mul3A_1245, %mul3A_1227 : vector<32x128xf32>
    %sub3A_1247 = arith.subf %add3A_1211, %mul3A_1246 : vector<32x128xf32>
    %jit3A_1248 = arith.constant 0.000000e+00 : f32
    %max3A_1249 = vector.broadcast %jit3A_1248 : f32 to vector<32x128xf32>
    %max3A_1250 = arith.maximumf %max3A_1249, %sub3A_1247 : vector<32x128xf32>
    %min3A_1251 = vector.broadcast %sub3A_337 : f32 to vector<32x128xf32>
    %min3A_1252 = arith.minimumf %min3A_1251, %max3A_1250 : vector<32x128xf32>
    %swap3A_1253 = arith.constant 1 : index
    %swap3A_1254 = arith.constant 0 : index
    %swap3A_1255 = arith.constant 224 : index
    %swap3A_1256 = arith.constant 0 : index
    %swap3A_1257 = vector.load %arg4[%swap3A_1253, %swap3A_1254, %swap3A_1255, %swap3A_1256] : memref<5x4x288x128xf32, #tpu.memory_space<vmem>>, vector<1x1x32x128xf32>
    %swap3A_1258 = vector.shape_cast %swap3A_1257 : vector<1x1x32x128xf32> to vector<32x128xf32>
    %swap3A_1259 = vector.shape_cast %min3A_1252 : vector<32x128xf32> to vector<1x1x32x128xf32>
    tpu.vector_store %arg4[%swap3A_1253, %swap3A_1254, %swap3A_1255, %swap3A_1256], %swap3A_1259 {strides = array<i32>} : memref<5x4x288x128xf32, #tpu.memory_space<vmem>>, vector<1x1x32x128xf32>,
    %mul3A_1260 = arith.constant 5.000000e-01 : f32
    %mul3A_1261 = vector.broadcast %mul3A_1260 : f32 to vector<32x128xf32>
    %mul3A_1262 = arith.mulf %mul3A_1261, %mul3A_1219 : vector<32x128xf32>
    %add3A_1263 = arith.addf %add3A_1203, %mul3A_1262 : vector<32x128xf32>
    %jit3A_1264 = arith.constant 0.000000e+00 : f32
    %max3A_1265 = vector.broadcast %jit3A_1264 : f32 to vector<32x128xf32>
    %max3A_1266 = arith.maximumf %max3A_1265, %add3A_1263 : vector<32x128xf32>
    %min3A_1267 = vector.broadcast %sub3A_342 : f32 to vector<32x128xf32>
    %min3A_1268 = arith.minimumf %min3A_1267, %max3A_1266 : vector<32x128xf32>
    %swap3A_1269 = arith.constant 2 : index
    %swap3A_1270 = arith.constant 0 : index
    %swap3A_1271 = arith.constant 224 : index
    %swap3A_1272 = arith.constant 0 : index
    %swap3A_1273 = vector.load %arg4[%swap3A_1269, %swap3A_1270, %swap3A_1271, %swap3A_1272] : memref<5x4x288x128xf32, #tpu.memory_space<vmem>>, vector<1x1x32x128xf32>
    %swap3A_1274 = vector.shape_cast %swap3A_1273 : vector<1x1x32x128xf32> to vector<32x128xf32>
    %swap3A_1275 = vector.shape_cast %min3A_1268 : vector<32x128xf32> to vector<1x1x32x128xf32>
    tpu.vector_store %arg4[%swap3A_1269, %swap3A_1270, %swap3A_1271, %swap3A_1272], %swap3A_1275 {strides = array<i32>} : memref<5x4x288x128xf32, #tpu.memory_space<vmem>>, vector<1x1x32x128xf32>,
    %mul3A_1276 = arith.constant 5.000000e-01 : f32
    %mul3A_1277 = vector.broadcast %mul3A_1276 : f32 to vector<32x128xf32>
    %mul3A_1278 = arith.mulf %mul3A_1277, %mul3A_1227 : vector<32x128xf32>
    %add3A_1279 = arith.addf %add3A_1211, %mul3A_1278 : vector<32x128xf32>
    %jit3A_1280 = arith.constant 0.000000e+00 : f32
    %max3A_1281 = vector.broadcast %jit3A_1280 : f32 to vector<32x128xf32>
    %max3A_1282 = arith.maximumf %max3A_1281, %add3A_1279 : vector<32x128xf32>
    %min3A_1283 = vector.broadcast %sub3A_337 : f32 to vector<32x128xf32>
    %min3A_1284 = arith.minimumf %min3A_1283, %max3A_1282 : vector<32x128xf32>
    %swap3A_1285 = arith.constant 3 : index
    %swap3A_1286 = arith.constant 0 : index
    %swap3A_1287 = arith.constant 224 : index
    %swap3A_1288 = arith.constant 0 : index
    %swap3A_1289 = vector.load %arg4[%swap3A_1285, %swap3A_1286, %swap3A_1287, %swap3A_1288] : memref<5x4x288x128xf32, #tpu.memory_space<vmem>>, vector<1x1x32x128xf32>
    %swap3A_1290 = vector.shape_cast %swap3A_1289 : vector<1x1x32x128xf32> to vector<32x128xf32>
    %swap3A_1291 = vector.shape_cast %min3A_1284 : vector<32x128xf32> to vector<1x1x32x128xf32>
    tpu.vector_store %arg4[%swap3A_1285, %swap3A_1286, %swap3A_1287, %swap3A_1288], %swap3A_1291 {strides = array<i32>} : memref<5x4x288x128xf32, #tpu.memory_space<vmem>>, vector<1x1x32x128xf32>,
    %get3A_1292 = arith.constant 0 : index
    %get3A_1293 = arith.constant 16 : index
    %get3A_1294 = arith.constant 0 : index
    %get3A_1295 = arith.constant 0 : index
    %get3A_1296 = vector.load %arg0[%get3A_1292, %get3A_1293, %get3A_1294, %get3A_1295] : memref<4x18x32x128xf32, #tpu.memory_space<vmem>>, vector<1x1x32x128xf32>
    %get3A_1297 = vector.shape_cast %get3A_1296 : vector<1x1x32x128xf32> to vector<32x128xf32>
    %swap3A_1298 = arith.constant 4 : index
    %swap3A_1299 = arith.constant 0 : index
    %swap3A_1300 = arith.constant 224 : index
    %swap3A_1301 = arith.constant 0 : index
    %swap3A_1302 = vector.load %arg4[%swap3A_1298, %swap3A_1299, %swap3A_1300, %swap3A_1301] : memref<5x4x288x128xf32, #tpu.memory_space<vmem>>, vector<1x1x32x128xf32>
    %swap3A_1303 = vector.shape_cast %swap3A_1302 : vector<1x1x32x128xf32> to vector<32x128xf32>
    %swap3A_1304 = vector.shape_cast %get3A_1297 : vector<32x128xf32> to vector<1x1x32x128xf32>
    tpu.vector_store %arg4[%swap3A_1298, %swap3A_1299, %swap3A_1300, %swap3A_1301], %swap3A_1304 {strides = array<i32>} : memref<5x4x288x128xf32, #tpu.memory_space<vmem>>, vector<1x1x32x128xf32>,
    %bitcast_convert_type3A_1305 = tpu.bitcast %get3A_1297 : vector<32x128xf32> -> vector<32x128xi32>
    %shift_right_arithmetic3A_1306 = arith.constant 31 : i32
    %shift_right_arithmetic3A_1307 = vector.broadcast %shift_right_arithmetic3A_1306 : i32 to vector<32x128xi32>
    %shift_right_arithmetic3A_1308 = arith.shrsi %bitcast_convert_type3A_1305, %shift_right_arithmetic3A_1307 : vector<32x128xi32>
    %and3A_1309 = arith.constant 2147483647 : i32
    %and3A_1310 = vector.broadcast %and3A_1309 : i32 to vector<32x128xi32>
    %and3A_1311 = arith.andi %shift_right_arithmetic3A_1308, %and3A_1310 : vector<32x128xi32>
    %xor3A_1312 = arith.xori %bitcast_convert_type3A_1305, %and3A_1311 : vector<32x128xi32>
    %swap3A_1313 = arith.constant 0 : index
    %swap3A_1314 = arith.constant 224 : index
    %swap3A_1315 = arith.constant 0 : index
    %swap3A_1316 = vector.load %arg5[%swap3A_1313, %swap3A_1314, %swap3A_1315] : memref<4x288x128xi32, #tpu.memory_space<vmem>>, vector<1x32x128xi32>
    %swap3A_1317 = vector.shape_cast %swap3A_1316 : vector<1x32x128xi32> to vector<32x128xi32>
    %swap3A_1318 = vector.shape_cast %xor3A_1312 : vector<32x128xi32> to vector<1x32x128xi32>
    tpu.vector_store %arg5[%swap3A_1313, %swap3A_1314, %swap3A_1315], %swap3A_1318 {strides = array<i32>} : memref<4x288x128xi32, #tpu.memory_space<vmem>>, vector<1x32x128xi32>,
    %get3A_1319 = arith.constant 0 : index
    %get3A_1320 = arith.constant 32 : index
    %get3A_1321 = arith.constant 0 : index
    %get3A_1322 = arith.constant 0 : index
    %get3A_1323 = vector.load %arg1[%get3A_1319, %get3A_1320, %get3A_1321, %get3A_1322] : memref<4x36x32x128xf32, #tpu.memory_space<vmem>>, vector<1x1x32x128xf32>
    %get3A_1324 = vector.shape_cast %get3A_1323 : vector<1x1x32x128xf32> to vector<32x128xf32>
    %mul3A_1325 = arith.mulf %get3A_1324, %add3A_320 : vector<32x128xf32>
    %add3A_1326 = arith.addf %mul3A_1325, %add3A_328 : vector<32x128xf32>
    %get3A_1327 = arith.constant 0 : index
    %get3A_1328 = arith.constant 33 : index
    %get3A_1329 = arith.constant 0 : index
    %get3A_1330 = arith.constant 0 : index
    %get3A_1331 = vector.load %arg1[%get3A_1327, %get3A_1328, %get3A_1329, %get3A_1330] : memref<4x36x32x128xf32, #tpu.memory_space<vmem>>, vector<1x1x32x128xf32>
    %get3A_1332 = vector.shape_cast %get3A_1331 : vector<1x1x32x128xf32> to vector<32x128xf32>
    %mul3A_1333 = arith.mulf %get3A_1332, %add3A_324 : vector<32x128xf32>
    %add3A_1334 = arith.addf %mul3A_1333, %add3A_332 : vector<32x128xf32>
    %get3A_1335 = arith.constant 0 : index
    %get3A_1336 = arith.constant 34 : index
    %get3A_1337 = arith.constant 0 : index
    %get3A_1338 = arith.constant 0 : index
    %get3A_1339 = vector.load %arg1[%get3A_1335, %get3A_1336, %get3A_1337, %get3A_1338] : memref<4x36x32x128xf32, #tpu.memory_space<vmem>>, vector<1x1x32x128xf32>
    %get3A_1340 = vector.shape_cast %get3A_1339 : vector<1x1x32x128xf32> to vector<32x128xf32>
    %exp3A_1341 = math.exp %get3A_1340 : vector<32x128xf32>
    %mul3A_1342 = arith.mulf %exp3A_1341, %add3A_320 : vector<32x128xf32>
    %get3A_1343 = arith.constant 0 : index
    %get3A_1344 = arith.constant 35 : index
    %get3A_1345 = arith.constant 0 : index
    %get3A_1346 = arith.constant 0 : index
    %get3A_1347 = vector.load %arg1[%get3A_1343, %get3A_1344, %get3A_1345, %get3A_1346] : memref<4x36x32x128xf32, #tpu.memory_space<vmem>>, vector<1x1x32x128xf32>
    %get3A_1348 = vector.shape_cast %get3A_1347 : vector<1x1x32x128xf32> to vector<32x128xf32>
    %exp3A_1349 = math.exp %get3A_1348 : vector<32x128xf32>
    %mul3A_1350 = arith.mulf %exp3A_1349, %add3A_324 : vector<32x128xf32>
    %mul3A_1351 = arith.constant 5.000000e-01 : f32
    %mul3A_1352 = vector.broadcast %mul3A_1351 : f32 to vector<32x128xf32>
    %mul3A_1353 = arith.mulf %mul3A_1352, %mul3A_1342 : vector<32x128xf32>
    %sub3A_1354 = arith.subf %add3A_1326, %mul3A_1353 : vector<32x128xf32>
    %jit3A_1355 = arith.constant 0.000000e+00 : f32
    %max3A_1356 = vector.broadcast %jit3A_1355 : f32 to vector<32x128xf32>
    %max3A_1357 = arith.maximumf %max3A_1356, %sub3A_1354 : vector<32x128xf32>
    %min3A_1358 = vector.broadcast %sub3A_342 : f32 to vector<32x128xf32>
    %min3A_1359 = arith.minimumf %min3A_1358, %max3A_1357 : vector<32x128xf32>
    %swap3A_1360 = arith.constant 0 : index
    %swap3A_1361 = arith.constant 0 : index
    %swap3A_1362 = arith.constant 256 : index
    %swap3A_1363 = arith.constant 0 : index
    %swap3A_1364 = vector.load %arg4[%swap3A_1360, %swap3A_1361, %swap3A_1362, %swap3A_1363] : memref<5x4x288x128xf32, #tpu.memory_space<vmem>>, vector<1x1x32x128xf32>
    %swap3A_1365 = vector.shape_cast %swap3A_1364 : vector<1x1x32x128xf32> to vector<32x128xf32>
    %swap3A_1366 = vector.shape_cast %min3A_1359 : vector<32x128xf32> to vector<1x1x32x128xf32>
    tpu.vector_store %arg4[%swap3A_1360, %swap3A_1361, %swap3A_1362, %swap3A_1363], %swap3A_1366 {strides = array<i32>} : memref<5x4x288x128xf32, #tpu.memory_space<vmem>>, vector<1x1x32x128xf32>,
    %mul3A_1367 = arith.constant 5.000000e-01 : f32
    %mul3A_1368 = vector.broadcast %mul3A_1367 : f32 to vector<32x128xf32>
    %mul3A_1369 = arith.mulf %mul3A_1368, %mul3A_1350 : vector<32x128xf32>
    %sub3A_1370 = arith.subf %add3A_1334, %mul3A_1369 : vector<32x128xf32>
    %jit3A_1371 = arith.constant 0.000000e+00 : f32
    %max3A_1372 = vector.broadcast %jit3A_1371 : f32 to vector<32x128xf32>
    %max3A_1373 = arith.maximumf %max3A_1372, %sub3A_1370 : vector<32x128xf32>
    %min3A_1374 = vector.broadcast %sub3A_337 : f32 to vector<32x128xf32>
    %min3A_1375 = arith.minimumf %min3A_1374, %max3A_1373 : vector<32x128xf32>
    %swap3A_1376 = arith.constant 1 : index
    %swap3A_1377 = arith.constant 0 : index
    %swap3A_1378 = arith.constant 256 : index
    %swap3A_1379 = arith.constant 0 : index
    %swap3A_1380 = vector.load %arg4[%swap3A_1376, %swap3A_1377, %swap3A_1378, %swap3A_1379] : memref<5x4x288x128xf32, #tpu.memory_space<vmem>>, vector<1x1x32x128xf32>
    %swap3A_1381 = vector.shape_cast %swap3A_1380 : vector<1x1x32x128xf32> to vector<32x128xf32>
    %swap3A_1382 = vector.shape_cast %min3A_1375 : vector<32x128xf32> to vector<1x1x32x128xf32>
    tpu.vector_store %arg4[%swap3A_1376, %swap3A_1377, %swap3A_1378, %swap3A_1379], %swap3A_1382 {strides = array<i32>} : memref<5x4x288x128xf32, #tpu.memory_space<vmem>>, vector<1x1x32x128xf32>,
    %mul3A_1383 = arith.constant 5.000000e-01 : f32
    %mul3A_1384 = vector.broadcast %mul3A_1383 : f32 to vector<32x128xf32>
    %mul3A_1385 = arith.mulf %mul3A_1384, %mul3A_1342 : vector<32x128xf32>
    %add3A_1386 = arith.addf %add3A_1326, %mul3A_1385 : vector<32x128xf32>
    %jit3A_1387 = arith.constant 0.000000e+00 : f32
    %max3A_1388 = vector.broadcast %jit3A_1387 : f32 to vector<32x128xf32>
    %max3A_1389 = arith.maximumf %max3A_1388, %add3A_1386 : vector<32x128xf32>
    %min3A_1390 = vector.broadcast %sub3A_342 : f32 to vector<32x128xf32>
    %min3A_1391 = arith.minimumf %min3A_1390, %max3A_1389 : vector<32x128xf32>
    %swap3A_1392 = arith.constant 2 : index
    %swap3A_1393 = arith.constant 0 : index
    %swap3A_1394 = arith.constant 256 : index
    %swap3A_1395 = arith.constant 0 : index
    %swap3A_1396 = vector.load %arg4[%swap3A_1392, %swap3A_1393, %swap3A_1394, %swap3A_1395] : memref<5x4x288x128xf32, #tpu.memory_space<vmem>>, vector<1x1x32x128xf32>
    %swap3A_1397 = vector.shape_cast %swap3A_1396 : vector<1x1x32x128xf32> to vector<32x128xf32>
    %swap3A_1398 = vector.shape_cast %min3A_1391 : vector<32x128xf32> to vector<1x1x32x128xf32>
    tpu.vector_store %arg4[%swap3A_1392, %swap3A_1393, %swap3A_1394, %swap3A_1395], %swap3A_1398 {strides = array<i32>} : memref<5x4x288x128xf32, #tpu.memory_space<vmem>>, vector<1x1x32x128xf32>,
    %mul3A_1399 = arith.constant 5.000000e-01 : f32
    %mul3A_1400 = vector.broadcast %mul3A_1399 : f32 to vector<32x128xf32>
    %mul3A_1401 = arith.mulf %mul3A_1400, %mul3A_1350 : vector<32x128xf32>
    %add3A_1402 = arith.addf %add3A_1334, %mul3A_1401 : vector<32x128xf32>
    %jit3A_1403 = arith.constant 0.000000e+00 : f32
    %max3A_1404 = vector.broadcast %jit3A_1403 : f32 to vector<32x128xf32>
    %max3A_1405 = arith.maximumf %max3A_1404, %add3A_1402 : vector<32x128xf32>
    %min3A_1406 = vector.broadcast %sub3A_337 : f32 to vector<32x128xf32>
    %min3A_1407 = arith.minimumf %min3A_1406, %max3A_1405 : vector<32x128xf32>
    %swap3A_1408 = arith.constant 3 : index
    %swap3A_1409 = arith.constant 0 : index
    %swap3A_1410 = arith.constant 256 : index
    %swap3A_1411 = arith.constant 0 : index
    %swap3A_1412 = vector.load %arg4[%swap3A_1408, %swap3A_1409, %swap3A_1410, %swap3A_1411] : memref<5x4x288x128xf32, #tpu.memory_space<vmem>>, vector<1x1x32x128xf32>
    %swap3A_1413 = vector.shape_cast %swap3A_1412 : vector<1x1x32x128xf32> to vector<32x128xf32>
    %swap3A_1414 = vector.shape_cast %min3A_1407 : vector<32x128xf32> to vector<1x1x32x128xf32>
    tpu.vector_store %arg4[%swap3A_1408, %swap3A_1409, %swap3A_1410, %swap3A_1411], %swap3A_1414 {strides = array<i32>} : memref<5x4x288x128xf32, #tpu.memory_space<vmem>>, vector<1x1x32x128xf32>,
    %get3A_1415 = arith.constant 0 : index
    %get3A_1416 = arith.constant 17 : index
    %get3A_1417 = arith.constant 0 : index
    %get3A_1418 = arith.constant 0 : index
    %get3A_1419 = vector.load %arg0[%get3A_1415, %get3A_1416, %get3A_1417, %get3A_1418] : memref<4x18x32x128xf32, #tpu.memory_space<vmem>>, vector<1x1x32x128xf32>
    %get3A_1420 = vector.shape_cast %get3A_1419 : vector<1x1x32x128xf32> to vector<32x128xf32>
    %swap3A_1421 = arith.constant 4 : index
    %swap3A_1422 = arith.constant 0 : index
    %swap3A_1423 = arith.constant 256 : index
    %swap3A_1424 = arith.constant 0 : index
    %swap3A_1425 = vector.load %arg4[%swap3A_1421, %swap3A_1422, %swap3A_1423, %swap3A_1424] : memref<5x4x288x128xf32, #tpu.memory_space<vmem>>, vector<1x1x32x128xf32>
    %swap3A_1426 = vector.shape_cast %swap3A_1425 : vector<1x1x32x128xf32> to vector<32x128xf32>
    %swap3A_1427 = vector.shape_cast %get3A_1420 : vector<32x128xf32> to vector<1x1x32x128xf32>
    tpu.vector_store %arg4[%swap3A_1421, %swap3A_1422, %swap3A_1423, %swap3A_1424], %swap3A_1427 {strides = array<i32>} : memref<5x4x288x128xf32, #tpu.memory_space<vmem>>, vector<1x1x32x128xf32>,
    %bitcast_convert_type3A_1428 = tpu.bitcast %get3A_1420 : vector<32x128xf32> -> vector<32x128xi32>
    %shift_right_arithmetic3A_1429 = arith.constant 31 : i32
    %shift_right_arithmetic3A_1430 = vector.broadcast %shift_right_arithmetic3A_1429 : i32 to vector<32x128xi32>
    %shift_right_arithmetic3A_1431 = arith.shrsi %bitcast_convert_type3A_1428, %shift_right_arithmetic3A_1430 : vector<32x128xi32>
    %and3A_1432 = arith.constant 2147483647 : i32
    %and3A_1433 = vector.broadcast %and3A_1432 : i32 to vector<32x128xi32>
    %and3A_1434 = arith.andi %shift_right_arithmetic3A_1431, %and3A_1433 : vector<32x128xi32>
    %xor3A_1435 = arith.xori %bitcast_convert_type3A_1428, %and3A_1434 : vector<32x128xi32>
    %swap3A_1436 = arith.constant 0 : index
    %swap3A_1437 = arith.constant 256 : index
    %swap3A_1438 = arith.constant 0 : index
    %swap3A_1439 = vector.load %arg5[%swap3A_1436, %swap3A_1437, %swap3A_1438] : memref<4x288x128xi32, #tpu.memory_space<vmem>>, vector<1x32x128xi32>
    %swap3A_1440 = vector.shape_cast %swap3A_1439 : vector<1x32x128xi32> to vector<32x128xi32>
    %swap3A_1441 = vector.shape_cast %xor3A_1435 : vector<32x128xi32> to vector<1x32x128xi32>
    tpu.vector_store %arg5[%swap3A_1436, %swap3A_1437, %swap3A_1438], %swap3A_1441 {strides = array<i32>} : memref<4x288x128xi32, #tpu.memory_space<vmem>>, vector<1x32x128xi32>,
    %get3A_1442 = arith.constant 1 : index
    %get3A_1443 = arith.constant 0 : index
    %get3A_1444 = memref.load %arg3[%get3A_1442, %get3A_1443] : memref<4x3xf32, #tpu.memory_space<smem>>
    %sub3A_1445 = arith.constant 1.000000e+00 : f32
    %sub3A_1446 = arith.subf %get3A_1444, %sub3A_1445 : f32
    %get3A_1447 = arith.constant 1 : index
    %get3A_1448 = arith.constant 1 : index
    %get3A_1449 = memref.load %arg3[%get3A_1447, %get3A_1448] : memref<4x3xf32, #tpu.memory_space<smem>>
    %sub3A_1450 = arith.constant 1.000000e+00 : f32
    %sub3A_1451 = arith.subf %get3A_1449, %sub3A_1450 : f32
    %get3A_1452 = arith.constant 1 : index
    %get3A_1453 = arith.constant 0 : index
    %get3A_1454 = arith.constant 0 : index
    %get3A_1455 = arith.constant 0 : index
    %get3A_1456 = vector.load %arg1[%get3A_1452, %get3A_1453, %get3A_1454, %get3A_1455] : memref<4x36x32x128xf32, #tpu.memory_space<vmem>>, vector<1x1x32x128xf32>
    %get3A_1457 = vector.shape_cast %get3A_1456 : vector<1x1x32x128xf32> to vector<32x128xf32>
    %mul3A_1458 = arith.mulf %get3A_1457, %add3A_32 : vector<32x128xf32>
    %add3A_1459 = arith.addf %mul3A_1458, %add3A_40 : vector<32x128xf32>
    %get3A_1460 = arith.constant 1 : index
    %get3A_1461 = arith.constant 1 : index
    %get3A_1462 = arith.constant 0 : index
    %get3A_1463 = arith.constant 0 : index
    %get3A_1464 = vector.load %arg1[%get3A_1460, %get3A_1461, %get3A_1462, %get3A_1463] : memref<4x36x32x128xf32, #tpu.memory_space<vmem>>, vector<1x1x32x128xf32>
    %get3A_1465 = vector.shape_cast %get3A_1464 : vector<1x1x32x128xf32> to vector<32x128xf32>
    %mul3A_1466 = arith.mulf %get3A_1465, %add3A_36 : vector<32x128xf32>
    %add3A_1467 = arith.addf %mul3A_1466, %add3A_44 : vector<32x128xf32>
    %get3A_1468 = arith.constant 1 : index
    %get3A_1469 = arith.constant 2 : index
    %get3A_1470 = arith.constant 0 : index
    %get3A_1471 = arith.constant 0 : index
    %get3A_1472 = vector.load %arg1[%get3A_1468, %get3A_1469, %get3A_1470, %get3A_1471] : memref<4x36x32x128xf32, #tpu.memory_space<vmem>>, vector<1x1x32x128xf32>
    %get3A_1473 = vector.shape_cast %get3A_1472 : vector<1x1x32x128xf32> to vector<32x128xf32>
    %exp3A_1474 = math.exp %get3A_1473 : vector<32x128xf32>
    %mul3A_1475 = arith.mulf %exp3A_1474, %add3A_32 : vector<32x128xf32>
    %get3A_1476 = arith.constant 1 : index
    %get3A_1477 = arith.constant 3 : index
    %get3A_1478 = arith.constant 0 : index
    %get3A_1479 = arith.constant 0 : index
    %get3A_1480 = vector.load %arg1[%get3A_1476, %get3A_1477, %get3A_1478, %get3A_1479] : memref<4x36x32x128xf32, #tpu.memory_space<vmem>>, vector<1x1x32x128xf32>
    %get3A_1481 = vector.shape_cast %get3A_1480 : vector<1x1x32x128xf32> to vector<32x128xf32>
    %exp3A_1482 = math.exp %get3A_1481 : vector<32x128xf32>
    %mul3A_1483 = arith.mulf %exp3A_1482, %add3A_36 : vector<32x128xf32>
    %mul3A_1484 = arith.constant 5.000000e-01 : f32
    %mul3A_1485 = vector.broadcast %mul3A_1484 : f32 to vector<32x128xf32>
    %mul3A_1486 = arith.mulf %mul3A_1485, %mul3A_1475 : vector<32x128xf32>
    %sub3A_1487 = arith.subf %add3A_1459, %mul3A_1486 : vector<32x128xf32>
    %jit3A_1488 = arith.constant 0.000000e+00 : f32
    %max3A_1489 = vector.broadcast %jit3A_1488 : f32 to vector<32x128xf32>
    %max3A_1490 = arith.maximumf %max3A_1489, %sub3A_1487 : vector<32x128xf32>
    %min3A_1491 = vector.broadcast %sub3A_1451 : f32 to vector<32x128xf32>
    %min3A_1492 = arith.minimumf %min3A_1491, %max3A_1490 : vector<32x128xf32>
    %swap3A_1493 = arith.constant 0 : index
    %swap3A_1494 = arith.constant 1 : index
    %swap3A_1495 = arith.constant 0 : index
    %swap3A_1496 = arith.constant 0 : index
    %swap3A_1497 = vector.load %arg4[%swap3A_1493, %swap3A_1494, %swap3A_1495, %swap3A_1496] : memref<5x4x288x128xf32, #tpu.memory_space<vmem>>, vector<1x1x32x128xf32>
    %swap3A_1498 = vector.shape_cast %swap3A_1497 : vector<1x1x32x128xf32> to vector<32x128xf32>
    %swap3A_1499 = vector.shape_cast %min3A_1492 : vector<32x128xf32> to vector<1x1x32x128xf32>
    tpu.vector_store %arg4[%swap3A_1493, %swap3A_1494, %swap3A_1495, %swap3A_1496], %swap3A_1499 {strides = array<i32>} : memref<5x4x288x128xf32, #tpu.memory_space<vmem>>, vector<1x1x32x128xf32>,
    %mul3A_1500 = arith.constant 5.000000e-01 : f32
    %mul3A_1501 = vector.broadcast %mul3A_1500 : f32 to vector<32x128xf32>
    %mul3A_1502 = arith.mulf %mul3A_1501, %mul3A_1483 : vector<32x128xf32>
    %sub3A_1503 = arith.subf %add3A_1467, %mul3A_1502 : vector<32x128xf32>
    %jit3A_1504 = arith.constant 0.000000e+00 : f32
    %max3A_1505 = vector.broadcast %jit3A_1504 : f32 to vector<32x128xf32>
    %max3A_1506 = arith.maximumf %max3A_1505, %sub3A_1503 : vector<32x128xf32>
    %min3A_1507 = vector.broadcast %sub3A_1446 : f32 to vector<32x128xf32>
    %min3A_1508 = arith.minimumf %min3A_1507, %max3A_1506 : vector<32x128xf32>
    %swap3A_1509 = arith.constant 1 : index
    %swap3A_1510 = arith.constant 1 : index
    %swap3A_1511 = arith.constant 0 : index
    %swap3A_1512 = arith.constant 0 : index
    %swap3A_1513 = vector.load %arg4[%swap3A_1509, %swap3A_1510, %swap3A_1511, %swap3A_1512] : memref<5x4x288x128xf32, #tpu.memory_space<vmem>>, vector<1x1x32x128xf32>
    %swap3A_1514 = vector.shape_cast %swap3A_1513 : vector<1x1x32x128xf32> to vector<32x128xf32>
    %swap3A_1515 = vector.shape_cast %min3A_1508 : vector<32x128xf32> to vector<1x1x32x128xf32>
    tpu.vector_store %arg4[%swap3A_1509, %swap3A_1510, %swap3A_1511, %swap3A_1512], %swap3A_1515 {strides = array<i32>} : memref<5x4x288x128xf32, #tpu.memory_space<vmem>>, vector<1x1x32x128xf32>,
    %mul3A_1516 = arith.constant 5.000000e-01 : f32
    %mul3A_1517 = vector.broadcast %mul3A_1516 : f32 to vector<32x128xf32>
    %mul3A_1518 = arith.mulf %mul3A_1517, %mul3A_1475 : vector<32x128xf32>
    %add3A_1519 = arith.addf %add3A_1459, %mul3A_1518 : vector<32x128xf32>
    %jit3A_1520 = arith.constant 0.000000e+00 : f32
    %max3A_1521 = vector.broadcast %jit3A_1520 : f32 to vector<32x128xf32>
    %max3A_1522 = arith.maximumf %max3A_1521, %add3A_1519 : vector<32x128xf32>
    %min3A_1523 = vector.broadcast %sub3A_1451 : f32 to vector<32x128xf32>
    %min3A_1524 = arith.minimumf %min3A_1523, %max3A_1522 : vector<32x128xf32>
    %swap3A_1525 = arith.constant 2 : index
    %swap3A_1526 = arith.constant 1 : index
    %swap3A_1527 = arith.constant 0 : index
    %swap3A_1528 = arith.constant 0 : index
    %swap3A_1529 = vector.load %arg4[%swap3A_1525, %swap3A_1526, %swap3A_1527, %swap3A_1528] : memref<5x4x288x128xf32, #tpu.memory_space<vmem>>, vector<1x1x32x128xf32>
    %swap3A_1530 = vector.shape_cast %swap3A_1529 : vector<1x1x32x128xf32> to vector<32x128xf32>
    %swap3A_1531 = vector.shape_cast %min3A_1524 : vector<32x128xf32> to vector<1x1x32x128xf32>
    tpu.vector_store %arg4[%swap3A_1525, %swap3A_1526, %swap3A_1527, %swap3A_1528], %swap3A_1531 {strides = array<i32>} : memref<5x4x288x128xf32, #tpu.memory_space<vmem>>, vector<1x1x32x128xf32>,
    %mul3A_1532 = arith.constant 5.000000e-01 : f32
    %mul3A_1533 = vector.broadcast %mul3A_1532 : f32 to vector<32x128xf32>
    %mul3A_1534 = arith.mulf %mul3A_1533, %mul3A_1483 : vector<32x128xf32>
    %add3A_1535 = arith.addf %add3A_1467, %mul3A_1534 : vector<32x128xf32>
    %jit3A_1536 = arith.constant 0.000000e+00 : f32
    %max3A_1537 = vector.broadcast %jit3A_1536 : f32 to vector<32x128xf32>
    %max3A_1538 = arith.maximumf %max3A_1537, %add3A_1535 : vector<32x128xf32>
    %min3A_1539 = vector.broadcast %sub3A_1446 : f32 to vector<32x128xf32>
    %min3A_1540 = arith.minimumf %min3A_1539, %max3A_1538 : vector<32x128xf32>
    %swap3A_1541 = arith.constant 3 : index
    %swap3A_1542 = arith.constant 1 : index
    %swap3A_1543 = arith.constant 0 : index
    %swap3A_1544 = arith.constant 0 : index
    %swap3A_1545 = vector.load %arg4[%swap3A_1541, %swap3A_1542, %swap3A_1543, %swap3A_1544] : memref<5x4x288x128xf32, #tpu.memory_space<vmem>>, vector<1x1x32x128xf32>
    %swap3A_1546 = vector.shape_cast %swap3A_1545 : vector<1x1x32x128xf32> to vector<32x128xf32>
    %swap3A_1547 = vector.shape_cast %min3A_1540 : vector<32x128xf32> to vector<1x1x32x128xf32>
    tpu.vector_store %arg4[%swap3A_1541, %swap3A_1542, %swap3A_1543, %swap3A_1544], %swap3A_1547 {strides = array<i32>} : memref<5x4x288x128xf32, #tpu.memory_space<vmem>>, vector<1x1x32x128xf32>,
    %get3A_1548 = arith.constant 1 : index
    %get3A_1549 = arith.constant 9 : index
    %get3A_1550 = arith.constant 0 : index
    %get3A_1551 = arith.constant 0 : index
    %get3A_1552 = vector.load %arg0[%get3A_1548, %get3A_1549, %get3A_1550, %get3A_1551] : memref<4x18x32x128xf32, #tpu.memory_space<vmem>>, vector<1x1x32x128xf32>
    %get3A_1553 = vector.shape_cast %get3A_1552 : vector<1x1x32x128xf32> to vector<32x128xf32>
    %swap3A_1554 = arith.constant 4 : index
    %swap3A_1555 = arith.constant 1 : index
    %swap3A_1556 = arith.constant 0 : index
    %swap3A_1557 = arith.constant 0 : index
    %swap3A_1558 = vector.load %arg4[%swap3A_1554, %swap3A_1555, %swap3A_1556, %swap3A_1557] : memref<5x4x288x128xf32, #tpu.memory_space<vmem>>, vector<1x1x32x128xf32>
    %swap3A_1559 = vector.shape_cast %swap3A_1558 : vector<1x1x32x128xf32> to vector<32x128xf32>
    %swap3A_1560 = vector.shape_cast %get3A_1553 : vector<32x128xf32> to vector<1x1x32x128xf32>
    tpu.vector_store %arg4[%swap3A_1554, %swap3A_1555, %swap3A_1556, %swap3A_1557], %swap3A_1560 {strides = array<i32>} : memref<5x4x288x128xf32, #tpu.memory_space<vmem>>, vector<1x1x32x128xf32>,
    %bitcast_convert_type3A_1561 = tpu.bitcast %get3A_1553 : vector<32x128xf32> -> vector<32x128xi32>
    %shift_right_arithmetic3A_1562 = arith.constant 31 : i32
    %shift_right_arithmetic3A_1563 = vector.broadcast %shift_right_arithmetic3A_1562 : i32 to vector<32x128xi32>
    %shift_right_arithmetic3A_1564 = arith.shrsi %bitcast_convert_type3A_1561, %shift_right_arithmetic3A_1563 : vector<32x128xi32>
    %and3A_1565 = arith.constant 2147483647 : i32
    %and3A_1566 = vector.broadcast %and3A_1565 : i32 to vector<32x128xi32>
    %and3A_1567 = arith.andi %shift_right_arithmetic3A_1564, %and3A_1566 : vector<32x128xi32>
    %xor3A_1568 = arith.xori %bitcast_convert_type3A_1561, %and3A_1567 : vector<32x128xi32>
    %swap3A_1569 = arith.constant 1 : index
    %swap3A_1570 = arith.constant 0 : index
    %swap3A_1571 = arith.constant 0 : index
    %swap3A_1572 = vector.load %arg5[%swap3A_1569, %swap3A_1570, %swap3A_1571] : memref<4x288x128xi32, #tpu.memory_space<vmem>>, vector<1x32x128xi32>
    %swap3A_1573 = vector.shape_cast %swap3A_1572 : vector<1x32x128xi32> to vector<32x128xi32>
    %swap3A_1574 = vector.shape_cast %xor3A_1568 : vector<32x128xi32> to vector<1x32x128xi32>
    tpu.vector_store %arg5[%swap3A_1569, %swap3A_1570, %swap3A_1571], %swap3A_1574 {strides = array<i32>} : memref<4x288x128xi32, #tpu.memory_space<vmem>>, vector<1x32x128xi32>,
    %get3A_1575 = arith.constant 1 : index
    %get3A_1576 = arith.constant 4 : index
    %get3A_1577 = arith.constant 0 : index
    %get3A_1578 = arith.constant 0 : index
    %get3A_1579 = vector.load %arg1[%get3A_1575, %get3A_1576, %get3A_1577, %get3A_1578] : memref<4x36x32x128xf32, #tpu.memory_space<vmem>>, vector<1x1x32x128xf32>
    %get3A_1580 = vector.shape_cast %get3A_1579 : vector<1x1x32x128xf32> to vector<32x128xf32>
    %mul3A_1581 = arith.mulf %get3A_1580, %add3A_68 : vector<32x128xf32>
    %add3A_1582 = arith.addf %mul3A_1581, %add3A_76 : vector<32x128xf32>
    %get3A_1583 = arith.constant 1 : index
    %get3A_1584 = arith.constant 5 : index
    %get3A_1585 = arith.constant 0 : index
    %get3A_1586 = arith.constant 0 : index
    %get3A_1587 = vector.load %arg1[%get3A_1583, %get3A_1584, %get3A_1585, %get3A_1586] : memref<4x36x32x128xf32, #tpu.memory_space<vmem>>, vector<1x1x32x128xf32>
    %get3A_1588 = vector.shape_cast %get3A_1587 : vector<1x1x32x128xf32> to vector<32x128xf32>
    %mul3A_1589 = arith.mulf %get3A_1588, %add3A_72 : vector<32x128xf32>
    %add3A_1590 = arith.addf %mul3A_1589, %add3A_80 : vector<32x128xf32>
    %get3A_1591 = arith.constant 1 : index
    %get3A_1592 = arith.constant 6 : index
    %get3A_1593 = arith.constant 0 : index
    %get3A_1594 = arith.constant 0 : index
    %get3A_1595 = vector.load %arg1[%get3A_1591, %get3A_1592, %get3A_1593, %get3A_1594] : memref<4x36x32x128xf32, #tpu.memory_space<vmem>>, vector<1x1x32x128xf32>
    %get3A_1596 = vector.shape_cast %get3A_1595 : vector<1x1x32x128xf32> to vector<32x128xf32>
    %exp3A_1597 = math.exp %get3A_1596 : vector<32x128xf32>
    %mul3A_1598 = arith.mulf %exp3A_1597, %add3A_68 : vector<32x128xf32>
    %get3A_1599 = arith.constant 1 : index
    %get3A_1600 = arith.constant 7 : index
    %get3A_1601 = arith.constant 0 : index
    %get3A_1602 = arith.constant 0 : index
    %get3A_1603 = vector.load %arg1[%get3A_1599, %get3A_1600, %get3A_1601, %get3A_1602] : memref<4x36x32x128xf32, #tpu.memory_space<vmem>>, vector<1x1x32x128xf32>
    %get3A_1604 = vector.shape_cast %get3A_1603 : vector<1x1x32x128xf32> to vector<32x128xf32>
    %exp3A_1605 = math.exp %get3A_1604 : vector<32x128xf32>
    %mul3A_1606 = arith.mulf %exp3A_1605, %add3A_72 : vector<32x128xf32>
    %mul3A_1607 = arith.constant 5.000000e-01 : f32
    %mul3A_1608 = vector.broadcast %mul3A_1607 : f32 to vector<32x128xf32>
    %mul3A_1609 = arith.mulf %mul3A_1608, %mul3A_1598 : vector<32x128xf32>
    %sub3A_1610 = arith.subf %add3A_1582, %mul3A_1609 : vector<32x128xf32>
    %jit3A_1611 = arith.constant 0.000000e+00 : f32
    %max3A_1612 = vector.broadcast %jit3A_1611 : f32 to vector<32x128xf32>
    %max3A_1613 = arith.maximumf %max3A_1612, %sub3A_1610 : vector<32x128xf32>
    %min3A_1614 = vector.broadcast %sub3A_1451 : f32 to vector<32x128xf32>
    %min3A_1615 = arith.minimumf %min3A_1614, %max3A_1613 : vector<32x128xf32>
    %swap3A_1616 = arith.constant 0 : index
    %swap3A_1617 = arith.constant 1 : index
    %swap3A_1618 = arith.constant 32 : index
    %swap3A_1619 = arith.constant 0 : index
    %swap3A_1620 = vector.load %arg4[%swap3A_1616, %swap3A_1617, %swap3A_1618, %swap3A_1619] : memref<5x4x288x128xf32, #tpu.memory_space<vmem>>, vector<1x1x32x128xf32>
    %swap3A_1621 = vector.shape_cast %swap3A_1620 : vector<1x1x32x128xf32> to vector<32x128xf32>
    %swap3A_1622 = vector.shape_cast %min3A_1615 : vector<32x128xf32> to vector<1x1x32x128xf32>
    tpu.vector_store %arg4[%swap3A_1616, %swap3A_1617, %swap3A_1618, %swap3A_1619], %swap3A_1622 {strides = array<i32>} : memref<5x4x288x128xf32, #tpu.memory_space<vmem>>, vector<1x1x32x128xf32>,
    %mul3A_1623 = arith.constant 5.000000e-01 : f32
    %mul3A_1624 = vector.broadcast %mul3A_1623 : f32 to vector<32x128xf32>
    %mul3A_1625 = arith.mulf %mul3A_1624, %mul3A_1606 : vector<32x128xf32>
    %sub3A_1626 = arith.subf %add3A_1590, %mul3A_1625 : vector<32x128xf32>
    %jit3A_1627 = arith.constant 0.000000e+00 : f32
    %max3A_1628 = vector.broadcast %jit3A_1627 : f32 to vector<32x128xf32>
    %max3A_1629 = arith.maximumf %max3A_1628, %sub3A_1626 : vector<32x128xf32>
    %min3A_1630 = vector.broadcast %sub3A_1446 : f32 to vector<32x128xf32>
    %min3A_1631 = arith.minimumf %min3A_1630, %max3A_1629 : vector<32x128xf32>
    %swap3A_1632 = arith.constant 1 : index
    %swap3A_1633 = arith.constant 1 : index
    %swap3A_1634 = arith.constant 32 : index
    %swap3A_1635 = arith.constant 0 : index
    %swap3A_1636 = vector.load %arg4[%swap3A_1632, %swap3A_1633, %swap3A_1634, %swap3A_1635] : memref<5x4x288x128xf32, #tpu.memory_space<vmem>>, vector<1x1x32x128xf32>
    %swap3A_1637 = vector.shape_cast %swap3A_1636 : vector<1x1x32x128xf32> to vector<32x128xf32>
    %swap3A_1638 = vector.shape_cast %min3A_1631 : vector<32x128xf32> to vector<1x1x32x128xf32>
    tpu.vector_store %arg4[%swap3A_1632, %swap3A_1633, %swap3A_1634, %swap3A_1635], %swap3A_1638 {strides = array<i32>} : memref<5x4x288x128xf32, #tpu.memory_space<vmem>>, vector<1x1x32x128xf32>,
    %mul3A_1639 = arith.constant 5.000000e-01 : f32
    %mul3A_1640 = vector.broadcast %mul3A_1639 : f32 to vector<32x128xf32>
    %mul3A_1641 = arith.mulf %mul3A_1640, %mul3A_1598 : vector<32x128xf32>
    %add3A_1642 = arith.addf %add3A_1582, %mul3A_1641 : vector<32x128xf32>
    %jit3A_1643 = arith.constant 0.000000e+00 : f32
    %max3A_1644 = vector.broadcast %jit3A_1643 : f32 to vector<32x128xf32>
    %max3A_1645 = arith.maximumf %max3A_1644, %add3A_1642 : vector<32x128xf32>
    %min3A_1646 = vector.broadcast %sub3A_1451 : f32 to vector<32x128xf32>
    %min3A_1647 = arith.minimumf %min3A_1646, %max3A_1645 : vector<32x128xf32>
    %swap3A_1648 = arith.constant 2 : index
    %swap3A_1649 = arith.constant 1 : index
    %swap3A_1650 = arith.constant 32 : index
    %swap3A_1651 = arith.constant 0 : index
    %swap3A_1652 = vector.load %arg4[%swap3A_1648, %swap3A_1649, %swap3A_1650, %swap3A_1651] : memref<5x4x288x128xf32, #tpu.memory_space<vmem>>, vector<1x1x32x128xf32>
    %swap3A_1653 = vector.shape_cast %swap3A_1652 : vector<1x1x32x128xf32> to vector<32x128xf32>
    %swap3A_1654 = vector.shape_cast %min3A_1647 : vector<32x128xf32> to vector<1x1x32x128xf32>
    tpu.vector_store %arg4[%swap3A_1648, %swap3A_1649, %swap3A_1650, %swap3A_1651], %swap3A_1654 {strides = array<i32>} : memref<5x4x288x128xf32, #tpu.memory_space<vmem>>, vector<1x1x32x128xf32>,
    %mul3A_1655 = arith.constant 5.000000e-01 : f32
    %mul3A_1656 = vector.broadcast %mul3A_1655 : f32 to vector<32x128xf32>
    %mul3A_1657 = arith.mulf %mul3A_1656, %mul3A_1606 : vector<32x128xf32>
    %add3A_1658 = arith.addf %add3A_1590, %mul3A_1657 : vector<32x128xf32>
    %jit3A_1659 = arith.constant 0.000000e+00 : f32
    %max3A_1660 = vector.broadcast %jit3A_1659 : f32 to vector<32x128xf32>
    %max3A_1661 = arith.maximumf %max3A_1660, %add3A_1658 : vector<32x128xf32>
    %min3A_1662 = vector.broadcast %sub3A_1446 : f32 to vector<32x128xf32>
    %min3A_1663 = arith.minimumf %min3A_1662, %max3A_1661 : vector<32x128xf32>
    %swap3A_1664 = arith.constant 3 : index
    %swap3A_1665 = arith.constant 1 : index
    %swap3A_1666 = arith.constant 32 : index
    %swap3A_1667 = arith.constant 0 : index
    %swap3A_1668 = vector.load %arg4[%swap3A_1664, %swap3A_1665, %swap3A_1666, %swap3A_1667] : memref<5x4x288x128xf32, #tpu.memory_space<vmem>>, vector<1x1x32x128xf32>
    %swap3A_1669 = vector.shape_cast %swap3A_1668 : vector<1x1x32x128xf32> to vector<32x128xf32>
    %swap3A_1670 = vector.shape_cast %min3A_1663 : vector<32x128xf32> to vector<1x1x32x128xf32>
    tpu.vector_store %arg4[%swap3A_1664, %swap3A_1665, %swap3A_1666, %swap3A_1667], %swap3A_1670 {strides = array<i32>} : memref<5x4x288x128xf32, #tpu.memory_space<vmem>>, vector<1x1x32x128xf32>,
    %get3A_1671 = arith.constant 1 : index
    %get3A_1672 = arith.constant 10 : index
    %get3A_1673 = arith.constant 0 : index
    %get3A_1674 = arith.constant 0 : index
    %get3A_1675 = vector.load %arg0[%get3A_1671, %get3A_1672, %get3A_1673, %get3A_1674] : memref<4x18x32x128xf32, #tpu.memory_space<vmem>>, vector<1x1x32x128xf32>
    %get3A_1676 = vector.shape_cast %get3A_1675 : vector<1x1x32x128xf32> to vector<32x128xf32>
    %swap3A_1677 = arith.constant 4 : index
    %swap3A_1678 = arith.constant 1 : index
    %swap3A_1679 = arith.constant 32 : index
    %swap3A_1680 = arith.constant 0 : index
    %swap3A_1681 = vector.load %arg4[%swap3A_1677, %swap3A_1678, %swap3A_1679, %swap3A_1680] : memref<5x4x288x128xf32, #tpu.memory_space<vmem>>, vector<1x1x32x128xf32>
    %swap3A_1682 = vector.shape_cast %swap3A_1681 : vector<1x1x32x128xf32> to vector<32x128xf32>
    %swap3A_1683 = vector.shape_cast %get3A_1676 : vector<32x128xf32> to vector<1x1x32x128xf32>
    tpu.vector_store %arg4[%swap3A_1677, %swap3A_1678, %swap3A_1679, %swap3A_1680], %swap3A_1683 {strides = array<i32>} : memref<5x4x288x128xf32, #tpu.memory_space<vmem>>, vector<1x1x32x128xf32>,
    %bitcast_convert_type3A_1684 = tpu.bitcast %get3A_1676 : vector<32x128xf32> -> vector<32x128xi32>
    %shift_right_arithmetic3A_1685 = arith.constant 31 : i32
    %shift_right_arithmetic3A_1686 = vector.broadcast %shift_right_arithmetic3A_1685 : i32 to vector<32x128xi32>
    %shift_right_arithmetic3A_1687 = arith.shrsi %bitcast_convert_type3A_1684, %shift_right_arithmetic3A_1686 : vector<32x128xi32>
    %and3A_1688 = arith.constant 2147483647 : i32
    %and3A_1689 = vector.broadcast %and3A_1688 : i32 to vector<32x128xi32>
    %and3A_1690 = arith.andi %shift_right_arithmetic3A_1687, %and3A_1689 : vector<32x128xi32>
    %xor3A_1691 = arith.xori %bitcast_convert_type3A_1684, %and3A_1690 : vector<32x128xi32>
    %swap3A_1692 = arith.constant 1 : index
    %swap3A_1693 = arith.constant 32 : index
    %swap3A_1694 = arith.constant 0 : index
    %swap3A_1695 = vector.load %arg5[%swap3A_1692, %swap3A_1693, %swap3A_1694] : memref<4x288x128xi32, #tpu.memory_space<vmem>>, vector<1x32x128xi32>
    %swap3A_1696 = vector.shape_cast %swap3A_1695 : vector<1x32x128xi32> to vector<32x128xi32>
    %swap3A_1697 = vector.shape_cast %xor3A_1691 : vector<32x128xi32> to vector<1x32x128xi32>
    tpu.vector_store %arg5[%swap3A_1692, %swap3A_1693, %swap3A_1694], %swap3A_1697 {strides = array<i32>} : memref<4x288x128xi32, #tpu.memory_space<vmem>>, vector<1x32x128xi32>,
    %get3A_1698 = arith.constant 1 : index
    %get3A_1699 = arith.constant 8 : index
    %get3A_1700 = arith.constant 0 : index
    %get3A_1701 = arith.constant 0 : index
    %get3A_1702 = vector.load %arg1[%get3A_1698, %get3A_1699, %get3A_1700, %get3A_1701] : memref<4x36x32x128xf32, #tpu.memory_space<vmem>>, vector<1x1x32x128xf32>
    %get3A_1703 = vector.shape_cast %get3A_1702 : vector<1x1x32x128xf32> to vector<32x128xf32>
    %mul3A_1704 = arith.mulf %get3A_1703, %add3A_104 : vector<32x128xf32>
    %add3A_1705 = arith.addf %mul3A_1704, %add3A_112 : vector<32x128xf32>
    %get3A_1706 = arith.constant 1 : index
    %get3A_1707 = arith.constant 9 : index
    %get3A_1708 = arith.constant 0 : index
    %get3A_1709 = arith.constant 0 : index
    %get3A_1710 = vector.load %arg1[%get3A_1706, %get3A_1707, %get3A_1708, %get3A_1709] : memref<4x36x32x128xf32, #tpu.memory_space<vmem>>, vector<1x1x32x128xf32>
    %get3A_1711 = vector.shape_cast %get3A_1710 : vector<1x1x32x128xf32> to vector<32x128xf32>
    %mul3A_1712 = arith.mulf %get3A_1711, %add3A_108 : vector<32x128xf32>
    %add3A_1713 = arith.addf %mul3A_1712, %add3A_116 : vector<32x128xf32>
    %get3A_1714 = arith.constant 1 : index
    %get3A_1715 = arith.constant 10 : index
    %get3A_1716 = arith.constant 0 : index
    %get3A_1717 = arith.constant 0 : index
    %get3A_1718 = vector.load %arg1[%get3A_1714, %get3A_1715, %get3A_1716, %get3A_1717] : memref<4x36x32x128xf32, #tpu.memory_space<vmem>>, vector<1x1x32x128xf32>
    %get3A_1719 = vector.shape_cast %get3A_1718 : vector<1x1x32x128xf32> to vector<32x128xf32>
    %exp3A_1720 = math.exp %get3A_1719 : vector<32x128xf32>
    %mul3A_1721 = arith.mulf %exp3A_1720, %add3A_104 : vector<32x128xf32>
    %get3A_1722 = arith.constant 1 : index
    %get3A_1723 = arith.constant 11 : index
    %get3A_1724 = arith.constant 0 : index
    %get3A_1725 = arith.constant 0 : index
    %get3A_1726 = vector.load %arg1[%get3A_1722, %get3A_1723, %get3A_1724, %get3A_1725] : memref<4x36x32x128xf32, #tpu.memory_space<vmem>>, vector<1x1x32x128xf32>
    %get3A_1727 = vector.shape_cast %get3A_1726 : vector<1x1x32x128xf32> to vector<32x128xf32>
    %exp3A_1728 = math.exp %get3A_1727 : vector<32x128xf32>
    %mul3A_1729 = arith.mulf %exp3A_1728, %add3A_108 : vector<32x128xf32>
    %mul3A_1730 = arith.constant 5.000000e-01 : f32
    %mul3A_1731 = vector.broadcast %mul3A_1730 : f32 to vector<32x128xf32>
    %mul3A_1732 = arith.mulf %mul3A_1731, %mul3A_1721 : vector<32x128xf32>
    %sub3A_1733 = arith.subf %add3A_1705, %mul3A_1732 : vector<32x128xf32>
    %jit3A_1734 = arith.constant 0.000000e+00 : f32
    %max3A_1735 = vector.broadcast %jit3A_1734 : f32 to vector<32x128xf32>
    %max3A_1736 = arith.maximumf %max3A_1735, %sub3A_1733 : vector<32x128xf32>
    %min3A_1737 = vector.broadcast %sub3A_1451 : f32 to vector<32x128xf32>
    %min3A_1738 = arith.minimumf %min3A_1737, %max3A_1736 : vector<32x128xf32>
    %swap3A_1739 = arith.constant 0 : index
    %swap3A_1740 = arith.constant 1 : index
    %swap3A_1741 = arith.constant 64 : index
    %swap3A_1742 = arith.constant 0 : index
    %swap3A_1743 = vector.load %arg4[%swap3A_1739, %swap3A_1740, %swap3A_1741, %swap3A_1742] : memref<5x4x288x128xf32, #tpu.memory_space<vmem>>, vector<1x1x32x128xf32>
    %swap3A_1744 = vector.shape_cast %swap3A_1743 : vector<1x1x32x128xf32> to vector<32x128xf32>
    %swap3A_1745 = vector.shape_cast %min3A_1738 : vector<32x128xf32> to vector<1x1x32x128xf32>
    tpu.vector_store %arg4[%swap3A_1739, %swap3A_1740, %swap3A_1741, %swap3A_1742], %swap3A_1745 {strides = array<i32>} : memref<5x4x288x128xf32, #tpu.memory_space<vmem>>, vector<1x1x32x128xf32>,
    %mul3A_1746 = arith.constant 5.000000e-01 : f32
    %mul3A_1747 = vector.broadcast %mul3A_1746 : f32 to vector<32x128xf32>
    %mul3A_1748 = arith.mulf %mul3A_1747, %mul3A_1729 : vector<32x128xf32>
    %sub3A_1749 = arith.subf %add3A_1713, %mul3A_1748 : vector<32x128xf32>
    %jit3A_1750 = arith.constant 0.000000e+00 : f32
    %max3A_1751 = vector.broadcast %jit3A_1750 : f32 to vector<32x128xf32>
    %max3A_1752 = arith.maximumf %max3A_1751, %sub3A_1749 : vector<32x128xf32>
    %min3A_1753 = vector.broadcast %sub3A_1446 : f32 to vector<32x128xf32>
    %min3A_1754 = arith.minimumf %min3A_1753, %max3A_1752 : vector<32x128xf32>
    %swap3A_1755 = arith.constant 1 : index
    %swap3A_1756 = arith.constant 1 : index
    %swap3A_1757 = arith.constant 64 : index
    %swap3A_1758 = arith.constant 0 : index
    %swap3A_1759 = vector.load %arg4[%swap3A_1755, %swap3A_1756, %swap3A_1757, %swap3A_1758] : memref<5x4x288x128xf32, #tpu.memory_space<vmem>>, vector<1x1x32x128xf32>
    %swap3A_1760 = vector.shape_cast %swap3A_1759 : vector<1x1x32x128xf32> to vector<32x128xf32>
    %swap3A_1761 = vector.shape_cast %min3A_1754 : vector<32x128xf32> to vector<1x1x32x128xf32>
    tpu.vector_store %arg4[%swap3A_1755, %swap3A_1756, %swap3A_1757, %swap3A_1758], %swap3A_1761 {strides = array<i32>} : memref<5x4x288x128xf32, #tpu.memory_space<vmem>>, vector<1x1x32x128xf32>,
    %mul3A_1762 = arith.constant 5.000000e-01 : f32
    %mul3A_1763 = vector.broadcast %mul3A_1762 : f32 to vector<32x128xf32>
    %mul3A_1764 = arith.mulf %mul3A_1763, %mul3A_1721 : vector<32x128xf32>
    %add3A_1765 = arith.addf %add3A_1705, %mul3A_1764 : vector<32x128xf32>
    %jit3A_1766 = arith.constant 0.000000e+00 : f32
    %max3A_1767 = vector.broadcast %jit3A_1766 : f32 to vector<32x128xf32>
    %max3A_1768 = arith.maximumf %max3A_1767, %add3A_1765 : vector<32x128xf32>
    %min3A_1769 = vector.broadcast %sub3A_1451 : f32 to vector<32x128xf32>
    %min3A_1770 = arith.minimumf %min3A_1769, %max3A_1768 : vector<32x128xf32>
    %swap3A_1771 = arith.constant 2 : index
    %swap3A_1772 = arith.constant 1 : index
    %swap3A_1773 = arith.constant 64 : index
    %swap3A_1774 = arith.constant 0 : index
    %swap3A_1775 = vector.load %arg4[%swap3A_1771, %swap3A_1772, %swap3A_1773, %swap3A_1774] : memref<5x4x288x128xf32, #tpu.memory_space<vmem>>, vector<1x1x32x128xf32>
    %swap3A_1776 = vector.shape_cast %swap3A_1775 : vector<1x1x32x128xf32> to vector<32x128xf32>
    %swap3A_1777 = vector.shape_cast %min3A_1770 : vector<32x128xf32> to vector<1x1x32x128xf32>
    tpu.vector_store %arg4[%swap3A_1771, %swap3A_1772, %swap3A_1773, %swap3A_1774], %swap3A_1777 {strides = array<i32>} : memref<5x4x288x128xf32, #tpu.memory_space<vmem>>, vector<1x1x32x128xf32>,
    %mul3A_1778 = arith.constant 5.000000e-01 : f32
    %mul3A_1779 = vector.broadcast %mul3A_1778 : f32 to vector<32x128xf32>
    %mul3A_1780 = arith.mulf %mul3A_1779, %mul3A_1729 : vector<32x128xf32>
    %add3A_1781 = arith.addf %add3A_1713, %mul3A_1780 : vector<32x128xf32>
    %jit3A_1782 = arith.constant 0.000000e+00 : f32
    %max3A_1783 = vector.broadcast %jit3A_1782 : f32 to vector<32x128xf32>
    %max3A_1784 = arith.maximumf %max3A_1783, %add3A_1781 : vector<32x128xf32>
    %min3A_1785 = vector.broadcast %sub3A_1446 : f32 to vector<32x128xf32>
    %min3A_1786 = arith.minimumf %min3A_1785, %max3A_1784 : vector<32x128xf32>
    %swap3A_1787 = arith.constant 3 : index
    %swap3A_1788 = arith.constant 1 : index
    %swap3A_1789 = arith.constant 64 : index
    %swap3A_1790 = arith.constant 0 : index
    %swap3A_1791 = vector.load %arg4[%swap3A_1787, %swap3A_1788, %swap3A_1789, %swap3A_1790] : memref<5x4x288x128xf32, #tpu.memory_space<vmem>>, vector<1x1x32x128xf32>
    %swap3A_1792 = vector.shape_cast %swap3A_1791 : vector<1x1x32x128xf32> to vector<32x128xf32>
    %swap3A_1793 = vector.shape_cast %min3A_1786 : vector<32x128xf32> to vector<1x1x32x128xf32>
    tpu.vector_store %arg4[%swap3A_1787, %swap3A_1788, %swap3A_1789, %swap3A_1790], %swap3A_1793 {strides = array<i32>} : memref<5x4x288x128xf32, #tpu.memory_space<vmem>>, vector<1x1x32x128xf32>,
    %get3A_1794 = arith.constant 1 : index
    %get3A_1795 = arith.constant 11 : index
    %get3A_1796 = arith.constant 0 : index
    %get3A_1797 = arith.constant 0 : index
    %get3A_1798 = vector.load %arg0[%get3A_1794, %get3A_1795, %get3A_1796, %get3A_1797] : memref<4x18x32x128xf32, #tpu.memory_space<vmem>>, vector<1x1x32x128xf32>
    %get3A_1799 = vector.shape_cast %get3A_1798 : vector<1x1x32x128xf32> to vector<32x128xf32>
    %swap3A_1800 = arith.constant 4 : index
    %swap3A_1801 = arith.constant 1 : index
    %swap3A_1802 = arith.constant 64 : index
    %swap3A_1803 = arith.constant 0 : index
    %swap3A_1804 = vector.load %arg4[%swap3A_1800, %swap3A_1801, %swap3A_1802, %swap3A_1803] : memref<5x4x288x128xf32, #tpu.memory_space<vmem>>, vector<1x1x32x128xf32>
    %swap3A_1805 = vector.shape_cast %swap3A_1804 : vector<1x1x32x128xf32> to vector<32x128xf32>
    %swap3A_1806 = vector.shape_cast %get3A_1799 : vector<32x128xf32> to vector<1x1x32x128xf32>
    tpu.vector_store %arg4[%swap3A_1800, %swap3A_1801, %swap3A_1802, %swap3A_1803], %swap3A_1806 {strides = array<i32>} : memref<5x4x288x128xf32, #tpu.memory_space<vmem>>, vector<1x1x32x128xf32>,
    %bitcast_convert_type3A_1807 = tpu.bitcast %get3A_1799 : vector<32x128xf32> -> vector<32x128xi32>
    %shift_right_arithmetic3A_1808 = arith.constant 31 : i32
    %shift_right_arithmetic3A_1809 = vector.broadcast %shift_right_arithmetic3A_1808 : i32 to vector<32x128xi32>
    %shift_right_arithmetic3A_1810 = arith.shrsi %bitcast_convert_type3A_1807, %shift_right_arithmetic3A_1809 : vector<32x128xi32>
    %and3A_1811 = arith.constant 2147483647 : i32
    %and3A_1812 = vector.broadcast %and3A_1811 : i32 to vector<32x128xi32>
    %and3A_1813 = arith.andi %shift_right_arithmetic3A_1810, %and3A_1812 : vector<32x128xi32>
    %xor3A_1814 = arith.xori %bitcast_convert_type3A_1807, %and3A_1813 : vector<32x128xi32>
    %swap3A_1815 = arith.constant 1 : index
    %swap3A_1816 = arith.constant 64 : index
    %swap3A_1817 = arith.constant 0 : index
    %swap3A_1818 = vector.load %arg5[%swap3A_1815, %swap3A_1816, %swap3A_1817] : memref<4x288x128xi32, #tpu.memory_space<vmem>>, vector<1x32x128xi32>
    %swap3A_1819 = vector.shape_cast %swap3A_1818 : vector<1x32x128xi32> to vector<32x128xi32>
    %swap3A_1820 = vector.shape_cast %xor3A_1814 : vector<32x128xi32> to vector<1x32x128xi32>
    tpu.vector_store %arg5[%swap3A_1815, %swap3A_1816, %swap3A_1817], %swap3A_1820 {strides = array<i32>} : memref<4x288x128xi32, #tpu.memory_space<vmem>>, vector<1x32x128xi32>,
    %get3A_1821 = arith.constant 1 : index
    %get3A_1822 = arith.constant 12 : index
    %get3A_1823 = arith.constant 0 : index
    %get3A_1824 = arith.constant 0 : index
    %get3A_1825 = vector.load %arg1[%get3A_1821, %get3A_1822, %get3A_1823, %get3A_1824] : memref<4x36x32x128xf32, #tpu.memory_space<vmem>>, vector<1x1x32x128xf32>
    %get3A_1826 = vector.shape_cast %get3A_1825 : vector<1x1x32x128xf32> to vector<32x128xf32>
    %mul3A_1827 = arith.mulf %get3A_1826, %add3A_140 : vector<32x128xf32>
    %add3A_1828 = arith.addf %mul3A_1827, %add3A_148 : vector<32x128xf32>
    %get3A_1829 = arith.constant 1 : index
    %get3A_1830 = arith.constant 13 : index
    %get3A_1831 = arith.constant 0 : index
    %get3A_1832 = arith.constant 0 : index
    %get3A_1833 = vector.load %arg1[%get3A_1829, %get3A_1830, %get3A_1831, %get3A_1832] : memref<4x36x32x128xf32, #tpu.memory_space<vmem>>, vector<1x1x32x128xf32>
    %get3A_1834 = vector.shape_cast %get3A_1833 : vector<1x1x32x128xf32> to vector<32x128xf32>
    %mul3A_1835 = arith.mulf %get3A_1834, %add3A_144 : vector<32x128xf32>
    %add3A_1836 = arith.addf %mul3A_1835, %add3A_152 : vector<32x128xf32>
    %get3A_1837 = arith.constant 1 : index
    %get3A_1838 = arith.constant 14 : index
    %get3A_1839 = arith.constant 0 : index
    %get3A_1840 = arith.constant 0 : index
    %get3A_1841 = vector.load %arg1[%get3A_1837, %get3A_1838, %get3A_1839, %get3A_1840] : memref<4x36x32x128xf32, #tpu.memory_space<vmem>>, vector<1x1x32x128xf32>
    %get3A_1842 = vector.shape_cast %get3A_1841 : vector<1x1x32x128xf32> to vector<32x128xf32>
    %exp3A_1843 = math.exp %get3A_1842 : vector<32x128xf32>
    %mul3A_1844 = arith.mulf %exp3A_1843, %add3A_140 : vector<32x128xf32>
    %get3A_1845 = arith.constant 1 : index
    %get3A_1846 = arith.constant 15 : index
    %get3A_1847 = arith.constant 0 : index
    %get3A_1848 = arith.constant 0 : index
    %get3A_1849 = vector.load %arg1[%get3A_1845, %get3A_1846, %get3A_1847, %get3A_1848] : memref<4x36x32x128xf32, #tpu.memory_space<vmem>>, vector<1x1x32x128xf32>
    %get3A_1850 = vector.shape_cast %get3A_1849 : vector<1x1x32x128xf32> to vector<32x128xf32>
    %exp3A_1851 = math.exp %get3A_1850 : vector<32x128xf32>
    %mul3A_1852 = arith.mulf %exp3A_1851, %add3A_144 : vector<32x128xf32>
    %mul3A_1853 = arith.constant 5.000000e-01 : f32
    %mul3A_1854 = vector.broadcast %mul3A_1853 : f32 to vector<32x128xf32>
    %mul3A_1855 = arith.mulf %mul3A_1854, %mul3A_1844 : vector<32x128xf32>
    %sub3A_1856 = arith.subf %add3A_1828, %mul3A_1855 : vector<32x128xf32>
    %jit3A_1857 = arith.constant 0.000000e+00 : f32
    %max3A_1858 = vector.broadcast %jit3A_1857 : f32 to vector<32x128xf32>
    %max3A_1859 = arith.maximumf %max3A_1858, %sub3A_1856 : vector<32x128xf32>
    %min3A_1860 = vector.broadcast %sub3A_1451 : f32 to vector<32x128xf32>
    %min3A_1861 = arith.minimumf %min3A_1860, %max3A_1859 : vector<32x128xf32>
    %swap3A_1862 = arith.constant 0 : index
    %swap3A_1863 = arith.constant 1 : index
    %swap3A_1864 = arith.constant 96 : index
    %swap3A_1865 = arith.constant 0 : index
    %swap3A_1866 = vector.load %arg4[%swap3A_1862, %swap3A_1863, %swap3A_1864, %swap3A_1865] : memref<5x4x288x128xf32, #tpu.memory_space<vmem>>, vector<1x1x32x128xf32>
    %swap3A_1867 = vector.shape_cast %swap3A_1866 : vector<1x1x32x128xf32> to vector<32x128xf32>
    %swap3A_1868 = vector.shape_cast %min3A_1861 : vector<32x128xf32> to vector<1x1x32x128xf32>
    tpu.vector_store %arg4[%swap3A_1862, %swap3A_1863, %swap3A_1864, %swap3A_1865], %swap3A_1868 {strides = array<i32>} : memref<5x4x288x128xf32, #tpu.memory_space<vmem>>, vector<1x1x32x128xf32>,
    %mul3A_1869 = arith.constant 5.000000e-01 : f32
    %mul3A_1870 = vector.broadcast %mul3A_1869 : f32 to vector<32x128xf32>
    %mul3A_1871 = arith.mulf %mul3A_1870, %mul3A_1852 : vector<32x128xf32>
    %sub3A_1872 = arith.subf %add3A_1836, %mul3A_1871 : vector<32x128xf32>
    %jit3A_1873 = arith.constant 0.000000e+00 : f32
    %max3A_1874 = vector.broadcast %jit3A_1873 : f32 to vector<32x128xf32>
    %max3A_1875 = arith.maximumf %max3A_1874, %sub3A_1872 : vector<32x128xf32>
    %min3A_1876 = vector.broadcast %sub3A_1446 : f32 to vector<32x128xf32>
    %min3A_1877 = arith.minimumf %min3A_1876, %max3A_1875 : vector<32x128xf32>
    %swap3A_1878 = arith.constant 1 : index
    %swap3A_1879 = arith.constant 1 : index
    %swap3A_1880 = arith.constant 96 : index
    %swap3A_1881 = arith.constant 0 : index
    %swap3A_1882 = vector.load %arg4[%swap3A_1878, %swap3A_1879, %swap3A_1880, %swap3A_1881] : memref<5x4x288x128xf32, #tpu.memory_space<vmem>>, vector<1x1x32x128xf32>
    %swap3A_1883 = vector.shape_cast %swap3A_1882 : vector<1x1x32x128xf32> to vector<32x128xf32>
    %swap3A_1884 = vector.shape_cast %min3A_1877 : vector<32x128xf32> to vector<1x1x32x128xf32>
    tpu.vector_store %arg4[%swap3A_1878, %swap3A_1879, %swap3A_1880, %swap3A_1881], %swap3A_1884 {strides = array<i32>} : memref<5x4x288x128xf32, #tpu.memory_space<vmem>>, vector<1x1x32x128xf32>,
    %mul3A_1885 = arith.constant 5.000000e-01 : f32
    %mul3A_1886 = vector.broadcast %mul3A_1885 : f32 to vector<32x128xf32>
    %mul3A_1887 = arith.mulf %mul3A_1886, %mul3A_1844 : vector<32x128xf32>
    %add3A_1888 = arith.addf %add3A_1828, %mul3A_1887 : vector<32x128xf32>
    %jit3A_1889 = arith.constant 0.000000e+00 : f32
    %max3A_1890 = vector.broadcast %jit3A_1889 : f32 to vector<32x128xf32>
    %max3A_1891 = arith.maximumf %max3A_1890, %add3A_1888 : vector<32x128xf32>
    %min3A_1892 = vector.broadcast %sub3A_1451 : f32 to vector<32x128xf32>
    %min3A_1893 = arith.minimumf %min3A_1892, %max3A_1891 : vector<32x128xf32>
    %swap3A_1894 = arith.constant 2 : index
    %swap3A_1895 = arith.constant 1 : index
    %swap3A_1896 = arith.constant 96 : index
    %swap3A_1897 = arith.constant 0 : index
    %swap3A_1898 = vector.load %arg4[%swap3A_1894, %swap3A_1895, %swap3A_1896, %swap3A_1897] : memref<5x4x288x128xf32, #tpu.memory_space<vmem>>, vector<1x1x32x128xf32>
    %swap3A_1899 = vector.shape_cast %swap3A_1898 : vector<1x1x32x128xf32> to vector<32x128xf32>
    %swap3A_1900 = vector.shape_cast %min3A_1893 : vector<32x128xf32> to vector<1x1x32x128xf32>
    tpu.vector_store %arg4[%swap3A_1894, %swap3A_1895, %swap3A_1896, %swap3A_1897], %swap3A_1900 {strides = array<i32>} : memref<5x4x288x128xf32, #tpu.memory_space<vmem>>, vector<1x1x32x128xf32>,
    %mul3A_1901 = arith.constant 5.000000e-01 : f32
    %mul3A_1902 = vector.broadcast %mul3A_1901 : f32 to vector<32x128xf32>
    %mul3A_1903 = arith.mulf %mul3A_1902, %mul3A_1852 : vector<32x128xf32>
    %add3A_1904 = arith.addf %add3A_1836, %mul3A_1903 : vector<32x128xf32>
    %jit3A_1905 = arith.constant 0.000000e+00 : f32
    %max3A_1906 = vector.broadcast %jit3A_1905 : f32 to vector<32x128xf32>
    %max3A_1907 = arith.maximumf %max3A_1906, %add3A_1904 : vector<32x128xf32>
    %min3A_1908 = vector.broadcast %sub3A_1446 : f32 to vector<32x128xf32>
    %min3A_1909 = arith.minimumf %min3A_1908, %max3A_1907 : vector<32x128xf32>
    %swap3A_1910 = arith.constant 3 : index
    %swap3A_1911 = arith.constant 1 : index
    %swap3A_1912 = arith.constant 96 : index
    %swap3A_1913 = arith.constant 0 : index
    %swap3A_1914 = vector.load %arg4[%swap3A_1910, %swap3A_1911, %swap3A_1912, %swap3A_1913] : memref<5x4x288x128xf32, #tpu.memory_space<vmem>>, vector<1x1x32x128xf32>
    %swap3A_1915 = vector.shape_cast %swap3A_1914 : vector<1x1x32x128xf32> to vector<32x128xf32>
    %swap3A_1916 = vector.shape_cast %min3A_1909 : vector<32x128xf32> to vector<1x1x32x128xf32>
    tpu.vector_store %arg4[%swap3A_1910, %swap3A_1911, %swap3A_1912, %swap3A_1913], %swap3A_1916 {strides = array<i32>} : memref<5x4x288x128xf32, #tpu.memory_space<vmem>>, vector<1x1x32x128xf32>,
    %get3A_1917 = arith.constant 1 : index
    %get3A_1918 = arith.constant 12 : index
    %get3A_1919 = arith.constant 0 : index
    %get3A_1920 = arith.constant 0 : index
    %get3A_1921 = vector.load %arg0[%get3A_1917, %get3A_1918, %get3A_1919, %get3A_1920] : memref<4x18x32x128xf32, #tpu.memory_space<vmem>>, vector<1x1x32x128xf32>
    %get3A_1922 = vector.shape_cast %get3A_1921 : vector<1x1x32x128xf32> to vector<32x128xf32>
    %swap3A_1923 = arith.constant 4 : index
    %swap3A_1924 = arith.constant 1 : index
    %swap3A_1925 = arith.constant 96 : index
    %swap3A_1926 = arith.constant 0 : index
    %swap3A_1927 = vector.load %arg4[%swap3A_1923, %swap3A_1924, %swap3A_1925, %swap3A_1926] : memref<5x4x288x128xf32, #tpu.memory_space<vmem>>, vector<1x1x32x128xf32>
    %swap3A_1928 = vector.shape_cast %swap3A_1927 : vector<1x1x32x128xf32> to vector<32x128xf32>
    %swap3A_1929 = vector.shape_cast %get3A_1922 : vector<32x128xf32> to vector<1x1x32x128xf32>
    tpu.vector_store %arg4[%swap3A_1923, %swap3A_1924, %swap3A_1925, %swap3A_1926], %swap3A_1929 {strides = array<i32>} : memref<5x4x288x128xf32, #tpu.memory_space<vmem>>, vector<1x1x32x128xf32>,
    %bitcast_convert_type3A_1930 = tpu.bitcast %get3A_1922 : vector<32x128xf32> -> vector<32x128xi32>
    %shift_right_arithmetic3A_1931 = arith.constant 31 : i32
    %shift_right_arithmetic3A_1932 = vector.broadcast %shift_right_arithmetic3A_1931 : i32 to vector<32x128xi32>
    %shift_right_arithmetic3A_1933 = arith.shrsi %bitcast_convert_type3A_1930, %shift_right_arithmetic3A_1932 : vector<32x128xi32>
    %and3A_1934 = arith.constant 2147483647 : i32
    %and3A_1935 = vector.broadcast %and3A_1934 : i32 to vector<32x128xi32>
    %and3A_1936 = arith.andi %shift_right_arithmetic3A_1933, %and3A_1935 : vector<32x128xi32>
    %xor3A_1937 = arith.xori %bitcast_convert_type3A_1930, %and3A_1936 : vector<32x128xi32>
    %swap3A_1938 = arith.constant 1 : index
    %swap3A_1939 = arith.constant 96 : index
    %swap3A_1940 = arith.constant 0 : index
    %swap3A_1941 = vector.load %arg5[%swap3A_1938, %swap3A_1939, %swap3A_1940] : memref<4x288x128xi32, #tpu.memory_space<vmem>>, vector<1x32x128xi32>
    %swap3A_1942 = vector.shape_cast %swap3A_1941 : vector<1x32x128xi32> to vector<32x128xi32>
    %swap3A_1943 = vector.shape_cast %xor3A_1937 : vector<32x128xi32> to vector<1x32x128xi32>
    tpu.vector_store %arg5[%swap3A_1938, %swap3A_1939, %swap3A_1940], %swap3A_1943 {strides = array<i32>} : memref<4x288x128xi32, #tpu.memory_space<vmem>>, vector<1x32x128xi32>,
    %get3A_1944 = arith.constant 1 : index
    %get3A_1945 = arith.constant 16 : index
    %get3A_1946 = arith.constant 0 : index
    %get3A_1947 = arith.constant 0 : index
    %get3A_1948 = vector.load %arg1[%get3A_1944, %get3A_1945, %get3A_1946, %get3A_1947] : memref<4x36x32x128xf32, #tpu.memory_space<vmem>>, vector<1x1x32x128xf32>
    %get3A_1949 = vector.shape_cast %get3A_1948 : vector<1x1x32x128xf32> to vector<32x128xf32>
    %mul3A_1950 = arith.mulf %get3A_1949, %add3A_176 : vector<32x128xf32>
    %add3A_1951 = arith.addf %mul3A_1950, %add3A_184 : vector<32x128xf32>
    %get3A_1952 = arith.constant 1 : index
    %get3A_1953 = arith.constant 17 : index
    %get3A_1954 = arith.constant 0 : index
    %get3A_1955 = arith.constant 0 : index
    %get3A_1956 = vector.load %arg1[%get3A_1952, %get3A_1953, %get3A_1954, %get3A_1955] : memref<4x36x32x128xf32, #tpu.memory_space<vmem>>, vector<1x1x32x128xf32>
    %get3A_1957 = vector.shape_cast %get3A_1956 : vector<1x1x32x128xf32> to vector<32x128xf32>
    %mul3A_1958 = arith.mulf %get3A_1957, %add3A_180 : vector<32x128xf32>
    %add3A_1959 = arith.addf %mul3A_1958, %add3A_188 : vector<32x128xf32>
    %get3A_1960 = arith.constant 1 : index
    %get3A_1961 = arith.constant 18 : index
    %get3A_1962 = arith.constant 0 : index
    %get3A_1963 = arith.constant 0 : index
    %get3A_1964 = vector.load %arg1[%get3A_1960, %get3A_1961, %get3A_1962, %get3A_1963] : memref<4x36x32x128xf32, #tpu.memory_space<vmem>>, vector<1x1x32x128xf32>
    %get3A_1965 = vector.shape_cast %get3A_1964 : vector<1x1x32x128xf32> to vector<32x128xf32>
    %exp3A_1966 = math.exp %get3A_1965 : vector<32x128xf32>
    %mul3A_1967 = arith.mulf %exp3A_1966, %add3A_176 : vector<32x128xf32>
    %get3A_1968 = arith.constant 1 : index
    %get3A_1969 = arith.constant 19 : index
    %get3A_1970 = arith.constant 0 : index
    %get3A_1971 = arith.constant 0 : index
    %get3A_1972 = vector.load %arg1[%get3A_1968, %get3A_1969, %get3A_1970, %get3A_1971] : memref<4x36x32x128xf32, #tpu.memory_space<vmem>>, vector<1x1x32x128xf32>
    %get3A_1973 = vector.shape_cast %get3A_1972 : vector<1x1x32x128xf32> to vector<32x128xf32>
    %exp3A_1974 = math.exp %get3A_1973 : vector<32x128xf32>
    %mul3A_1975 = arith.mulf %exp3A_1974, %add3A_180 : vector<32x128xf32>
    %mul3A_1976 = arith.constant 5.000000e-01 : f32
    %mul3A_1977 = vector.broadcast %mul3A_1976 : f32 to vector<32x128xf32>
    %mul3A_1978 = arith.mulf %mul3A_1977, %mul3A_1967 : vector<32x128xf32>
    %sub3A_1979 = arith.subf %add3A_1951, %mul3A_1978 : vector<32x128xf32>
    %jit3A_1980 = arith.constant 0.000000e+00 : f32
    %max3A_1981 = vector.broadcast %jit3A_1980 : f32 to vector<32x128xf32>
    %max3A_1982 = arith.maximumf %max3A_1981, %sub3A_1979 : vector<32x128xf32>
    %min3A_1983 = vector.broadcast %sub3A_1451 : f32 to vector<32x128xf32>
    %min3A_1984 = arith.minimumf %min3A_1983, %max3A_1982 : vector<32x128xf32>
    %swap3A_1985 = arith.constant 0 : index
    %swap3A_1986 = arith.constant 1 : index
    %swap3A_1987 = arith.constant 128 : index
    %swap3A_1988 = arith.constant 0 : index
    %swap3A_1989 = vector.load %arg4[%swap3A_1985, %swap3A_1986, %swap3A_1987, %swap3A_1988] : memref<5x4x288x128xf32, #tpu.memory_space<vmem>>, vector<1x1x32x128xf32>
    %swap3A_1990 = vector.shape_cast %swap3A_1989 : vector<1x1x32x128xf32> to vector<32x128xf32>
    %swap3A_1991 = vector.shape_cast %min3A_1984 : vector<32x128xf32> to vector<1x1x32x128xf32>
    tpu.vector_store %arg4[%swap3A_1985, %swap3A_1986, %swap3A_1987, %swap3A_1988], %swap3A_1991 {strides = array<i32>} : memref<5x4x288x128xf32, #tpu.memory_space<vmem>>, vector<1x1x32x128xf32>,
    %mul3A_1992 = arith.constant 5.000000e-01 : f32
    %mul3A_1993 = vector.broadcast %mul3A_1992 : f32 to vector<32x128xf32>
    %mul3A_1994 = arith.mulf %mul3A_1993, %mul3A_1975 : vector<32x128xf32>
    %sub3A_1995 = arith.subf %add3A_1959, %mul3A_1994 : vector<32x128xf32>
    %jit3A_1996 = arith.constant 0.000000e+00 : f32
    %max3A_1997 = vector.broadcast %jit3A_1996 : f32 to vector<32x128xf32>
    %max3A_1998 = arith.maximumf %max3A_1997, %sub3A_1995 : vector<32x128xf32>
    %min3A_1999 = vector.broadcast %sub3A_1446 : f32 to vector<32x128xf32>
    %min3A_2000 = arith.minimumf %min3A_1999, %max3A_1998 : vector<32x128xf32>
    %swap3A_2001 = arith.constant 1 : index
    %swap3A_2002 = arith.constant 1 : index
    %swap3A_2003 = arith.constant 128 : index
    %swap3A_2004 = arith.constant 0 : index
    %swap3A_2005 = vector.load %arg4[%swap3A_2001, %swap3A_2002, %swap3A_2003, %swap3A_2004] : memref<5x4x288x128xf32, #tpu.memory_space<vmem>>, vector<1x1x32x128xf32>
    %swap3A_2006 = vector.shape_cast %swap3A_2005 : vector<1x1x32x128xf32> to vector<32x128xf32>
    %swap3A_2007 = vector.shape_cast %min3A_2000 : vector<32x128xf32> to vector<1x1x32x128xf32>
    tpu.vector_store %arg4[%swap3A_2001, %swap3A_2002, %swap3A_2003, %swap3A_2004], %swap3A_2007 {strides = array<i32>} : memref<5x4x288x128xf32, #tpu.memory_space<vmem>>, vector<1x1x32x128xf32>,
    %mul3A_2008 = arith.constant 5.000000e-01 : f32
    %mul3A_2009 = vector.broadcast %mul3A_2008 : f32 to vector<32x128xf32>
    %mul3A_2010 = arith.mulf %mul3A_2009, %mul3A_1967 : vector<32x128xf32>
    %add3A_2011 = arith.addf %add3A_1951, %mul3A_2010 : vector<32x128xf32>
    %jit3A_2012 = arith.constant 0.000000e+00 : f32
    %max3A_2013 = vector.broadcast %jit3A_2012 : f32 to vector<32x128xf32>
    %max3A_2014 = arith.maximumf %max3A_2013, %add3A_2011 : vector<32x128xf32>
    %min3A_2015 = vector.broadcast %sub3A_1451 : f32 to vector<32x128xf32>
    %min3A_2016 = arith.minimumf %min3A_2015, %max3A_2014 : vector<32x128xf32>
    %swap3A_2017 = arith.constant 2 : index
    %swap3A_2018 = arith.constant 1 : index
    %swap3A_2019 = arith.constant 128 : index
    %swap3A_2020 = arith.constant 0 : index
    %swap3A_2021 = vector.load %arg4[%swap3A_2017, %swap3A_2018, %swap3A_2019, %swap3A_2020] : memref<5x4x288x128xf32, #tpu.memory_space<vmem>>, vector<1x1x32x128xf32>
    %swap3A_2022 = vector.shape_cast %swap3A_2021 : vector<1x1x32x128xf32> to vector<32x128xf32>
    %swap3A_2023 = vector.shape_cast %min3A_2016 : vector<32x128xf32> to vector<1x1x32x128xf32>
    tpu.vector_store %arg4[%swap3A_2017, %swap3A_2018, %swap3A_2019, %swap3A_2020], %swap3A_2023 {strides = array<i32>} : memref<5x4x288x128xf32, #tpu.memory_space<vmem>>, vector<1x1x32x128xf32>,
    %mul3A_2024 = arith.constant 5.000000e-01 : f32
    %mul3A_2025 = vector.broadcast %mul3A_2024 : f32 to vector<32x128xf32>
    %mul3A_2026 = arith.mulf %mul3A_2025, %mul3A_1975 : vector<32x128xf32>
    %add3A_2027 = arith.addf %add3A_1959, %mul3A_2026 : vector<32x128xf32>
    %jit3A_2028 = arith.constant 0.000000e+00 : f32
    %max3A_2029 = vector.broadcast %jit3A_2028 : f32 to vector<32x128xf32>
    %max3A_2030 = arith.maximumf %max3A_2029, %add3A_2027 : vector<32x128xf32>
    %min3A_2031 = vector.broadcast %sub3A_1446 : f32 to vector<32x128xf32>
    %min3A_2032 = arith.minimumf %min3A_2031, %max3A_2030 : vector<32x128xf32>
    %swap3A_2033 = arith.constant 3 : index
    %swap3A_2034 = arith.constant 1 : index
    %swap3A_2035 = arith.constant 128 : index
    %swap3A_2036 = arith.constant 0 : index
    %swap3A_2037 = vector.load %arg4[%swap3A_2033, %swap3A_2034, %swap3A_2035, %swap3A_2036] : memref<5x4x288x128xf32, #tpu.memory_space<vmem>>, vector<1x1x32x128xf32>
    %swap3A_2038 = vector.shape_cast %swap3A_2037 : vector<1x1x32x128xf32> to vector<32x128xf32>
    %swap3A_2039 = vector.shape_cast %min3A_2032 : vector<32x128xf32> to vector<1x1x32x128xf32>
    tpu.vector_store %arg4[%swap3A_2033, %swap3A_2034, %swap3A_2035, %swap3A_2036], %swap3A_2039 {strides = array<i32>} : memref<5x4x288x128xf32, #tpu.memory_space<vmem>>, vector<1x1x32x128xf32>,
    %get3A_2040 = arith.constant 1 : index
    %get3A_2041 = arith.constant 13 : index
    %get3A_2042 = arith.constant 0 : index
    %get3A_2043 = arith.constant 0 : index
    %get3A_2044 = vector.load %arg0[%get3A_2040, %get3A_2041, %get3A_2042, %get3A_2043] : memref<4x18x32x128xf32, #tpu.memory_space<vmem>>, vector<1x1x32x128xf32>
    %get3A_2045 = vector.shape_cast %get3A_2044 : vector<1x1x32x128xf32> to vector<32x128xf32>
    %swap3A_2046 = arith.constant 4 : index
    %swap3A_2047 = arith.constant 1 : index
    %swap3A_2048 = arith.constant 128 : index
    %swap3A_2049 = arith.constant 0 : index
    %swap3A_2050 = vector.load %arg4[%swap3A_2046, %swap3A_2047, %swap3A_2048, %swap3A_2049] : memref<5x4x288x128xf32, #tpu.memory_space<vmem>>, vector<1x1x32x128xf32>
    %swap3A_2051 = vector.shape_cast %swap3A_2050 : vector<1x1x32x128xf32> to vector<32x128xf32>
    %swap3A_2052 = vector.shape_cast %get3A_2045 : vector<32x128xf32> to vector<1x1x32x128xf32>
    tpu.vector_store %arg4[%swap3A_2046, %swap3A_2047, %swap3A_2048, %swap3A_2049], %swap3A_2052 {strides = array<i32>} : memref<5x4x288x128xf32, #tpu.memory_space<vmem>>, vector<1x1x32x128xf32>,
    %bitcast_convert_type3A_2053 = tpu.bitcast %get3A_2045 : vector<32x128xf32> -> vector<32x128xi32>
    %shift_right_arithmetic3A_2054 = arith.constant 31 : i32
    %shift_right_arithmetic3A_2055 = vector.broadcast %shift_right_arithmetic3A_2054 : i32 to vector<32x128xi32>
    %shift_right_arithmetic3A_2056 = arith.shrsi %bitcast_convert_type3A_2053, %shift_right_arithmetic3A_2055 : vector<32x128xi32>
    %and3A_2057 = arith.constant 2147483647 : i32
    %and3A_2058 = vector.broadcast %and3A_2057 : i32 to vector<32x128xi32>
    %and3A_2059 = arith.andi %shift_right_arithmetic3A_2056, %and3A_2058 : vector<32x128xi32>
    %xor3A_2060 = arith.xori %bitcast_convert_type3A_2053, %and3A_2059 : vector<32x128xi32>
    %swap3A_2061 = arith.constant 1 : index
    %swap3A_2062 = arith.constant 128 : index
    %swap3A_2063 = arith.constant 0 : index
    %swap3A_2064 = vector.load %arg5[%swap3A_2061, %swap3A_2062, %swap3A_2063] : memref<4x288x128xi32, #tpu.memory_space<vmem>>, vector<1x32x128xi32>
    %swap3A_2065 = vector.shape_cast %swap3A_2064 : vector<1x32x128xi32> to vector<32x128xi32>
    %swap3A_2066 = vector.shape_cast %xor3A_2060 : vector<32x128xi32> to vector<1x32x128xi32>
    tpu.vector_store %arg5[%swap3A_2061, %swap3A_2062, %swap3A_2063], %swap3A_2066 {strides = array<i32>} : memref<4x288x128xi32, #tpu.memory_space<vmem>>, vector<1x32x128xi32>,
    %get3A_2067 = arith.constant 1 : index
    %get3A_2068 = arith.constant 20 : index
    %get3A_2069 = arith.constant 0 : index
    %get3A_2070 = arith.constant 0 : index
    %get3A_2071 = vector.load %arg1[%get3A_2067, %get3A_2068, %get3A_2069, %get3A_2070] : memref<4x36x32x128xf32, #tpu.memory_space<vmem>>, vector<1x1x32x128xf32>
    %get3A_2072 = vector.shape_cast %get3A_2071 : vector<1x1x32x128xf32> to vector<32x128xf32>
    %mul3A_2073 = arith.mulf %get3A_2072, %add3A_212 : vector<32x128xf32>
    %add3A_2074 = arith.addf %mul3A_2073, %add3A_220 : vector<32x128xf32>
    %get3A_2075 = arith.constant 1 : index
    %get3A_2076 = arith.constant 21 : index
    %get3A_2077 = arith.constant 0 : index
    %get3A_2078 = arith.constant 0 : index
    %get3A_2079 = vector.load %arg1[%get3A_2075, %get3A_2076, %get3A_2077, %get3A_2078] : memref<4x36x32x128xf32, #tpu.memory_space<vmem>>, vector<1x1x32x128xf32>
    %get3A_2080 = vector.shape_cast %get3A_2079 : vector<1x1x32x128xf32> to vector<32x128xf32>
    %mul3A_2081 = arith.mulf %get3A_2080, %add3A_216 : vector<32x128xf32>
    %add3A_2082 = arith.addf %mul3A_2081, %add3A_224 : vector<32x128xf32>
    %get3A_2083 = arith.constant 1 : index
    %get3A_2084 = arith.constant 22 : index
    %get3A_2085 = arith.constant 0 : index
    %get3A_2086 = arith.constant 0 : index
    %get3A_2087 = vector.load %arg1[%get3A_2083, %get3A_2084, %get3A_2085, %get3A_2086] : memref<4x36x32x128xf32, #tpu.memory_space<vmem>>, vector<1x1x32x128xf32>
    %get3A_2088 = vector.shape_cast %get3A_2087 : vector<1x1x32x128xf32> to vector<32x128xf32>
    %exp3A_2089 = math.exp %get3A_2088 : vector<32x128xf32>
    %mul3A_2090 = arith.mulf %exp3A_2089, %add3A_212 : vector<32x128xf32>
    %get3A_2091 = arith.constant 1 : index
    %get3A_2092 = arith.constant 23 : index
    %get3A_2093 = arith.constant 0 : index
    %get3A_2094 = arith.constant 0 : index
    %get3A_2095 = vector.load %arg1[%get3A_2091, %get3A_2092, %get3A_2093, %get3A_2094] : memref<4x36x32x128xf32, #tpu.memory_space<vmem>>, vector<1x1x32x128xf32>
    %get3A_2096 = vector.shape_cast %get3A_2095 : vector<1x1x32x128xf32> to vector<32x128xf32>
    %exp3A_2097 = math.exp %get3A_2096 : vector<32x128xf32>
    %mul3A_2098 = arith.mulf %exp3A_2097, %add3A_216 : vector<32x128xf32>
    %mul3A_2099 = arith.constant 5.000000e-01 : f32
    %mul3A_2100 = vector.broadcast %mul3A_2099 : f32 to vector<32x128xf32>
    %mul3A_2101 = arith.mulf %mul3A_2100, %mul3A_2090 : vector<32x128xf32>
    %sub3A_2102 = arith.subf %add3A_2074, %mul3A_2101 : vector<32x128xf32>
    %jit3A_2103 = arith.constant 0.000000e+00 : f32
    %max3A_2104 = vector.broadcast %jit3A_2103 : f32 to vector<32x128xf32>
    %max3A_2105 = arith.maximumf %max3A_2104, %sub3A_2102 : vector<32x128xf32>
    %min3A_2106 = vector.broadcast %sub3A_1451 : f32 to vector<32x128xf32>
    %min3A_2107 = arith.minimumf %min3A_2106, %max3A_2105 : vector<32x128xf32>
    %swap3A_2108 = arith.constant 0 : index
    %swap3A_2109 = arith.constant 1 : index
    %swap3A_2110 = arith.constant 160 : index
    %swap3A_2111 = arith.constant 0 : index
    %swap3A_2112 = vector.load %arg4[%swap3A_2108, %swap3A_2109, %swap3A_2110, %swap3A_2111] : memref<5x4x288x128xf32, #tpu.memory_space<vmem>>, vector<1x1x32x128xf32>
    %swap3A_2113 = vector.shape_cast %swap3A_2112 : vector<1x1x32x128xf32> to vector<32x128xf32>
    %swap3A_2114 = vector.shape_cast %min3A_2107 : vector<32x128xf32> to vector<1x1x32x128xf32>
    tpu.vector_store %arg4[%swap3A_2108, %swap3A_2109, %swap3A_2110, %swap3A_2111], %swap3A_2114 {strides = array<i32>} : memref<5x4x288x128xf32, #tpu.memory_space<vmem>>, vector<1x1x32x128xf32>,
    %mul3A_2115 = arith.constant 5.000000e-01 : f32
    %mul3A_2116 = vector.broadcast %mul3A_2115 : f32 to vector<32x128xf32>
    %mul3A_2117 = arith.mulf %mul3A_2116, %mul3A_2098 : vector<32x128xf32>
    %sub3A_2118 = arith.subf %add3A_2082, %mul3A_2117 : vector<32x128xf32>
    %jit3A_2119 = arith.constant 0.000000e+00 : f32
    %max3A_2120 = vector.broadcast %jit3A_2119 : f32 to vector<32x128xf32>
    %max3A_2121 = arith.maximumf %max3A_2120, %sub3A_2118 : vector<32x128xf32>
    %min3A_2122 = vector.broadcast %sub3A_1446 : f32 to vector<32x128xf32>
    %min3A_2123 = arith.minimumf %min3A_2122, %max3A_2121 : vector<32x128xf32>
    %swap3A_2124 = arith.constant 1 : index
    %swap3A_2125 = arith.constant 1 : index
    %swap3A_2126 = arith.constant 160 : index
    %swap3A_2127 = arith.constant 0 : index
    %swap3A_2128 = vector.load %arg4[%swap3A_2124, %swap3A_2125, %swap3A_2126, %swap3A_2127] : memref<5x4x288x128xf32, #tpu.memory_space<vmem>>, vector<1x1x32x128xf32>
    %swap3A_2129 = vector.shape_cast %swap3A_2128 : vector<1x1x32x128xf32> to vector<32x128xf32>
    %swap3A_2130 = vector.shape_cast %min3A_2123 : vector<32x128xf32> to vector<1x1x32x128xf32>
    tpu.vector_store %arg4[%swap3A_2124, %swap3A_2125, %swap3A_2126, %swap3A_2127], %swap3A_2130 {strides = array<i32>} : memref<5x4x288x128xf32, #tpu.memory_space<vmem>>, vector<1x1x32x128xf32>,
    %mul3A_2131 = arith.constant 5.000000e-01 : f32
    %mul3A_2132 = vector.broadcast %mul3A_2131 : f32 to vector<32x128xf32>
    %mul3A_2133 = arith.mulf %mul3A_2132, %mul3A_2090 : vector<32x128xf32>
    %add3A_2134 = arith.addf %add3A_2074, %mul3A_2133 : vector<32x128xf32>
    %jit3A_2135 = arith.constant 0.000000e+00 : f32
    %max3A_2136 = vector.broadcast %jit3A_2135 : f32 to vector<32x128xf32>
    %max3A_2137 = arith.maximumf %max3A_2136, %add3A_2134 : vector<32x128xf32>
    %min3A_2138 = vector.broadcast %sub3A_1451 : f32 to vector<32x128xf32>
    %min3A_2139 = arith.minimumf %min3A_2138, %max3A_2137 : vector<32x128xf32>
    %swap3A_2140 = arith.constant 2 : index
    %swap3A_2141 = arith.constant 1 : index
    %swap3A_2142 = arith.constant 160 : index
    %swap3A_2143 = arith.constant 0 : index
    %swap3A_2144 = vector.load %arg4[%swap3A_2140, %swap3A_2141, %swap3A_2142, %swap3A_2143] : memref<5x4x288x128xf32, #tpu.memory_space<vmem>>, vector<1x1x32x128xf32>
    %swap3A_2145 = vector.shape_cast %swap3A_2144 : vector<1x1x32x128xf32> to vector<32x128xf32>
    %swap3A_2146 = vector.shape_cast %min3A_2139 : vector<32x128xf32> to vector<1x1x32x128xf32>
    tpu.vector_store %arg4[%swap3A_2140, %swap3A_2141, %swap3A_2142, %swap3A_2143], %swap3A_2146 {strides = array<i32>} : memref<5x4x288x128xf32, #tpu.memory_space<vmem>>, vector<1x1x32x128xf32>,
    %mul3A_2147 = arith.constant 5.000000e-01 : f32
    %mul3A_2148 = vector.broadcast %mul3A_2147 : f32 to vector<32x128xf32>
    %mul3A_2149 = arith.mulf %mul3A_2148, %mul3A_2098 : vector<32x128xf32>
    %add3A_2150 = arith.addf %add3A_2082, %mul3A_2149 : vector<32x128xf32>
    %jit3A_2151 = arith.constant 0.000000e+00 : f32
    %max3A_2152 = vector.broadcast %jit3A_2151 : f32 to vector<32x128xf32>
    %max3A_2153 = arith.maximumf %max3A_2152, %add3A_2150 : vector<32x128xf32>
    %min3A_2154 = vector.broadcast %sub3A_1446 : f32 to vector<32x128xf32>
    %min3A_2155 = arith.minimumf %min3A_2154, %max3A_2153 : vector<32x128xf32>
    %swap3A_2156 = arith.constant 3 : index
    %swap3A_2157 = arith.constant 1 : index
    %swap3A_2158 = arith.constant 160 : index
    %swap3A_2159 = arith.constant 0 : index
    %swap3A_2160 = vector.load %arg4[%swap3A_2156, %swap3A_2157, %swap3A_2158, %swap3A_2159] : memref<5x4x288x128xf32, #tpu.memory_space<vmem>>, vector<1x1x32x128xf32>
    %swap3A_2161 = vector.shape_cast %swap3A_2160 : vector<1x1x32x128xf32> to vector<32x128xf32>
    %swap3A_2162 = vector.shape_cast %min3A_2155 : vector<32x128xf32> to vector<1x1x32x128xf32>
    tpu.vector_store %arg4[%swap3A_2156, %swap3A_2157, %swap3A_2158, %swap3A_2159], %swap3A_2162 {strides = array<i32>} : memref<5x4x288x128xf32, #tpu.memory_space<vmem>>, vector<1x1x32x128xf32>,
    %get3A_2163 = arith.constant 1 : index
    %get3A_2164 = arith.constant 14 : index
    %get3A_2165 = arith.constant 0 : index
    %get3A_2166 = arith.constant 0 : index
    %get3A_2167 = vector.load %arg0[%get3A_2163, %get3A_2164, %get3A_2165, %get3A_2166] : memref<4x18x32x128xf32, #tpu.memory_space<vmem>>, vector<1x1x32x128xf32>
    %get3A_2168 = vector.shape_cast %get3A_2167 : vector<1x1x32x128xf32> to vector<32x128xf32>
    %swap3A_2169 = arith.constant 4 : index
    %swap3A_2170 = arith.constant 1 : index
    %swap3A_2171 = arith.constant 160 : index
    %swap3A_2172 = arith.constant 0 : index
    %swap3A_2173 = vector.load %arg4[%swap3A_2169, %swap3A_2170, %swap3A_2171, %swap3A_2172] : memref<5x4x288x128xf32, #tpu.memory_space<vmem>>, vector<1x1x32x128xf32>
    %swap3A_2174 = vector.shape_cast %swap3A_2173 : vector<1x1x32x128xf32> to vector<32x128xf32>
    %swap3A_2175 = vector.shape_cast %get3A_2168 : vector<32x128xf32> to vector<1x1x32x128xf32>
    tpu.vector_store %arg4[%swap3A_2169, %swap3A_2170, %swap3A_2171, %swap3A_2172], %swap3A_2175 {strides = array<i32>} : memref<5x4x288x128xf32, #tpu.memory_space<vmem>>, vector<1x1x32x128xf32>,
    %bitcast_convert_type3A_2176 = tpu.bitcast %get3A_2168 : vector<32x128xf32> -> vector<32x128xi32>
    %shift_right_arithmetic3A_2177 = arith.constant 31 : i32
    %shift_right_arithmetic3A_2178 = vector.broadcast %shift_right_arithmetic3A_2177 : i32 to vector<32x128xi32>
    %shift_right_arithmetic3A_2179 = arith.shrsi %bitcast_convert_type3A_2176, %shift_right_arithmetic3A_2178 : vector<32x128xi32>
    %and3A_2180 = arith.constant 2147483647 : i32
    %and3A_2181 = vector.broadcast %and3A_2180 : i32 to vector<32x128xi32>
    %and3A_2182 = arith.andi %shift_right_arithmetic3A_2179, %and3A_2181 : vector<32x128xi32>
    %xor3A_2183 = arith.xori %bitcast_convert_type3A_2176, %and3A_2182 : vector<32x128xi32>
    %swap3A_2184 = arith.constant 1 : index
    %swap3A_2185 = arith.constant 160 : index
    %swap3A_2186 = arith.constant 0 : index
    %swap3A_2187 = vector.load %arg5[%swap3A_2184, %swap3A_2185, %swap3A_2186] : memref<4x288x128xi32, #tpu.memory_space<vmem>>, vector<1x32x128xi32>
    %swap3A_2188 = vector.shape_cast %swap3A_2187 : vector<1x32x128xi32> to vector<32x128xi32>
    %swap3A_2189 = vector.shape_cast %xor3A_2183 : vector<32x128xi32> to vector<1x32x128xi32>
    tpu.vector_store %arg5[%swap3A_2184, %swap3A_2185, %swap3A_2186], %swap3A_2189 {strides = array<i32>} : memref<4x288x128xi32, #tpu.memory_space<vmem>>, vector<1x32x128xi32>,
    %get3A_2190 = arith.constant 1 : index
    %get3A_2191 = arith.constant 24 : index
    %get3A_2192 = arith.constant 0 : index
    %get3A_2193 = arith.constant 0 : index
    %get3A_2194 = vector.load %arg1[%get3A_2190, %get3A_2191, %get3A_2192, %get3A_2193] : memref<4x36x32x128xf32, #tpu.memory_space<vmem>>, vector<1x1x32x128xf32>
    %get3A_2195 = vector.shape_cast %get3A_2194 : vector<1x1x32x128xf32> to vector<32x128xf32>
    %mul3A_2196 = arith.mulf %get3A_2195, %add3A_248 : vector<32x128xf32>
    %add3A_2197 = arith.addf %mul3A_2196, %add3A_256 : vector<32x128xf32>
    %get3A_2198 = arith.constant 1 : index
    %get3A_2199 = arith.constant 25 : index
    %get3A_2200 = arith.constant 0 : index
    %get3A_2201 = arith.constant 0 : index
    %get3A_2202 = vector.load %arg1[%get3A_2198, %get3A_2199, %get3A_2200, %get3A_2201] : memref<4x36x32x128xf32, #tpu.memory_space<vmem>>, vector<1x1x32x128xf32>
    %get3A_2203 = vector.shape_cast %get3A_2202 : vector<1x1x32x128xf32> to vector<32x128xf32>
    %mul3A_2204 = arith.mulf %get3A_2203, %add3A_252 : vector<32x128xf32>
    %add3A_2205 = arith.addf %mul3A_2204, %add3A_260 : vector<32x128xf32>
    %get3A_2206 = arith.constant 1 : index
    %get3A_2207 = arith.constant 26 : index
    %get3A_2208 = arith.constant 0 : index
    %get3A_2209 = arith.constant 0 : index
    %get3A_2210 = vector.load %arg1[%get3A_2206, %get3A_2207, %get3A_2208, %get3A_2209] : memref<4x36x32x128xf32, #tpu.memory_space<vmem>>, vector<1x1x32x128xf32>
    %get3A_2211 = vector.shape_cast %get3A_2210 : vector<1x1x32x128xf32> to vector<32x128xf32>
    %exp3A_2212 = math.exp %get3A_2211 : vector<32x128xf32>
    %mul3A_2213 = arith.mulf %exp3A_2212, %add3A_248 : vector<32x128xf32>
    %get3A_2214 = arith.constant 1 : index
    %get3A_2215 = arith.constant 27 : index
    %get3A_2216 = arith.constant 0 : index
    %get3A_2217 = arith.constant 0 : index
    %get3A_2218 = vector.load %arg1[%get3A_2214, %get3A_2215, %get3A_2216, %get3A_2217] : memref<4x36x32x128xf32, #tpu.memory_space<vmem>>, vector<1x1x32x128xf32>
    %get3A_2219 = vector.shape_cast %get3A_2218 : vector<1x1x32x128xf32> to vector<32x128xf32>
    %exp3A_2220 = math.exp %get3A_2219 : vector<32x128xf32>
    %mul3A_2221 = arith.mulf %exp3A_2220, %add3A_252 : vector<32x128xf32>
    %mul3A_2222 = arith.constant 5.000000e-01 : f32
    %mul3A_2223 = vector.broadcast %mul3A_2222 : f32 to vector<32x128xf32>
    %mul3A_2224 = arith.mulf %mul3A_2223, %mul3A_2213 : vector<32x128xf32>
    %sub3A_2225 = arith.subf %add3A_2197, %mul3A_2224 : vector<32x128xf32>
    %jit3A_2226 = arith.constant 0.000000e+00 : f32
    %max3A_2227 = vector.broadcast %jit3A_2226 : f32 to vector<32x128xf32>
    %max3A_2228 = arith.maximumf %max3A_2227, %sub3A_2225 : vector<32x128xf32>
    %min3A_2229 = vector.broadcast %sub3A_1451 : f32 to vector<32x128xf32>
    %min3A_2230 = arith.minimumf %min3A_2229, %max3A_2228 : vector<32x128xf32>
    %swap3A_2231 = arith.constant 0 : index
    %swap3A_2232 = arith.constant 1 : index
    %swap3A_2233 = arith.constant 192 : index
    %swap3A_2234 = arith.constant 0 : index
    %swap3A_2235 = vector.load %arg4[%swap3A_2231, %swap3A_2232, %swap3A_2233, %swap3A_2234] : memref<5x4x288x128xf32, #tpu.memory_space<vmem>>, vector<1x1x32x128xf32>
    %swap3A_2236 = vector.shape_cast %swap3A_2235 : vector<1x1x32x128xf32> to vector<32x128xf32>
    %swap3A_2237 = vector.shape_cast %min3A_2230 : vector<32x128xf32> to vector<1x1x32x128xf32>
    tpu.vector_store %arg4[%swap3A_2231, %swap3A_2232, %swap3A_2233, %swap3A_2234], %swap3A_2237 {strides = array<i32>} : memref<5x4x288x128xf32, #tpu.memory_space<vmem>>, vector<1x1x32x128xf32>,
    %mul3A_2238 = arith.constant 5.000000e-01 : f32
    %mul3A_2239 = vector.broadcast %mul3A_2238 : f32 to vector<32x128xf32>
    %mul3A_2240 = arith.mulf %mul3A_2239, %mul3A_2221 : vector<32x128xf32>
    %sub3A_2241 = arith.subf %add3A_2205, %mul3A_2240 : vector<32x128xf32>
    %jit3A_2242 = arith.constant 0.000000e+00 : f32
    %max3A_2243 = vector.broadcast %jit3A_2242 : f32 to vector<32x128xf32>
    %max3A_2244 = arith.maximumf %max3A_2243, %sub3A_2241 : vector<32x128xf32>
    %min3A_2245 = vector.broadcast %sub3A_1446 : f32 to vector<32x128xf32>
    %min3A_2246 = arith.minimumf %min3A_2245, %max3A_2244 : vector<32x128xf32>
    %swap3A_2247 = arith.constant 1 : index
    %swap3A_2248 = arith.constant 1 : index
    %swap3A_2249 = arith.constant 192 : index
    %swap3A_2250 = arith.constant 0 : index
    %swap3A_2251 = vector.load %arg4[%swap3A_2247, %swap3A_2248, %swap3A_2249, %swap3A_2250] : memref<5x4x288x128xf32, #tpu.memory_space<vmem>>, vector<1x1x32x128xf32>
    %swap3A_2252 = vector.shape_cast %swap3A_2251 : vector<1x1x32x128xf32> to vector<32x128xf32>
    %swap3A_2253 = vector.shape_cast %min3A_2246 : vector<32x128xf32> to vector<1x1x32x128xf32>
    tpu.vector_store %arg4[%swap3A_2247, %swap3A_2248, %swap3A_2249, %swap3A_2250], %swap3A_2253 {strides = array<i32>} : memref<5x4x288x128xf32, #tpu.memory_space<vmem>>, vector<1x1x32x128xf32>,
    %mul3A_2254 = arith.constant 5.000000e-01 : f32
    %mul3A_2255 = vector.broadcast %mul3A_2254 : f32 to vector<32x128xf32>
    %mul3A_2256 = arith.mulf %mul3A_2255, %mul3A_2213 : vector<32x128xf32>
    %add3A_2257 = arith.addf %add3A_2197, %mul3A_2256 : vector<32x128xf32>
    %jit3A_2258 = arith.constant 0.000000e+00 : f32
    %max3A_2259 = vector.broadcast %jit3A_2258 : f32 to vector<32x128xf32>
    %max3A_2260 = arith.maximumf %max3A_2259, %add3A_2257 : vector<32x128xf32>
    %min3A_2261 = vector.broadcast %sub3A_1451 : f32 to vector<32x128xf32>
    %min3A_2262 = arith.minimumf %min3A_2261, %max3A_2260 : vector<32x128xf32>
    %swap3A_2263 = arith.constant 2 : index
    %swap3A_2264 = arith.constant 1 : index
    %swap3A_2265 = arith.constant 192 : index
    %swap3A_2266 = arith.constant 0 : index
    %swap3A_2267 = vector.load %arg4[%swap3A_2263, %swap3A_2264, %swap3A_2265, %swap3A_2266] : memref<5x4x288x128xf32, #tpu.memory_space<vmem>>, vector<1x1x32x128xf32>
    %swap3A_2268 = vector.shape_cast %swap3A_2267 : vector<1x1x32x128xf32> to vector<32x128xf32>
    %swap3A_2269 = vector.shape_cast %min3A_2262 : vector<32x128xf32> to vector<1x1x32x128xf32>
    tpu.vector_store %arg4[%swap3A_2263, %swap3A_2264, %swap3A_2265, %swap3A_2266], %swap3A_2269 {strides = array<i32>} : memref<5x4x288x128xf32, #tpu.memory_space<vmem>>, vector<1x1x32x128xf32>,
    %mul3A_2270 = arith.constant 5.000000e-01 : f32
    %mul3A_2271 = vector.broadcast %mul3A_2270 : f32 to vector<32x128xf32>
    %mul3A_2272 = arith.mulf %mul3A_2271, %mul3A_2221 : vector<32x128xf32>
    %add3A_2273 = arith.addf %add3A_2205, %mul3A_2272 : vector<32x128xf32>
    %jit3A_2274 = arith.constant 0.000000e+00 : f32
    %max3A_2275 = vector.broadcast %jit3A_2274 : f32 to vector<32x128xf32>
    %max3A_2276 = arith.maximumf %max3A_2275, %add3A_2273 : vector<32x128xf32>
    %min3A_2277 = vector.broadcast %sub3A_1446 : f32 to vector<32x128xf32>
    %min3A_2278 = arith.minimumf %min3A_2277, %max3A_2276 : vector<32x128xf32>
    %swap3A_2279 = arith.constant 3 : index
    %swap3A_2280 = arith.constant 1 : index
    %swap3A_2281 = arith.constant 192 : index
    %swap3A_2282 = arith.constant 0 : index
    %swap3A_2283 = vector.load %arg4[%swap3A_2279, %swap3A_2280, %swap3A_2281, %swap3A_2282] : memref<5x4x288x128xf32, #tpu.memory_space<vmem>>, vector<1x1x32x128xf32>
    %swap3A_2284 = vector.shape_cast %swap3A_2283 : vector<1x1x32x128xf32> to vector<32x128xf32>
    %swap3A_2285 = vector.shape_cast %min3A_2278 : vector<32x128xf32> to vector<1x1x32x128xf32>
    tpu.vector_store %arg4[%swap3A_2279, %swap3A_2280, %swap3A_2281, %swap3A_2282], %swap3A_2285 {strides = array<i32>} : memref<5x4x288x128xf32, #tpu.memory_space<vmem>>, vector<1x1x32x128xf32>,
    %get3A_2286 = arith.constant 1 : index
    %get3A_2287 = arith.constant 15 : index
    %get3A_2288 = arith.constant 0 : index
    %get3A_2289 = arith.constant 0 : index
    %get3A_2290 = vector.load %arg0[%get3A_2286, %get3A_2287, %get3A_2288, %get3A_2289] : memref<4x18x32x128xf32, #tpu.memory_space<vmem>>, vector<1x1x32x128xf32>
    %get3A_2291 = vector.shape_cast %get3A_2290 : vector<1x1x32x128xf32> to vector<32x128xf32>
    %swap3A_2292 = arith.constant 4 : index
    %swap3A_2293 = arith.constant 1 : index
    %swap3A_2294 = arith.constant 192 : index
    %swap3A_2295 = arith.constant 0 : index
    %swap3A_2296 = vector.load %arg4[%swap3A_2292, %swap3A_2293, %swap3A_2294, %swap3A_2295] : memref<5x4x288x128xf32, #tpu.memory_space<vmem>>, vector<1x1x32x128xf32>
    %swap3A_2297 = vector.shape_cast %swap3A_2296 : vector<1x1x32x128xf32> to vector<32x128xf32>
    %swap3A_2298 = vector.shape_cast %get3A_2291 : vector<32x128xf32> to vector<1x1x32x128xf32>
    tpu.vector_store %arg4[%swap3A_2292, %swap3A_2293, %swap3A_2294, %swap3A_2295], %swap3A_2298 {strides = array<i32>} : memref<5x4x288x128xf32, #tpu.memory_space<vmem>>, vector<1x1x32x128xf32>,
    %bitcast_convert_type3A_2299 = tpu.bitcast %get3A_2291 : vector<32x128xf32> -> vector<32x128xi32>
    %shift_right_arithmetic3A_2300 = arith.constant 31 : i32
    %shift_right_arithmetic3A_2301 = vector.broadcast %shift_right_arithmetic3A_2300 : i32 to vector<32x128xi32>
    %shift_right_arithmetic3A_2302 = arith.shrsi %bitcast_convert_type3A_2299, %shift_right_arithmetic3A_2301 : vector<32x128xi32>
    %and3A_2303 = arith.constant 2147483647 : i32
    %and3A_2304 = vector.broadcast %and3A_2303 : i32 to vector<32x128xi32>
    %and3A_2305 = arith.andi %shift_right_arithmetic3A_2302, %and3A_2304 : vector<32x128xi32>
    %xor3A_2306 = arith.xori %bitcast_convert_type3A_2299, %and3A_2305 : vector<32x128xi32>
    %swap3A_2307 = arith.constant 1 : index
    %swap3A_2308 = arith.constant 192 : index
    %swap3A_2309 = arith.constant 0 : index
    %swap3A_2310 = vector.load %arg5[%swap3A_2307, %swap3A_2308, %swap3A_2309] : memref<4x288x128xi32, #tpu.memory_space<vmem>>, vector<1x32x128xi32>
    %swap3A_2311 = vector.shape_cast %swap3A_2310 : vector<1x32x128xi32> to vector<32x128xi32>
    %swap3A_2312 = vector.shape_cast %xor3A_2306 : vector<32x128xi32> to vector<1x32x128xi32>
    tpu.vector_store %arg5[%swap3A_2307, %swap3A_2308, %swap3A_2309], %swap3A_2312 {strides = array<i32>} : memref<4x288x128xi32, #tpu.memory_space<vmem>>, vector<1x32x128xi32>,
    %get3A_2313 = arith.constant 1 : index
    %get3A_2314 = arith.constant 28 : index
    %get3A_2315 = arith.constant 0 : index
    %get3A_2316 = arith.constant 0 : index
    %get3A_2317 = vector.load %arg1[%get3A_2313, %get3A_2314, %get3A_2315, %get3A_2316] : memref<4x36x32x128xf32, #tpu.memory_space<vmem>>, vector<1x1x32x128xf32>
    %get3A_2318 = vector.shape_cast %get3A_2317 : vector<1x1x32x128xf32> to vector<32x128xf32>
    %mul3A_2319 = arith.mulf %get3A_2318, %add3A_284 : vector<32x128xf32>
    %add3A_2320 = arith.addf %mul3A_2319, %add3A_292 : vector<32x128xf32>
    %get3A_2321 = arith.constant 1 : index
    %get3A_2322 = arith.constant 29 : index
    %get3A_2323 = arith.constant 0 : index
    %get3A_2324 = arith.constant 0 : index
    %get3A_2325 = vector.load %arg1[%get3A_2321, %get3A_2322, %get3A_2323, %get3A_2324] : memref<4x36x32x128xf32, #tpu.memory_space<vmem>>, vector<1x1x32x128xf32>
    %get3A_2326 = vector.shape_cast %get3A_2325 : vector<1x1x32x128xf32> to vector<32x128xf32>
    %mul3A_2327 = arith.mulf %get3A_2326, %add3A_288 : vector<32x128xf32>
    %add3A_2328 = arith.addf %mul3A_2327, %add3A_296 : vector<32x128xf32>
    %get3A_2329 = arith.constant 1 : index
    %get3A_2330 = arith.constant 30 : index
    %get3A_2331 = arith.constant 0 : index
    %get3A_2332 = arith.constant 0 : index
    %get3A_2333 = vector.load %arg1[%get3A_2329, %get3A_2330, %get3A_2331, %get3A_2332] : memref<4x36x32x128xf32, #tpu.memory_space<vmem>>, vector<1x1x32x128xf32>
    %get3A_2334 = vector.shape_cast %get3A_2333 : vector<1x1x32x128xf32> to vector<32x128xf32>
    %exp3A_2335 = math.exp %get3A_2334 : vector<32x128xf32>
    %mul3A_2336 = arith.mulf %exp3A_2335, %add3A_284 : vector<32x128xf32>
    %get3A_2337 = arith.constant 1 : index
    %get3A_2338 = arith.constant 31 : index
    %get3A_2339 = arith.constant 0 : index
    %get3A_2340 = arith.constant 0 : index
    %get3A_2341 = vector.load %arg1[%get3A_2337, %get3A_2338, %get3A_2339, %get3A_2340] : memref<4x36x32x128xf32, #tpu.memory_space<vmem>>, vector<1x1x32x128xf32>
    %get3A_2342 = vector.shape_cast %get3A_2341 : vector<1x1x32x128xf32> to vector<32x128xf32>
    %exp3A_2343 = math.exp %get3A_2342 : vector<32x128xf32>
    %mul3A_2344 = arith.mulf %exp3A_2343, %add3A_288 : vector<32x128xf32>
    %mul3A_2345 = arith.constant 5.000000e-01 : f32
    %mul3A_2346 = vector.broadcast %mul3A_2345 : f32 to vector<32x128xf32>
    %mul3A_2347 = arith.mulf %mul3A_2346, %mul3A_2336 : vector<32x128xf32>
    %sub3A_2348 = arith.subf %add3A_2320, %mul3A_2347 : vector<32x128xf32>
    %jit3A_2349 = arith.constant 0.000000e+00 : f32
    %max3A_2350 = vector.broadcast %jit3A_2349 : f32 to vector<32x128xf32>
    %max3A_2351 = arith.maximumf %max3A_2350, %sub3A_2348 : vector<32x128xf32>
    %min3A_2352 = vector.broadcast %sub3A_1451 : f32 to vector<32x128xf32>
    %min3A_2353 = arith.minimumf %min3A_2352, %max3A_2351 : vector<32x128xf32>
    %swap3A_2354 = arith.constant 0 : index
    %swap3A_2355 = arith.constant 1 : index
    %swap3A_2356 = arith.constant 224 : index
    %swap3A_2357 = arith.constant 0 : index
    %swap3A_2358 = vector.load %arg4[%swap3A_2354, %swap3A_2355, %swap3A_2356, %swap3A_2357] : memref<5x4x288x128xf32, #tpu.memory_space<vmem>>, vector<1x1x32x128xf32>
    %swap3A_2359 = vector.shape_cast %swap3A_2358 : vector<1x1x32x128xf32> to vector<32x128xf32>
    %swap3A_2360 = vector.shape_cast %min3A_2353 : vector<32x128xf32> to vector<1x1x32x128xf32>
    tpu.vector_store %arg4[%swap3A_2354, %swap3A_2355, %swap3A_2356, %swap3A_2357], %swap3A_2360 {strides = array<i32>} : memref<5x4x288x128xf32, #tpu.memory_space<vmem>>, vector<1x1x32x128xf32>,
    %mul3A_2361 = arith.constant 5.000000e-01 : f32
    %mul3A_2362 = vector.broadcast %mul3A_2361 : f32 to vector<32x128xf32>
    %mul3A_2363 = arith.mulf %mul3A_2362, %mul3A_2344 : vector<32x128xf32>
    %sub3A_2364 = arith.subf %add3A_2328, %mul3A_2363 : vector<32x128xf32>
    %jit3A_2365 = arith.constant 0.000000e+00 : f32
    %max3A_2366 = vector.broadcast %jit3A_2365 : f32 to vector<32x128xf32>
    %max3A_2367 = arith.maximumf %max3A_2366, %sub3A_2364 : vector<32x128xf32>
    %min3A_2368 = vector.broadcast %sub3A_1446 : f32 to vector<32x128xf32>
    %min3A_2369 = arith.minimumf %min3A_2368, %max3A_2367 : vector<32x128xf32>
    %swap3A_2370 = arith.constant 1 : index
    %swap3A_2371 = arith.constant 1 : index
    %swap3A_2372 = arith.constant 224 : index
    %swap3A_2373 = arith.constant 0 : index
    %swap3A_2374 = vector.load %arg4[%swap3A_2370, %swap3A_2371, %swap3A_2372, %swap3A_2373] : memref<5x4x288x128xf32, #tpu.memory_space<vmem>>, vector<1x1x32x128xf32>
    %swap3A_2375 = vector.shape_cast %swap3A_2374 : vector<1x1x32x128xf32> to vector<32x128xf32>
    %swap3A_2376 = vector.shape_cast %min3A_2369 : vector<32x128xf32> to vector<1x1x32x128xf32>
    tpu.vector_store %arg4[%swap3A_2370, %swap3A_2371, %swap3A_2372, %swap3A_2373], %swap3A_2376 {strides = array<i32>} : memref<5x4x288x128xf32, #tpu.memory_space<vmem>>, vector<1x1x32x128xf32>,
    %mul3A_2377 = arith.constant 5.000000e-01 : f32
    %mul3A_2378 = vector.broadcast %mul3A_2377 : f32 to vector<32x128xf32>
    %mul3A_2379 = arith.mulf %mul3A_2378, %mul3A_2336 : vector<32x128xf32>
    %add3A_2380 = arith.addf %add3A_2320, %mul3A_2379 : vector<32x128xf32>
    %jit3A_2381 = arith.constant 0.000000e+00 : f32
    %max3A_2382 = vector.broadcast %jit3A_2381 : f32 to vector<32x128xf32>
    %max3A_2383 = arith.maximumf %max3A_2382, %add3A_2380 : vector<32x128xf32>
    %min3A_2384 = vector.broadcast %sub3A_1451 : f32 to vector<32x128xf32>
    %min3A_2385 = arith.minimumf %min3A_2384, %max3A_2383 : vector<32x128xf32>
    %swap3A_2386 = arith.constant 2 : index
    %swap3A_2387 = arith.constant 1 : index
    %swap3A_2388 = arith.constant 224 : index
    %swap3A_2389 = arith.constant 0 : index
    %swap3A_2390 = vector.load %arg4[%swap3A_2386, %swap3A_2387, %swap3A_2388, %swap3A_2389] : memref<5x4x288x128xf32, #tpu.memory_space<vmem>>, vector<1x1x32x128xf32>
    %swap3A_2391 = vector.shape_cast %swap3A_2390 : vector<1x1x32x128xf32> to vector<32x128xf32>
    %swap3A_2392 = vector.shape_cast %min3A_2385 : vector<32x128xf32> to vector<1x1x32x128xf32>
    tpu.vector_store %arg4[%swap3A_2386, %swap3A_2387, %swap3A_2388, %swap3A_2389], %swap3A_2392 {strides = array<i32>} : memref<5x4x288x128xf32, #tpu.memory_space<vmem>>, vector<1x1x32x128xf32>,
    %mul3A_2393 = arith.constant 5.000000e-01 : f32
    %mul3A_2394 = vector.broadcast %mul3A_2393 : f32 to vector<32x128xf32>
    %mul3A_2395 = arith.mulf %mul3A_2394, %mul3A_2344 : vector<32x128xf32>
    %add3A_2396 = arith.addf %add3A_2328, %mul3A_2395 : vector<32x128xf32>
    %jit3A_2397 = arith.constant 0.000000e+00 : f32
    %max3A_2398 = vector.broadcast %jit3A_2397 : f32 to vector<32x128xf32>
    %max3A_2399 = arith.maximumf %max3A_2398, %add3A_2396 : vector<32x128xf32>
    %min3A_2400 = vector.broadcast %sub3A_1446 : f32 to vector<32x128xf32>
    %min3A_2401 = arith.minimumf %min3A_2400, %max3A_2399 : vector<32x128xf32>
    %swap3A_2402 = arith.constant 3 : index
    %swap3A_2403 = arith.constant 1 : index
    %swap3A_2404 = arith.constant 224 : index
    %swap3A_2405 = arith.constant 0 : index
    %swap3A_2406 = vector.load %arg4[%swap3A_2402, %swap3A_2403, %swap3A_2404, %swap3A_2405] : memref<5x4x288x128xf32, #tpu.memory_space<vmem>>, vector<1x1x32x128xf32>
    %swap3A_2407 = vector.shape_cast %swap3A_2406 : vector<1x1x32x128xf32> to vector<32x128xf32>
    %swap3A_2408 = vector.shape_cast %min3A_2401 : vector<32x128xf32> to vector<1x1x32x128xf32>
    tpu.vector_store %arg4[%swap3A_2402, %swap3A_2403, %swap3A_2404, %swap3A_2405], %swap3A_2408 {strides = array<i32>} : memref<5x4x288x128xf32, #tpu.memory_space<vmem>>, vector<1x1x32x128xf32>,
    %get3A_2409 = arith.constant 1 : index
    %get3A_2410 = arith.constant 16 : index
    %get3A_2411 = arith.constant 0 : index
    %get3A_2412 = arith.constant 0 : index
    %get3A_2413 = vector.load %arg0[%get3A_2409, %get3A_2410, %get3A_2411, %get3A_2412] : memref<4x18x32x128xf32, #tpu.memory_space<vmem>>, vector<1x1x32x128xf32>
    %get3A_2414 = vector.shape_cast %get3A_2413 : vector<1x1x32x128xf32> to vector<32x128xf32>
    %swap3A_2415 = arith.constant 4 : index
    %swap3A_2416 = arith.constant 1 : index
    %swap3A_2417 = arith.constant 224 : index
    %swap3A_2418 = arith.constant 0 : index
    %swap3A_2419 = vector.load %arg4[%swap3A_2415, %swap3A_2416, %swap3A_2417, %swap3A_2418] : memref<5x4x288x128xf32, #tpu.memory_space<vmem>>, vector<1x1x32x128xf32>
    %swap3A_2420 = vector.shape_cast %swap3A_2419 : vector<1x1x32x128xf32> to vector<32x128xf32>
    %swap3A_2421 = vector.shape_cast %get3A_2414 : vector<32x128xf32> to vector<1x1x32x128xf32>
    tpu.vector_store %arg4[%swap3A_2415, %swap3A_2416, %swap3A_2417, %swap3A_2418], %swap3A_2421 {strides = array<i32>} : memref<5x4x288x128xf32, #tpu.memory_space<vmem>>, vector<1x1x32x128xf32>,
    %bitcast_convert_type3A_2422 = tpu.bitcast %get3A_2414 : vector<32x128xf32> -> vector<32x128xi32>
    %shift_right_arithmetic3A_2423 = arith.constant 31 : i32
    %shift_right_arithmetic3A_2424 = vector.broadcast %shift_right_arithmetic3A_2423 : i32 to vector<32x128xi32>
    %shift_right_arithmetic3A_2425 = arith.shrsi %bitcast_convert_type3A_2422, %shift_right_arithmetic3A_2424 : vector<32x128xi32>
    %and3A_2426 = arith.constant 2147483647 : i32
    %and3A_2427 = vector.broadcast %and3A_2426 : i32 to vector<32x128xi32>
    %and3A_2428 = arith.andi %shift_right_arithmetic3A_2425, %and3A_2427 : vector<32x128xi32>
    %xor3A_2429 = arith.xori %bitcast_convert_type3A_2422, %and3A_2428 : vector<32x128xi32>
    %swap3A_2430 = arith.constant 1 : index
    %swap3A_2431 = arith.constant 224 : index
    %swap3A_2432 = arith.constant 0 : index
    %swap3A_2433 = vector.load %arg5[%swap3A_2430, %swap3A_2431, %swap3A_2432] : memref<4x288x128xi32, #tpu.memory_space<vmem>>, vector<1x32x128xi32>
    %swap3A_2434 = vector.shape_cast %swap3A_2433 : vector<1x32x128xi32> to vector<32x128xi32>
    %swap3A_2435 = vector.shape_cast %xor3A_2429 : vector<32x128xi32> to vector<1x32x128xi32>
    tpu.vector_store %arg5[%swap3A_2430, %swap3A_2431, %swap3A_2432], %swap3A_2435 {strides = array<i32>} : memref<4x288x128xi32, #tpu.memory_space<vmem>>, vector<1x32x128xi32>,
    %get3A_2436 = arith.constant 1 : index
    %get3A_2437 = arith.constant 32 : index
    %get3A_2438 = arith.constant 0 : index
    %get3A_2439 = arith.constant 0 : index
    %get3A_2440 = vector.load %arg1[%get3A_2436, %get3A_2437, %get3A_2438, %get3A_2439] : memref<4x36x32x128xf32, #tpu.memory_space<vmem>>, vector<1x1x32x128xf32>
    %get3A_2441 = vector.shape_cast %get3A_2440 : vector<1x1x32x128xf32> to vector<32x128xf32>
    %mul3A_2442 = arith.mulf %get3A_2441, %add3A_320 : vector<32x128xf32>
    %add3A_2443 = arith.addf %mul3A_2442, %add3A_328 : vector<32x128xf32>
    %get3A_2444 = arith.constant 1 : index
    %get3A_2445 = arith.constant 33 : index
    %get3A_2446 = arith.constant 0 : index
    %get3A_2447 = arith.constant 0 : index
    %get3A_2448 = vector.load %arg1[%get3A_2444, %get3A_2445, %get3A_2446, %get3A_2447] : memref<4x36x32x128xf32, #tpu.memory_space<vmem>>, vector<1x1x32x128xf32>
    %get3A_2449 = vector.shape_cast %get3A_2448 : vector<1x1x32x128xf32> to vector<32x128xf32>
    %mul3A_2450 = arith.mulf %get3A_2449, %add3A_324 : vector<32x128xf32>
    %add3A_2451 = arith.addf %mul3A_2450, %add3A_332 : vector<32x128xf32>
    %get3A_2452 = arith.constant 1 : index
    %get3A_2453 = arith.constant 34 : index
    %get3A_2454 = arith.constant 0 : index
    %get3A_2455 = arith.constant 0 : index
    %get3A_2456 = vector.load %arg1[%get3A_2452, %get3A_2453, %get3A_2454, %get3A_2455] : memref<4x36x32x128xf32, #tpu.memory_space<vmem>>, vector<1x1x32x128xf32>
    %get3A_2457 = vector.shape_cast %get3A_2456 : vector<1x1x32x128xf32> to vector<32x128xf32>
    %exp3A_2458 = math.exp %get3A_2457 : vector<32x128xf32>
    %mul3A_2459 = arith.mulf %exp3A_2458, %add3A_320 : vector<32x128xf32>
    %get3A_2460 = arith.constant 1 : index
    %get3A_2461 = arith.constant 35 : index
    %get3A_2462 = arith.constant 0 : index
    %get3A_2463 = arith.constant 0 : index
    %get3A_2464 = vector.load %arg1[%get3A_2460, %get3A_2461, %get3A_2462, %get3A_2463] : memref<4x36x32x128xf32, #tpu.memory_space<vmem>>, vector<1x1x32x128xf32>
    %get3A_2465 = vector.shape_cast %get3A_2464 : vector<1x1x32x128xf32> to vector<32x128xf32>
    %exp3A_2466 = math.exp %get3A_2465 : vector<32x128xf32>
    %mul3A_2467 = arith.mulf %exp3A_2466, %add3A_324 : vector<32x128xf32>
    %mul3A_2468 = arith.constant 5.000000e-01 : f32
    %mul3A_2469 = vector.broadcast %mul3A_2468 : f32 to vector<32x128xf32>
    %mul3A_2470 = arith.mulf %mul3A_2469, %mul3A_2459 : vector<32x128xf32>
    %sub3A_2471 = arith.subf %add3A_2443, %mul3A_2470 : vector<32x128xf32>
    %jit3A_2472 = arith.constant 0.000000e+00 : f32
    %max3A_2473 = vector.broadcast %jit3A_2472 : f32 to vector<32x128xf32>
    %max3A_2474 = arith.maximumf %max3A_2473, %sub3A_2471 : vector<32x128xf32>
    %min3A_2475 = vector.broadcast %sub3A_1451 : f32 to vector<32x128xf32>
    %min3A_2476 = arith.minimumf %min3A_2475, %max3A_2474 : vector<32x128xf32>
    %swap3A_2477 = arith.constant 0 : index
    %swap3A_2478 = arith.constant 1 : index
    %swap3A_2479 = arith.constant 256 : index
    %swap3A_2480 = arith.constant 0 : index
    %swap3A_2481 = vector.load %arg4[%swap3A_2477, %swap3A_2478, %swap3A_2479, %swap3A_2480] : memref<5x4x288x128xf32, #tpu.memory_space<vmem>>, vector<1x1x32x128xf32>
    %swap3A_2482 = vector.shape_cast %swap3A_2481 : vector<1x1x32x128xf32> to vector<32x128xf32>
    %swap3A_2483 = vector.shape_cast %min3A_2476 : vector<32x128xf32> to vector<1x1x32x128xf32>
    tpu.vector_store %arg4[%swap3A_2477, %swap3A_2478, %swap3A_2479, %swap3A_2480], %swap3A_2483 {strides = array<i32>} : memref<5x4x288x128xf32, #tpu.memory_space<vmem>>, vector<1x1x32x128xf32>,
    %mul3A_2484 = arith.constant 5.000000e-01 : f32
    %mul3A_2485 = vector.broadcast %mul3A_2484 : f32 to vector<32x128xf32>
    %mul3A_2486 = arith.mulf %mul3A_2485, %mul3A_2467 : vector<32x128xf32>
    %sub3A_2487 = arith.subf %add3A_2451, %mul3A_2486 : vector<32x128xf32>
    %jit3A_2488 = arith.constant 0.000000e+00 : f32
    %max3A_2489 = vector.broadcast %jit3A_2488 : f32 to vector<32x128xf32>
    %max3A_2490 = arith.maximumf %max3A_2489, %sub3A_2487 : vector<32x128xf32>
    %min3A_2491 = vector.broadcast %sub3A_1446 : f32 to vector<32x128xf32>
    %min3A_2492 = arith.minimumf %min3A_2491, %max3A_2490 : vector<32x128xf32>
    %swap3A_2493 = arith.constant 1 : index
    %swap3A_2494 = arith.constant 1 : index
    %swap3A_2495 = arith.constant 256 : index
    %swap3A_2496 = arith.constant 0 : index
    %swap3A_2497 = vector.load %arg4[%swap3A_2493, %swap3A_2494, %swap3A_2495, %swap3A_2496] : memref<5x4x288x128xf32, #tpu.memory_space<vmem>>, vector<1x1x32x128xf32>
    %swap3A_2498 = vector.shape_cast %swap3A_2497 : vector<1x1x32x128xf32> to vector<32x128xf32>
    %swap3A_2499 = vector.shape_cast %min3A_2492 : vector<32x128xf32> to vector<1x1x32x128xf32>
    tpu.vector_store %arg4[%swap3A_2493, %swap3A_2494, %swap3A_2495, %swap3A_2496], %swap3A_2499 {strides = array<i32>} : memref<5x4x288x128xf32, #tpu.memory_space<vmem>>, vector<1x1x32x128xf32>,
    %mul3A_2500 = arith.constant 5.000000e-01 : f32
    %mul3A_2501 = vector.broadcast %mul3A_2500 : f32 to vector<32x128xf32>
    %mul3A_2502 = arith.mulf %mul3A_2501, %mul3A_2459 : vector<32x128xf32>
    %add3A_2503 = arith.addf %add3A_2443, %mul3A_2502 : vector<32x128xf32>
    %jit3A_2504 = arith.constant 0.000000e+00 : f32
    %max3A_2505 = vector.broadcast %jit3A_2504 : f32 to vector<32x128xf32>
    %max3A_2506 = arith.maximumf %max3A_2505, %add3A_2503 : vector<32x128xf32>
    %min3A_2507 = vector.broadcast %sub3A_1451 : f32 to vector<32x128xf32>
    %min3A_2508 = arith.minimumf %min3A_2507, %max3A_2506 : vector<32x128xf32>
    %swap3A_2509 = arith.constant 2 : index
    %swap3A_2510 = arith.constant 1 : index
    %swap3A_2511 = arith.constant 256 : index
    %swap3A_2512 = arith.constant 0 : index
    %swap3A_2513 = vector.load %arg4[%swap3A_2509, %swap3A_2510, %swap3A_2511, %swap3A_2512] : memref<5x4x288x128xf32, #tpu.memory_space<vmem>>, vector<1x1x32x128xf32>
    %swap3A_2514 = vector.shape_cast %swap3A_2513 : vector<1x1x32x128xf32> to vector<32x128xf32>
    %swap3A_2515 = vector.shape_cast %min3A_2508 : vector<32x128xf32> to vector<1x1x32x128xf32>
    tpu.vector_store %arg4[%swap3A_2509, %swap3A_2510, %swap3A_2511, %swap3A_2512], %swap3A_2515 {strides = array<i32>} : memref<5x4x288x128xf32, #tpu.memory_space<vmem>>, vector<1x1x32x128xf32>,
    %mul3A_2516 = arith.constant 5.000000e-01 : f32
    %mul3A_2517 = vector.broadcast %mul3A_2516 : f32 to vector<32x128xf32>
    %mul3A_2518 = arith.mulf %mul3A_2517, %mul3A_2467 : vector<32x128xf32>
    %add3A_2519 = arith.addf %add3A_2451, %mul3A_2518 : vector<32x128xf32>
    %jit3A_2520 = arith.constant 0.000000e+00 : f32
    %max3A_2521 = vector.broadcast %jit3A_2520 : f32 to vector<32x128xf32>
    %max3A_2522 = arith.maximumf %max3A_2521, %add3A_2519 : vector<32x128xf32>
    %min3A_2523 = vector.broadcast %sub3A_1446 : f32 to vector<32x128xf32>
    %min3A_2524 = arith.minimumf %min3A_2523, %max3A_2522 : vector<32x128xf32>
    %swap3A_2525 = arith.constant 3 : index
    %swap3A_2526 = arith.constant 1 : index
    %swap3A_2527 = arith.constant 256 : index
    %swap3A_2528 = arith.constant 0 : index
    %swap3A_2529 = vector.load %arg4[%swap3A_2525, %swap3A_2526, %swap3A_2527, %swap3A_2528] : memref<5x4x288x128xf32, #tpu.memory_space<vmem>>, vector<1x1x32x128xf32>
    %swap3A_2530 = vector.shape_cast %swap3A_2529 : vector<1x1x32x128xf32> to vector<32x128xf32>
    %swap3A_2531 = vector.shape_cast %min3A_2524 : vector<32x128xf32> to vector<1x1x32x128xf32>
    tpu.vector_store %arg4[%swap3A_2525, %swap3A_2526, %swap3A_2527, %swap3A_2528], %swap3A_2531 {strides = array<i32>} : memref<5x4x288x128xf32, #tpu.memory_space<vmem>>, vector<1x1x32x128xf32>,
    %get3A_2532 = arith.constant 1 : index
    %get3A_2533 = arith.constant 17 : index
    %get3A_2534 = arith.constant 0 : index
    %get3A_2535 = arith.constant 0 : index
    %get3A_2536 = vector.load %arg0[%get3A_2532, %get3A_2533, %get3A_2534, %get3A_2535] : memref<4x18x32x128xf32, #tpu.memory_space<vmem>>, vector<1x1x32x128xf32>
    %get3A_2537 = vector.shape_cast %get3A_2536 : vector<1x1x32x128xf32> to vector<32x128xf32>
    %swap3A_2538 = arith.constant 4 : index
    %swap3A_2539 = arith.constant 1 : index
    %swap3A_2540 = arith.constant 256 : index
    %swap3A_2541 = arith.constant 0 : index
    %swap3A_2542 = vector.load %arg4[%swap3A_2538, %swap3A_2539, %swap3A_2540, %swap3A_2541] : memref<5x4x288x128xf32, #tpu.memory_space<vmem>>, vector<1x1x32x128xf32>
    %swap3A_2543 = vector.shape_cast %swap3A_2542 : vector<1x1x32x128xf32> to vector<32x128xf32>
    %swap3A_2544 = vector.shape_cast %get3A_2537 : vector<32x128xf32> to vector<1x1x32x128xf32>
    tpu.vector_store %arg4[%swap3A_2538, %swap3A_2539, %swap3A_2540, %swap3A_2541], %swap3A_2544 {strides = array<i32>} : memref<5x4x288x128xf32, #tpu.memory_space<vmem>>, vector<1x1x32x128xf32>,
    %bitcast_convert_type3A_2545 = tpu.bitcast %get3A_2537 : vector<32x128xf32> -> vector<32x128xi32>
    %shift_right_arithmetic3A_2546 = arith.constant 31 : i32
    %shift_right_arithmetic3A_2547 = vector.broadcast %shift_right_arithmetic3A_2546 : i32 to vector<32x128xi32>
    %shift_right_arithmetic3A_2548 = arith.shrsi %bitcast_convert_type3A_2545, %shift_right_arithmetic3A_2547 : vector<32x128xi32>
    %and3A_2549 = arith.constant 2147483647 : i32
    %and3A_2550 = vector.broadcast %and3A_2549 : i32 to vector<32x128xi32>
    %and3A_2551 = arith.andi %shift_right_arithmetic3A_2548, %and3A_2550 : vector<32x128xi32>
    %xor3A_2552 = arith.xori %bitcast_convert_type3A_2545, %and3A_2551 : vector<32x128xi32>
    %swap3A_2553 = arith.constant 1 : index
    %swap3A_2554 = arith.constant 256 : index
    %swap3A_2555 = arith.constant 0 : index
    %swap3A_2556 = vector.load %arg5[%swap3A_2553, %swap3A_2554, %swap3A_2555] : memref<4x288x128xi32, #tpu.memory_space<vmem>>, vector<1x32x128xi32>
    %swap3A_2557 = vector.shape_cast %swap3A_2556 : vector<1x32x128xi32> to vector<32x128xi32>
    %swap3A_2558 = vector.shape_cast %xor3A_2552 : vector<32x128xi32> to vector<1x32x128xi32>
    tpu.vector_store %arg5[%swap3A_2553, %swap3A_2554, %swap3A_2555], %swap3A_2558 {strides = array<i32>} : memref<4x288x128xi32, #tpu.memory_space<vmem>>, vector<1x32x128xi32>,
    %get3A_2559 = arith.constant 2 : index
    %get3A_2560 = arith.constant 0 : index
    %get3A_2561 = memref.load %arg3[%get3A_2559, %get3A_2560] : memref<4x3xf32, #tpu.memory_space<smem>>
    %sub3A_2562 = arith.constant 1.000000e+00 : f32
    %sub3A_2563 = arith.subf %get3A_2561, %sub3A_2562 : f32
    %get3A_2564 = arith.constant 2 : index
    %get3A_2565 = arith.constant 1 : index
    %get3A_2566 = memref.load %arg3[%get3A_2564, %get3A_2565] : memref<4x3xf32, #tpu.memory_space<smem>>
    %sub3A_2567 = arith.constant 1.000000e+00 : f32
    %sub3A_2568 = arith.subf %get3A_2566, %sub3A_2567 : f32
    %get3A_2569 = arith.constant 2 : index
    %get3A_2570 = arith.constant 0 : index
    %get3A_2571 = arith.constant 0 : index
    %get3A_2572 = arith.constant 0 : index
    %get3A_2573 = vector.load %arg1[%get3A_2569, %get3A_2570, %get3A_2571, %get3A_2572] : memref<4x36x32x128xf32, #tpu.memory_space<vmem>>, vector<1x1x32x128xf32>
    %get3A_2574 = vector.shape_cast %get3A_2573 : vector<1x1x32x128xf32> to vector<32x128xf32>
    %mul3A_2575 = arith.mulf %get3A_2574, %add3A_32 : vector<32x128xf32>
    %add3A_2576 = arith.addf %mul3A_2575, %add3A_40 : vector<32x128xf32>
    %get3A_2577 = arith.constant 2 : index
    %get3A_2578 = arith.constant 1 : index
    %get3A_2579 = arith.constant 0 : index
    %get3A_2580 = arith.constant 0 : index
    %get3A_2581 = vector.load %arg1[%get3A_2577, %get3A_2578, %get3A_2579, %get3A_2580] : memref<4x36x32x128xf32, #tpu.memory_space<vmem>>, vector<1x1x32x128xf32>
    %get3A_2582 = vector.shape_cast %get3A_2581 : vector<1x1x32x128xf32> to vector<32x128xf32>
    %mul3A_2583 = arith.mulf %get3A_2582, %add3A_36 : vector<32x128xf32>
    %add3A_2584 = arith.addf %mul3A_2583, %add3A_44 : vector<32x128xf32>
    %get3A_2585 = arith.constant 2 : index
    %get3A_2586 = arith.constant 2 : index
    %get3A_2587 = arith.constant 0 : index
    %get3A_2588 = arith.constant 0 : index
    %get3A_2589 = vector.load %arg1[%get3A_2585, %get3A_2586, %get3A_2587, %get3A_2588] : memref<4x36x32x128xf32, #tpu.memory_space<vmem>>, vector<1x1x32x128xf32>
    %get3A_2590 = vector.shape_cast %get3A_2589 : vector<1x1x32x128xf32> to vector<32x128xf32>
    %exp3A_2591 = math.exp %get3A_2590 : vector<32x128xf32>
    %mul3A_2592 = arith.mulf %exp3A_2591, %add3A_32 : vector<32x128xf32>
    %get3A_2593 = arith.constant 2 : index
    %get3A_2594 = arith.constant 3 : index
    %get3A_2595 = arith.constant 0 : index
    %get3A_2596 = arith.constant 0 : index
    %get3A_2597 = vector.load %arg1[%get3A_2593, %get3A_2594, %get3A_2595, %get3A_2596] : memref<4x36x32x128xf32, #tpu.memory_space<vmem>>, vector<1x1x32x128xf32>
    %get3A_2598 = vector.shape_cast %get3A_2597 : vector<1x1x32x128xf32> to vector<32x128xf32>
    %exp3A_2599 = math.exp %get3A_2598 : vector<32x128xf32>
    %mul3A_2600 = arith.mulf %exp3A_2599, %add3A_36 : vector<32x128xf32>
    %mul3A_2601 = arith.constant 5.000000e-01 : f32
    %mul3A_2602 = vector.broadcast %mul3A_2601 : f32 to vector<32x128xf32>
    %mul3A_2603 = arith.mulf %mul3A_2602, %mul3A_2592 : vector<32x128xf32>
    %sub3A_2604 = arith.subf %add3A_2576, %mul3A_2603 : vector<32x128xf32>
    %jit3A_2605 = arith.constant 0.000000e+00 : f32
    %max3A_2606 = vector.broadcast %jit3A_2605 : f32 to vector<32x128xf32>
    %max3A_2607 = arith.maximumf %max3A_2606, %sub3A_2604 : vector<32x128xf32>
    %min3A_2608 = vector.broadcast %sub3A_2568 : f32 to vector<32x128xf32>
    %min3A_2609 = arith.minimumf %min3A_2608, %max3A_2607 : vector<32x128xf32>
    %swap3A_2610 = arith.constant 0 : index
    %swap3A_2611 = arith.constant 2 : index
    %swap3A_2612 = arith.constant 0 : index
    %swap3A_2613 = arith.constant 0 : index
    %swap3A_2614 = vector.load %arg4[%swap3A_2610, %swap3A_2611, %swap3A_2612, %swap3A_2613] : memref<5x4x288x128xf32, #tpu.memory_space<vmem>>, vector<1x1x32x128xf32>
    %swap3A_2615 = vector.shape_cast %swap3A_2614 : vector<1x1x32x128xf32> to vector<32x128xf32>
    %swap3A_2616 = vector.shape_cast %min3A_2609 : vector<32x128xf32> to vector<1x1x32x128xf32>
    tpu.vector_store %arg4[%swap3A_2610, %swap3A_2611, %swap3A_2612, %swap3A_2613], %swap3A_2616 {strides = array<i32>} : memref<5x4x288x128xf32, #tpu.memory_space<vmem>>, vector<1x1x32x128xf32>,
    %mul3A_2617 = arith.constant 5.000000e-01 : f32
    %mul3A_2618 = vector.broadcast %mul3A_2617 : f32 to vector<32x128xf32>
    %mul3A_2619 = arith.mulf %mul3A_2618, %mul3A_2600 : vector<32x128xf32>
    %sub3A_2620 = arith.subf %add3A_2584, %mul3A_2619 : vector<32x128xf32>
    %jit3A_2621 = arith.constant 0.000000e+00 : f32
    %max3A_2622 = vector.broadcast %jit3A_2621 : f32 to vector<32x128xf32>
    %max3A_2623 = arith.maximumf %max3A_2622, %sub3A_2620 : vector<32x128xf32>
    %min3A_2624 = vector.broadcast %sub3A_2563 : f32 to vector<32x128xf32>
    %min3A_2625 = arith.minimumf %min3A_2624, %max3A_2623 : vector<32x128xf32>
    %swap3A_2626 = arith.constant 1 : index
    %swap3A_2627 = arith.constant 2 : index
    %swap3A_2628 = arith.constant 0 : index
    %swap3A_2629 = arith.constant 0 : index
    %swap3A_2630 = vector.load %arg4[%swap3A_2626, %swap3A_2627, %swap3A_2628, %swap3A_2629] : memref<5x4x288x128xf32, #tpu.memory_space<vmem>>, vector<1x1x32x128xf32>
    %swap3A_2631 = vector.shape_cast %swap3A_2630 : vector<1x1x32x128xf32> to vector<32x128xf32>
    %swap3A_2632 = vector.shape_cast %min3A_2625 : vector<32x128xf32> to vector<1x1x32x128xf32>
    tpu.vector_store %arg4[%swap3A_2626, %swap3A_2627, %swap3A_2628, %swap3A_2629], %swap3A_2632 {strides = array<i32>} : memref<5x4x288x128xf32, #tpu.memory_space<vmem>>, vector<1x1x32x128xf32>,
    %mul3A_2633 = arith.constant 5.000000e-01 : f32
    %mul3A_2634 = vector.broadcast %mul3A_2633 : f32 to vector<32x128xf32>
    %mul3A_2635 = arith.mulf %mul3A_2634, %mul3A_2592 : vector<32x128xf32>
    %add3A_2636 = arith.addf %add3A_2576, %mul3A_2635 : vector<32x128xf32>
    %jit3A_2637 = arith.constant 0.000000e+00 : f32
    %max3A_2638 = vector.broadcast %jit3A_2637 : f32 to vector<32x128xf32>
    %max3A_2639 = arith.maximumf %max3A_2638, %add3A_2636 : vector<32x128xf32>
    %min3A_2640 = vector.broadcast %sub3A_2568 : f32 to vector<32x128xf32>
    %min3A_2641 = arith.minimumf %min3A_2640, %max3A_2639 : vector<32x128xf32>
    %swap3A_2642 = arith.constant 2 : index
    %swap3A_2643 = arith.constant 2 : index
    %swap3A_2644 = arith.constant 0 : index
    %swap3A_2645 = arith.constant 0 : index
    %swap3A_2646 = vector.load %arg4[%swap3A_2642, %swap3A_2643, %swap3A_2644, %swap3A_2645] : memref<5x4x288x128xf32, #tpu.memory_space<vmem>>, vector<1x1x32x128xf32>
    %swap3A_2647 = vector.shape_cast %swap3A_2646 : vector<1x1x32x128xf32> to vector<32x128xf32>
    %swap3A_2648 = vector.shape_cast %min3A_2641 : vector<32x128xf32> to vector<1x1x32x128xf32>
    tpu.vector_store %arg4[%swap3A_2642, %swap3A_2643, %swap3A_2644, %swap3A_2645], %swap3A_2648 {strides = array<i32>} : memref<5x4x288x128xf32, #tpu.memory_space<vmem>>, vector<1x1x32x128xf32>,
    %mul3A_2649 = arith.constant 5.000000e-01 : f32
    %mul3A_2650 = vector.broadcast %mul3A_2649 : f32 to vector<32x128xf32>
    %mul3A_2651 = arith.mulf %mul3A_2650, %mul3A_2600 : vector<32x128xf32>
    %add3A_2652 = arith.addf %add3A_2584, %mul3A_2651 : vector<32x128xf32>
    %jit3A_2653 = arith.constant 0.000000e+00 : f32
    %max3A_2654 = vector.broadcast %jit3A_2653 : f32 to vector<32x128xf32>
    %max3A_2655 = arith.maximumf %max3A_2654, %add3A_2652 : vector<32x128xf32>
    %min3A_2656 = vector.broadcast %sub3A_2563 : f32 to vector<32x128xf32>
    %min3A_2657 = arith.minimumf %min3A_2656, %max3A_2655 : vector<32x128xf32>
    %swap3A_2658 = arith.constant 3 : index
    %swap3A_2659 = arith.constant 2 : index
    %swap3A_2660 = arith.constant 0 : index
    %swap3A_2661 = arith.constant 0 : index
    %swap3A_2662 = vector.load %arg4[%swap3A_2658, %swap3A_2659, %swap3A_2660, %swap3A_2661] : memref<5x4x288x128xf32, #tpu.memory_space<vmem>>, vector<1x1x32x128xf32>
    %swap3A_2663 = vector.shape_cast %swap3A_2662 : vector<1x1x32x128xf32> to vector<32x128xf32>
    %swap3A_2664 = vector.shape_cast %min3A_2657 : vector<32x128xf32> to vector<1x1x32x128xf32>
    tpu.vector_store %arg4[%swap3A_2658, %swap3A_2659, %swap3A_2660, %swap3A_2661], %swap3A_2664 {strides = array<i32>} : memref<5x4x288x128xf32, #tpu.memory_space<vmem>>, vector<1x1x32x128xf32>,
    %get3A_2665 = arith.constant 2 : index
    %get3A_2666 = arith.constant 9 : index
    %get3A_2667 = arith.constant 0 : index
    %get3A_2668 = arith.constant 0 : index
    %get3A_2669 = vector.load %arg0[%get3A_2665, %get3A_2666, %get3A_2667, %get3A_2668] : memref<4x18x32x128xf32, #tpu.memory_space<vmem>>, vector<1x1x32x128xf32>
    %get3A_2670 = vector.shape_cast %get3A_2669 : vector<1x1x32x128xf32> to vector<32x128xf32>
    %swap3A_2671 = arith.constant 4 : index
    %swap3A_2672 = arith.constant 2 : index
    %swap3A_2673 = arith.constant 0 : index
    %swap3A_2674 = arith.constant 0 : index
    %swap3A_2675 = vector.load %arg4[%swap3A_2671, %swap3A_2672, %swap3A_2673, %swap3A_2674] : memref<5x4x288x128xf32, #tpu.memory_space<vmem>>, vector<1x1x32x128xf32>
    %swap3A_2676 = vector.shape_cast %swap3A_2675 : vector<1x1x32x128xf32> to vector<32x128xf32>
    %swap3A_2677 = vector.shape_cast %get3A_2670 : vector<32x128xf32> to vector<1x1x32x128xf32>
    tpu.vector_store %arg4[%swap3A_2671, %swap3A_2672, %swap3A_2673, %swap3A_2674], %swap3A_2677 {strides = array<i32>} : memref<5x4x288x128xf32, #tpu.memory_space<vmem>>, vector<1x1x32x128xf32>,
    %bitcast_convert_type3A_2678 = tpu.bitcast %get3A_2670 : vector<32x128xf32> -> vector<32x128xi32>
    %shift_right_arithmetic3A_2679 = arith.constant 31 : i32
    %shift_right_arithmetic3A_2680 = vector.broadcast %shift_right_arithmetic3A_2679 : i32 to vector<32x128xi32>
    %shift_right_arithmetic3A_2681 = arith.shrsi %bitcast_convert_type3A_2678, %shift_right_arithmetic3A_2680 : vector<32x128xi32>
    %and3A_2682 = arith.constant 2147483647 : i32
    %and3A_2683 = vector.broadcast %and3A_2682 : i32 to vector<32x128xi32>
    %and3A_2684 = arith.andi %shift_right_arithmetic3A_2681, %and3A_2683 : vector<32x128xi32>
    %xor3A_2685 = arith.xori %bitcast_convert_type3A_2678, %and3A_2684 : vector<32x128xi32>
    %swap3A_2686 = arith.constant 2 : index
    %swap3A_2687 = arith.constant 0 : index
    %swap3A_2688 = arith.constant 0 : index
    %swap3A_2689 = vector.load %arg5[%swap3A_2686, %swap3A_2687, %swap3A_2688] : memref<4x288x128xi32, #tpu.memory_space<vmem>>, vector<1x32x128xi32>
    %swap3A_2690 = vector.shape_cast %swap3A_2689 : vector<1x32x128xi32> to vector<32x128xi32>
    %swap3A_2691 = vector.shape_cast %xor3A_2685 : vector<32x128xi32> to vector<1x32x128xi32>
    tpu.vector_store %arg5[%swap3A_2686, %swap3A_2687, %swap3A_2688], %swap3A_2691 {strides = array<i32>} : memref<4x288x128xi32, #tpu.memory_space<vmem>>, vector<1x32x128xi32>,
    %get3A_2692 = arith.constant 2 : index
    %get3A_2693 = arith.constant 4 : index
    %get3A_2694 = arith.constant 0 : index
    %get3A_2695 = arith.constant 0 : index
    %get3A_2696 = vector.load %arg1[%get3A_2692, %get3A_2693, %get3A_2694, %get3A_2695] : memref<4x36x32x128xf32, #tpu.memory_space<vmem>>, vector<1x1x32x128xf32>
    %get3A_2697 = vector.shape_cast %get3A_2696 : vector<1x1x32x128xf32> to vector<32x128xf32>
    %mul3A_2698 = arith.mulf %get3A_2697, %add3A_68 : vector<32x128xf32>
    %add3A_2699 = arith.addf %mul3A_2698, %add3A_76 : vector<32x128xf32>
    %get3A_2700 = arith.constant 2 : index
    %get3A_2701 = arith.constant 5 : index
    %get3A_2702 = arith.constant 0 : index
    %get3A_2703 = arith.constant 0 : index
    %get3A_2704 = vector.load %arg1[%get3A_2700, %get3A_2701, %get3A_2702, %get3A_2703] : memref<4x36x32x128xf32, #tpu.memory_space<vmem>>, vector<1x1x32x128xf32>
    %get3A_2705 = vector.shape_cast %get3A_2704 : vector<1x1x32x128xf32> to vector<32x128xf32>
    %mul3A_2706 = arith.mulf %get3A_2705, %add3A_72 : vector<32x128xf32>
    %add3A_2707 = arith.addf %mul3A_2706, %add3A_80 : vector<32x128xf32>
    %get3A_2708 = arith.constant 2 : index
    %get3A_2709 = arith.constant 6 : index
    %get3A_2710 = arith.constant 0 : index
    %get3A_2711 = arith.constant 0 : index
    %get3A_2712 = vector.load %arg1[%get3A_2708, %get3A_2709, %get3A_2710, %get3A_2711] : memref<4x36x32x128xf32, #tpu.memory_space<vmem>>, vector<1x1x32x128xf32>
    %get3A_2713 = vector.shape_cast %get3A_2712 : vector<1x1x32x128xf32> to vector<32x128xf32>
    %exp3A_2714 = math.exp %get3A_2713 : vector<32x128xf32>
    %mul3A_2715 = arith.mulf %exp3A_2714, %add3A_68 : vector<32x128xf32>
    %get3A_2716 = arith.constant 2 : index
    %get3A_2717 = arith.constant 7 : index
    %get3A_2718 = arith.constant 0 : index
    %get3A_2719 = arith.constant 0 : index
    %get3A_2720 = vector.load %arg1[%get3A_2716, %get3A_2717, %get3A_2718, %get3A_2719] : memref<4x36x32x128xf32, #tpu.memory_space<vmem>>, vector<1x1x32x128xf32>
    %get3A_2721 = vector.shape_cast %get3A_2720 : vector<1x1x32x128xf32> to vector<32x128xf32>
    %exp3A_2722 = math.exp %get3A_2721 : vector<32x128xf32>
    %mul3A_2723 = arith.mulf %exp3A_2722, %add3A_72 : vector<32x128xf32>
    %mul3A_2724 = arith.constant 5.000000e-01 : f32
    %mul3A_2725 = vector.broadcast %mul3A_2724 : f32 to vector<32x128xf32>
    %mul3A_2726 = arith.mulf %mul3A_2725, %mul3A_2715 : vector<32x128xf32>
    %sub3A_2727 = arith.subf %add3A_2699, %mul3A_2726 : vector<32x128xf32>
    %jit3A_2728 = arith.constant 0.000000e+00 : f32
    %max3A_2729 = vector.broadcast %jit3A_2728 : f32 to vector<32x128xf32>
    %max3A_2730 = arith.maximumf %max3A_2729, %sub3A_2727 : vector<32x128xf32>
    %min3A_2731 = vector.broadcast %sub3A_2568 : f32 to vector<32x128xf32>
    %min3A_2732 = arith.minimumf %min3A_2731, %max3A_2730 : vector<32x128xf32>
    %swap3A_2733 = arith.constant 0 : index
    %swap3A_2734 = arith.constant 2 : index
    %swap3A_2735 = arith.constant 32 : index
    %swap3A_2736 = arith.constant 0 : index
    %swap3A_2737 = vector.load %arg4[%swap3A_2733, %swap3A_2734, %swap3A_2735, %swap3A_2736] : memref<5x4x288x128xf32, #tpu.memory_space<vmem>>, vector<1x1x32x128xf32>
    %swap3A_2738 = vector.shape_cast %swap3A_2737 : vector<1x1x32x128xf32> to vector<32x128xf32>
    %swap3A_2739 = vector.shape_cast %min3A_2732 : vector<32x128xf32> to vector<1x1x32x128xf32>
    tpu.vector_store %arg4[%swap3A_2733, %swap3A_2734, %swap3A_2735, %swap3A_2736], %swap3A_2739 {strides = array<i32>} : memref<5x4x288x128xf32, #tpu.memory_space<vmem>>, vector<1x1x32x128xf32>,
    %mul3A_2740 = arith.constant 5.000000e-01 : f32
    %mul3A_2741 = vector.broadcast %mul3A_2740 : f32 to vector<32x128xf32>
    %mul3A_2742 = arith.mulf %mul3A_2741, %mul3A_2723 : vector<32x128xf32>
    %sub3A_2743 = arith.subf %add3A_2707, %mul3A_2742 : vector<32x128xf32>
    %jit3A_2744 = arith.constant 0.000000e+00 : f32
    %max3A_2745 = vector.broadcast %jit3A_2744 : f32 to vector<32x128xf32>
    %max3A_2746 = arith.maximumf %max3A_2745, %sub3A_2743 : vector<32x128xf32>
    %min3A_2747 = vector.broadcast %sub3A_2563 : f32 to vector<32x128xf32>
    %min3A_2748 = arith.minimumf %min3A_2747, %max3A_2746 : vector<32x128xf32>
    %swap3A_2749 = arith.constant 1 : index
    %swap3A_2750 = arith.constant 2 : index
    %swap3A_2751 = arith.constant 32 : index
    %swap3A_2752 = arith.constant 0 : index
    %swap3A_2753 = vector.load %arg4[%swap3A_2749, %swap3A_2750, %swap3A_2751, %swap3A_2752] : memref<5x4x288x128xf32, #tpu.memory_space<vmem>>, vector<1x1x32x128xf32>
    %swap3A_2754 = vector.shape_cast %swap3A_2753 : vector<1x1x32x128xf32> to vector<32x128xf32>
    %swap3A_2755 = vector.shape_cast %min3A_2748 : vector<32x128xf32> to vector<1x1x32x128xf32>
    tpu.vector_store %arg4[%swap3A_2749, %swap3A_2750, %swap3A_2751, %swap3A_2752], %swap3A_2755 {strides = array<i32>} : memref<5x4x288x128xf32, #tpu.memory_space<vmem>>, vector<1x1x32x128xf32>,
    %mul3A_2756 = arith.constant 5.000000e-01 : f32
    %mul3A_2757 = vector.broadcast %mul3A_2756 : f32 to vector<32x128xf32>
    %mul3A_2758 = arith.mulf %mul3A_2757, %mul3A_2715 : vector<32x128xf32>
    %add3A_2759 = arith.addf %add3A_2699, %mul3A_2758 : vector<32x128xf32>
    %jit3A_2760 = arith.constant 0.000000e+00 : f32
    %max3A_2761 = vector.broadcast %jit3A_2760 : f32 to vector<32x128xf32>
    %max3A_2762 = arith.maximumf %max3A_2761, %add3A_2759 : vector<32x128xf32>
    %min3A_2763 = vector.broadcast %sub3A_2568 : f32 to vector<32x128xf32>
    %min3A_2764 = arith.minimumf %min3A_2763, %max3A_2762 : vector<32x128xf32>
    %swap3A_2765 = arith.constant 2 : index
    %swap3A_2766 = arith.constant 2 : index
    %swap3A_2767 = arith.constant 32 : index
    %swap3A_2768 = arith.constant 0 : index
    %swap3A_2769 = vector.load %arg4[%swap3A_2765, %swap3A_2766, %swap3A_2767, %swap3A_2768] : memref<5x4x288x128xf32, #tpu.memory_space<vmem>>, vector<1x1x32x128xf32>
    %swap3A_2770 = vector.shape_cast %swap3A_2769 : vector<1x1x32x128xf32> to vector<32x128xf32>
    %swap3A_2771 = vector.shape_cast %min3A_2764 : vector<32x128xf32> to vector<1x1x32x128xf32>
    tpu.vector_store %arg4[%swap3A_2765, %swap3A_2766, %swap3A_2767, %swap3A_2768], %swap3A_2771 {strides = array<i32>} : memref<5x4x288x128xf32, #tpu.memory_space<vmem>>, vector<1x1x32x128xf32>,
    %mul3A_2772 = arith.constant 5.000000e-01 : f32
    %mul3A_2773 = vector.broadcast %mul3A_2772 : f32 to vector<32x128xf32>
    %mul3A_2774 = arith.mulf %mul3A_2773, %mul3A_2723 : vector<32x128xf32>
    %add3A_2775 = arith.addf %add3A_2707, %mul3A_2774 : vector<32x128xf32>
    %jit3A_2776 = arith.constant 0.000000e+00 : f32
    %max3A_2777 = vector.broadcast %jit3A_2776 : f32 to vector<32x128xf32>
    %max3A_2778 = arith.maximumf %max3A_2777, %add3A_2775 : vector<32x128xf32>
    %min3A_2779 = vector.broadcast %sub3A_2563 : f32 to vector<32x128xf32>
    %min3A_2780 = arith.minimumf %min3A_2779, %max3A_2778 : vector<32x128xf32>
    %swap3A_2781 = arith.constant 3 : index
    %swap3A_2782 = arith.constant 2 : index
    %swap3A_2783 = arith.constant 32 : index
    %swap3A_2784 = arith.constant 0 : index
    %swap3A_2785 = vector.load %arg4[%swap3A_2781, %swap3A_2782, %swap3A_2783, %swap3A_2784] : memref<5x4x288x128xf32, #tpu.memory_space<vmem>>, vector<1x1x32x128xf32>
    %swap3A_2786 = vector.shape_cast %swap3A_2785 : vector<1x1x32x128xf32> to vector<32x128xf32>
    %swap3A_2787 = vector.shape_cast %min3A_2780 : vector<32x128xf32> to vector<1x1x32x128xf32>
    tpu.vector_store %arg4[%swap3A_2781, %swap3A_2782, %swap3A_2783, %swap3A_2784], %swap3A_2787 {strides = array<i32>} : memref<5x4x288x128xf32, #tpu.memory_space<vmem>>, vector<1x1x32x128xf32>,
    %get3A_2788 = arith.constant 2 : index
    %get3A_2789 = arith.constant 10 : index
    %get3A_2790 = arith.constant 0 : index
    %get3A_2791 = arith.constant 0 : index
    %get3A_2792 = vector.load %arg0[%get3A_2788, %get3A_2789, %get3A_2790, %get3A_2791] : memref<4x18x32x128xf32, #tpu.memory_space<vmem>>, vector<1x1x32x128xf32>
    %get3A_2793 = vector.shape_cast %get3A_2792 : vector<1x1x32x128xf32> to vector<32x128xf32>
    %swap3A_2794 = arith.constant 4 : index
    %swap3A_2795 = arith.constant 2 : index
    %swap3A_2796 = arith.constant 32 : index
    %swap3A_2797 = arith.constant 0 : index
    %swap3A_2798 = vector.load %arg4[%swap3A_2794, %swap3A_2795, %swap3A_2796, %swap3A_2797] : memref<5x4x288x128xf32, #tpu.memory_space<vmem>>, vector<1x1x32x128xf32>
    %swap3A_2799 = vector.shape_cast %swap3A_2798 : vector<1x1x32x128xf32> to vector<32x128xf32>
    %swap3A_2800 = vector.shape_cast %get3A_2793 : vector<32x128xf32> to vector<1x1x32x128xf32>
    tpu.vector_store %arg4[%swap3A_2794, %swap3A_2795, %swap3A_2796, %swap3A_2797], %swap3A_2800 {strides = array<i32>} : memref<5x4x288x128xf32, #tpu.memory_space<vmem>>, vector<1x1x32x128xf32>,
    %bitcast_convert_type3A_2801 = tpu.bitcast %get3A_2793 : vector<32x128xf32> -> vector<32x128xi32>
    %shift_right_arithmetic3A_2802 = arith.constant 31 : i32
    %shift_right_arithmetic3A_2803 = vector.broadcast %shift_right_arithmetic3A_2802 : i32 to vector<32x128xi32>
    %shift_right_arithmetic3A_2804 = arith.shrsi %bitcast_convert_type3A_2801, %shift_right_arithmetic3A_2803 : vector<32x128xi32>
    %and3A_2805 = arith.constant 2147483647 : i32
    %and3A_2806 = vector.broadcast %and3A_2805 : i32 to vector<32x128xi32>
    %and3A_2807 = arith.andi %shift_right_arithmetic3A_2804, %and3A_2806 : vector<32x128xi32>
    %xor3A_2808 = arith.xori %bitcast_convert_type3A_2801, %and3A_2807 : vector<32x128xi32>
    %swap3A_2809 = arith.constant 2 : index
    %swap3A_2810 = arith.constant 32 : index
    %swap3A_2811 = arith.constant 0 : index
    %swap3A_2812 = vector.load %arg5[%swap3A_2809, %swap3A_2810, %swap3A_2811] : memref<4x288x128xi32, #tpu.memory_space<vmem>>, vector<1x32x128xi32>
    %swap3A_2813 = vector.shape_cast %swap3A_2812 : vector<1x32x128xi32> to vector<32x128xi32>
    %swap3A_2814 = vector.shape_cast %xor3A_2808 : vector<32x128xi32> to vector<1x32x128xi32>
    tpu.vector_store %arg5[%swap3A_2809, %swap3A_2810, %swap3A_2811], %swap3A_2814 {strides = array<i32>} : memref<4x288x128xi32, #tpu.memory_space<vmem>>, vector<1x32x128xi32>,
    %get3A_2815 = arith.constant 2 : index
    %get3A_2816 = arith.constant 8 : index
    %get3A_2817 = arith.constant 0 : index
    %get3A_2818 = arith.constant 0 : index
    %get3A_2819 = vector.load %arg1[%get3A_2815, %get3A_2816, %get3A_2817, %get3A_2818] : memref<4x36x32x128xf32, #tpu.memory_space<vmem>>, vector<1x1x32x128xf32>
    %get3A_2820 = vector.shape_cast %get3A_2819 : vector<1x1x32x128xf32> to vector<32x128xf32>
    %mul3A_2821 = arith.mulf %get3A_2820, %add3A_104 : vector<32x128xf32>
    %add3A_2822 = arith.addf %mul3A_2821, %add3A_112 : vector<32x128xf32>
    %get3A_2823 = arith.constant 2 : index
    %get3A_2824 = arith.constant 9 : index
    %get3A_2825 = arith.constant 0 : index
    %get3A_2826 = arith.constant 0 : index
    %get3A_2827 = vector.load %arg1[%get3A_2823, %get3A_2824, %get3A_2825, %get3A_2826] : memref<4x36x32x128xf32, #tpu.memory_space<vmem>>, vector<1x1x32x128xf32>
    %get3A_2828 = vector.shape_cast %get3A_2827 : vector<1x1x32x128xf32> to vector<32x128xf32>
    %mul3A_2829 = arith.mulf %get3A_2828, %add3A_108 : vector<32x128xf32>
    %add3A_2830 = arith.addf %mul3A_2829, %add3A_116 : vector<32x128xf32>
    %get3A_2831 = arith.constant 2 : index
    %get3A_2832 = arith.constant 10 : index
    %get3A_2833 = arith.constant 0 : index
    %get3A_2834 = arith.constant 0 : index
    %get3A_2835 = vector.load %arg1[%get3A_2831, %get3A_2832, %get3A_2833, %get3A_2834] : memref<4x36x32x128xf32, #tpu.memory_space<vmem>>, vector<1x1x32x128xf32>
    %get3A_2836 = vector.shape_cast %get3A_2835 : vector<1x1x32x128xf32> to vector<32x128xf32>
    %exp3A_2837 = math.exp %get3A_2836 : vector<32x128xf32>
    %mul3A_2838 = arith.mulf %exp3A_2837, %add3A_104 : vector<32x128xf32>
    %get3A_2839 = arith.constant 2 : index
    %get3A_2840 = arith.constant 11 : index
    %get3A_2841 = arith.constant 0 : index
    %get3A_2842 = arith.constant 0 : index
    %get3A_2843 = vector.load %arg1[%get3A_2839, %get3A_2840, %get3A_2841, %get3A_2842] : memref<4x36x32x128xf32, #tpu.memory_space<vmem>>, vector<1x1x32x128xf32>
    %get3A_2844 = vector.shape_cast %get3A_2843 : vector<1x1x32x128xf32> to vector<32x128xf32>
    %exp3A_2845 = math.exp %get3A_2844 : vector<32x128xf32>
    %mul3A_2846 = arith.mulf %exp3A_2845, %add3A_108 : vector<32x128xf32>
    %mul3A_2847 = arith.constant 5.000000e-01 : f32
    %mul3A_2848 = vector.broadcast %mul3A_2847 : f32 to vector<32x128xf32>
    %mul3A_2849 = arith.mulf %mul3A_2848, %mul3A_2838 : vector<32x128xf32>
    %sub3A_2850 = arith.subf %add3A_2822, %mul3A_2849 : vector<32x128xf32>
    %jit3A_2851 = arith.constant 0.000000e+00 : f32
    %max3A_2852 = vector.broadcast %jit3A_2851 : f32 to vector<32x128xf32>
    %max3A_2853 = arith.maximumf %max3A_2852, %sub3A_2850 : vector<32x128xf32>
    %min3A_2854 = vector.broadcast %sub3A_2568 : f32 to vector<32x128xf32>
    %min3A_2855 = arith.minimumf %min3A_2854, %max3A_2853 : vector<32x128xf32>
    %swap3A_2856 = arith.constant 0 : index
    %swap3A_2857 = arith.constant 2 : index
    %swap3A_2858 = arith.constant 64 : index
    %swap3A_2859 = arith.constant 0 : index
    %swap3A_2860 = vector.load %arg4[%swap3A_2856, %swap3A_2857, %swap3A_2858, %swap3A_2859] : memref<5x4x288x128xf32, #tpu.memory_space<vmem>>, vector<1x1x32x128xf32>
    %swap3A_2861 = vector.shape_cast %swap3A_2860 : vector<1x1x32x128xf32> to vector<32x128xf32>
    %swap3A_2862 = vector.shape_cast %min3A_2855 : vector<32x128xf32> to vector<1x1x32x128xf32>
    tpu.vector_store %arg4[%swap3A_2856, %swap3A_2857, %swap3A_2858, %swap3A_2859], %swap3A_2862 {strides = array<i32>} : memref<5x4x288x128xf32, #tpu.memory_space<vmem>>, vector<1x1x32x128xf32>,
    %mul3A_2863 = arith.constant 5.000000e-01 : f32
    %mul3A_2864 = vector.broadcast %mul3A_2863 : f32 to vector<32x128xf32>
    %mul3A_2865 = arith.mulf %mul3A_2864, %mul3A_2846 : vector<32x128xf32>
    %sub3A_2866 = arith.subf %add3A_2830, %mul3A_2865 : vector<32x128xf32>
    %jit3A_2867 = arith.constant 0.000000e+00 : f32
    %max3A_2868 = vector.broadcast %jit3A_2867 : f32 to vector<32x128xf32>
    %max3A_2869 = arith.maximumf %max3A_2868, %sub3A_2866 : vector<32x128xf32>
    %min3A_2870 = vector.broadcast %sub3A_2563 : f32 to vector<32x128xf32>
    %min3A_2871 = arith.minimumf %min3A_2870, %max3A_2869 : vector<32x128xf32>
    %swap3A_2872 = arith.constant 1 : index
    %swap3A_2873 = arith.constant 2 : index
    %swap3A_2874 = arith.constant 64 : index
    %swap3A_2875 = arith.constant 0 : index
    %swap3A_2876 = vector.load %arg4[%swap3A_2872, %swap3A_2873, %swap3A_2874, %swap3A_2875] : memref<5x4x288x128xf32, #tpu.memory_space<vmem>>, vector<1x1x32x128xf32>
    %swap3A_2877 = vector.shape_cast %swap3A_2876 : vector<1x1x32x128xf32> to vector<32x128xf32>
    %swap3A_2878 = vector.shape_cast %min3A_2871 : vector<32x128xf32> to vector<1x1x32x128xf32>
    tpu.vector_store %arg4[%swap3A_2872, %swap3A_2873, %swap3A_2874, %swap3A_2875], %swap3A_2878 {strides = array<i32>} : memref<5x4x288x128xf32, #tpu.memory_space<vmem>>, vector<1x1x32x128xf32>,
    %mul3A_2879 = arith.constant 5.000000e-01 : f32
    %mul3A_2880 = vector.broadcast %mul3A_2879 : f32 to vector<32x128xf32>
    %mul3A_2881 = arith.mulf %mul3A_2880, %mul3A_2838 : vector<32x128xf32>
    %add3A_2882 = arith.addf %add3A_2822, %mul3A_2881 : vector<32x128xf32>
    %jit3A_2883 = arith.constant 0.000000e+00 : f32
    %max3A_2884 = vector.broadcast %jit3A_2883 : f32 to vector<32x128xf32>
    %max3A_2885 = arith.maximumf %max3A_2884, %add3A_2882 : vector<32x128xf32>
    %min3A_2886 = vector.broadcast %sub3A_2568 : f32 to vector<32x128xf32>
    %min3A_2887 = arith.minimumf %min3A_2886, %max3A_2885 : vector<32x128xf32>
    %swap3A_2888 = arith.constant 2 : index
    %swap3A_2889 = arith.constant 2 : index
    %swap3A_2890 = arith.constant 64 : index
    %swap3A_2891 = arith.constant 0 : index
    %swap3A_2892 = vector.load %arg4[%swap3A_2888, %swap3A_2889, %swap3A_2890, %swap3A_2891] : memref<5x4x288x128xf32, #tpu.memory_space<vmem>>, vector<1x1x32x128xf32>
    %swap3A_2893 = vector.shape_cast %swap3A_2892 : vector<1x1x32x128xf32> to vector<32x128xf32>
    %swap3A_2894 = vector.shape_cast %min3A_2887 : vector<32x128xf32> to vector<1x1x32x128xf32>
    tpu.vector_store %arg4[%swap3A_2888, %swap3A_2889, %swap3A_2890, %swap3A_2891], %swap3A_2894 {strides = array<i32>} : memref<5x4x288x128xf32, #tpu.memory_space<vmem>>, vector<1x1x32x128xf32>,
    %mul3A_2895 = arith.constant 5.000000e-01 : f32
    %mul3A_2896 = vector.broadcast %mul3A_2895 : f32 to vector<32x128xf32>
    %mul3A_2897 = arith.mulf %mul3A_2896, %mul3A_2846 : vector<32x128xf32>
    %add3A_2898 = arith.addf %add3A_2830, %mul3A_2897 : vector<32x128xf32>
    %jit3A_2899 = arith.constant 0.000000e+00 : f32
    %max3A_2900 = vector.broadcast %jit3A_2899 : f32 to vector<32x128xf32>
    %max3A_2901 = arith.maximumf %max3A_2900, %add3A_2898 : vector<32x128xf32>
    %min3A_2902 = vector.broadcast %sub3A_2563 : f32 to vector<32x128xf32>
    %min3A_2903 = arith.minimumf %min3A_2902, %max3A_2901 : vector<32x128xf32>
    %swap3A_2904 = arith.constant 3 : index
    %swap3A_2905 = arith.constant 2 : index
    %swap3A_2906 = arith.constant 64 : index
    %swap3A_2907 = arith.constant 0 : index
    %swap3A_2908 = vector.load %arg4[%swap3A_2904, %swap3A_2905, %swap3A_2906, %swap3A_2907] : memref<5x4x288x128xf32, #tpu.memory_space<vmem>>, vector<1x1x32x128xf32>
    %swap3A_2909 = vector.shape_cast %swap3A_2908 : vector<1x1x32x128xf32> to vector<32x128xf32>
    %swap3A_2910 = vector.shape_cast %min3A_2903 : vector<32x128xf32> to vector<1x1x32x128xf32>
    tpu.vector_store %arg4[%swap3A_2904, %swap3A_2905, %swap3A_2906, %swap3A_2907], %swap3A_2910 {strides = array<i32>} : memref<5x4x288x128xf32, #tpu.memory_space<vmem>>, vector<1x1x32x128xf32>,
    %get3A_2911 = arith.constant 2 : index
    %get3A_2912 = arith.constant 11 : index
    %get3A_2913 = arith.constant 0 : index
    %get3A_2914 = arith.constant 0 : index
    %get3A_2915 = vector.load %arg0[%get3A_2911, %get3A_2912, %get3A_2913, %get3A_2914] : memref<4x18x32x128xf32, #tpu.memory_space<vmem>>, vector<1x1x32x128xf32>
    %get3A_2916 = vector.shape_cast %get3A_2915 : vector<1x1x32x128xf32> to vector<32x128xf32>
    %swap3A_2917 = arith.constant 4 : index
    %swap3A_2918 = arith.constant 2 : index
    %swap3A_2919 = arith.constant 64 : index
    %swap3A_2920 = arith.constant 0 : index
    %swap3A_2921 = vector.load %arg4[%swap3A_2917, %swap3A_2918, %swap3A_2919, %swap3A_2920] : memref<5x4x288x128xf32, #tpu.memory_space<vmem>>, vector<1x1x32x128xf32>
    %swap3A_2922 = vector.shape_cast %swap3A_2921 : vector<1x1x32x128xf32> to vector<32x128xf32>
    %swap3A_2923 = vector.shape_cast %get3A_2916 : vector<32x128xf32> to vector<1x1x32x128xf32>
    tpu.vector_store %arg4[%swap3A_2917, %swap3A_2918, %swap3A_2919, %swap3A_2920], %swap3A_2923 {strides = array<i32>} : memref<5x4x288x128xf32, #tpu.memory_space<vmem>>, vector<1x1x32x128xf32>,
    %bitcast_convert_type3A_2924 = tpu.bitcast %get3A_2916 : vector<32x128xf32> -> vector<32x128xi32>
    %shift_right_arithmetic3A_2925 = arith.constant 31 : i32
    %shift_right_arithmetic3A_2926 = vector.broadcast %shift_right_arithmetic3A_2925 : i32 to vector<32x128xi32>
    %shift_right_arithmetic3A_2927 = arith.shrsi %bitcast_convert_type3A_2924, %shift_right_arithmetic3A_2926 : vector<32x128xi32>
    %and3A_2928 = arith.constant 2147483647 : i32
    %and3A_2929 = vector.broadcast %and3A_2928 : i32 to vector<32x128xi32>
    %and3A_2930 = arith.andi %shift_right_arithmetic3A_2927, %and3A_2929 : vector<32x128xi32>
    %xor3A_2931 = arith.xori %bitcast_convert_type3A_2924, %and3A_2930 : vector<32x128xi32>
    %swap3A_2932 = arith.constant 2 : index
    %swap3A_2933 = arith.constant 64 : index
    %swap3A_2934 = arith.constant 0 : index
    %swap3A_2935 = vector.load %arg5[%swap3A_2932, %swap3A_2933, %swap3A_2934] : memref<4x288x128xi32, #tpu.memory_space<vmem>>, vector<1x32x128xi32>
    %swap3A_2936 = vector.shape_cast %swap3A_2935 : vector<1x32x128xi32> to vector<32x128xi32>
    %swap3A_2937 = vector.shape_cast %xor3A_2931 : vector<32x128xi32> to vector<1x32x128xi32>
    tpu.vector_store %arg5[%swap3A_2932, %swap3A_2933, %swap3A_2934], %swap3A_2937 {strides = array<i32>} : memref<4x288x128xi32, #tpu.memory_space<vmem>>, vector<1x32x128xi32>,
    %get3A_2938 = arith.constant 2 : index
    %get3A_2939 = arith.constant 12 : index
    %get3A_2940 = arith.constant 0 : index
    %get3A_2941 = arith.constant 0 : index
    %get3A_2942 = vector.load %arg1[%get3A_2938, %get3A_2939, %get3A_2940, %get3A_2941] : memref<4x36x32x128xf32, #tpu.memory_space<vmem>>, vector<1x1x32x128xf32>
    %get3A_2943 = vector.shape_cast %get3A_2942 : vector<1x1x32x128xf32> to vector<32x128xf32>
    %mul3A_2944 = arith.mulf %get3A_2943, %add3A_140 : vector<32x128xf32>
    %add3A_2945 = arith.addf %mul3A_2944, %add3A_148 : vector<32x128xf32>
    %get3A_2946 = arith.constant 2 : index
    %get3A_2947 = arith.constant 13 : index
    %get3A_2948 = arith.constant 0 : index
    %get3A_2949 = arith.constant 0 : index
    %get3A_2950 = vector.load %arg1[%get3A_2946, %get3A_2947, %get3A_2948, %get3A_2949] : memref<4x36x32x128xf32, #tpu.memory_space<vmem>>, vector<1x1x32x128xf32>
    %get3A_2951 = vector.shape_cast %get3A_2950 : vector<1x1x32x128xf32> to vector<32x128xf32>
    %mul3A_2952 = arith.mulf %get3A_2951, %add3A_144 : vector<32x128xf32>
    %add3A_2953 = arith.addf %mul3A_2952, %add3A_152 : vector<32x128xf32>
    %get3A_2954 = arith.constant 2 : index
    %get3A_2955 = arith.constant 14 : index
    %get3A_2956 = arith.constant 0 : index
    %get3A_2957 = arith.constant 0 : index
    %get3A_2958 = vector.load %arg1[%get3A_2954, %get3A_2955, %get3A_2956, %get3A_2957] : memref<4x36x32x128xf32, #tpu.memory_space<vmem>>, vector<1x1x32x128xf32>
    %get3A_2959 = vector.shape_cast %get3A_2958 : vector<1x1x32x128xf32> to vector<32x128xf32>
    %exp3A_2960 = math.exp %get3A_2959 : vector<32x128xf32>
    %mul3A_2961 = arith.mulf %exp3A_2960, %add3A_140 : vector<32x128xf32>
    %get3A_2962 = arith.constant 2 : index
    %get3A_2963 = arith.constant 15 : index
    %get3A_2964 = arith.constant 0 : index
    %get3A_2965 = arith.constant 0 : index
    %get3A_2966 = vector.load %arg1[%get3A_2962, %get3A_2963, %get3A_2964, %get3A_2965] : memref<4x36x32x128xf32, #tpu.memory_space<vmem>>, vector<1x1x32x128xf32>
    %get3A_2967 = vector.shape_cast %get3A_2966 : vector<1x1x32x128xf32> to vector<32x128xf32>
    %exp3A_2968 = math.exp %get3A_2967 : vector<32x128xf32>
    %mul3A_2969 = arith.mulf %exp3A_2968, %add3A_144 : vector<32x128xf32>
    %mul3A_2970 = arith.constant 5.000000e-01 : f32
    %mul3A_2971 = vector.broadcast %mul3A_2970 : f32 to vector<32x128xf32>
    %mul3A_2972 = arith.mulf %mul3A_2971, %mul3A_2961 : vector<32x128xf32>
    %sub3A_2973 = arith.subf %add3A_2945, %mul3A_2972 : vector<32x128xf32>
    %jit3A_2974 = arith.constant 0.000000e+00 : f32
    %max3A_2975 = vector.broadcast %jit3A_2974 : f32 to vector<32x128xf32>
    %max3A_2976 = arith.maximumf %max3A_2975, %sub3A_2973 : vector<32x128xf32>
    %min3A_2977 = vector.broadcast %sub3A_2568 : f32 to vector<32x128xf32>
    %min3A_2978 = arith.minimumf %min3A_2977, %max3A_2976 : vector<32x128xf32>
    %swap3A_2979 = arith.constant 0 : index
    %swap3A_2980 = arith.constant 2 : index
    %swap3A_2981 = arith.constant 96 : index
    %swap3A_2982 = arith.constant 0 : index
    %swap3A_2983 = vector.load %arg4[%swap3A_2979, %swap3A_2980, %swap3A_2981, %swap3A_2982] : memref<5x4x288x128xf32, #tpu.memory_space<vmem>>, vector<1x1x32x128xf32>
    %swap3A_2984 = vector.shape_cast %swap3A_2983 : vector<1x1x32x128xf32> to vector<32x128xf32>
    %swap3A_2985 = vector.shape_cast %min3A_2978 : vector<32x128xf32> to vector<1x1x32x128xf32>
    tpu.vector_store %arg4[%swap3A_2979, %swap3A_2980, %swap3A_2981, %swap3A_2982], %swap3A_2985 {strides = array<i32>} : memref<5x4x288x128xf32, #tpu.memory_space<vmem>>, vector<1x1x32x128xf32>,
    %mul3A_2986 = arith.constant 5.000000e-01 : f32
    %mul3A_2987 = vector.broadcast %mul3A_2986 : f32 to vector<32x128xf32>
    %mul3A_2988 = arith.mulf %mul3A_2987, %mul3A_2969 : vector<32x128xf32>
    %sub3A_2989 = arith.subf %add3A_2953, %mul3A_2988 : vector<32x128xf32>
    %jit3A_2990 = arith.constant 0.000000e+00 : f32
    %max3A_2991 = vector.broadcast %jit3A_2990 : f32 to vector<32x128xf32>
    %max3A_2992 = arith.maximumf %max3A_2991, %sub3A_2989 : vector<32x128xf32>
    %min3A_2993 = vector.broadcast %sub3A_2563 : f32 to vector<32x128xf32>
    %min3A_2994 = arith.minimumf %min3A_2993, %max3A_2992 : vector<32x128xf32>
    %swap3A_2995 = arith.constant 1 : index
    %swap3A_2996 = arith.constant 2 : index
    %swap3A_2997 = arith.constant 96 : index
    %swap3A_2998 = arith.constant 0 : index
    %swap3A_2999 = vector.load %arg4[%swap3A_2995, %swap3A_2996, %swap3A_2997, %swap3A_2998] : memref<5x4x288x128xf32, #tpu.memory_space<vmem>>, vector<1x1x32x128xf32>
    %swap3A_3000 = vector.shape_cast %swap3A_2999 : vector<1x1x32x128xf32> to vector<32x128xf32>
    %swap3A_3001 = vector.shape_cast %min3A_2994 : vector<32x128xf32> to vector<1x1x32x128xf32>
    tpu.vector_store %arg4[%swap3A_2995, %swap3A_2996, %swap3A_2997, %swap3A_2998], %swap3A_3001 {strides = array<i32>} : memref<5x4x288x128xf32, #tpu.memory_space<vmem>>, vector<1x1x32x128xf32>,
    %mul3A_3002 = arith.constant 5.000000e-01 : f32
    %mul3A_3003 = vector.broadcast %mul3A_3002 : f32 to vector<32x128xf32>
    %mul3A_3004 = arith.mulf %mul3A_3003, %mul3A_2961 : vector<32x128xf32>
    %add3A_3005 = arith.addf %add3A_2945, %mul3A_3004 : vector<32x128xf32>
    %jit3A_3006 = arith.constant 0.000000e+00 : f32
    %max3A_3007 = vector.broadcast %jit3A_3006 : f32 to vector<32x128xf32>
    %max3A_3008 = arith.maximumf %max3A_3007, %add3A_3005 : vector<32x128xf32>
    %min3A_3009 = vector.broadcast %sub3A_2568 : f32 to vector<32x128xf32>
    %min3A_3010 = arith.minimumf %min3A_3009, %max3A_3008 : vector<32x128xf32>
    %swap3A_3011 = arith.constant 2 : index
    %swap3A_3012 = arith.constant 2 : index
    %swap3A_3013 = arith.constant 96 : index
    %swap3A_3014 = arith.constant 0 : index
    %swap3A_3015 = vector.load %arg4[%swap3A_3011, %swap3A_3012, %swap3A_3013, %swap3A_3014] : memref<5x4x288x128xf32, #tpu.memory_space<vmem>>, vector<1x1x32x128xf32>
    %swap3A_3016 = vector.shape_cast %swap3A_3015 : vector<1x1x32x128xf32> to vector<32x128xf32>
    %swap3A_3017 = vector.shape_cast %min3A_3010 : vector<32x128xf32> to vector<1x1x32x128xf32>
    tpu.vector_store %arg4[%swap3A_3011, %swap3A_3012, %swap3A_3013, %swap3A_3014], %swap3A_3017 {strides = array<i32>} : memref<5x4x288x128xf32, #tpu.memory_space<vmem>>, vector<1x1x32x128xf32>,
    %mul3A_3018 = arith.constant 5.000000e-01 : f32
    %mul3A_3019 = vector.broadcast %mul3A_3018 : f32 to vector<32x128xf32>
    %mul3A_3020 = arith.mulf %mul3A_3019, %mul3A_2969 : vector<32x128xf32>
    %add3A_3021 = arith.addf %add3A_2953, %mul3A_3020 : vector<32x128xf32>
    %jit3A_3022 = arith.constant 0.000000e+00 : f32
    %max3A_3023 = vector.broadcast %jit3A_3022 : f32 to vector<32x128xf32>
    %max3A_3024 = arith.maximumf %max3A_3023, %add3A_3021 : vector<32x128xf32>
    %min3A_3025 = vector.broadcast %sub3A_2563 : f32 to vector<32x128xf32>
    %min3A_3026 = arith.minimumf %min3A_3025, %max3A_3024 : vector<32x128xf32>
    %swap3A_3027 = arith.constant 3 : index
    %swap3A_3028 = arith.constant 2 : index
    %swap3A_3029 = arith.constant 96 : index
    %swap3A_3030 = arith.constant 0 : index
    %swap3A_3031 = vector.load %arg4[%swap3A_3027, %swap3A_3028, %swap3A_3029, %swap3A_3030] : memref<5x4x288x128xf32, #tpu.memory_space<vmem>>, vector<1x1x32x128xf32>
    %swap3A_3032 = vector.shape_cast %swap3A_3031 : vector<1x1x32x128xf32> to vector<32x128xf32>
    %swap3A_3033 = vector.shape_cast %min3A_3026 : vector<32x128xf32> to vector<1x1x32x128xf32>
    tpu.vector_store %arg4[%swap3A_3027, %swap3A_3028, %swap3A_3029, %swap3A_3030], %swap3A_3033 {strides = array<i32>} : memref<5x4x288x128xf32, #tpu.memory_space<vmem>>, vector<1x1x32x128xf32>,
    %get3A_3034 = arith.constant 2 : index
    %get3A_3035 = arith.constant 12 : index
    %get3A_3036 = arith.constant 0 : index
    %get3A_3037 = arith.constant 0 : index
    %get3A_3038 = vector.load %arg0[%get3A_3034, %get3A_3035, %get3A_3036, %get3A_3037] : memref<4x18x32x128xf32, #tpu.memory_space<vmem>>, vector<1x1x32x128xf32>
    %get3A_3039 = vector.shape_cast %get3A_3038 : vector<1x1x32x128xf32> to vector<32x128xf32>
    %swap3A_3040 = arith.constant 4 : index
    %swap3A_3041 = arith.constant 2 : index
    %swap3A_3042 = arith.constant 96 : index
    %swap3A_3043 = arith.constant 0 : index
    %swap3A_3044 = vector.load %arg4[%swap3A_3040, %swap3A_3041, %swap3A_3042, %swap3A_3043] : memref<5x4x288x128xf32, #tpu.memory_space<vmem>>, vector<1x1x32x128xf32>
    %swap3A_3045 = vector.shape_cast %swap3A_3044 : vector<1x1x32x128xf32> to vector<32x128xf32>
    %swap3A_3046 = vector.shape_cast %get3A_3039 : vector<32x128xf32> to vector<1x1x32x128xf32>
    tpu.vector_store %arg4[%swap3A_3040, %swap3A_3041, %swap3A_3042, %swap3A_3043], %swap3A_3046 {strides = array<i32>} : memref<5x4x288x128xf32, #tpu.memory_space<vmem>>, vector<1x1x32x128xf32>,
    %bitcast_convert_type3A_3047 = tpu.bitcast %get3A_3039 : vector<32x128xf32> -> vector<32x128xi32>
    %shift_right_arithmetic3A_3048 = arith.constant 31 : i32
    %shift_right_arithmetic3A_3049 = vector.broadcast %shift_right_arithmetic3A_3048 : i32 to vector<32x128xi32>
    %shift_right_arithmetic3A_3050 = arith.shrsi %bitcast_convert_type3A_3047, %shift_right_arithmetic3A_3049 : vector<32x128xi32>
    %and3A_3051 = arith.constant 2147483647 : i32
    %and3A_3052 = vector.broadcast %and3A_3051 : i32 to vector<32x128xi32>
    %and3A_3053 = arith.andi %shift_right_arithmetic3A_3050, %and3A_3052 : vector<32x128xi32>
    %xor3A_3054 = arith.xori %bitcast_convert_type3A_3047, %and3A_3053 : vector<32x128xi32>
    %swap3A_3055 = arith.constant 2 : index
    %swap3A_3056 = arith.constant 96 : index
    %swap3A_3057 = arith.constant 0 : index
    %swap3A_3058 = vector.load %arg5[%swap3A_3055, %swap3A_3056, %swap3A_3057] : memref<4x288x128xi32, #tpu.memory_space<vmem>>, vector<1x32x128xi32>
    %swap3A_3059 = vector.shape_cast %swap3A_3058 : vector<1x32x128xi32> to vector<32x128xi32>
    %swap3A_3060 = vector.shape_cast %xor3A_3054 : vector<32x128xi32> to vector<1x32x128xi32>
    tpu.vector_store %arg5[%swap3A_3055, %swap3A_3056, %swap3A_3057], %swap3A_3060 {strides = array<i32>} : memref<4x288x128xi32, #tpu.memory_space<vmem>>, vector<1x32x128xi32>,
    %get3A_3061 = arith.constant 2 : index
    %get3A_3062 = arith.constant 16 : index
    %get3A_3063 = arith.constant 0 : index
    %get3A_3064 = arith.constant 0 : index
    %get3A_3065 = vector.load %arg1[%get3A_3061, %get3A_3062, %get3A_3063, %get3A_3064] : memref<4x36x32x128xf32, #tpu.memory_space<vmem>>, vector<1x1x32x128xf32>
    %get3A_3066 = vector.shape_cast %get3A_3065 : vector<1x1x32x128xf32> to vector<32x128xf32>
    %mul3A_3067 = arith.mulf %get3A_3066, %add3A_176 : vector<32x128xf32>
    %add3A_3068 = arith.addf %mul3A_3067, %add3A_184 : vector<32x128xf32>
    %get3A_3069 = arith.constant 2 : index
    %get3A_3070 = arith.constant 17 : index
    %get3A_3071 = arith.constant 0 : index
    %get3A_3072 = arith.constant 0 : index
    %get3A_3073 = vector.load %arg1[%get3A_3069, %get3A_3070, %get3A_3071, %get3A_3072] : memref<4x36x32x128xf32, #tpu.memory_space<vmem>>, vector<1x1x32x128xf32>
    %get3A_3074 = vector.shape_cast %get3A_3073 : vector<1x1x32x128xf32> to vector<32x128xf32>
    %mul3A_3075 = arith.mulf %get3A_3074, %add3A_180 : vector<32x128xf32>
    %add3A_3076 = arith.addf %mul3A_3075, %add3A_188 : vector<32x128xf32>
    %get3A_3077 = arith.constant 2 : index
    %get3A_3078 = arith.constant 18 : index
    %get3A_3079 = arith.constant 0 : index
    %get3A_3080 = arith.constant 0 : index
    %get3A_3081 = vector.load %arg1[%get3A_3077, %get3A_3078, %get3A_3079, %get3A_3080] : memref<4x36x32x128xf32, #tpu.memory_space<vmem>>, vector<1x1x32x128xf32>
    %get3A_3082 = vector.shape_cast %get3A_3081 : vector<1x1x32x128xf32> to vector<32x128xf32>
    %exp3A_3083 = math.exp %get3A_3082 : vector<32x128xf32>
    %mul3A_3084 = arith.mulf %exp3A_3083, %add3A_176 : vector<32x128xf32>
    %get3A_3085 = arith.constant 2 : index
    %get3A_3086 = arith.constant 19 : index
    %get3A_3087 = arith.constant 0 : index
    %get3A_3088 = arith.constant 0 : index
    %get3A_3089 = vector.load %arg1[%get3A_3085, %get3A_3086, %get3A_3087, %get3A_3088] : memref<4x36x32x128xf32, #tpu.memory_space<vmem>>, vector<1x1x32x128xf32>
    %get3A_3090 = vector.shape_cast %get3A_3089 : vector<1x1x32x128xf32> to vector<32x128xf32>
    %exp3A_3091 = math.exp %get3A_3090 : vector<32x128xf32>
    %mul3A_3092 = arith.mulf %exp3A_3091, %add3A_180 : vector<32x128xf32>
    %mul3A_3093 = arith.constant 5.000000e-01 : f32
    %mul3A_3094 = vector.broadcast %mul3A_3093 : f32 to vector<32x128xf32>
    %mul3A_3095 = arith.mulf %mul3A_3094, %mul3A_3084 : vector<32x128xf32>
    %sub3A_3096 = arith.subf %add3A_3068, %mul3A_3095 : vector<32x128xf32>
    %jit3A_3097 = arith.constant 0.000000e+00 : f32
    %max3A_3098 = vector.broadcast %jit3A_3097 : f32 to vector<32x128xf32>
    %max3A_3099 = arith.maximumf %max3A_3098, %sub3A_3096 : vector<32x128xf32>
    %min3A_3100 = vector.broadcast %sub3A_2568 : f32 to vector<32x128xf32>
    %min3A_3101 = arith.minimumf %min3A_3100, %max3A_3099 : vector<32x128xf32>
    %swap3A_3102 = arith.constant 0 : index
    %swap3A_3103 = arith.constant 2 : index
    %swap3A_3104 = arith.constant 128 : index
    %swap3A_3105 = arith.constant 0 : index
    %swap3A_3106 = vector.load %arg4[%swap3A_3102, %swap3A_3103, %swap3A_3104, %swap3A_3105] : memref<5x4x288x128xf32, #tpu.memory_space<vmem>>, vector<1x1x32x128xf32>
    %swap3A_3107 = vector.shape_cast %swap3A_3106 : vector<1x1x32x128xf32> to vector<32x128xf32>
    %swap3A_3108 = vector.shape_cast %min3A_3101 : vector<32x128xf32> to vector<1x1x32x128xf32>
    tpu.vector_store %arg4[%swap3A_3102, %swap3A_3103, %swap3A_3104, %swap3A_3105], %swap3A_3108 {strides = array<i32>} : memref<5x4x288x128xf32, #tpu.memory_space<vmem>>, vector<1x1x32x128xf32>,
    %mul3A_3109 = arith.constant 5.000000e-01 : f32
    %mul3A_3110 = vector.broadcast %mul3A_3109 : f32 to vector<32x128xf32>
    %mul3A_3111 = arith.mulf %mul3A_3110, %mul3A_3092 : vector<32x128xf32>
    %sub3A_3112 = arith.subf %add3A_3076, %mul3A_3111 : vector<32x128xf32>
    %jit3A_3113 = arith.constant 0.000000e+00 : f32
    %max3A_3114 = vector.broadcast %jit3A_3113 : f32 to vector<32x128xf32>
    %max3A_3115 = arith.maximumf %max3A_3114, %sub3A_3112 : vector<32x128xf32>
    %min3A_3116 = vector.broadcast %sub3A_2563 : f32 to vector<32x128xf32>
    %min3A_3117 = arith.minimumf %min3A_3116, %max3A_3115 : vector<32x128xf32>
    %swap3A_3118 = arith.constant 1 : index
    %swap3A_3119 = arith.constant 2 : index
    %swap3A_3120 = arith.constant 128 : index
    %swap3A_3121 = arith.constant 0 : index
    %swap3A_3122 = vector.load %arg4[%swap3A_3118, %swap3A_3119, %swap3A_3120, %swap3A_3121] : memref<5x4x288x128xf32, #tpu.memory_space<vmem>>, vector<1x1x32x128xf32>
    %swap3A_3123 = vector.shape_cast %swap3A_3122 : vector<1x1x32x128xf32> to vector<32x128xf32>
    %swap3A_3124 = vector.shape_cast %min3A_3117 : vector<32x128xf32> to vector<1x1x32x128xf32>
    tpu.vector_store %arg4[%swap3A_3118, %swap3A_3119, %swap3A_3120, %swap3A_3121], %swap3A_3124 {strides = array<i32>} : memref<5x4x288x128xf32, #tpu.memory_space<vmem>>, vector<1x1x32x128xf32>,
    %mul3A_3125 = arith.constant 5.000000e-01 : f32
    %mul3A_3126 = vector.broadcast %mul3A_3125 : f32 to vector<32x128xf32>
    %mul3A_3127 = arith.mulf %mul3A_3126, %mul3A_3084 : vector<32x128xf32>
    %add3A_3128 = arith.addf %add3A_3068, %mul3A_3127 : vector<32x128xf32>
    %jit3A_3129 = arith.constant 0.000000e+00 : f32
    %max3A_3130 = vector.broadcast %jit3A_3129 : f32 to vector<32x128xf32>
    %max3A_3131 = arith.maximumf %max3A_3130, %add3A_3128 : vector<32x128xf32>
    %min3A_3132 = vector.broadcast %sub3A_2568 : f32 to vector<32x128xf32>
    %min3A_3133 = arith.minimumf %min3A_3132, %max3A_3131 : vector<32x128xf32>
    %swap3A_3134 = arith.constant 2 : index
    %swap3A_3135 = arith.constant 2 : index
    %swap3A_3136 = arith.constant 128 : index
    %swap3A_3137 = arith.constant 0 : index
    %swap3A_3138 = vector.load %arg4[%swap3A_3134, %swap3A_3135, %swap3A_3136, %swap3A_3137] : memref<5x4x288x128xf32, #tpu.memory_space<vmem>>, vector<1x1x32x128xf32>
    %swap3A_3139 = vector.shape_cast %swap3A_3138 : vector<1x1x32x128xf32> to vector<32x128xf32>
    %swap3A_3140 = vector.shape_cast %min3A_3133 : vector<32x128xf32> to vector<1x1x32x128xf32>
    tpu.vector_store %arg4[%swap3A_3134, %swap3A_3135, %swap3A_3136, %swap3A_3137], %swap3A_3140 {strides = array<i32>} : memref<5x4x288x128xf32, #tpu.memory_space<vmem>>, vector<1x1x32x128xf32>,
    %mul3A_3141 = arith.constant 5.000000e-01 : f32
    %mul3A_3142 = vector.broadcast %mul3A_3141 : f32 to vector<32x128xf32>
    %mul3A_3143 = arith.mulf %mul3A_3142, %mul3A_3092 : vector<32x128xf32>
    %add3A_3144 = arith.addf %add3A_3076, %mul3A_3143 : vector<32x128xf32>
    %jit3A_3145 = arith.constant 0.000000e+00 : f32
    %max3A_3146 = vector.broadcast %jit3A_3145 : f32 to vector<32x128xf32>
    %max3A_3147 = arith.maximumf %max3A_3146, %add3A_3144 : vector<32x128xf32>
    %min3A_3148 = vector.broadcast %sub3A_2563 : f32 to vector<32x128xf32>
    %min3A_3149 = arith.minimumf %min3A_3148, %max3A_3147 : vector<32x128xf32>
    %swap3A_3150 = arith.constant 3 : index
    %swap3A_3151 = arith.constant 2 : index
    %swap3A_3152 = arith.constant 128 : index
    %swap3A_3153 = arith.constant 0 : index
    %swap3A_3154 = vector.load %arg4[%swap3A_3150, %swap3A_3151, %swap3A_3152, %swap3A_3153] : memref<5x4x288x128xf32, #tpu.memory_space<vmem>>, vector<1x1x32x128xf32>
    %swap3A_3155 = vector.shape_cast %swap3A_3154 : vector<1x1x32x128xf32> to vector<32x128xf32>
    %swap3A_3156 = vector.shape_cast %min3A_3149 : vector<32x128xf32> to vector<1x1x32x128xf32>
    tpu.vector_store %arg4[%swap3A_3150, %swap3A_3151, %swap3A_3152, %swap3A_3153], %swap3A_3156 {strides = array<i32>} : memref<5x4x288x128xf32, #tpu.memory_space<vmem>>, vector<1x1x32x128xf32>,
    %get3A_3157 = arith.constant 2 : index
    %get3A_3158 = arith.constant 13 : index
    %get3A_3159 = arith.constant 0 : index
    %get3A_3160 = arith.constant 0 : index
    %get3A_3161 = vector.load %arg0[%get3A_3157, %get3A_3158, %get3A_3159, %get3A_3160] : memref<4x18x32x128xf32, #tpu.memory_space<vmem>>, vector<1x1x32x128xf32>
    %get3A_3162 = vector.shape_cast %get3A_3161 : vector<1x1x32x128xf32> to vector<32x128xf32>
    %swap3A_3163 = arith.constant 4 : index
    %swap3A_3164 = arith.constant 2 : index
    %swap3A_3165 = arith.constant 128 : index
    %swap3A_3166 = arith.constant 0 : index
    %swap3A_3167 = vector.load %arg4[%swap3A_3163, %swap3A_3164, %swap3A_3165, %swap3A_3166] : memref<5x4x288x128xf32, #tpu.memory_space<vmem>>, vector<1x1x32x128xf32>
    %swap3A_3168 = vector.shape_cast %swap3A_3167 : vector<1x1x32x128xf32> to vector<32x128xf32>
    %swap3A_3169 = vector.shape_cast %get3A_3162 : vector<32x128xf32> to vector<1x1x32x128xf32>
    tpu.vector_store %arg4[%swap3A_3163, %swap3A_3164, %swap3A_3165, %swap3A_3166], %swap3A_3169 {strides = array<i32>} : memref<5x4x288x128xf32, #tpu.memory_space<vmem>>, vector<1x1x32x128xf32>,
    %bitcast_convert_type3A_3170 = tpu.bitcast %get3A_3162 : vector<32x128xf32> -> vector<32x128xi32>
    %shift_right_arithmetic3A_3171 = arith.constant 31 : i32
    %shift_right_arithmetic3A_3172 = vector.broadcast %shift_right_arithmetic3A_3171 : i32 to vector<32x128xi32>
    %shift_right_arithmetic3A_3173 = arith.shrsi %bitcast_convert_type3A_3170, %shift_right_arithmetic3A_3172 : vector<32x128xi32>
    %and3A_3174 = arith.constant 2147483647 : i32
    %and3A_3175 = vector.broadcast %and3A_3174 : i32 to vector<32x128xi32>
    %and3A_3176 = arith.andi %shift_right_arithmetic3A_3173, %and3A_3175 : vector<32x128xi32>
    %xor3A_3177 = arith.xori %bitcast_convert_type3A_3170, %and3A_3176 : vector<32x128xi32>
    %swap3A_3178 = arith.constant 2 : index
    %swap3A_3179 = arith.constant 128 : index
    %swap3A_3180 = arith.constant 0 : index
    %swap3A_3181 = vector.load %arg5[%swap3A_3178, %swap3A_3179, %swap3A_3180] : memref<4x288x128xi32, #tpu.memory_space<vmem>>, vector<1x32x128xi32>
    %swap3A_3182 = vector.shape_cast %swap3A_3181 : vector<1x32x128xi32> to vector<32x128xi32>
    %swap3A_3183 = vector.shape_cast %xor3A_3177 : vector<32x128xi32> to vector<1x32x128xi32>
    tpu.vector_store %arg5[%swap3A_3178, %swap3A_3179, %swap3A_3180], %swap3A_3183 {strides = array<i32>} : memref<4x288x128xi32, #tpu.memory_space<vmem>>, vector<1x32x128xi32>,
    %get3A_3184 = arith.constant 2 : index
    %get3A_3185 = arith.constant 20 : index
    %get3A_3186 = arith.constant 0 : index
    %get3A_3187 = arith.constant 0 : index
    %get3A_3188 = vector.load %arg1[%get3A_3184, %get3A_3185, %get3A_3186, %get3A_3187] : memref<4x36x32x128xf32, #tpu.memory_space<vmem>>, vector<1x1x32x128xf32>
    %get3A_3189 = vector.shape_cast %get3A_3188 : vector<1x1x32x128xf32> to vector<32x128xf32>
    %mul3A_3190 = arith.mulf %get3A_3189, %add3A_212 : vector<32x128xf32>
    %add3A_3191 = arith.addf %mul3A_3190, %add3A_220 : vector<32x128xf32>
    %get3A_3192 = arith.constant 2 : index
    %get3A_3193 = arith.constant 21 : index
    %get3A_3194 = arith.constant 0 : index
    %get3A_3195 = arith.constant 0 : index
    %get3A_3196 = vector.load %arg1[%get3A_3192, %get3A_3193, %get3A_3194, %get3A_3195] : memref<4x36x32x128xf32, #tpu.memory_space<vmem>>, vector<1x1x32x128xf32>
    %get3A_3197 = vector.shape_cast %get3A_3196 : vector<1x1x32x128xf32> to vector<32x128xf32>
    %mul3A_3198 = arith.mulf %get3A_3197, %add3A_216 : vector<32x128xf32>
    %add3A_3199 = arith.addf %mul3A_3198, %add3A_224 : vector<32x128xf32>
    %get3A_3200 = arith.constant 2 : index
    %get3A_3201 = arith.constant 22 : index
    %get3A_3202 = arith.constant 0 : index
    %get3A_3203 = arith.constant 0 : index
    %get3A_3204 = vector.load %arg1[%get3A_3200, %get3A_3201, %get3A_3202, %get3A_3203] : memref<4x36x32x128xf32, #tpu.memory_space<vmem>>, vector<1x1x32x128xf32>
    %get3A_3205 = vector.shape_cast %get3A_3204 : vector<1x1x32x128xf32> to vector<32x128xf32>
    %exp3A_3206 = math.exp %get3A_3205 : vector<32x128xf32>
    %mul3A_3207 = arith.mulf %exp3A_3206, %add3A_212 : vector<32x128xf32>
    %get3A_3208 = arith.constant 2 : index
    %get3A_3209 = arith.constant 23 : index
    %get3A_3210 = arith.constant 0 : index
    %get3A_3211 = arith.constant 0 : index
    %get3A_3212 = vector.load %arg1[%get3A_3208, %get3A_3209, %get3A_3210, %get3A_3211] : memref<4x36x32x128xf32, #tpu.memory_space<vmem>>, vector<1x1x32x128xf32>
    %get3A_3213 = vector.shape_cast %get3A_3212 : vector<1x1x32x128xf32> to vector<32x128xf32>
    %exp3A_3214 = math.exp %get3A_3213 : vector<32x128xf32>
    %mul3A_3215 = arith.mulf %exp3A_3214, %add3A_216 : vector<32x128xf32>
    %mul3A_3216 = arith.constant 5.000000e-01 : f32
    %mul3A_3217 = vector.broadcast %mul3A_3216 : f32 to vector<32x128xf32>
    %mul3A_3218 = arith.mulf %mul3A_3217, %mul3A_3207 : vector<32x128xf32>
    %sub3A_3219 = arith.subf %add3A_3191, %mul3A_3218 : vector<32x128xf32>
    %jit3A_3220 = arith.constant 0.000000e+00 : f32
    %max3A_3221 = vector.broadcast %jit3A_3220 : f32 to vector<32x128xf32>
    %max3A_3222 = arith.maximumf %max3A_3221, %sub3A_3219 : vector<32x128xf32>
    %min3A_3223 = vector.broadcast %sub3A_2568 : f32 to vector<32x128xf32>
    %min3A_3224 = arith.minimumf %min3A_3223, %max3A_3222 : vector<32x128xf32>
    %swap3A_3225 = arith.constant 0 : index
    %swap3A_3226 = arith.constant 2 : index
    %swap3A_3227 = arith.constant 160 : index
    %swap3A_3228 = arith.constant 0 : index
    %swap3A_3229 = vector.load %arg4[%swap3A_3225, %swap3A_3226, %swap3A_3227, %swap3A_3228] : memref<5x4x288x128xf32, #tpu.memory_space<vmem>>, vector<1x1x32x128xf32>
    %swap3A_3230 = vector.shape_cast %swap3A_3229 : vector<1x1x32x128xf32> to vector<32x128xf32>
    %swap3A_3231 = vector.shape_cast %min3A_3224 : vector<32x128xf32> to vector<1x1x32x128xf32>
    tpu.vector_store %arg4[%swap3A_3225, %swap3A_3226, %swap3A_3227, %swap3A_3228], %swap3A_3231 {strides = array<i32>} : memref<5x4x288x128xf32, #tpu.memory_space<vmem>>, vector<1x1x32x128xf32>,
    %mul3A_3232 = arith.constant 5.000000e-01 : f32
    %mul3A_3233 = vector.broadcast %mul3A_3232 : f32 to vector<32x128xf32>
    %mul3A_3234 = arith.mulf %mul3A_3233, %mul3A_3215 : vector<32x128xf32>
    %sub3A_3235 = arith.subf %add3A_3199, %mul3A_3234 : vector<32x128xf32>
    %jit3A_3236 = arith.constant 0.000000e+00 : f32
    %max3A_3237 = vector.broadcast %jit3A_3236 : f32 to vector<32x128xf32>
    %max3A_3238 = arith.maximumf %max3A_3237, %sub3A_3235 : vector<32x128xf32>
    %min3A_3239 = vector.broadcast %sub3A_2563 : f32 to vector<32x128xf32>
    %min3A_3240 = arith.minimumf %min3A_3239, %max3A_3238 : vector<32x128xf32>
    %swap3A_3241 = arith.constant 1 : index
    %swap3A_3242 = arith.constant 2 : index
    %swap3A_3243 = arith.constant 160 : index
    %swap3A_3244 = arith.constant 0 : index
    %swap3A_3245 = vector.load %arg4[%swap3A_3241, %swap3A_3242, %swap3A_3243, %swap3A_3244] : memref<5x4x288x128xf32, #tpu.memory_space<vmem>>, vector<1x1x32x128xf32>
    %swap3A_3246 = vector.shape_cast %swap3A_3245 : vector<1x1x32x128xf32> to vector<32x128xf32>
    %swap3A_3247 = vector.shape_cast %min3A_3240 : vector<32x128xf32> to vector<1x1x32x128xf32>
    tpu.vector_store %arg4[%swap3A_3241, %swap3A_3242, %swap3A_3243, %swap3A_3244], %swap3A_3247 {strides = array<i32>} : memref<5x4x288x128xf32, #tpu.memory_space<vmem>>, vector<1x1x32x128xf32>,
    %mul3A_3248 = arith.constant 5.000000e-01 : f32
    %mul3A_3249 = vector.broadcast %mul3A_3248 : f32 to vector<32x128xf32>
    %mul3A_3250 = arith.mulf %mul3A_3249, %mul3A_3207 : vector<32x128xf32>
    %add3A_3251 = arith.addf %add3A_3191, %mul3A_3250 : vector<32x128xf32>
    %jit3A_3252 = arith.constant 0.000000e+00 : f32
    %max3A_3253 = vector.broadcast %jit3A_3252 : f32 to vector<32x128xf32>
    %max3A_3254 = arith.maximumf %max3A_3253, %add3A_3251 : vector<32x128xf32>
    %min3A_3255 = vector.broadcast %sub3A_2568 : f32 to vector<32x128xf32>
    %min3A_3256 = arith.minimumf %min3A_3255, %max3A_3254 : vector<32x128xf32>
    %swap3A_3257 = arith.constant 2 : index
    %swap3A_3258 = arith.constant 2 : index
    %swap3A_3259 = arith.constant 160 : index
    %swap3A_3260 = arith.constant 0 : index
    %swap3A_3261 = vector.load %arg4[%swap3A_3257, %swap3A_3258, %swap3A_3259, %swap3A_3260] : memref<5x4x288x128xf32, #tpu.memory_space<vmem>>, vector<1x1x32x128xf32>
    %swap3A_3262 = vector.shape_cast %swap3A_3261 : vector<1x1x32x128xf32> to vector<32x128xf32>
    %swap3A_3263 = vector.shape_cast %min3A_3256 : vector<32x128xf32> to vector<1x1x32x128xf32>
    tpu.vector_store %arg4[%swap3A_3257, %swap3A_3258, %swap3A_3259, %swap3A_3260], %swap3A_3263 {strides = array<i32>} : memref<5x4x288x128xf32, #tpu.memory_space<vmem>>, vector<1x1x32x128xf32>,
    %mul3A_3264 = arith.constant 5.000000e-01 : f32
    %mul3A_3265 = vector.broadcast %mul3A_3264 : f32 to vector<32x128xf32>
    %mul3A_3266 = arith.mulf %mul3A_3265, %mul3A_3215 : vector<32x128xf32>
    %add3A_3267 = arith.addf %add3A_3199, %mul3A_3266 : vector<32x128xf32>
    %jit3A_3268 = arith.constant 0.000000e+00 : f32
    %max3A_3269 = vector.broadcast %jit3A_3268 : f32 to vector<32x128xf32>
    %max3A_3270 = arith.maximumf %max3A_3269, %add3A_3267 : vector<32x128xf32>
    %min3A_3271 = vector.broadcast %sub3A_2563 : f32 to vector<32x128xf32>
    %min3A_3272 = arith.minimumf %min3A_3271, %max3A_3270 : vector<32x128xf32>
    %swap3A_3273 = arith.constant 3 : index
    %swap3A_3274 = arith.constant 2 : index
    %swap3A_3275 = arith.constant 160 : index
    %swap3A_3276 = arith.constant 0 : index
    %swap3A_3277 = vector.load %arg4[%swap3A_3273, %swap3A_3274, %swap3A_3275, %swap3A_3276] : memref<5x4x288x128xf32, #tpu.memory_space<vmem>>, vector<1x1x32x128xf32>
    %swap3A_3278 = vector.shape_cast %swap3A_3277 : vector<1x1x32x128xf32> to vector<32x128xf32>
    %swap3A_3279 = vector.shape_cast %min3A_3272 : vector<32x128xf32> to vector<1x1x32x128xf32>
    tpu.vector_store %arg4[%swap3A_3273, %swap3A_3274, %swap3A_3275, %swap3A_3276], %swap3A_3279 {strides = array<i32>} : memref<5x4x288x128xf32, #tpu.memory_space<vmem>>, vector<1x1x32x128xf32>,
    %get3A_3280 = arith.constant 2 : index
    %get3A_3281 = arith.constant 14 : index
    %get3A_3282 = arith.constant 0 : index
    %get3A_3283 = arith.constant 0 : index
    %get3A_3284 = vector.load %arg0[%get3A_3280, %get3A_3281, %get3A_3282, %get3A_3283] : memref<4x18x32x128xf32, #tpu.memory_space<vmem>>, vector<1x1x32x128xf32>
    %get3A_3285 = vector.shape_cast %get3A_3284 : vector<1x1x32x128xf32> to vector<32x128xf32>
    %swap3A_3286 = arith.constant 4 : index
    %swap3A_3287 = arith.constant 2 : index
    %swap3A_3288 = arith.constant 160 : index
    %swap3A_3289 = arith.constant 0 : index
    %swap3A_3290 = vector.load %arg4[%swap3A_3286, %swap3A_3287, %swap3A_3288, %swap3A_3289] : memref<5x4x288x128xf32, #tpu.memory_space<vmem>>, vector<1x1x32x128xf32>
    %swap3A_3291 = vector.shape_cast %swap3A_3290 : vector<1x1x32x128xf32> to vector<32x128xf32>
    %swap3A_3292 = vector.shape_cast %get3A_3285 : vector<32x128xf32> to vector<1x1x32x128xf32>
    tpu.vector_store %arg4[%swap3A_3286, %swap3A_3287, %swap3A_3288, %swap3A_3289], %swap3A_3292 {strides = array<i32>} : memref<5x4x288x128xf32, #tpu.memory_space<vmem>>, vector<1x1x32x128xf32>,
    %bitcast_convert_type3A_3293 = tpu.bitcast %get3A_3285 : vector<32x128xf32> -> vector<32x128xi32>
    %shift_right_arithmetic3A_3294 = arith.constant 31 : i32
    %shift_right_arithmetic3A_3295 = vector.broadcast %shift_right_arithmetic3A_3294 : i32 to vector<32x128xi32>
    %shift_right_arithmetic3A_3296 = arith.shrsi %bitcast_convert_type3A_3293, %shift_right_arithmetic3A_3295 : vector<32x128xi32>
    %and3A_3297 = arith.constant 2147483647 : i32
    %and3A_3298 = vector.broadcast %and3A_3297 : i32 to vector<32x128xi32>
    %and3A_3299 = arith.andi %shift_right_arithmetic3A_3296, %and3A_3298 : vector<32x128xi32>
    %xor3A_3300 = arith.xori %bitcast_convert_type3A_3293, %and3A_3299 : vector<32x128xi32>
    %swap3A_3301 = arith.constant 2 : index
    %swap3A_3302 = arith.constant 160 : index
    %swap3A_3303 = arith.constant 0 : index
    %swap3A_3304 = vector.load %arg5[%swap3A_3301, %swap3A_3302, %swap3A_3303] : memref<4x288x128xi32, #tpu.memory_space<vmem>>, vector<1x32x128xi32>
    %swap3A_3305 = vector.shape_cast %swap3A_3304 : vector<1x32x128xi32> to vector<32x128xi32>
    %swap3A_3306 = vector.shape_cast %xor3A_3300 : vector<32x128xi32> to vector<1x32x128xi32>
    tpu.vector_store %arg5[%swap3A_3301, %swap3A_3302, %swap3A_3303], %swap3A_3306 {strides = array<i32>} : memref<4x288x128xi32, #tpu.memory_space<vmem>>, vector<1x32x128xi32>,
    %get3A_3307 = arith.constant 2 : index
    %get3A_3308 = arith.constant 24 : index
    %get3A_3309 = arith.constant 0 : index
    %get3A_3310 = arith.constant 0 : index
    %get3A_3311 = vector.load %arg1[%get3A_3307, %get3A_3308, %get3A_3309, %get3A_3310] : memref<4x36x32x128xf32, #tpu.memory_space<vmem>>, vector<1x1x32x128xf32>
    %get3A_3312 = vector.shape_cast %get3A_3311 : vector<1x1x32x128xf32> to vector<32x128xf32>
    %mul3A_3313 = arith.mulf %get3A_3312, %add3A_248 : vector<32x128xf32>
    %add3A_3314 = arith.addf %mul3A_3313, %add3A_256 : vector<32x128xf32>
    %get3A_3315 = arith.constant 2 : index
    %get3A_3316 = arith.constant 25 : index
    %get3A_3317 = arith.constant 0 : index
    %get3A_3318 = arith.constant 0 : index
    %get3A_3319 = vector.load %arg1[%get3A_3315, %get3A_3316, %get3A_3317, %get3A_3318] : memref<4x36x32x128xf32, #tpu.memory_space<vmem>>, vector<1x1x32x128xf32>
    %get3A_3320 = vector.shape_cast %get3A_3319 : vector<1x1x32x128xf32> to vector<32x128xf32>
    %mul3A_3321 = arith.mulf %get3A_3320, %add3A_252 : vector<32x128xf32>
    %add3A_3322 = arith.addf %mul3A_3321, %add3A_260 : vector<32x128xf32>
    %get3A_3323 = arith.constant 2 : index
    %get3A_3324 = arith.constant 26 : index
    %get3A_3325 = arith.constant 0 : index
    %get3A_3326 = arith.constant 0 : index
    %get3A_3327 = vector.load %arg1[%get3A_3323, %get3A_3324, %get3A_3325, %get3A_3326] : memref<4x36x32x128xf32, #tpu.memory_space<vmem>>, vector<1x1x32x128xf32>
    %get3A_3328 = vector.shape_cast %get3A_3327 : vector<1x1x32x128xf32> to vector<32x128xf32>
    %exp3A_3329 = math.exp %get3A_3328 : vector<32x128xf32>
    %mul3A_3330 = arith.mulf %exp3A_3329, %add3A_248 : vector<32x128xf32>
    %get3A_3331 = arith.constant 2 : index
    %get3A_3332 = arith.constant 27 : index
    %get3A_3333 = arith.constant 0 : index
    %get3A_3334 = arith.constant 0 : index
    %get3A_3335 = vector.load %arg1[%get3A_3331, %get3A_3332, %get3A_3333, %get3A_3334] : memref<4x36x32x128xf32, #tpu.memory_space<vmem>>, vector<1x1x32x128xf32>
    %get3A_3336 = vector.shape_cast %get3A_3335 : vector<1x1x32x128xf32> to vector<32x128xf32>
    %exp3A_3337 = math.exp %get3A_3336 : vector<32x128xf32>
    %mul3A_3338 = arith.mulf %exp3A_3337, %add3A_252 : vector<32x128xf32>
    %mul3A_3339 = arith.constant 5.000000e-01 : f32
    %mul3A_3340 = vector.broadcast %mul3A_3339 : f32 to vector<32x128xf32>
    %mul3A_3341 = arith.mulf %mul3A_3340, %mul3A_3330 : vector<32x128xf32>
    %sub3A_3342 = arith.subf %add3A_3314, %mul3A_3341 : vector<32x128xf32>
    %jit3A_3343 = arith.constant 0.000000e+00 : f32
    %max3A_3344 = vector.broadcast %jit3A_3343 : f32 to vector<32x128xf32>
    %max3A_3345 = arith.maximumf %max3A_3344, %sub3A_3342 : vector<32x128xf32>
    %min3A_3346 = vector.broadcast %sub3A_2568 : f32 to vector<32x128xf32>
    %min3A_3347 = arith.minimumf %min3A_3346, %max3A_3345 : vector<32x128xf32>
    %swap3A_3348 = arith.constant 0 : index
    %swap3A_3349 = arith.constant 2 : index
    %swap3A_3350 = arith.constant 192 : index
    %swap3A_3351 = arith.constant 0 : index
    %swap3A_3352 = vector.load %arg4[%swap3A_3348, %swap3A_3349, %swap3A_3350, %swap3A_3351] : memref<5x4x288x128xf32, #tpu.memory_space<vmem>>, vector<1x1x32x128xf32>
    %swap3A_3353 = vector.shape_cast %swap3A_3352 : vector<1x1x32x128xf32> to vector<32x128xf32>
    %swap3A_3354 = vector.shape_cast %min3A_3347 : vector<32x128xf32> to vector<1x1x32x128xf32>
    tpu.vector_store %arg4[%swap3A_3348, %swap3A_3349, %swap3A_3350, %swap3A_3351], %swap3A_3354 {strides = array<i32>} : memref<5x4x288x128xf32, #tpu.memory_space<vmem>>, vector<1x1x32x128xf32>,
    %mul3A_3355 = arith.constant 5.000000e-01 : f32
    %mul3A_3356 = vector.broadcast %mul3A_3355 : f32 to vector<32x128xf32>
    %mul3A_3357 = arith.mulf %mul3A_3356, %mul3A_3338 : vector<32x128xf32>
    %sub3A_3358 = arith.subf %add3A_3322, %mul3A_3357 : vector<32x128xf32>
    %jit3A_3359 = arith.constant 0.000000e+00 : f32
    %max3A_3360 = vector.broadcast %jit3A_3359 : f32 to vector<32x128xf32>
    %max3A_3361 = arith.maximumf %max3A_3360, %sub3A_3358 : vector<32x128xf32>
    %min3A_3362 = vector.broadcast %sub3A_2563 : f32 to vector<32x128xf32>
    %min3A_3363 = arith.minimumf %min3A_3362, %max3A_3361 : vector<32x128xf32>
    %swap3A_3364 = arith.constant 1 : index
    %swap3A_3365 = arith.constant 2 : index
    %swap3A_3366 = arith.constant 192 : index
    %swap3A_3367 = arith.constant 0 : index
    %swap3A_3368 = vector.load %arg4[%swap3A_3364, %swap3A_3365, %swap3A_3366, %swap3A_3367] : memref<5x4x288x128xf32, #tpu.memory_space<vmem>>, vector<1x1x32x128xf32>
    %swap3A_3369 = vector.shape_cast %swap3A_3368 : vector<1x1x32x128xf32> to vector<32x128xf32>
    %swap3A_3370 = vector.shape_cast %min3A_3363 : vector<32x128xf32> to vector<1x1x32x128xf32>
    tpu.vector_store %arg4[%swap3A_3364, %swap3A_3365, %swap3A_3366, %swap3A_3367], %swap3A_3370 {strides = array<i32>} : memref<5x4x288x128xf32, #tpu.memory_space<vmem>>, vector<1x1x32x128xf32>,
    %mul3A_3371 = arith.constant 5.000000e-01 : f32
    %mul3A_3372 = vector.broadcast %mul3A_3371 : f32 to vector<32x128xf32>
    %mul3A_3373 = arith.mulf %mul3A_3372, %mul3A_3330 : vector<32x128xf32>
    %add3A_3374 = arith.addf %add3A_3314, %mul3A_3373 : vector<32x128xf32>
    %jit3A_3375 = arith.constant 0.000000e+00 : f32
    %max3A_3376 = vector.broadcast %jit3A_3375 : f32 to vector<32x128xf32>
    %max3A_3377 = arith.maximumf %max3A_3376, %add3A_3374 : vector<32x128xf32>
    %min3A_3378 = vector.broadcast %sub3A_2568 : f32 to vector<32x128xf32>
    %min3A_3379 = arith.minimumf %min3A_3378, %max3A_3377 : vector<32x128xf32>
    %swap3A_3380 = arith.constant 2 : index
    %swap3A_3381 = arith.constant 2 : index
    %swap3A_3382 = arith.constant 192 : index
    %swap3A_3383 = arith.constant 0 : index
    %swap3A_3384 = vector.load %arg4[%swap3A_3380, %swap3A_3381, %swap3A_3382, %swap3A_3383] : memref<5x4x288x128xf32, #tpu.memory_space<vmem>>, vector<1x1x32x128xf32>
    %swap3A_3385 = vector.shape_cast %swap3A_3384 : vector<1x1x32x128xf32> to vector<32x128xf32>
    %swap3A_3386 = vector.shape_cast %min3A_3379 : vector<32x128xf32> to vector<1x1x32x128xf32>
    tpu.vector_store %arg4[%swap3A_3380, %swap3A_3381, %swap3A_3382, %swap3A_3383], %swap3A_3386 {strides = array<i32>} : memref<5x4x288x128xf32, #tpu.memory_space<vmem>>, vector<1x1x32x128xf32>,
    %mul3A_3387 = arith.constant 5.000000e-01 : f32
    %mul3A_3388 = vector.broadcast %mul3A_3387 : f32 to vector<32x128xf32>
    %mul3A_3389 = arith.mulf %mul3A_3388, %mul3A_3338 : vector<32x128xf32>
    %add3A_3390 = arith.addf %add3A_3322, %mul3A_3389 : vector<32x128xf32>
    %jit3A_3391 = arith.constant 0.000000e+00 : f32
    %max3A_3392 = vector.broadcast %jit3A_3391 : f32 to vector<32x128xf32>
    %max3A_3393 = arith.maximumf %max3A_3392, %add3A_3390 : vector<32x128xf32>
    %min3A_3394 = vector.broadcast %sub3A_2563 : f32 to vector<32x128xf32>
    %min3A_3395 = arith.minimumf %min3A_3394, %max3A_3393 : vector<32x128xf32>
    %swap3A_3396 = arith.constant 3 : index
    %swap3A_3397 = arith.constant 2 : index
    %swap3A_3398 = arith.constant 192 : index
    %swap3A_3399 = arith.constant 0 : index
    %swap3A_3400 = vector.load %arg4[%swap3A_3396, %swap3A_3397, %swap3A_3398, %swap3A_3399] : memref<5x4x288x128xf32, #tpu.memory_space<vmem>>, vector<1x1x32x128xf32>
    %swap3A_3401 = vector.shape_cast %swap3A_3400 : vector<1x1x32x128xf32> to vector<32x128xf32>
    %swap3A_3402 = vector.shape_cast %min3A_3395 : vector<32x128xf32> to vector<1x1x32x128xf32>
    tpu.vector_store %arg4[%swap3A_3396, %swap3A_3397, %swap3A_3398, %swap3A_3399], %swap3A_3402 {strides = array<i32>} : memref<5x4x288x128xf32, #tpu.memory_space<vmem>>, vector<1x1x32x128xf32>,
    %get3A_3403 = arith.constant 2 : index
    %get3A_3404 = arith.constant 15 : index
    %get3A_3405 = arith.constant 0 : index
    %get3A_3406 = arith.constant 0 : index
    %get3A_3407 = vector.load %arg0[%get3A_3403, %get3A_3404, %get3A_3405, %get3A_3406] : memref<4x18x32x128xf32, #tpu.memory_space<vmem>>, vector<1x1x32x128xf32>
    %get3A_3408 = vector.shape_cast %get3A_3407 : vector<1x1x32x128xf32> to vector<32x128xf32>
    %swap3A_3409 = arith.constant 4 : index
    %swap3A_3410 = arith.constant 2 : index
    %swap3A_3411 = arith.constant 192 : index
    %swap3A_3412 = arith.constant 0 : index
    %swap3A_3413 = vector.load %arg4[%swap3A_3409, %swap3A_3410, %swap3A_3411, %swap3A_3412] : memref<5x4x288x128xf32, #tpu.memory_space<vmem>>, vector<1x1x32x128xf32>
    %swap3A_3414 = vector.shape_cast %swap3A_3413 : vector<1x1x32x128xf32> to vector<32x128xf32>
    %swap3A_3415 = vector.shape_cast %get3A_3408 : vector<32x128xf32> to vector<1x1x32x128xf32>
    tpu.vector_store %arg4[%swap3A_3409, %swap3A_3410, %swap3A_3411, %swap3A_3412], %swap3A_3415 {strides = array<i32>} : memref<5x4x288x128xf32, #tpu.memory_space<vmem>>, vector<1x1x32x128xf32>,
    %bitcast_convert_type3A_3416 = tpu.bitcast %get3A_3408 : vector<32x128xf32> -> vector<32x128xi32>
    %shift_right_arithmetic3A_3417 = arith.constant 31 : i32
    %shift_right_arithmetic3A_3418 = vector.broadcast %shift_right_arithmetic3A_3417 : i32 to vector<32x128xi32>
    %shift_right_arithmetic3A_3419 = arith.shrsi %bitcast_convert_type3A_3416, %shift_right_arithmetic3A_3418 : vector<32x128xi32>
    %and3A_3420 = arith.constant 2147483647 : i32
    %and3A_3421 = vector.broadcast %and3A_3420 : i32 to vector<32x128xi32>
    %and3A_3422 = arith.andi %shift_right_arithmetic3A_3419, %and3A_3421 : vector<32x128xi32>
    %xor3A_3423 = arith.xori %bitcast_convert_type3A_3416, %and3A_3422 : vector<32x128xi32>
    %swap3A_3424 = arith.constant 2 : index
    %swap3A_3425 = arith.constant 192 : index
    %swap3A_3426 = arith.constant 0 : index
    %swap3A_3427 = vector.load %arg5[%swap3A_3424, %swap3A_3425, %swap3A_3426] : memref<4x288x128xi32, #tpu.memory_space<vmem>>, vector<1x32x128xi32>
    %swap3A_3428 = vector.shape_cast %swap3A_3427 : vector<1x32x128xi32> to vector<32x128xi32>
    %swap3A_3429 = vector.shape_cast %xor3A_3423 : vector<32x128xi32> to vector<1x32x128xi32>
    tpu.vector_store %arg5[%swap3A_3424, %swap3A_3425, %swap3A_3426], %swap3A_3429 {strides = array<i32>} : memref<4x288x128xi32, #tpu.memory_space<vmem>>, vector<1x32x128xi32>,
    %get3A_3430 = arith.constant 2 : index
    %get3A_3431 = arith.constant 28 : index
    %get3A_3432 = arith.constant 0 : index
    %get3A_3433 = arith.constant 0 : index
    %get3A_3434 = vector.load %arg1[%get3A_3430, %get3A_3431, %get3A_3432, %get3A_3433] : memref<4x36x32x128xf32, #tpu.memory_space<vmem>>, vector<1x1x32x128xf32>
    %get3A_3435 = vector.shape_cast %get3A_3434 : vector<1x1x32x128xf32> to vector<32x128xf32>
    %mul3A_3436 = arith.mulf %get3A_3435, %add3A_284 : vector<32x128xf32>
    %add3A_3437 = arith.addf %mul3A_3436, %add3A_292 : vector<32x128xf32>
    %get3A_3438 = arith.constant 2 : index
    %get3A_3439 = arith.constant 29 : index
    %get3A_3440 = arith.constant 0 : index
    %get3A_3441 = arith.constant 0 : index
    %get3A_3442 = vector.load %arg1[%get3A_3438, %get3A_3439, %get3A_3440, %get3A_3441] : memref<4x36x32x128xf32, #tpu.memory_space<vmem>>, vector<1x1x32x128xf32>
    %get3A_3443 = vector.shape_cast %get3A_3442 : vector<1x1x32x128xf32> to vector<32x128xf32>
    %mul3A_3444 = arith.mulf %get3A_3443, %add3A_288 : vector<32x128xf32>
    %add3A_3445 = arith.addf %mul3A_3444, %add3A_296 : vector<32x128xf32>
    %get3A_3446 = arith.constant 2 : index
    %get3A_3447 = arith.constant 30 : index
    %get3A_3448 = arith.constant 0 : index
    %get3A_3449 = arith.constant 0 : index
    %get3A_3450 = vector.load %arg1[%get3A_3446, %get3A_3447, %get3A_3448, %get3A_3449] : memref<4x36x32x128xf32, #tpu.memory_space<vmem>>, vector<1x1x32x128xf32>
    %get3A_3451 = vector.shape_cast %get3A_3450 : vector<1x1x32x128xf32> to vector<32x128xf32>
    %exp3A_3452 = math.exp %get3A_3451 : vector<32x128xf32>
    %mul3A_3453 = arith.mulf %exp3A_3452, %add3A_284 : vector<32x128xf32>
    %get3A_3454 = arith.constant 2 : index
    %get3A_3455 = arith.constant 31 : index
    %get3A_3456 = arith.constant 0 : index
    %get3A_3457 = arith.constant 0 : index
    %get3A_3458 = vector.load %arg1[%get3A_3454, %get3A_3455, %get3A_3456, %get3A_3457] : memref<4x36x32x128xf32, #tpu.memory_space<vmem>>, vector<1x1x32x128xf32>
    %get3A_3459 = vector.shape_cast %get3A_3458 : vector<1x1x32x128xf32> to vector<32x128xf32>
    %exp3A_3460 = math.exp %get3A_3459 : vector<32x128xf32>
    %mul3A_3461 = arith.mulf %exp3A_3460, %add3A_288 : vector<32x128xf32>
    %mul3A_3462 = arith.constant 5.000000e-01 : f32
    %mul3A_3463 = vector.broadcast %mul3A_3462 : f32 to vector<32x128xf32>
    %mul3A_3464 = arith.mulf %mul3A_3463, %mul3A_3453 : vector<32x128xf32>
    %sub3A_3465 = arith.subf %add3A_3437, %mul3A_3464 : vector<32x128xf32>
    %jit3A_3466 = arith.constant 0.000000e+00 : f32
    %max3A_3467 = vector.broadcast %jit3A_3466 : f32 to vector<32x128xf32>
    %max3A_3468 = arith.maximumf %max3A_3467, %sub3A_3465 : vector<32x128xf32>
    %min3A_3469 = vector.broadcast %sub3A_2568 : f32 to vector<32x128xf32>
    %min3A_3470 = arith.minimumf %min3A_3469, %max3A_3468 : vector<32x128xf32>
    %swap3A_3471 = arith.constant 0 : index
    %swap3A_3472 = arith.constant 2 : index
    %swap3A_3473 = arith.constant 224 : index
    %swap3A_3474 = arith.constant 0 : index
    %swap3A_3475 = vector.load %arg4[%swap3A_3471, %swap3A_3472, %swap3A_3473, %swap3A_3474] : memref<5x4x288x128xf32, #tpu.memory_space<vmem>>, vector<1x1x32x128xf32>
    %swap3A_3476 = vector.shape_cast %swap3A_3475 : vector<1x1x32x128xf32> to vector<32x128xf32>
    %swap3A_3477 = vector.shape_cast %min3A_3470 : vector<32x128xf32> to vector<1x1x32x128xf32>
    tpu.vector_store %arg4[%swap3A_3471, %swap3A_3472, %swap3A_3473, %swap3A_3474], %swap3A_3477 {strides = array<i32>} : memref<5x4x288x128xf32, #tpu.memory_space<vmem>>, vector<1x1x32x128xf32>,
    %mul3A_3478 = arith.constant 5.000000e-01 : f32
    %mul3A_3479 = vector.broadcast %mul3A_3478 : f32 to vector<32x128xf32>
    %mul3A_3480 = arith.mulf %mul3A_3479, %mul3A_3461 : vector<32x128xf32>
    %sub3A_3481 = arith.subf %add3A_3445, %mul3A_3480 : vector<32x128xf32>
    %jit3A_3482 = arith.constant 0.000000e+00 : f32
    %max3A_3483 = vector.broadcast %jit3A_3482 : f32 to vector<32x128xf32>
    %max3A_3484 = arith.maximumf %max3A_3483, %sub3A_3481 : vector<32x128xf32>
    %min3A_3485 = vector.broadcast %sub3A_2563 : f32 to vector<32x128xf32>
    %min3A_3486 = arith.minimumf %min3A_3485, %max3A_3484 : vector<32x128xf32>
    %swap3A_3487 = arith.constant 1 : index
    %swap3A_3488 = arith.constant 2 : index
    %swap3A_3489 = arith.constant 224 : index
    %swap3A_3490 = arith.constant 0 : index
    %swap3A_3491 = vector.load %arg4[%swap3A_3487, %swap3A_3488, %swap3A_3489, %swap3A_3490] : memref<5x4x288x128xf32, #tpu.memory_space<vmem>>, vector<1x1x32x128xf32>
    %swap3A_3492 = vector.shape_cast %swap3A_3491 : vector<1x1x32x128xf32> to vector<32x128xf32>
    %swap3A_3493 = vector.shape_cast %min3A_3486 : vector<32x128xf32> to vector<1x1x32x128xf32>
    tpu.vector_store %arg4[%swap3A_3487, %swap3A_3488, %swap3A_3489, %swap3A_3490], %swap3A_3493 {strides = array<i32>} : memref<5x4x288x128xf32, #tpu.memory_space<vmem>>, vector<1x1x32x128xf32>,
    %mul3A_3494 = arith.constant 5.000000e-01 : f32
    %mul3A_3495 = vector.broadcast %mul3A_3494 : f32 to vector<32x128xf32>
    %mul3A_3496 = arith.mulf %mul3A_3495, %mul3A_3453 : vector<32x128xf32>
    %add3A_3497 = arith.addf %add3A_3437, %mul3A_3496 : vector<32x128xf32>
    %jit3A_3498 = arith.constant 0.000000e+00 : f32
    %max3A_3499 = vector.broadcast %jit3A_3498 : f32 to vector<32x128xf32>
    %max3A_3500 = arith.maximumf %max3A_3499, %add3A_3497 : vector<32x128xf32>
    %min3A_3501 = vector.broadcast %sub3A_2568 : f32 to vector<32x128xf32>
    %min3A_3502 = arith.minimumf %min3A_3501, %max3A_3500 : vector<32x128xf32>
    %swap3A_3503 = arith.constant 2 : index
    %swap3A_3504 = arith.constant 2 : index
    %swap3A_3505 = arith.constant 224 : index
    %swap3A_3506 = arith.constant 0 : index
    %swap3A_3507 = vector.load %arg4[%swap3A_3503, %swap3A_3504, %swap3A_3505, %swap3A_3506] : memref<5x4x288x128xf32, #tpu.memory_space<vmem>>, vector<1x1x32x128xf32>
    %swap3A_3508 = vector.shape_cast %swap3A_3507 : vector<1x1x32x128xf32> to vector<32x128xf32>
    %swap3A_3509 = vector.shape_cast %min3A_3502 : vector<32x128xf32> to vector<1x1x32x128xf32>
    tpu.vector_store %arg4[%swap3A_3503, %swap3A_3504, %swap3A_3505, %swap3A_3506], %swap3A_3509 {strides = array<i32>} : memref<5x4x288x128xf32, #tpu.memory_space<vmem>>, vector<1x1x32x128xf32>,
    %mul3A_3510 = arith.constant 5.000000e-01 : f32
    %mul3A_3511 = vector.broadcast %mul3A_3510 : f32 to vector<32x128xf32>
    %mul3A_3512 = arith.mulf %mul3A_3511, %mul3A_3461 : vector<32x128xf32>
    %add3A_3513 = arith.addf %add3A_3445, %mul3A_3512 : vector<32x128xf32>
    %jit3A_3514 = arith.constant 0.000000e+00 : f32
    %max3A_3515 = vector.broadcast %jit3A_3514 : f32 to vector<32x128xf32>
    %max3A_3516 = arith.maximumf %max3A_3515, %add3A_3513 : vector<32x128xf32>
    %min3A_3517 = vector.broadcast %sub3A_2563 : f32 to vector<32x128xf32>
    %min3A_3518 = arith.minimumf %min3A_3517, %max3A_3516 : vector<32x128xf32>
    %swap3A_3519 = arith.constant 3 : index
    %swap3A_3520 = arith.constant 2 : index
    %swap3A_3521 = arith.constant 224 : index
    %swap3A_3522 = arith.constant 0 : index
    %swap3A_3523 = vector.load %arg4[%swap3A_3519, %swap3A_3520, %swap3A_3521, %swap3A_3522] : memref<5x4x288x128xf32, #tpu.memory_space<vmem>>, vector<1x1x32x128xf32>
    %swap3A_3524 = vector.shape_cast %swap3A_3523 : vector<1x1x32x128xf32> to vector<32x128xf32>
    %swap3A_3525 = vector.shape_cast %min3A_3518 : vector<32x128xf32> to vector<1x1x32x128xf32>
    tpu.vector_store %arg4[%swap3A_3519, %swap3A_3520, %swap3A_3521, %swap3A_3522], %swap3A_3525 {strides = array<i32>} : memref<5x4x288x128xf32, #tpu.memory_space<vmem>>, vector<1x1x32x128xf32>,
    %get3A_3526 = arith.constant 2 : index
    %get3A_3527 = arith.constant 16 : index
    %get3A_3528 = arith.constant 0 : index
    %get3A_3529 = arith.constant 0 : index
    %get3A_3530 = vector.load %arg0[%get3A_3526, %get3A_3527, %get3A_3528, %get3A_3529] : memref<4x18x32x128xf32, #tpu.memory_space<vmem>>, vector<1x1x32x128xf32>
    %get3A_3531 = vector.shape_cast %get3A_3530 : vector<1x1x32x128xf32> to vector<32x128xf32>
    %swap3A_3532 = arith.constant 4 : index
    %swap3A_3533 = arith.constant 2 : index
    %swap3A_3534 = arith.constant 224 : index
    %swap3A_3535 = arith.constant 0 : index
    %swap3A_3536 = vector.load %arg4[%swap3A_3532, %swap3A_3533, %swap3A_3534, %swap3A_3535] : memref<5x4x288x128xf32, #tpu.memory_space<vmem>>, vector<1x1x32x128xf32>
    %swap3A_3537 = vector.shape_cast %swap3A_3536 : vector<1x1x32x128xf32> to vector<32x128xf32>
    %swap3A_3538 = vector.shape_cast %get3A_3531 : vector<32x128xf32> to vector<1x1x32x128xf32>
    tpu.vector_store %arg4[%swap3A_3532, %swap3A_3533, %swap3A_3534, %swap3A_3535], %swap3A_3538 {strides = array<i32>} : memref<5x4x288x128xf32, #tpu.memory_space<vmem>>, vector<1x1x32x128xf32>,
    %bitcast_convert_type3A_3539 = tpu.bitcast %get3A_3531 : vector<32x128xf32> -> vector<32x128xi32>
    %shift_right_arithmetic3A_3540 = arith.constant 31 : i32
    %shift_right_arithmetic3A_3541 = vector.broadcast %shift_right_arithmetic3A_3540 : i32 to vector<32x128xi32>
    %shift_right_arithmetic3A_3542 = arith.shrsi %bitcast_convert_type3A_3539, %shift_right_arithmetic3A_3541 : vector<32x128xi32>
    %and3A_3543 = arith.constant 2147483647 : i32
    %and3A_3544 = vector.broadcast %and3A_3543 : i32 to vector<32x128xi32>
    %and3A_3545 = arith.andi %shift_right_arithmetic3A_3542, %and3A_3544 : vector<32x128xi32>
    %xor3A_3546 = arith.xori %bitcast_convert_type3A_3539, %and3A_3545 : vector<32x128xi32>
    %swap3A_3547 = arith.constant 2 : index
    %swap3A_3548 = arith.constant 224 : index
    %swap3A_3549 = arith.constant 0 : index
    %swap3A_3550 = vector.load %arg5[%swap3A_3547, %swap3A_3548, %swap3A_3549] : memref<4x288x128xi32, #tpu.memory_space<vmem>>, vector<1x32x128xi32>
    %swap3A_3551 = vector.shape_cast %swap3A_3550 : vector<1x32x128xi32> to vector<32x128xi32>
    %swap3A_3552 = vector.shape_cast %xor3A_3546 : vector<32x128xi32> to vector<1x32x128xi32>
    tpu.vector_store %arg5[%swap3A_3547, %swap3A_3548, %swap3A_3549], %swap3A_3552 {strides = array<i32>} : memref<4x288x128xi32, #tpu.memory_space<vmem>>, vector<1x32x128xi32>,
    %get3A_3553 = arith.constant 2 : index
    %get3A_3554 = arith.constant 32 : index
    %get3A_3555 = arith.constant 0 : index
    %get3A_3556 = arith.constant 0 : index
    %get3A_3557 = vector.load %arg1[%get3A_3553, %get3A_3554, %get3A_3555, %get3A_3556] : memref<4x36x32x128xf32, #tpu.memory_space<vmem>>, vector<1x1x32x128xf32>
    %get3A_3558 = vector.shape_cast %get3A_3557 : vector<1x1x32x128xf32> to vector<32x128xf32>
    %mul3A_3559 = arith.mulf %get3A_3558, %add3A_320 : vector<32x128xf32>
    %add3A_3560 = arith.addf %mul3A_3559, %add3A_328 : vector<32x128xf32>
    %get3A_3561 = arith.constant 2 : index
    %get3A_3562 = arith.constant 33 : index
    %get3A_3563 = arith.constant 0 : index
    %get3A_3564 = arith.constant 0 : index
    %get3A_3565 = vector.load %arg1[%get3A_3561, %get3A_3562, %get3A_3563, %get3A_3564] : memref<4x36x32x128xf32, #tpu.memory_space<vmem>>, vector<1x1x32x128xf32>
    %get3A_3566 = vector.shape_cast %get3A_3565 : vector<1x1x32x128xf32> to vector<32x128xf32>
    %mul3A_3567 = arith.mulf %get3A_3566, %add3A_324 : vector<32x128xf32>
    %add3A_3568 = arith.addf %mul3A_3567, %add3A_332 : vector<32x128xf32>
    %get3A_3569 = arith.constant 2 : index
    %get3A_3570 = arith.constant 34 : index
    %get3A_3571 = arith.constant 0 : index
    %get3A_3572 = arith.constant 0 : index
    %get3A_3573 = vector.load %arg1[%get3A_3569, %get3A_3570, %get3A_3571, %get3A_3572] : memref<4x36x32x128xf32, #tpu.memory_space<vmem>>, vector<1x1x32x128xf32>
    %get3A_3574 = vector.shape_cast %get3A_3573 : vector<1x1x32x128xf32> to vector<32x128xf32>
    %exp3A_3575 = math.exp %get3A_3574 : vector<32x128xf32>
    %mul3A_3576 = arith.mulf %exp3A_3575, %add3A_320 : vector<32x128xf32>
    %get3A_3577 = arith.constant 2 : index
    %get3A_3578 = arith.constant 35 : index
    %get3A_3579 = arith.constant 0 : index
    %get3A_3580 = arith.constant 0 : index
    %get3A_3581 = vector.load %arg1[%get3A_3577, %get3A_3578, %get3A_3579, %get3A_3580] : memref<4x36x32x128xf32, #tpu.memory_space<vmem>>, vector<1x1x32x128xf32>
    %get3A_3582 = vector.shape_cast %get3A_3581 : vector<1x1x32x128xf32> to vector<32x128xf32>
    %exp3A_3583 = math.exp %get3A_3582 : vector<32x128xf32>
    %mul3A_3584 = arith.mulf %exp3A_3583, %add3A_324 : vector<32x128xf32>
    %mul3A_3585 = arith.constant 5.000000e-01 : f32
    %mul3A_3586 = vector.broadcast %mul3A_3585 : f32 to vector<32x128xf32>
    %mul3A_3587 = arith.mulf %mul3A_3586, %mul3A_3576 : vector<32x128xf32>
    %sub3A_3588 = arith.subf %add3A_3560, %mul3A_3587 : vector<32x128xf32>
    %jit3A_3589 = arith.constant 0.000000e+00 : f32
    %max3A_3590 = vector.broadcast %jit3A_3589 : f32 to vector<32x128xf32>
    %max3A_3591 = arith.maximumf %max3A_3590, %sub3A_3588 : vector<32x128xf32>
    %min3A_3592 = vector.broadcast %sub3A_2568 : f32 to vector<32x128xf32>
    %min3A_3593 = arith.minimumf %min3A_3592, %max3A_3591 : vector<32x128xf32>
    %swap3A_3594 = arith.constant 0 : index
    %swap3A_3595 = arith.constant 2 : index
    %swap3A_3596 = arith.constant 256 : index
    %swap3A_3597 = arith.constant 0 : index
    %swap3A_3598 = vector.load %arg4[%swap3A_3594, %swap3A_3595, %swap3A_3596, %swap3A_3597] : memref<5x4x288x128xf32, #tpu.memory_space<vmem>>, vector<1x1x32x128xf32>
    %swap3A_3599 = vector.shape_cast %swap3A_3598 : vector<1x1x32x128xf32> to vector<32x128xf32>
    %swap3A_3600 = vector.shape_cast %min3A_3593 : vector<32x128xf32> to vector<1x1x32x128xf32>
    tpu.vector_store %arg4[%swap3A_3594, %swap3A_3595, %swap3A_3596, %swap3A_3597], %swap3A_3600 {strides = array<i32>} : memref<5x4x288x128xf32, #tpu.memory_space<vmem>>, vector<1x1x32x128xf32>,
    %mul3A_3601 = arith.constant 5.000000e-01 : f32
    %mul3A_3602 = vector.broadcast %mul3A_3601 : f32 to vector<32x128xf32>
    %mul3A_3603 = arith.mulf %mul3A_3602, %mul3A_3584 : vector<32x128xf32>
    %sub3A_3604 = arith.subf %add3A_3568, %mul3A_3603 : vector<32x128xf32>
    %jit3A_3605 = arith.constant 0.000000e+00 : f32
    %max3A_3606 = vector.broadcast %jit3A_3605 : f32 to vector<32x128xf32>
    %max3A_3607 = arith.maximumf %max3A_3606, %sub3A_3604 : vector<32x128xf32>
    %min3A_3608 = vector.broadcast %sub3A_2563 : f32 to vector<32x128xf32>
    %min3A_3609 = arith.minimumf %min3A_3608, %max3A_3607 : vector<32x128xf32>
    %swap3A_3610 = arith.constant 1 : index
    %swap3A_3611 = arith.constant 2 : index
    %swap3A_3612 = arith.constant 256 : index
    %swap3A_3613 = arith.constant 0 : index
    %swap3A_3614 = vector.load %arg4[%swap3A_3610, %swap3A_3611, %swap3A_3612, %swap3A_3613] : memref<5x4x288x128xf32, #tpu.memory_space<vmem>>, vector<1x1x32x128xf32>
    %swap3A_3615 = vector.shape_cast %swap3A_3614 : vector<1x1x32x128xf32> to vector<32x128xf32>
    %swap3A_3616 = vector.shape_cast %min3A_3609 : vector<32x128xf32> to vector<1x1x32x128xf32>
    tpu.vector_store %arg4[%swap3A_3610, %swap3A_3611, %swap3A_3612, %swap3A_3613], %swap3A_3616 {strides = array<i32>} : memref<5x4x288x128xf32, #tpu.memory_space<vmem>>, vector<1x1x32x128xf32>,
    %mul3A_3617 = arith.constant 5.000000e-01 : f32
    %mul3A_3618 = vector.broadcast %mul3A_3617 : f32 to vector<32x128xf32>
    %mul3A_3619 = arith.mulf %mul3A_3618, %mul3A_3576 : vector<32x128xf32>
    %add3A_3620 = arith.addf %add3A_3560, %mul3A_3619 : vector<32x128xf32>
    %jit3A_3621 = arith.constant 0.000000e+00 : f32
    %max3A_3622 = vector.broadcast %jit3A_3621 : f32 to vector<32x128xf32>
    %max3A_3623 = arith.maximumf %max3A_3622, %add3A_3620 : vector<32x128xf32>
    %min3A_3624 = vector.broadcast %sub3A_2568 : f32 to vector<32x128xf32>
    %min3A_3625 = arith.minimumf %min3A_3624, %max3A_3623 : vector<32x128xf32>
    %swap3A_3626 = arith.constant 2 : index
    %swap3A_3627 = arith.constant 2 : index
    %swap3A_3628 = arith.constant 256 : index
    %swap3A_3629 = arith.constant 0 : index
    %swap3A_3630 = vector.load %arg4[%swap3A_3626, %swap3A_3627, %swap3A_3628, %swap3A_3629] : memref<5x4x288x128xf32, #tpu.memory_space<vmem>>, vector<1x1x32x128xf32>
    %swap3A_3631 = vector.shape_cast %swap3A_3630 : vector<1x1x32x128xf32> to vector<32x128xf32>
    %swap3A_3632 = vector.shape_cast %min3A_3625 : vector<32x128xf32> to vector<1x1x32x128xf32>
    tpu.vector_store %arg4[%swap3A_3626, %swap3A_3627, %swap3A_3628, %swap3A_3629], %swap3A_3632 {strides = array<i32>} : memref<5x4x288x128xf32, #tpu.memory_space<vmem>>, vector<1x1x32x128xf32>,
    %mul3A_3633 = arith.constant 5.000000e-01 : f32
    %mul3A_3634 = vector.broadcast %mul3A_3633 : f32 to vector<32x128xf32>
    %mul3A_3635 = arith.mulf %mul3A_3634, %mul3A_3584 : vector<32x128xf32>
    %add3A_3636 = arith.addf %add3A_3568, %mul3A_3635 : vector<32x128xf32>
    %jit3A_3637 = arith.constant 0.000000e+00 : f32
    %max3A_3638 = vector.broadcast %jit3A_3637 : f32 to vector<32x128xf32>
    %max3A_3639 = arith.maximumf %max3A_3638, %add3A_3636 : vector<32x128xf32>
    %min3A_3640 = vector.broadcast %sub3A_2563 : f32 to vector<32x128xf32>
    %min3A_3641 = arith.minimumf %min3A_3640, %max3A_3639 : vector<32x128xf32>
    %swap3A_3642 = arith.constant 3 : index
    %swap3A_3643 = arith.constant 2 : index
    %swap3A_3644 = arith.constant 256 : index
    %swap3A_3645 = arith.constant 0 : index
    %swap3A_3646 = vector.load %arg4[%swap3A_3642, %swap3A_3643, %swap3A_3644, %swap3A_3645] : memref<5x4x288x128xf32, #tpu.memory_space<vmem>>, vector<1x1x32x128xf32>
    %swap3A_3647 = vector.shape_cast %swap3A_3646 : vector<1x1x32x128xf32> to vector<32x128xf32>
    %swap3A_3648 = vector.shape_cast %min3A_3641 : vector<32x128xf32> to vector<1x1x32x128xf32>
    tpu.vector_store %arg4[%swap3A_3642, %swap3A_3643, %swap3A_3644, %swap3A_3645], %swap3A_3648 {strides = array<i32>} : memref<5x4x288x128xf32, #tpu.memory_space<vmem>>, vector<1x1x32x128xf32>,
    %get3A_3649 = arith.constant 2 : index
    %get3A_3650 = arith.constant 17 : index
    %get3A_3651 = arith.constant 0 : index
    %get3A_3652 = arith.constant 0 : index
    %get3A_3653 = vector.load %arg0[%get3A_3649, %get3A_3650, %get3A_3651, %get3A_3652] : memref<4x18x32x128xf32, #tpu.memory_space<vmem>>, vector<1x1x32x128xf32>
    %get3A_3654 = vector.shape_cast %get3A_3653 : vector<1x1x32x128xf32> to vector<32x128xf32>
    %swap3A_3655 = arith.constant 4 : index
    %swap3A_3656 = arith.constant 2 : index
    %swap3A_3657 = arith.constant 256 : index
    %swap3A_3658 = arith.constant 0 : index
    %swap3A_3659 = vector.load %arg4[%swap3A_3655, %swap3A_3656, %swap3A_3657, %swap3A_3658] : memref<5x4x288x128xf32, #tpu.memory_space<vmem>>, vector<1x1x32x128xf32>
    %swap3A_3660 = vector.shape_cast %swap3A_3659 : vector<1x1x32x128xf32> to vector<32x128xf32>
    %swap3A_3661 = vector.shape_cast %get3A_3654 : vector<32x128xf32> to vector<1x1x32x128xf32>
    tpu.vector_store %arg4[%swap3A_3655, %swap3A_3656, %swap3A_3657, %swap3A_3658], %swap3A_3661 {strides = array<i32>} : memref<5x4x288x128xf32, #tpu.memory_space<vmem>>, vector<1x1x32x128xf32>,
    %bitcast_convert_type3A_3662 = tpu.bitcast %get3A_3654 : vector<32x128xf32> -> vector<32x128xi32>
    %shift_right_arithmetic3A_3663 = arith.constant 31 : i32
    %shift_right_arithmetic3A_3664 = vector.broadcast %shift_right_arithmetic3A_3663 : i32 to vector<32x128xi32>
    %shift_right_arithmetic3A_3665 = arith.shrsi %bitcast_convert_type3A_3662, %shift_right_arithmetic3A_3664 : vector<32x128xi32>
    %and3A_3666 = arith.constant 2147483647 : i32
    %and3A_3667 = vector.broadcast %and3A_3666 : i32 to vector<32x128xi32>
    %and3A_3668 = arith.andi %shift_right_arithmetic3A_3665, %and3A_3667 : vector<32x128xi32>
    %xor3A_3669 = arith.xori %bitcast_convert_type3A_3662, %and3A_3668 : vector<32x128xi32>
    %swap3A_3670 = arith.constant 2 : index
    %swap3A_3671 = arith.constant 256 : index
    %swap3A_3672 = arith.constant 0 : index
    %swap3A_3673 = vector.load %arg5[%swap3A_3670, %swap3A_3671, %swap3A_3672] : memref<4x288x128xi32, #tpu.memory_space<vmem>>, vector<1x32x128xi32>
    %swap3A_3674 = vector.shape_cast %swap3A_3673 : vector<1x32x128xi32> to vector<32x128xi32>
    %swap3A_3675 = vector.shape_cast %xor3A_3669 : vector<32x128xi32> to vector<1x32x128xi32>
    tpu.vector_store %arg5[%swap3A_3670, %swap3A_3671, %swap3A_3672], %swap3A_3675 {strides = array<i32>} : memref<4x288x128xi32, #tpu.memory_space<vmem>>, vector<1x32x128xi32>,
    %get3A_3676 = arith.constant 3 : index
    %get3A_3677 = arith.constant 0 : index
    %get3A_3678 = memref.load %arg3[%get3A_3676, %get3A_3677] : memref<4x3xf32, #tpu.memory_space<smem>>
    %sub3A_3679 = arith.constant 1.000000e+00 : f32
    %sub3A_3680 = arith.subf %get3A_3678, %sub3A_3679 : f32
    %get3A_3681 = arith.constant 3 : index
    %get3A_3682 = arith.constant 1 : index
    %get3A_3683 = memref.load %arg3[%get3A_3681, %get3A_3682] : memref<4x3xf32, #tpu.memory_space<smem>>
    %sub3A_3684 = arith.constant 1.000000e+00 : f32
    %sub3A_3685 = arith.subf %get3A_3683, %sub3A_3684 : f32
    %get3A_3686 = arith.constant 3 : index
    %get3A_3687 = arith.constant 0 : index
    %get3A_3688 = arith.constant 0 : index
    %get3A_3689 = arith.constant 0 : index
    %get3A_3690 = vector.load %arg1[%get3A_3686, %get3A_3687, %get3A_3688, %get3A_3689] : memref<4x36x32x128xf32, #tpu.memory_space<vmem>>, vector<1x1x32x128xf32>
    %get3A_3691 = vector.shape_cast %get3A_3690 : vector<1x1x32x128xf32> to vector<32x128xf32>
    %mul3A_3692 = arith.mulf %get3A_3691, %add3A_32 : vector<32x128xf32>
    %add3A_3693 = arith.addf %mul3A_3692, %add3A_40 : vector<32x128xf32>
    %get3A_3694 = arith.constant 3 : index
    %get3A_3695 = arith.constant 1 : index
    %get3A_3696 = arith.constant 0 : index
    %get3A_3697 = arith.constant 0 : index
    %get3A_3698 = vector.load %arg1[%get3A_3694, %get3A_3695, %get3A_3696, %get3A_3697] : memref<4x36x32x128xf32, #tpu.memory_space<vmem>>, vector<1x1x32x128xf32>
    %get3A_3699 = vector.shape_cast %get3A_3698 : vector<1x1x32x128xf32> to vector<32x128xf32>
    %mul3A_3700 = arith.mulf %get3A_3699, %add3A_36 : vector<32x128xf32>
    %add3A_3701 = arith.addf %mul3A_3700, %add3A_44 : vector<32x128xf32>
    %get3A_3702 = arith.constant 3 : index
    %get3A_3703 = arith.constant 2 : index
    %get3A_3704 = arith.constant 0 : index
    %get3A_3705 = arith.constant 0 : index
    %get3A_3706 = vector.load %arg1[%get3A_3702, %get3A_3703, %get3A_3704, %get3A_3705] : memref<4x36x32x128xf32, #tpu.memory_space<vmem>>, vector<1x1x32x128xf32>
    %get3A_3707 = vector.shape_cast %get3A_3706 : vector<1x1x32x128xf32> to vector<32x128xf32>
    %exp3A_3708 = math.exp %get3A_3707 : vector<32x128xf32>
    %mul3A_3709 = arith.mulf %exp3A_3708, %add3A_32 : vector<32x128xf32>
    %get3A_3710 = arith.constant 3 : index
    %get3A_3711 = arith.constant 3 : index
    %get3A_3712 = arith.constant 0 : index
    %get3A_3713 = arith.constant 0 : index
    %get3A_3714 = vector.load %arg1[%get3A_3710, %get3A_3711, %get3A_3712, %get3A_3713] : memref<4x36x32x128xf32, #tpu.memory_space<vmem>>, vector<1x1x32x128xf32>
    %get3A_3715 = vector.shape_cast %get3A_3714 : vector<1x1x32x128xf32> to vector<32x128xf32>
    %exp3A_3716 = math.exp %get3A_3715 : vector<32x128xf32>
    %mul3A_3717 = arith.mulf %exp3A_3716, %add3A_36 : vector<32x128xf32>
    %mul3A_3718 = arith.constant 5.000000e-01 : f32
    %mul3A_3719 = vector.broadcast %mul3A_3718 : f32 to vector<32x128xf32>
    %mul3A_3720 = arith.mulf %mul3A_3719, %mul3A_3709 : vector<32x128xf32>
    %sub3A_3721 = arith.subf %add3A_3693, %mul3A_3720 : vector<32x128xf32>
    %jit3A_3722 = arith.constant 0.000000e+00 : f32
    %max3A_3723 = vector.broadcast %jit3A_3722 : f32 to vector<32x128xf32>
    %max3A_3724 = arith.maximumf %max3A_3723, %sub3A_3721 : vector<32x128xf32>
    %min3A_3725 = vector.broadcast %sub3A_3685 : f32 to vector<32x128xf32>
    %min3A_3726 = arith.minimumf %min3A_3725, %max3A_3724 : vector<32x128xf32>
    %swap3A_3727 = arith.constant 0 : index
    %swap3A_3728 = arith.constant 3 : index
    %swap3A_3729 = arith.constant 0 : index
    %swap3A_3730 = arith.constant 0 : index
    %swap3A_3731 = vector.load %arg4[%swap3A_3727, %swap3A_3728, %swap3A_3729, %swap3A_3730] : memref<5x4x288x128xf32, #tpu.memory_space<vmem>>, vector<1x1x32x128xf32>
    %swap3A_3732 = vector.shape_cast %swap3A_3731 : vector<1x1x32x128xf32> to vector<32x128xf32>
    %swap3A_3733 = vector.shape_cast %min3A_3726 : vector<32x128xf32> to vector<1x1x32x128xf32>
    tpu.vector_store %arg4[%swap3A_3727, %swap3A_3728, %swap3A_3729, %swap3A_3730], %swap3A_3733 {strides = array<i32>} : memref<5x4x288x128xf32, #tpu.memory_space<vmem>>, vector<1x1x32x128xf32>,
    %mul3A_3734 = arith.constant 5.000000e-01 : f32
    %mul3A_3735 = vector.broadcast %mul3A_3734 : f32 to vector<32x128xf32>
    %mul3A_3736 = arith.mulf %mul3A_3735, %mul3A_3717 : vector<32x128xf32>
    %sub3A_3737 = arith.subf %add3A_3701, %mul3A_3736 : vector<32x128xf32>
    %jit3A_3738 = arith.constant 0.000000e+00 : f32
    %max3A_3739 = vector.broadcast %jit3A_3738 : f32 to vector<32x128xf32>
    %max3A_3740 = arith.maximumf %max3A_3739, %sub3A_3737 : vector<32x128xf32>
    %min3A_3741 = vector.broadcast %sub3A_3680 : f32 to vector<32x128xf32>
    %min3A_3742 = arith.minimumf %min3A_3741, %max3A_3740 : vector<32x128xf32>
    %swap3A_3743 = arith.constant 1 : index
    %swap3A_3744 = arith.constant 3 : index
    %swap3A_3745 = arith.constant 0 : index
    %swap3A_3746 = arith.constant 0 : index
    %swap3A_3747 = vector.load %arg4[%swap3A_3743, %swap3A_3744, %swap3A_3745, %swap3A_3746] : memref<5x4x288x128xf32, #tpu.memory_space<vmem>>, vector<1x1x32x128xf32>
    %swap3A_3748 = vector.shape_cast %swap3A_3747 : vector<1x1x32x128xf32> to vector<32x128xf32>
    %swap3A_3749 = vector.shape_cast %min3A_3742 : vector<32x128xf32> to vector<1x1x32x128xf32>
    tpu.vector_store %arg4[%swap3A_3743, %swap3A_3744, %swap3A_3745, %swap3A_3746], %swap3A_3749 {strides = array<i32>} : memref<5x4x288x128xf32, #tpu.memory_space<vmem>>, vector<1x1x32x128xf32>,
    %mul3A_3750 = arith.constant 5.000000e-01 : f32
    %mul3A_3751 = vector.broadcast %mul3A_3750 : f32 to vector<32x128xf32>
    %mul3A_3752 = arith.mulf %mul3A_3751, %mul3A_3709 : vector<32x128xf32>
    %add3A_3753 = arith.addf %add3A_3693, %mul3A_3752 : vector<32x128xf32>
    %jit3A_3754 = arith.constant 0.000000e+00 : f32
    %max3A_3755 = vector.broadcast %jit3A_3754 : f32 to vector<32x128xf32>
    %max3A_3756 = arith.maximumf %max3A_3755, %add3A_3753 : vector<32x128xf32>
    %min3A_3757 = vector.broadcast %sub3A_3685 : f32 to vector<32x128xf32>
    %min3A_3758 = arith.minimumf %min3A_3757, %max3A_3756 : vector<32x128xf32>
    %swap3A_3759 = arith.constant 2 : index
    %swap3A_3760 = arith.constant 3 : index
    %swap3A_3761 = arith.constant 0 : index
    %swap3A_3762 = arith.constant 0 : index
    %swap3A_3763 = vector.load %arg4[%swap3A_3759, %swap3A_3760, %swap3A_3761, %swap3A_3762] : memref<5x4x288x128xf32, #tpu.memory_space<vmem>>, vector<1x1x32x128xf32>
    %swap3A_3764 = vector.shape_cast %swap3A_3763 : vector<1x1x32x128xf32> to vector<32x128xf32>
    %swap3A_3765 = vector.shape_cast %min3A_3758 : vector<32x128xf32> to vector<1x1x32x128xf32>
    tpu.vector_store %arg4[%swap3A_3759, %swap3A_3760, %swap3A_3761, %swap3A_3762], %swap3A_3765 {strides = array<i32>} : memref<5x4x288x128xf32, #tpu.memory_space<vmem>>, vector<1x1x32x128xf32>,
    %mul3A_3766 = arith.constant 5.000000e-01 : f32
    %mul3A_3767 = vector.broadcast %mul3A_3766 : f32 to vector<32x128xf32>
    %mul3A_3768 = arith.mulf %mul3A_3767, %mul3A_3717 : vector<32x128xf32>
    %add3A_3769 = arith.addf %add3A_3701, %mul3A_3768 : vector<32x128xf32>
    %jit3A_3770 = arith.constant 0.000000e+00 : f32
    %max3A_3771 = vector.broadcast %jit3A_3770 : f32 to vector<32x128xf32>
    %max3A_3772 = arith.maximumf %max3A_3771, %add3A_3769 : vector<32x128xf32>
    %min3A_3773 = vector.broadcast %sub3A_3680 : f32 to vector<32x128xf32>
    %min3A_3774 = arith.minimumf %min3A_3773, %max3A_3772 : vector<32x128xf32>
    %swap3A_3775 = arith.constant 3 : index
    %swap3A_3776 = arith.constant 3 : index
    %swap3A_3777 = arith.constant 0 : index
    %swap3A_3778 = arith.constant 0 : index
    %swap3A_3779 = vector.load %arg4[%swap3A_3775, %swap3A_3776, %swap3A_3777, %swap3A_3778] : memref<5x4x288x128xf32, #tpu.memory_space<vmem>>, vector<1x1x32x128xf32>
    %swap3A_3780 = vector.shape_cast %swap3A_3779 : vector<1x1x32x128xf32> to vector<32x128xf32>
    %swap3A_3781 = vector.shape_cast %min3A_3774 : vector<32x128xf32> to vector<1x1x32x128xf32>
    tpu.vector_store %arg4[%swap3A_3775, %swap3A_3776, %swap3A_3777, %swap3A_3778], %swap3A_3781 {strides = array<i32>} : memref<5x4x288x128xf32, #tpu.memory_space<vmem>>, vector<1x1x32x128xf32>,
    %get3A_3782 = arith.constant 3 : index
    %get3A_3783 = arith.constant 9 : index
    %get3A_3784 = arith.constant 0 : index
    %get3A_3785 = arith.constant 0 : index
    %get3A_3786 = vector.load %arg0[%get3A_3782, %get3A_3783, %get3A_3784, %get3A_3785] : memref<4x18x32x128xf32, #tpu.memory_space<vmem>>, vector<1x1x32x128xf32>
    %get3A_3787 = vector.shape_cast %get3A_3786 : vector<1x1x32x128xf32> to vector<32x128xf32>
    %swap3A_3788 = arith.constant 4 : index
    %swap3A_3789 = arith.constant 3 : index
    %swap3A_3790 = arith.constant 0 : index
    %swap3A_3791 = arith.constant 0 : index
    %swap3A_3792 = vector.load %arg4[%swap3A_3788, %swap3A_3789, %swap3A_3790, %swap3A_3791] : memref<5x4x288x128xf32, #tpu.memory_space<vmem>>, vector<1x1x32x128xf32>
    %swap3A_3793 = vector.shape_cast %swap3A_3792 : vector<1x1x32x128xf32> to vector<32x128xf32>
    %swap3A_3794 = vector.shape_cast %get3A_3787 : vector<32x128xf32> to vector<1x1x32x128xf32>
    tpu.vector_store %arg4[%swap3A_3788, %swap3A_3789, %swap3A_3790, %swap3A_3791], %swap3A_3794 {strides = array<i32>} : memref<5x4x288x128xf32, #tpu.memory_space<vmem>>, vector<1x1x32x128xf32>,
    %bitcast_convert_type3A_3795 = tpu.bitcast %get3A_3787 : vector<32x128xf32> -> vector<32x128xi32>
    %shift_right_arithmetic3A_3796 = arith.constant 31 : i32
    %shift_right_arithmetic3A_3797 = vector.broadcast %shift_right_arithmetic3A_3796 : i32 to vector<32x128xi32>
    %shift_right_arithmetic3A_3798 = arith.shrsi %bitcast_convert_type3A_3795, %shift_right_arithmetic3A_3797 : vector<32x128xi32>
    %and3A_3799 = arith.constant 2147483647 : i32
    %and3A_3800 = vector.broadcast %and3A_3799 : i32 to vector<32x128xi32>
    %and3A_3801 = arith.andi %shift_right_arithmetic3A_3798, %and3A_3800 : vector<32x128xi32>
    %xor3A_3802 = arith.xori %bitcast_convert_type3A_3795, %and3A_3801 : vector<32x128xi32>
    %swap3A_3803 = arith.constant 3 : index
    %swap3A_3804 = arith.constant 0 : index
    %swap3A_3805 = arith.constant 0 : index
    %swap3A_3806 = vector.load %arg5[%swap3A_3803, %swap3A_3804, %swap3A_3805] : memref<4x288x128xi32, #tpu.memory_space<vmem>>, vector<1x32x128xi32>
    %swap3A_3807 = vector.shape_cast %swap3A_3806 : vector<1x32x128xi32> to vector<32x128xi32>
    %swap3A_3808 = vector.shape_cast %xor3A_3802 : vector<32x128xi32> to vector<1x32x128xi32>
    tpu.vector_store %arg5[%swap3A_3803, %swap3A_3804, %swap3A_3805], %swap3A_3808 {strides = array<i32>} : memref<4x288x128xi32, #tpu.memory_space<vmem>>, vector<1x32x128xi32>,
    %get3A_3809 = arith.constant 3 : index
    %get3A_3810 = arith.constant 4 : index
    %get3A_3811 = arith.constant 0 : index
    %get3A_3812 = arith.constant 0 : index
    %get3A_3813 = vector.load %arg1[%get3A_3809, %get3A_3810, %get3A_3811, %get3A_3812] : memref<4x36x32x128xf32, #tpu.memory_space<vmem>>, vector<1x1x32x128xf32>
    %get3A_3814 = vector.shape_cast %get3A_3813 : vector<1x1x32x128xf32> to vector<32x128xf32>
    %mul3A_3815 = arith.mulf %get3A_3814, %add3A_68 : vector<32x128xf32>
    %add3A_3816 = arith.addf %mul3A_3815, %add3A_76 : vector<32x128xf32>
    %get3A_3817 = arith.constant 3 : index
    %get3A_3818 = arith.constant 5 : index
    %get3A_3819 = arith.constant 0 : index
    %get3A_3820 = arith.constant 0 : index
    %get3A_3821 = vector.load %arg1[%get3A_3817, %get3A_3818, %get3A_3819, %get3A_3820] : memref<4x36x32x128xf32, #tpu.memory_space<vmem>>, vector<1x1x32x128xf32>
    %get3A_3822 = vector.shape_cast %get3A_3821 : vector<1x1x32x128xf32> to vector<32x128xf32>
    %mul3A_3823 = arith.mulf %get3A_3822, %add3A_72 : vector<32x128xf32>
    %add3A_3824 = arith.addf %mul3A_3823, %add3A_80 : vector<32x128xf32>
    %get3A_3825 = arith.constant 3 : index
    %get3A_3826 = arith.constant 6 : index
    %get3A_3827 = arith.constant 0 : index
    %get3A_3828 = arith.constant 0 : index
    %get3A_3829 = vector.load %arg1[%get3A_3825, %get3A_3826, %get3A_3827, %get3A_3828] : memref<4x36x32x128xf32, #tpu.memory_space<vmem>>, vector<1x1x32x128xf32>
    %get3A_3830 = vector.shape_cast %get3A_3829 : vector<1x1x32x128xf32> to vector<32x128xf32>
    %exp3A_3831 = math.exp %get3A_3830 : vector<32x128xf32>
    %mul3A_3832 = arith.mulf %exp3A_3831, %add3A_68 : vector<32x128xf32>
    %get3A_3833 = arith.constant 3 : index
    %get3A_3834 = arith.constant 7 : index
    %get3A_3835 = arith.constant 0 : index
    %get3A_3836 = arith.constant 0 : index
    %get3A_3837 = vector.load %arg1[%get3A_3833, %get3A_3834, %get3A_3835, %get3A_3836] : memref<4x36x32x128xf32, #tpu.memory_space<vmem>>, vector<1x1x32x128xf32>
    %get3A_3838 = vector.shape_cast %get3A_3837 : vector<1x1x32x128xf32> to vector<32x128xf32>
    %exp3A_3839 = math.exp %get3A_3838 : vector<32x128xf32>
    %mul3A_3840 = arith.mulf %exp3A_3839, %add3A_72 : vector<32x128xf32>
    %mul3A_3841 = arith.constant 5.000000e-01 : f32
    %mul3A_3842 = vector.broadcast %mul3A_3841 : f32 to vector<32x128xf32>
    %mul3A_3843 = arith.mulf %mul3A_3842, %mul3A_3832 : vector<32x128xf32>
    %sub3A_3844 = arith.subf %add3A_3816, %mul3A_3843 : vector<32x128xf32>
    %jit3A_3845 = arith.constant 0.000000e+00 : f32
    %max3A_3846 = vector.broadcast %jit3A_3845 : f32 to vector<32x128xf32>
    %max3A_3847 = arith.maximumf %max3A_3846, %sub3A_3844 : vector<32x128xf32>
    %min3A_3848 = vector.broadcast %sub3A_3685 : f32 to vector<32x128xf32>
    %min3A_3849 = arith.minimumf %min3A_3848, %max3A_3847 : vector<32x128xf32>
    %swap3A_3850 = arith.constant 0 : index
    %swap3A_3851 = arith.constant 3 : index
    %swap3A_3852 = arith.constant 32 : index
    %swap3A_3853 = arith.constant 0 : index
    %swap3A_3854 = vector.load %arg4[%swap3A_3850, %swap3A_3851, %swap3A_3852, %swap3A_3853] : memref<5x4x288x128xf32, #tpu.memory_space<vmem>>, vector<1x1x32x128xf32>
    %swap3A_3855 = vector.shape_cast %swap3A_3854 : vector<1x1x32x128xf32> to vector<32x128xf32>
    %swap3A_3856 = vector.shape_cast %min3A_3849 : vector<32x128xf32> to vector<1x1x32x128xf32>
    tpu.vector_store %arg4[%swap3A_3850, %swap3A_3851, %swap3A_3852, %swap3A_3853], %swap3A_3856 {strides = array<i32>} : memref<5x4x288x128xf32, #tpu.memory_space<vmem>>, vector<1x1x32x128xf32>,
    %mul3A_3857 = arith.constant 5.000000e-01 : f32
    %mul3A_3858 = vector.broadcast %mul3A_3857 : f32 to vector<32x128xf32>
    %mul3A_3859 = arith.mulf %mul3A_3858, %mul3A_3840 : vector<32x128xf32>
    %sub3A_3860 = arith.subf %add3A_3824, %mul3A_3859 : vector<32x128xf32>
    %jit3A_3861 = arith.constant 0.000000e+00 : f32
    %max3A_3862 = vector.broadcast %jit3A_3861 : f32 to vector<32x128xf32>
    %max3A_3863 = arith.maximumf %max3A_3862, %sub3A_3860 : vector<32x128xf32>
    %min3A_3864 = vector.broadcast %sub3A_3680 : f32 to vector<32x128xf32>
    %min3A_3865 = arith.minimumf %min3A_3864, %max3A_3863 : vector<32x128xf32>
    %swap3A_3866 = arith.constant 1 : index
    %swap3A_3867 = arith.constant 3 : index
    %swap3A_3868 = arith.constant 32 : index
    %swap3A_3869 = arith.constant 0 : index
    %swap3A_3870 = vector.load %arg4[%swap3A_3866, %swap3A_3867, %swap3A_3868, %swap3A_3869] : memref<5x4x288x128xf32, #tpu.memory_space<vmem>>, vector<1x1x32x128xf32>
    %swap3A_3871 = vector.shape_cast %swap3A_3870 : vector<1x1x32x128xf32> to vector<32x128xf32>
    %swap3A_3872 = vector.shape_cast %min3A_3865 : vector<32x128xf32> to vector<1x1x32x128xf32>
    tpu.vector_store %arg4[%swap3A_3866, %swap3A_3867, %swap3A_3868, %swap3A_3869], %swap3A_3872 {strides = array<i32>} : memref<5x4x288x128xf32, #tpu.memory_space<vmem>>, vector<1x1x32x128xf32>,
    %mul3A_3873 = arith.constant 5.000000e-01 : f32
    %mul3A_3874 = vector.broadcast %mul3A_3873 : f32 to vector<32x128xf32>
    %mul3A_3875 = arith.mulf %mul3A_3874, %mul3A_3832 : vector<32x128xf32>
    %add3A_3876 = arith.addf %add3A_3816, %mul3A_3875 : vector<32x128xf32>
    %jit3A_3877 = arith.constant 0.000000e+00 : f32
    %max3A_3878 = vector.broadcast %jit3A_3877 : f32 to vector<32x128xf32>
    %max3A_3879 = arith.maximumf %max3A_3878, %add3A_3876 : vector<32x128xf32>
    %min3A_3880 = vector.broadcast %sub3A_3685 : f32 to vector<32x128xf32>
    %min3A_3881 = arith.minimumf %min3A_3880, %max3A_3879 : vector<32x128xf32>
    %swap3A_3882 = arith.constant 2 : index
    %swap3A_3883 = arith.constant 3 : index
    %swap3A_3884 = arith.constant 32 : index
    %swap3A_3885 = arith.constant 0 : index
    %swap3A_3886 = vector.load %arg4[%swap3A_3882, %swap3A_3883, %swap3A_3884, %swap3A_3885] : memref<5x4x288x128xf32, #tpu.memory_space<vmem>>, vector<1x1x32x128xf32>
    %swap3A_3887 = vector.shape_cast %swap3A_3886 : vector<1x1x32x128xf32> to vector<32x128xf32>
    %swap3A_3888 = vector.shape_cast %min3A_3881 : vector<32x128xf32> to vector<1x1x32x128xf32>
    tpu.vector_store %arg4[%swap3A_3882, %swap3A_3883, %swap3A_3884, %swap3A_3885], %swap3A_3888 {strides = array<i32>} : memref<5x4x288x128xf32, #tpu.memory_space<vmem>>, vector<1x1x32x128xf32>,
    %mul3A_3889 = arith.constant 5.000000e-01 : f32
    %mul3A_3890 = vector.broadcast %mul3A_3889 : f32 to vector<32x128xf32>
    %mul3A_3891 = arith.mulf %mul3A_3890, %mul3A_3840 : vector<32x128xf32>
    %add3A_3892 = arith.addf %add3A_3824, %mul3A_3891 : vector<32x128xf32>
    %jit3A_3893 = arith.constant 0.000000e+00 : f32
    %max3A_3894 = vector.broadcast %jit3A_3893 : f32 to vector<32x128xf32>
    %max3A_3895 = arith.maximumf %max3A_3894, %add3A_3892 : vector<32x128xf32>
    %min3A_3896 = vector.broadcast %sub3A_3680 : f32 to vector<32x128xf32>
    %min3A_3897 = arith.minimumf %min3A_3896, %max3A_3895 : vector<32x128xf32>
    %swap3A_3898 = arith.constant 3 : index
    %swap3A_3899 = arith.constant 3 : index
    %swap3A_3900 = arith.constant 32 : index
    %swap3A_3901 = arith.constant 0 : index
    %swap3A_3902 = vector.load %arg4[%swap3A_3898, %swap3A_3899, %swap3A_3900, %swap3A_3901] : memref<5x4x288x128xf32, #tpu.memory_space<vmem>>, vector<1x1x32x128xf32>
    %swap3A_3903 = vector.shape_cast %swap3A_3902 : vector<1x1x32x128xf32> to vector<32x128xf32>
    %swap3A_3904 = vector.shape_cast %min3A_3897 : vector<32x128xf32> to vector<1x1x32x128xf32>
    tpu.vector_store %arg4[%swap3A_3898, %swap3A_3899, %swap3A_3900, %swap3A_3901], %swap3A_3904 {strides = array<i32>} : memref<5x4x288x128xf32, #tpu.memory_space<vmem>>, vector<1x1x32x128xf32>,
    %get3A_3905 = arith.constant 3 : index
    %get3A_3906 = arith.constant 10 : index
    %get3A_3907 = arith.constant 0 : index
    %get3A_3908 = arith.constant 0 : index
    %get3A_3909 = vector.load %arg0[%get3A_3905, %get3A_3906, %get3A_3907, %get3A_3908] : memref<4x18x32x128xf32, #tpu.memory_space<vmem>>, vector<1x1x32x128xf32>
    %get3A_3910 = vector.shape_cast %get3A_3909 : vector<1x1x32x128xf32> to vector<32x128xf32>
    %swap3A_3911 = arith.constant 4 : index
    %swap3A_3912 = arith.constant 3 : index
    %swap3A_3913 = arith.constant 32 : index
    %swap3A_3914 = arith.constant 0 : index
    %swap3A_3915 = vector.load %arg4[%swap3A_3911, %swap3A_3912, %swap3A_3913, %swap3A_3914] : memref<5x4x288x128xf32, #tpu.memory_space<vmem>>, vector<1x1x32x128xf32>
    %swap3A_3916 = vector.shape_cast %swap3A_3915 : vector<1x1x32x128xf32> to vector<32x128xf32>
    %swap3A_3917 = vector.shape_cast %get3A_3910 : vector<32x128xf32> to vector<1x1x32x128xf32>
    tpu.vector_store %arg4[%swap3A_3911, %swap3A_3912, %swap3A_3913, %swap3A_3914], %swap3A_3917 {strides = array<i32>} : memref<5x4x288x128xf32, #tpu.memory_space<vmem>>, vector<1x1x32x128xf32>,
    %bitcast_convert_type3A_3918 = tpu.bitcast %get3A_3910 : vector<32x128xf32> -> vector<32x128xi32>
    %shift_right_arithmetic3A_3919 = arith.constant 31 : i32
    %shift_right_arithmetic3A_3920 = vector.broadcast %shift_right_arithmetic3A_3919 : i32 to vector<32x128xi32>
    %shift_right_arithmetic3A_3921 = arith.shrsi %bitcast_convert_type3A_3918, %shift_right_arithmetic3A_3920 : vector<32x128xi32>
    %and3A_3922 = arith.constant 2147483647 : i32
    %and3A_3923 = vector.broadcast %and3A_3922 : i32 to vector<32x128xi32>
    %and3A_3924 = arith.andi %shift_right_arithmetic3A_3921, %and3A_3923 : vector<32x128xi32>
    %xor3A_3925 = arith.xori %bitcast_convert_type3A_3918, %and3A_3924 : vector<32x128xi32>
    %swap3A_3926 = arith.constant 3 : index
    %swap3A_3927 = arith.constant 32 : index
    %swap3A_3928 = arith.constant 0 : index
    %swap3A_3929 = vector.load %arg5[%swap3A_3926, %swap3A_3927, %swap3A_3928] : memref<4x288x128xi32, #tpu.memory_space<vmem>>, vector<1x32x128xi32>
    %swap3A_3930 = vector.shape_cast %swap3A_3929 : vector<1x32x128xi32> to vector<32x128xi32>
    %swap3A_3931 = vector.shape_cast %xor3A_3925 : vector<32x128xi32> to vector<1x32x128xi32>
    tpu.vector_store %arg5[%swap3A_3926, %swap3A_3927, %swap3A_3928], %swap3A_3931 {strides = array<i32>} : memref<4x288x128xi32, #tpu.memory_space<vmem>>, vector<1x32x128xi32>,
    %get3A_3932 = arith.constant 3 : index
    %get3A_3933 = arith.constant 8 : index
    %get3A_3934 = arith.constant 0 : index
    %get3A_3935 = arith.constant 0 : index
    %get3A_3936 = vector.load %arg1[%get3A_3932, %get3A_3933, %get3A_3934, %get3A_3935] : memref<4x36x32x128xf32, #tpu.memory_space<vmem>>, vector<1x1x32x128xf32>
    %get3A_3937 = vector.shape_cast %get3A_3936 : vector<1x1x32x128xf32> to vector<32x128xf32>
    %mul3A_3938 = arith.mulf %get3A_3937, %add3A_104 : vector<32x128xf32>
    %add3A_3939 = arith.addf %mul3A_3938, %add3A_112 : vector<32x128xf32>
    %get3A_3940 = arith.constant 3 : index
    %get3A_3941 = arith.constant 9 : index
    %get3A_3942 = arith.constant 0 : index
    %get3A_3943 = arith.constant 0 : index
    %get3A_3944 = vector.load %arg1[%get3A_3940, %get3A_3941, %get3A_3942, %get3A_3943] : memref<4x36x32x128xf32, #tpu.memory_space<vmem>>, vector<1x1x32x128xf32>
    %get3A_3945 = vector.shape_cast %get3A_3944 : vector<1x1x32x128xf32> to vector<32x128xf32>
    %mul3A_3946 = arith.mulf %get3A_3945, %add3A_108 : vector<32x128xf32>
    %add3A_3947 = arith.addf %mul3A_3946, %add3A_116 : vector<32x128xf32>
    %get3A_3948 = arith.constant 3 : index
    %get3A_3949 = arith.constant 10 : index
    %get3A_3950 = arith.constant 0 : index
    %get3A_3951 = arith.constant 0 : index
    %get3A_3952 = vector.load %arg1[%get3A_3948, %get3A_3949, %get3A_3950, %get3A_3951] : memref<4x36x32x128xf32, #tpu.memory_space<vmem>>, vector<1x1x32x128xf32>
    %get3A_3953 = vector.shape_cast %get3A_3952 : vector<1x1x32x128xf32> to vector<32x128xf32>
    %exp3A_3954 = math.exp %get3A_3953 : vector<32x128xf32>
    %mul3A_3955 = arith.mulf %exp3A_3954, %add3A_104 : vector<32x128xf32>
    %get3A_3956 = arith.constant 3 : index
    %get3A_3957 = arith.constant 11 : index
    %get3A_3958 = arith.constant 0 : index
    %get3A_3959 = arith.constant 0 : index
    %get3A_3960 = vector.load %arg1[%get3A_3956, %get3A_3957, %get3A_3958, %get3A_3959] : memref<4x36x32x128xf32, #tpu.memory_space<vmem>>, vector<1x1x32x128xf32>
    %get3A_3961 = vector.shape_cast %get3A_3960 : vector<1x1x32x128xf32> to vector<32x128xf32>
    %exp3A_3962 = math.exp %get3A_3961 : vector<32x128xf32>
    %mul3A_3963 = arith.mulf %exp3A_3962, %add3A_108 : vector<32x128xf32>
    %mul3A_3964 = arith.constant 5.000000e-01 : f32
    %mul3A_3965 = vector.broadcast %mul3A_3964 : f32 to vector<32x128xf32>
    %mul3A_3966 = arith.mulf %mul3A_3965, %mul3A_3955 : vector<32x128xf32>
    %sub3A_3967 = arith.subf %add3A_3939, %mul3A_3966 : vector<32x128xf32>
    %jit3A_3968 = arith.constant 0.000000e+00 : f32
    %max3A_3969 = vector.broadcast %jit3A_3968 : f32 to vector<32x128xf32>
    %max3A_3970 = arith.maximumf %max3A_3969, %sub3A_3967 : vector<32x128xf32>
    %min3A_3971 = vector.broadcast %sub3A_3685 : f32 to vector<32x128xf32>
    %min3A_3972 = arith.minimumf %min3A_3971, %max3A_3970 : vector<32x128xf32>
    %swap3A_3973 = arith.constant 0 : index
    %swap3A_3974 = arith.constant 3 : index
    %swap3A_3975 = arith.constant 64 : index
    %swap3A_3976 = arith.constant 0 : index
    %swap3A_3977 = vector.load %arg4[%swap3A_3973, %swap3A_3974, %swap3A_3975, %swap3A_3976] : memref<5x4x288x128xf32, #tpu.memory_space<vmem>>, vector<1x1x32x128xf32>
    %swap3A_3978 = vector.shape_cast %swap3A_3977 : vector<1x1x32x128xf32> to vector<32x128xf32>
    %swap3A_3979 = vector.shape_cast %min3A_3972 : vector<32x128xf32> to vector<1x1x32x128xf32>
    tpu.vector_store %arg4[%swap3A_3973, %swap3A_3974, %swap3A_3975, %swap3A_3976], %swap3A_3979 {strides = array<i32>} : memref<5x4x288x128xf32, #tpu.memory_space<vmem>>, vector<1x1x32x128xf32>,
    %mul3A_3980 = arith.constant 5.000000e-01 : f32
    %mul3A_3981 = vector.broadcast %mul3A_3980 : f32 to vector<32x128xf32>
    %mul3A_3982 = arith.mulf %mul3A_3981, %mul3A_3963 : vector<32x128xf32>
    %sub3A_3983 = arith.subf %add3A_3947, %mul3A_3982 : vector<32x128xf32>
    %jit3A_3984 = arith.constant 0.000000e+00 : f32
    %max3A_3985 = vector.broadcast %jit3A_3984 : f32 to vector<32x128xf32>
    %max3A_3986 = arith.maximumf %max3A_3985, %sub3A_3983 : vector<32x128xf32>
    %min3A_3987 = vector.broadcast %sub3A_3680 : f32 to vector<32x128xf32>
    %min3A_3988 = arith.minimumf %min3A_3987, %max3A_3986 : vector<32x128xf32>
    %swap3A_3989 = arith.constant 1 : index
    %swap3A_3990 = arith.constant 3 : index
    %swap3A_3991 = arith.constant 64 : index
    %swap3A_3992 = arith.constant 0 : index
    %swap3A_3993 = vector.load %arg4[%swap3A_3989, %swap3A_3990, %swap3A_3991, %swap3A_3992] : memref<5x4x288x128xf32, #tpu.memory_space<vmem>>, vector<1x1x32x128xf32>
    %swap3A_3994 = vector.shape_cast %swap3A_3993 : vector<1x1x32x128xf32> to vector<32x128xf32>
    %swap3A_3995 = vector.shape_cast %min3A_3988 : vector<32x128xf32> to vector<1x1x32x128xf32>
    tpu.vector_store %arg4[%swap3A_3989, %swap3A_3990, %swap3A_3991, %swap3A_3992], %swap3A_3995 {strides = array<i32>} : memref<5x4x288x128xf32, #tpu.memory_space<vmem>>, vector<1x1x32x128xf32>,
    %mul3A_3996 = arith.constant 5.000000e-01 : f32
    %mul3A_3997 = vector.broadcast %mul3A_3996 : f32 to vector<32x128xf32>
    %mul3A_3998 = arith.mulf %mul3A_3997, %mul3A_3955 : vector<32x128xf32>
    %add3A_3999 = arith.addf %add3A_3939, %mul3A_3998 : vector<32x128xf32>
    %jit3A_4000 = arith.constant 0.000000e+00 : f32
    %max3A_4001 = vector.broadcast %jit3A_4000 : f32 to vector<32x128xf32>
    %max3A_4002 = arith.maximumf %max3A_4001, %add3A_3999 : vector<32x128xf32>
    %min3A_4003 = vector.broadcast %sub3A_3685 : f32 to vector<32x128xf32>
    %min3A_4004 = arith.minimumf %min3A_4003, %max3A_4002 : vector<32x128xf32>
    %swap3A_4005 = arith.constant 2 : index
    %swap3A_4006 = arith.constant 3 : index
    %swap3A_4007 = arith.constant 64 : index
    %swap3A_4008 = arith.constant 0 : index
    %swap3A_4009 = vector.load %arg4[%swap3A_4005, %swap3A_4006, %swap3A_4007, %swap3A_4008] : memref<5x4x288x128xf32, #tpu.memory_space<vmem>>, vector<1x1x32x128xf32>
    %swap3A_4010 = vector.shape_cast %swap3A_4009 : vector<1x1x32x128xf32> to vector<32x128xf32>
    %swap3A_4011 = vector.shape_cast %min3A_4004 : vector<32x128xf32> to vector<1x1x32x128xf32>
    tpu.vector_store %arg4[%swap3A_4005, %swap3A_4006, %swap3A_4007, %swap3A_4008], %swap3A_4011 {strides = array<i32>} : memref<5x4x288x128xf32, #tpu.memory_space<vmem>>, vector<1x1x32x128xf32>,
    %mul3A_4012 = arith.constant 5.000000e-01 : f32
    %mul3A_4013 = vector.broadcast %mul3A_4012 : f32 to vector<32x128xf32>
    %mul3A_4014 = arith.mulf %mul3A_4013, %mul3A_3963 : vector<32x128xf32>
    %add3A_4015 = arith.addf %add3A_3947, %mul3A_4014 : vector<32x128xf32>
    %jit3A_4016 = arith.constant 0.000000e+00 : f32
    %max3A_4017 = vector.broadcast %jit3A_4016 : f32 to vector<32x128xf32>
    %max3A_4018 = arith.maximumf %max3A_4017, %add3A_4015 : vector<32x128xf32>
    %min3A_4019 = vector.broadcast %sub3A_3680 : f32 to vector<32x128xf32>
    %min3A_4020 = arith.minimumf %min3A_4019, %max3A_4018 : vector<32x128xf32>
    %swap3A_4021 = arith.constant 3 : index
    %swap3A_4022 = arith.constant 3 : index
    %swap3A_4023 = arith.constant 64 : index
    %swap3A_4024 = arith.constant 0 : index
    %swap3A_4025 = vector.load %arg4[%swap3A_4021, %swap3A_4022, %swap3A_4023, %swap3A_4024] : memref<5x4x288x128xf32, #tpu.memory_space<vmem>>, vector<1x1x32x128xf32>
    %swap3A_4026 = vector.shape_cast %swap3A_4025 : vector<1x1x32x128xf32> to vector<32x128xf32>
    %swap3A_4027 = vector.shape_cast %min3A_4020 : vector<32x128xf32> to vector<1x1x32x128xf32>
    tpu.vector_store %arg4[%swap3A_4021, %swap3A_4022, %swap3A_4023, %swap3A_4024], %swap3A_4027 {strides = array<i32>} : memref<5x4x288x128xf32, #tpu.memory_space<vmem>>, vector<1x1x32x128xf32>,
    %get3A_4028 = arith.constant 3 : index
    %get3A_4029 = arith.constant 11 : index
    %get3A_4030 = arith.constant 0 : index
    %get3A_4031 = arith.constant 0 : index
    %get3A_4032 = vector.load %arg0[%get3A_4028, %get3A_4029, %get3A_4030, %get3A_4031] : memref<4x18x32x128xf32, #tpu.memory_space<vmem>>, vector<1x1x32x128xf32>
    %get3A_4033 = vector.shape_cast %get3A_4032 : vector<1x1x32x128xf32> to vector<32x128xf32>
    %swap3A_4034 = arith.constant 4 : index
    %swap3A_4035 = arith.constant 3 : index
    %swap3A_4036 = arith.constant 64 : index
    %swap3A_4037 = arith.constant 0 : index
    %swap3A_4038 = vector.load %arg4[%swap3A_4034, %swap3A_4035, %swap3A_4036, %swap3A_4037] : memref<5x4x288x128xf32, #tpu.memory_space<vmem>>, vector<1x1x32x128xf32>
    %swap3A_4039 = vector.shape_cast %swap3A_4038 : vector<1x1x32x128xf32> to vector<32x128xf32>
    %swap3A_4040 = vector.shape_cast %get3A_4033 : vector<32x128xf32> to vector<1x1x32x128xf32>
    tpu.vector_store %arg4[%swap3A_4034, %swap3A_4035, %swap3A_4036, %swap3A_4037], %swap3A_4040 {strides = array<i32>} : memref<5x4x288x128xf32, #tpu.memory_space<vmem>>, vector<1x1x32x128xf32>,
    %bitcast_convert_type3A_4041 = tpu.bitcast %get3A_4033 : vector<32x128xf32> -> vector<32x128xi32>
    %shift_right_arithmetic3A_4042 = arith.constant 31 : i32
    %shift_right_arithmetic3A_4043 = vector.broadcast %shift_right_arithmetic3A_4042 : i32 to vector<32x128xi32>
    %shift_right_arithmetic3A_4044 = arith.shrsi %bitcast_convert_type3A_4041, %shift_right_arithmetic3A_4043 : vector<32x128xi32>
    %and3A_4045 = arith.constant 2147483647 : i32
    %and3A_4046 = vector.broadcast %and3A_4045 : i32 to vector<32x128xi32>
    %and3A_4047 = arith.andi %shift_right_arithmetic3A_4044, %and3A_4046 : vector<32x128xi32>
    %xor3A_4048 = arith.xori %bitcast_convert_type3A_4041, %and3A_4047 : vector<32x128xi32>
    %swap3A_4049 = arith.constant 3 : index
    %swap3A_4050 = arith.constant 64 : index
    %swap3A_4051 = arith.constant 0 : index
    %swap3A_4052 = vector.load %arg5[%swap3A_4049, %swap3A_4050, %swap3A_4051] : memref<4x288x128xi32, #tpu.memory_space<vmem>>, vector<1x32x128xi32>
    %swap3A_4053 = vector.shape_cast %swap3A_4052 : vector<1x32x128xi32> to vector<32x128xi32>
    %swap3A_4054 = vector.shape_cast %xor3A_4048 : vector<32x128xi32> to vector<1x32x128xi32>
    tpu.vector_store %arg5[%swap3A_4049, %swap3A_4050, %swap3A_4051], %swap3A_4054 {strides = array<i32>} : memref<4x288x128xi32, #tpu.memory_space<vmem>>, vector<1x32x128xi32>,
    %get3A_4055 = arith.constant 3 : index
    %get3A_4056 = arith.constant 12 : index
    %get3A_4057 = arith.constant 0 : index
    %get3A_4058 = arith.constant 0 : index
    %get3A_4059 = vector.load %arg1[%get3A_4055, %get3A_4056, %get3A_4057, %get3A_4058] : memref<4x36x32x128xf32, #tpu.memory_space<vmem>>, vector<1x1x32x128xf32>
    %get3A_4060 = vector.shape_cast %get3A_4059 : vector<1x1x32x128xf32> to vector<32x128xf32>
    %mul3A_4061 = arith.mulf %get3A_4060, %add3A_140 : vector<32x128xf32>
    %add3A_4062 = arith.addf %mul3A_4061, %add3A_148 : vector<32x128xf32>
    %get3A_4063 = arith.constant 3 : index
    %get3A_4064 = arith.constant 13 : index
    %get3A_4065 = arith.constant 0 : index
    %get3A_4066 = arith.constant 0 : index
    %get3A_4067 = vector.load %arg1[%get3A_4063, %get3A_4064, %get3A_4065, %get3A_4066] : memref<4x36x32x128xf32, #tpu.memory_space<vmem>>, vector<1x1x32x128xf32>
    %get3A_4068 = vector.shape_cast %get3A_4067 : vector<1x1x32x128xf32> to vector<32x128xf32>
    %mul3A_4069 = arith.mulf %get3A_4068, %add3A_144 : vector<32x128xf32>
    %add3A_4070 = arith.addf %mul3A_4069, %add3A_152 : vector<32x128xf32>
    %get3A_4071 = arith.constant 3 : index
    %get3A_4072 = arith.constant 14 : index
    %get3A_4073 = arith.constant 0 : index
    %get3A_4074 = arith.constant 0 : index
    %get3A_4075 = vector.load %arg1[%get3A_4071, %get3A_4072, %get3A_4073, %get3A_4074] : memref<4x36x32x128xf32, #tpu.memory_space<vmem>>, vector<1x1x32x128xf32>
    %get3A_4076 = vector.shape_cast %get3A_4075 : vector<1x1x32x128xf32> to vector<32x128xf32>
    %exp3A_4077 = math.exp %get3A_4076 : vector<32x128xf32>
    %mul3A_4078 = arith.mulf %exp3A_4077, %add3A_140 : vector<32x128xf32>
    %get3A_4079 = arith.constant 3 : index
    %get3A_4080 = arith.constant 15 : index
    %get3A_4081 = arith.constant 0 : index
    %get3A_4082 = arith.constant 0 : index
    %get3A_4083 = vector.load %arg1[%get3A_4079, %get3A_4080, %get3A_4081, %get3A_4082] : memref<4x36x32x128xf32, #tpu.memory_space<vmem>>, vector<1x1x32x128xf32>
    %get3A_4084 = vector.shape_cast %get3A_4083 : vector<1x1x32x128xf32> to vector<32x128xf32>
    %exp3A_4085 = math.exp %get3A_4084 : vector<32x128xf32>
    %mul3A_4086 = arith.mulf %exp3A_4085, %add3A_144 : vector<32x128xf32>
    %mul3A_4087 = arith.constant 5.000000e-01 : f32
    %mul3A_4088 = vector.broadcast %mul3A_4087 : f32 to vector<32x128xf32>
    %mul3A_4089 = arith.mulf %mul3A_4088, %mul3A_4078 : vector<32x128xf32>
    %sub3A_4090 = arith.subf %add3A_4062, %mul3A_4089 : vector<32x128xf32>
    %jit3A_4091 = arith.constant 0.000000e+00 : f32
    %max3A_4092 = vector.broadcast %jit3A_4091 : f32 to vector<32x128xf32>
    %max3A_4093 = arith.maximumf %max3A_4092, %sub3A_4090 : vector<32x128xf32>
    %min3A_4094 = vector.broadcast %sub3A_3685 : f32 to vector<32x128xf32>
    %min3A_4095 = arith.minimumf %min3A_4094, %max3A_4093 : vector<32x128xf32>
    %swap3A_4096 = arith.constant 0 : index
    %swap3A_4097 = arith.constant 3 : index
    %swap3A_4098 = arith.constant 96 : index
    %swap3A_4099 = arith.constant 0 : index
    %swap3A_4100 = vector.load %arg4[%swap3A_4096, %swap3A_4097, %swap3A_4098, %swap3A_4099] : memref<5x4x288x128xf32, #tpu.memory_space<vmem>>, vector<1x1x32x128xf32>
    %swap3A_4101 = vector.shape_cast %swap3A_4100 : vector<1x1x32x128xf32> to vector<32x128xf32>
    %swap3A_4102 = vector.shape_cast %min3A_4095 : vector<32x128xf32> to vector<1x1x32x128xf32>
    tpu.vector_store %arg4[%swap3A_4096, %swap3A_4097, %swap3A_4098, %swap3A_4099], %swap3A_4102 {strides = array<i32>} : memref<5x4x288x128xf32, #tpu.memory_space<vmem>>, vector<1x1x32x128xf32>,
    %mul3A_4103 = arith.constant 5.000000e-01 : f32
    %mul3A_4104 = vector.broadcast %mul3A_4103 : f32 to vector<32x128xf32>
    %mul3A_4105 = arith.mulf %mul3A_4104, %mul3A_4086 : vector<32x128xf32>
    %sub3A_4106 = arith.subf %add3A_4070, %mul3A_4105 : vector<32x128xf32>
    %jit3A_4107 = arith.constant 0.000000e+00 : f32
    %max3A_4108 = vector.broadcast %jit3A_4107 : f32 to vector<32x128xf32>
    %max3A_4109 = arith.maximumf %max3A_4108, %sub3A_4106 : vector<32x128xf32>
    %min3A_4110 = vector.broadcast %sub3A_3680 : f32 to vector<32x128xf32>
    %min3A_4111 = arith.minimumf %min3A_4110, %max3A_4109 : vector<32x128xf32>
    %swap3A_4112 = arith.constant 1 : index
    %swap3A_4113 = arith.constant 3 : index
    %swap3A_4114 = arith.constant 96 : index
    %swap3A_4115 = arith.constant 0 : index
    %swap3A_4116 = vector.load %arg4[%swap3A_4112, %swap3A_4113, %swap3A_4114, %swap3A_4115] : memref<5x4x288x128xf32, #tpu.memory_space<vmem>>, vector<1x1x32x128xf32>
    %swap3A_4117 = vector.shape_cast %swap3A_4116 : vector<1x1x32x128xf32> to vector<32x128xf32>
    %swap3A_4118 = vector.shape_cast %min3A_4111 : vector<32x128xf32> to vector<1x1x32x128xf32>
    tpu.vector_store %arg4[%swap3A_4112, %swap3A_4113, %swap3A_4114, %swap3A_4115], %swap3A_4118 {strides = array<i32>} : memref<5x4x288x128xf32, #tpu.memory_space<vmem>>, vector<1x1x32x128xf32>,
    %mul3A_4119 = arith.constant 5.000000e-01 : f32
    %mul3A_4120 = vector.broadcast %mul3A_4119 : f32 to vector<32x128xf32>
    %mul3A_4121 = arith.mulf %mul3A_4120, %mul3A_4078 : vector<32x128xf32>
    %add3A_4122 = arith.addf %add3A_4062, %mul3A_4121 : vector<32x128xf32>
    %jit3A_4123 = arith.constant 0.000000e+00 : f32
    %max3A_4124 = vector.broadcast %jit3A_4123 : f32 to vector<32x128xf32>
    %max3A_4125 = arith.maximumf %max3A_4124, %add3A_4122 : vector<32x128xf32>
    %min3A_4126 = vector.broadcast %sub3A_3685 : f32 to vector<32x128xf32>
    %min3A_4127 = arith.minimumf %min3A_4126, %max3A_4125 : vector<32x128xf32>
    %swap3A_4128 = arith.constant 2 : index
    %swap3A_4129 = arith.constant 3 : index
    %swap3A_4130 = arith.constant 96 : index
    %swap3A_4131 = arith.constant 0 : index
    %swap3A_4132 = vector.load %arg4[%swap3A_4128, %swap3A_4129, %swap3A_4130, %swap3A_4131] : memref<5x4x288x128xf32, #tpu.memory_space<vmem>>, vector<1x1x32x128xf32>
    %swap3A_4133 = vector.shape_cast %swap3A_4132 : vector<1x1x32x128xf32> to vector<32x128xf32>
    %swap3A_4134 = vector.shape_cast %min3A_4127 : vector<32x128xf32> to vector<1x1x32x128xf32>
    tpu.vector_store %arg4[%swap3A_4128, %swap3A_4129, %swap3A_4130, %swap3A_4131], %swap3A_4134 {strides = array<i32>} : memref<5x4x288x128xf32, #tpu.memory_space<vmem>>, vector<1x1x32x128xf32>,
    %mul3A_4135 = arith.constant 5.000000e-01 : f32
    %mul3A_4136 = vector.broadcast %mul3A_4135 : f32 to vector<32x128xf32>
    %mul3A_4137 = arith.mulf %mul3A_4136, %mul3A_4086 : vector<32x128xf32>
    %add3A_4138 = arith.addf %add3A_4070, %mul3A_4137 : vector<32x128xf32>
    %jit3A_4139 = arith.constant 0.000000e+00 : f32
    %max3A_4140 = vector.broadcast %jit3A_4139 : f32 to vector<32x128xf32>
    %max3A_4141 = arith.maximumf %max3A_4140, %add3A_4138 : vector<32x128xf32>
    %min3A_4142 = vector.broadcast %sub3A_3680 : f32 to vector<32x128xf32>
    %min3A_4143 = arith.minimumf %min3A_4142, %max3A_4141 : vector<32x128xf32>
    %swap3A_4144 = arith.constant 3 : index
    %swap3A_4145 = arith.constant 3 : index
    %swap3A_4146 = arith.constant 96 : index
    %swap3A_4147 = arith.constant 0 : index
    %swap3A_4148 = vector.load %arg4[%swap3A_4144, %swap3A_4145, %swap3A_4146, %swap3A_4147] : memref<5x4x288x128xf32, #tpu.memory_space<vmem>>, vector<1x1x32x128xf32>
    %swap3A_4149 = vector.shape_cast %swap3A_4148 : vector<1x1x32x128xf32> to vector<32x128xf32>
    %swap3A_4150 = vector.shape_cast %min3A_4143 : vector<32x128xf32> to vector<1x1x32x128xf32>
    tpu.vector_store %arg4[%swap3A_4144, %swap3A_4145, %swap3A_4146, %swap3A_4147], %swap3A_4150 {strides = array<i32>} : memref<5x4x288x128xf32, #tpu.memory_space<vmem>>, vector<1x1x32x128xf32>,
    %get3A_4151 = arith.constant 3 : index
    %get3A_4152 = arith.constant 12 : index
    %get3A_4153 = arith.constant 0 : index
    %get3A_4154 = arith.constant 0 : index
    %get3A_4155 = vector.load %arg0[%get3A_4151, %get3A_4152, %get3A_4153, %get3A_4154] : memref<4x18x32x128xf32, #tpu.memory_space<vmem>>, vector<1x1x32x128xf32>
    %get3A_4156 = vector.shape_cast %get3A_4155 : vector<1x1x32x128xf32> to vector<32x128xf32>
    %swap3A_4157 = arith.constant 4 : index
    %swap3A_4158 = arith.constant 3 : index
    %swap3A_4159 = arith.constant 96 : index
    %swap3A_4160 = arith.constant 0 : index
    %swap3A_4161 = vector.load %arg4[%swap3A_4157, %swap3A_4158, %swap3A_4159, %swap3A_4160] : memref<5x4x288x128xf32, #tpu.memory_space<vmem>>, vector<1x1x32x128xf32>
    %swap3A_4162 = vector.shape_cast %swap3A_4161 : vector<1x1x32x128xf32> to vector<32x128xf32>
    %swap3A_4163 = vector.shape_cast %get3A_4156 : vector<32x128xf32> to vector<1x1x32x128xf32>
    tpu.vector_store %arg4[%swap3A_4157, %swap3A_4158, %swap3A_4159, %swap3A_4160], %swap3A_4163 {strides = array<i32>} : memref<5x4x288x128xf32, #tpu.memory_space<vmem>>, vector<1x1x32x128xf32>,
    %bitcast_convert_type3A_4164 = tpu.bitcast %get3A_4156 : vector<32x128xf32> -> vector<32x128xi32>
    %shift_right_arithmetic3A_4165 = arith.constant 31 : i32
    %shift_right_arithmetic3A_4166 = vector.broadcast %shift_right_arithmetic3A_4165 : i32 to vector<32x128xi32>
    %shift_right_arithmetic3A_4167 = arith.shrsi %bitcast_convert_type3A_4164, %shift_right_arithmetic3A_4166 : vector<32x128xi32>
    %and3A_4168 = arith.constant 2147483647 : i32
    %and3A_4169 = vector.broadcast %and3A_4168 : i32 to vector<32x128xi32>
    %and3A_4170 = arith.andi %shift_right_arithmetic3A_4167, %and3A_4169 : vector<32x128xi32>
    %xor3A_4171 = arith.xori %bitcast_convert_type3A_4164, %and3A_4170 : vector<32x128xi32>
    %swap3A_4172 = arith.constant 3 : index
    %swap3A_4173 = arith.constant 96 : index
    %swap3A_4174 = arith.constant 0 : index
    %swap3A_4175 = vector.load %arg5[%swap3A_4172, %swap3A_4173, %swap3A_4174] : memref<4x288x128xi32, #tpu.memory_space<vmem>>, vector<1x32x128xi32>
    %swap3A_4176 = vector.shape_cast %swap3A_4175 : vector<1x32x128xi32> to vector<32x128xi32>
    %swap3A_4177 = vector.shape_cast %xor3A_4171 : vector<32x128xi32> to vector<1x32x128xi32>
    tpu.vector_store %arg5[%swap3A_4172, %swap3A_4173, %swap3A_4174], %swap3A_4177 {strides = array<i32>} : memref<4x288x128xi32, #tpu.memory_space<vmem>>, vector<1x32x128xi32>,
    %get3A_4178 = arith.constant 3 : index
    %get3A_4179 = arith.constant 16 : index
    %get3A_4180 = arith.constant 0 : index
    %get3A_4181 = arith.constant 0 : index
    %get3A_4182 = vector.load %arg1[%get3A_4178, %get3A_4179, %get3A_4180, %get3A_4181] : memref<4x36x32x128xf32, #tpu.memory_space<vmem>>, vector<1x1x32x128xf32>
    %get3A_4183 = vector.shape_cast %get3A_4182 : vector<1x1x32x128xf32> to vector<32x128xf32>
    %mul3A_4184 = arith.mulf %get3A_4183, %add3A_176 : vector<32x128xf32>
    %add3A_4185 = arith.addf %mul3A_4184, %add3A_184 : vector<32x128xf32>
    %get3A_4186 = arith.constant 3 : index
    %get3A_4187 = arith.constant 17 : index
    %get3A_4188 = arith.constant 0 : index
    %get3A_4189 = arith.constant 0 : index
    %get3A_4190 = vector.load %arg1[%get3A_4186, %get3A_4187, %get3A_4188, %get3A_4189] : memref<4x36x32x128xf32, #tpu.memory_space<vmem>>, vector<1x1x32x128xf32>
    %get3A_4191 = vector.shape_cast %get3A_4190 : vector<1x1x32x128xf32> to vector<32x128xf32>
    %mul3A_4192 = arith.mulf %get3A_4191, %add3A_180 : vector<32x128xf32>
    %add3A_4193 = arith.addf %mul3A_4192, %add3A_188 : vector<32x128xf32>
    %get3A_4194 = arith.constant 3 : index
    %get3A_4195 = arith.constant 18 : index
    %get3A_4196 = arith.constant 0 : index
    %get3A_4197 = arith.constant 0 : index
    %get3A_4198 = vector.load %arg1[%get3A_4194, %get3A_4195, %get3A_4196, %get3A_4197] : memref<4x36x32x128xf32, #tpu.memory_space<vmem>>, vector<1x1x32x128xf32>
    %get3A_4199 = vector.shape_cast %get3A_4198 : vector<1x1x32x128xf32> to vector<32x128xf32>
    %exp3A_4200 = math.exp %get3A_4199 : vector<32x128xf32>
    %mul3A_4201 = arith.mulf %exp3A_4200, %add3A_176 : vector<32x128xf32>
    %get3A_4202 = arith.constant 3 : index
    %get3A_4203 = arith.constant 19 : index
    %get3A_4204 = arith.constant 0 : index
    %get3A_4205 = arith.constant 0 : index
    %get3A_4206 = vector.load %arg1[%get3A_4202, %get3A_4203, %get3A_4204, %get3A_4205] : memref<4x36x32x128xf32, #tpu.memory_space<vmem>>, vector<1x1x32x128xf32>
    %get3A_4207 = vector.shape_cast %get3A_4206 : vector<1x1x32x128xf32> to vector<32x128xf32>
    %exp3A_4208 = math.exp %get3A_4207 : vector<32x128xf32>
    %mul3A_4209 = arith.mulf %exp3A_4208, %add3A_180 : vector<32x128xf32>
    %mul3A_4210 = arith.constant 5.000000e-01 : f32
    %mul3A_4211 = vector.broadcast %mul3A_4210 : f32 to vector<32x128xf32>
    %mul3A_4212 = arith.mulf %mul3A_4211, %mul3A_4201 : vector<32x128xf32>
    %sub3A_4213 = arith.subf %add3A_4185, %mul3A_4212 : vector<32x128xf32>
    %jit3A_4214 = arith.constant 0.000000e+00 : f32
    %max3A_4215 = vector.broadcast %jit3A_4214 : f32 to vector<32x128xf32>
    %max3A_4216 = arith.maximumf %max3A_4215, %sub3A_4213 : vector<32x128xf32>
    %min3A_4217 = vector.broadcast %sub3A_3685 : f32 to vector<32x128xf32>
    %min3A_4218 = arith.minimumf %min3A_4217, %max3A_4216 : vector<32x128xf32>
    %swap3A_4219 = arith.constant 0 : index
    %swap3A_4220 = arith.constant 3 : index
    %swap3A_4221 = arith.constant 128 : index
    %swap3A_4222 = arith.constant 0 : index
    %swap3A_4223 = vector.load %arg4[%swap3A_4219, %swap3A_4220, %swap3A_4221, %swap3A_4222] : memref<5x4x288x128xf32, #tpu.memory_space<vmem>>, vector<1x1x32x128xf32>
    %swap3A_4224 = vector.shape_cast %swap3A_4223 : vector<1x1x32x128xf32> to vector<32x128xf32>
    %swap3A_4225 = vector.shape_cast %min3A_4218 : vector<32x128xf32> to vector<1x1x32x128xf32>
    tpu.vector_store %arg4[%swap3A_4219, %swap3A_4220, %swap3A_4221, %swap3A_4222], %swap3A_4225 {strides = array<i32>} : memref<5x4x288x128xf32, #tpu.memory_space<vmem>>, vector<1x1x32x128xf32>,
    %mul3A_4226 = arith.constant 5.000000e-01 : f32
    %mul3A_4227 = vector.broadcast %mul3A_4226 : f32 to vector<32x128xf32>
    %mul3A_4228 = arith.mulf %mul3A_4227, %mul3A_4209 : vector<32x128xf32>
    %sub3A_4229 = arith.subf %add3A_4193, %mul3A_4228 : vector<32x128xf32>
    %jit3A_4230 = arith.constant 0.000000e+00 : f32
    %max3A_4231 = vector.broadcast %jit3A_4230 : f32 to vector<32x128xf32>
    %max3A_4232 = arith.maximumf %max3A_4231, %sub3A_4229 : vector<32x128xf32>
    %min3A_4233 = vector.broadcast %sub3A_3680 : f32 to vector<32x128xf32>
    %min3A_4234 = arith.minimumf %min3A_4233, %max3A_4232 : vector<32x128xf32>
    %swap3A_4235 = arith.constant 1 : index
    %swap3A_4236 = arith.constant 3 : index
    %swap3A_4237 = arith.constant 128 : index
    %swap3A_4238 = arith.constant 0 : index
    %swap3A_4239 = vector.load %arg4[%swap3A_4235, %swap3A_4236, %swap3A_4237, %swap3A_4238] : memref<5x4x288x128xf32, #tpu.memory_space<vmem>>, vector<1x1x32x128xf32>
    %swap3A_4240 = vector.shape_cast %swap3A_4239 : vector<1x1x32x128xf32> to vector<32x128xf32>
    %swap3A_4241 = vector.shape_cast %min3A_4234 : vector<32x128xf32> to vector<1x1x32x128xf32>
    tpu.vector_store %arg4[%swap3A_4235, %swap3A_4236, %swap3A_4237, %swap3A_4238], %swap3A_4241 {strides = array<i32>} : memref<5x4x288x128xf32, #tpu.memory_space<vmem>>, vector<1x1x32x128xf32>,
    %mul3A_4242 = arith.constant 5.000000e-01 : f32
    %mul3A_4243 = vector.broadcast %mul3A_4242 : f32 to vector<32x128xf32>
    %mul3A_4244 = arith.mulf %mul3A_4243, %mul3A_4201 : vector<32x128xf32>
    %add3A_4245 = arith.addf %add3A_4185, %mul3A_4244 : vector<32x128xf32>
    %jit3A_4246 = arith.constant 0.000000e+00 : f32
    %max3A_4247 = vector.broadcast %jit3A_4246 : f32 to vector<32x128xf32>
    %max3A_4248 = arith.maximumf %max3A_4247, %add3A_4245 : vector<32x128xf32>
    %min3A_4249 = vector.broadcast %sub3A_3685 : f32 to vector<32x128xf32>
    %min3A_4250 = arith.minimumf %min3A_4249, %max3A_4248 : vector<32x128xf32>
    %swap3A_4251 = arith.constant 2 : index
    %swap3A_4252 = arith.constant 3 : index
    %swap3A_4253 = arith.constant 128 : index
    %swap3A_4254 = arith.constant 0 : index
    %swap3A_4255 = vector.load %arg4[%swap3A_4251, %swap3A_4252, %swap3A_4253, %swap3A_4254] : memref<5x4x288x128xf32, #tpu.memory_space<vmem>>, vector<1x1x32x128xf32>
    %swap3A_4256 = vector.shape_cast %swap3A_4255 : vector<1x1x32x128xf32> to vector<32x128xf32>
    %swap3A_4257 = vector.shape_cast %min3A_4250 : vector<32x128xf32> to vector<1x1x32x128xf32>
    tpu.vector_store %arg4[%swap3A_4251, %swap3A_4252, %swap3A_4253, %swap3A_4254], %swap3A_4257 {strides = array<i32>} : memref<5x4x288x128xf32, #tpu.memory_space<vmem>>, vector<1x1x32x128xf32>,
    %mul3A_4258 = arith.constant 5.000000e-01 : f32
    %mul3A_4259 = vector.broadcast %mul3A_4258 : f32 to vector<32x128xf32>
    %mul3A_4260 = arith.mulf %mul3A_4259, %mul3A_4209 : vector<32x128xf32>
    %add3A_4261 = arith.addf %add3A_4193, %mul3A_4260 : vector<32x128xf32>
    %jit3A_4262 = arith.constant 0.000000e+00 : f32
    %max3A_4263 = vector.broadcast %jit3A_4262 : f32 to vector<32x128xf32>
    %max3A_4264 = arith.maximumf %max3A_4263, %add3A_4261 : vector<32x128xf32>
    %min3A_4265 = vector.broadcast %sub3A_3680 : f32 to vector<32x128xf32>
    %min3A_4266 = arith.minimumf %min3A_4265, %max3A_4264 : vector<32x128xf32>
    %swap3A_4267 = arith.constant 3 : index
    %swap3A_4268 = arith.constant 3 : index
    %swap3A_4269 = arith.constant 128 : index
    %swap3A_4270 = arith.constant 0 : index
    %swap3A_4271 = vector.load %arg4[%swap3A_4267, %swap3A_4268, %swap3A_4269, %swap3A_4270] : memref<5x4x288x128xf32, #tpu.memory_space<vmem>>, vector<1x1x32x128xf32>
    %swap3A_4272 = vector.shape_cast %swap3A_4271 : vector<1x1x32x128xf32> to vector<32x128xf32>
    %swap3A_4273 = vector.shape_cast %min3A_4266 : vector<32x128xf32> to vector<1x1x32x128xf32>
    tpu.vector_store %arg4[%swap3A_4267, %swap3A_4268, %swap3A_4269, %swap3A_4270], %swap3A_4273 {strides = array<i32>} : memref<5x4x288x128xf32, #tpu.memory_space<vmem>>, vector<1x1x32x128xf32>,
    %get3A_4274 = arith.constant 3 : index
    %get3A_4275 = arith.constant 13 : index
    %get3A_4276 = arith.constant 0 : index
    %get3A_4277 = arith.constant 0 : index
    %get3A_4278 = vector.load %arg0[%get3A_4274, %get3A_4275, %get3A_4276, %get3A_4277] : memref<4x18x32x128xf32, #tpu.memory_space<vmem>>, vector<1x1x32x128xf32>
    %get3A_4279 = vector.shape_cast %get3A_4278 : vector<1x1x32x128xf32> to vector<32x128xf32>
    %swap3A_4280 = arith.constant 4 : index
    %swap3A_4281 = arith.constant 3 : index
    %swap3A_4282 = arith.constant 128 : index
    %swap3A_4283 = arith.constant 0 : index
    %swap3A_4284 = vector.load %arg4[%swap3A_4280, %swap3A_4281, %swap3A_4282, %swap3A_4283] : memref<5x4x288x128xf32, #tpu.memory_space<vmem>>, vector<1x1x32x128xf32>
    %swap3A_4285 = vector.shape_cast %swap3A_4284 : vector<1x1x32x128xf32> to vector<32x128xf32>
    %swap3A_4286 = vector.shape_cast %get3A_4279 : vector<32x128xf32> to vector<1x1x32x128xf32>
    tpu.vector_store %arg4[%swap3A_4280, %swap3A_4281, %swap3A_4282, %swap3A_4283], %swap3A_4286 {strides = array<i32>} : memref<5x4x288x128xf32, #tpu.memory_space<vmem>>, vector<1x1x32x128xf32>,
    %bitcast_convert_type3A_4287 = tpu.bitcast %get3A_4279 : vector<32x128xf32> -> vector<32x128xi32>
    %shift_right_arithmetic3A_4288 = arith.constant 31 : i32
    %shift_right_arithmetic3A_4289 = vector.broadcast %shift_right_arithmetic3A_4288 : i32 to vector<32x128xi32>
    %shift_right_arithmetic3A_4290 = arith.shrsi %bitcast_convert_type3A_4287, %shift_right_arithmetic3A_4289 : vector<32x128xi32>
    %and3A_4291 = arith.constant 2147483647 : i32
    %and3A_4292 = vector.broadcast %and3A_4291 : i32 to vector<32x128xi32>
    %and3A_4293 = arith.andi %shift_right_arithmetic3A_4290, %and3A_4292 : vector<32x128xi32>
    %xor3A_4294 = arith.xori %bitcast_convert_type3A_4287, %and3A_4293 : vector<32x128xi32>
    %swap3A_4295 = arith.constant 3 : index
    %swap3A_4296 = arith.constant 128 : index
    %swap3A_4297 = arith.constant 0 : index
    %swap3A_4298 = vector.load %arg5[%swap3A_4295, %swap3A_4296, %swap3A_4297] : memref<4x288x128xi32, #tpu.memory_space<vmem>>, vector<1x32x128xi32>
    %swap3A_4299 = vector.shape_cast %swap3A_4298 : vector<1x32x128xi32> to vector<32x128xi32>
    %swap3A_4300 = vector.shape_cast %xor3A_4294 : vector<32x128xi32> to vector<1x32x128xi32>
    tpu.vector_store %arg5[%swap3A_4295, %swap3A_4296, %swap3A_4297], %swap3A_4300 {strides = array<i32>} : memref<4x288x128xi32, #tpu.memory_space<vmem>>, vector<1x32x128xi32>,
    %get3A_4301 = arith.constant 3 : index
    %get3A_4302 = arith.constant 20 : index
    %get3A_4303 = arith.constant 0 : index
    %get3A_4304 = arith.constant 0 : index
    %get3A_4305 = vector.load %arg1[%get3A_4301, %get3A_4302, %get3A_4303, %get3A_4304] : memref<4x36x32x128xf32, #tpu.memory_space<vmem>>, vector<1x1x32x128xf32>
    %get3A_4306 = vector.shape_cast %get3A_4305 : vector<1x1x32x128xf32> to vector<32x128xf32>
    %mul3A_4307 = arith.mulf %get3A_4306, %add3A_212 : vector<32x128xf32>
    %add3A_4308 = arith.addf %mul3A_4307, %add3A_220 : vector<32x128xf32>
    %get3A_4309 = arith.constant 3 : index
    %get3A_4310 = arith.constant 21 : index
    %get3A_4311 = arith.constant 0 : index
    %get3A_4312 = arith.constant 0 : index
    %get3A_4313 = vector.load %arg1[%get3A_4309, %get3A_4310, %get3A_4311, %get3A_4312] : memref<4x36x32x128xf32, #tpu.memory_space<vmem>>, vector<1x1x32x128xf32>
    %get3A_4314 = vector.shape_cast %get3A_4313 : vector<1x1x32x128xf32> to vector<32x128xf32>
    %mul3A_4315 = arith.mulf %get3A_4314, %add3A_216 : vector<32x128xf32>
    %add3A_4316 = arith.addf %mul3A_4315, %add3A_224 : vector<32x128xf32>
    %get3A_4317 = arith.constant 3 : index
    %get3A_4318 = arith.constant 22 : index
    %get3A_4319 = arith.constant 0 : index
    %get3A_4320 = arith.constant 0 : index
    %get3A_4321 = vector.load %arg1[%get3A_4317, %get3A_4318, %get3A_4319, %get3A_4320] : memref<4x36x32x128xf32, #tpu.memory_space<vmem>>, vector<1x1x32x128xf32>
    %get3A_4322 = vector.shape_cast %get3A_4321 : vector<1x1x32x128xf32> to vector<32x128xf32>
    %exp3A_4323 = math.exp %get3A_4322 : vector<32x128xf32>
    %mul3A_4324 = arith.mulf %exp3A_4323, %add3A_212 : vector<32x128xf32>
    %get3A_4325 = arith.constant 3 : index
    %get3A_4326 = arith.constant 23 : index
    %get3A_4327 = arith.constant 0 : index
    %get3A_4328 = arith.constant 0 : index
    %get3A_4329 = vector.load %arg1[%get3A_4325, %get3A_4326, %get3A_4327, %get3A_4328] : memref<4x36x32x128xf32, #tpu.memory_space<vmem>>, vector<1x1x32x128xf32>
    %get3A_4330 = vector.shape_cast %get3A_4329 : vector<1x1x32x128xf32> to vector<32x128xf32>
    %exp3A_4331 = math.exp %get3A_4330 : vector<32x128xf32>
    %mul3A_4332 = arith.mulf %exp3A_4331, %add3A_216 : vector<32x128xf32>
    %mul3A_4333 = arith.constant 5.000000e-01 : f32
    %mul3A_4334 = vector.broadcast %mul3A_4333 : f32 to vector<32x128xf32>
    %mul3A_4335 = arith.mulf %mul3A_4334, %mul3A_4324 : vector<32x128xf32>
    %sub3A_4336 = arith.subf %add3A_4308, %mul3A_4335 : vector<32x128xf32>
    %jit3A_4337 = arith.constant 0.000000e+00 : f32
    %max3A_4338 = vector.broadcast %jit3A_4337 : f32 to vector<32x128xf32>
    %max3A_4339 = arith.maximumf %max3A_4338, %sub3A_4336 : vector<32x128xf32>
    %min3A_4340 = vector.broadcast %sub3A_3685 : f32 to vector<32x128xf32>
    %min3A_4341 = arith.minimumf %min3A_4340, %max3A_4339 : vector<32x128xf32>
    %swap3A_4342 = arith.constant 0 : index
    %swap3A_4343 = arith.constant 3 : index
    %swap3A_4344 = arith.constant 160 : index
    %swap3A_4345 = arith.constant 0 : index
    %swap3A_4346 = vector.load %arg4[%swap3A_4342, %swap3A_4343, %swap3A_4344, %swap3A_4345] : memref<5x4x288x128xf32, #tpu.memory_space<vmem>>, vector<1x1x32x128xf32>
    %swap3A_4347 = vector.shape_cast %swap3A_4346 : vector<1x1x32x128xf32> to vector<32x128xf32>
    %swap3A_4348 = vector.shape_cast %min3A_4341 : vector<32x128xf32> to vector<1x1x32x128xf32>
    tpu.vector_store %arg4[%swap3A_4342, %swap3A_4343, %swap3A_4344, %swap3A_4345], %swap3A_4348 {strides = array<i32>} : memref<5x4x288x128xf32, #tpu.memory_space<vmem>>, vector<1x1x32x128xf32>,
    %mul3A_4349 = arith.constant 5.000000e-01 : f32
    %mul3A_4350 = vector.broadcast %mul3A_4349 : f32 to vector<32x128xf32>
    %mul3A_4351 = arith.mulf %mul3A_4350, %mul3A_4332 : vector<32x128xf32>
    %sub3A_4352 = arith.subf %add3A_4316, %mul3A_4351 : vector<32x128xf32>
    %jit3A_4353 = arith.constant 0.000000e+00 : f32
    %max3A_4354 = vector.broadcast %jit3A_4353 : f32 to vector<32x128xf32>
    %max3A_4355 = arith.maximumf %max3A_4354, %sub3A_4352 : vector<32x128xf32>
    %min3A_4356 = vector.broadcast %sub3A_3680 : f32 to vector<32x128xf32>
    %min3A_4357 = arith.minimumf %min3A_4356, %max3A_4355 : vector<32x128xf32>
    %swap3A_4358 = arith.constant 1 : index
    %swap3A_4359 = arith.constant 3 : index
    %swap3A_4360 = arith.constant 160 : index
    %swap3A_4361 = arith.constant 0 : index
    %swap3A_4362 = vector.load %arg4[%swap3A_4358, %swap3A_4359, %swap3A_4360, %swap3A_4361] : memref<5x4x288x128xf32, #tpu.memory_space<vmem>>, vector<1x1x32x128xf32>
    %swap3A_4363 = vector.shape_cast %swap3A_4362 : vector<1x1x32x128xf32> to vector<32x128xf32>
    %swap3A_4364 = vector.shape_cast %min3A_4357 : vector<32x128xf32> to vector<1x1x32x128xf32>
    tpu.vector_store %arg4[%swap3A_4358, %swap3A_4359, %swap3A_4360, %swap3A_4361], %swap3A_4364 {strides = array<i32>} : memref<5x4x288x128xf32, #tpu.memory_space<vmem>>, vector<1x1x32x128xf32>,
    %mul3A_4365 = arith.constant 5.000000e-01 : f32
    %mul3A_4366 = vector.broadcast %mul3A_4365 : f32 to vector<32x128xf32>
    %mul3A_4367 = arith.mulf %mul3A_4366, %mul3A_4324 : vector<32x128xf32>
    %add3A_4368 = arith.addf %add3A_4308, %mul3A_4367 : vector<32x128xf32>
    %jit3A_4369 = arith.constant 0.000000e+00 : f32
    %max3A_4370 = vector.broadcast %jit3A_4369 : f32 to vector<32x128xf32>
    %max3A_4371 = arith.maximumf %max3A_4370, %add3A_4368 : vector<32x128xf32>
    %min3A_4372 = vector.broadcast %sub3A_3685 : f32 to vector<32x128xf32>
    %min3A_4373 = arith.minimumf %min3A_4372, %max3A_4371 : vector<32x128xf32>
    %swap3A_4374 = arith.constant 2 : index
    %swap3A_4375 = arith.constant 3 : index
    %swap3A_4376 = arith.constant 160 : index
    %swap3A_4377 = arith.constant 0 : index
    %swap3A_4378 = vector.load %arg4[%swap3A_4374, %swap3A_4375, %swap3A_4376, %swap3A_4377] : memref<5x4x288x128xf32, #tpu.memory_space<vmem>>, vector<1x1x32x128xf32>
    %swap3A_4379 = vector.shape_cast %swap3A_4378 : vector<1x1x32x128xf32> to vector<32x128xf32>
    %swap3A_4380 = vector.shape_cast %min3A_4373 : vector<32x128xf32> to vector<1x1x32x128xf32>
    tpu.vector_store %arg4[%swap3A_4374, %swap3A_4375, %swap3A_4376, %swap3A_4377], %swap3A_4380 {strides = array<i32>} : memref<5x4x288x128xf32, #tpu.memory_space<vmem>>, vector<1x1x32x128xf32>,
    %mul3A_4381 = arith.constant 5.000000e-01 : f32
    %mul3A_4382 = vector.broadcast %mul3A_4381 : f32 to vector<32x128xf32>
    %mul3A_4383 = arith.mulf %mul3A_4382, %mul3A_4332 : vector<32x128xf32>
    %add3A_4384 = arith.addf %add3A_4316, %mul3A_4383 : vector<32x128xf32>
    %jit3A_4385 = arith.constant 0.000000e+00 : f32
    %max3A_4386 = vector.broadcast %jit3A_4385 : f32 to vector<32x128xf32>
    %max3A_4387 = arith.maximumf %max3A_4386, %add3A_4384 : vector<32x128xf32>
    %min3A_4388 = vector.broadcast %sub3A_3680 : f32 to vector<32x128xf32>
    %min3A_4389 = arith.minimumf %min3A_4388, %max3A_4387 : vector<32x128xf32>
    %swap3A_4390 = arith.constant 3 : index
    %swap3A_4391 = arith.constant 3 : index
    %swap3A_4392 = arith.constant 160 : index
    %swap3A_4393 = arith.constant 0 : index
    %swap3A_4394 = vector.load %arg4[%swap3A_4390, %swap3A_4391, %swap3A_4392, %swap3A_4393] : memref<5x4x288x128xf32, #tpu.memory_space<vmem>>, vector<1x1x32x128xf32>
    %swap3A_4395 = vector.shape_cast %swap3A_4394 : vector<1x1x32x128xf32> to vector<32x128xf32>
    %swap3A_4396 = vector.shape_cast %min3A_4389 : vector<32x128xf32> to vector<1x1x32x128xf32>
    tpu.vector_store %arg4[%swap3A_4390, %swap3A_4391, %swap3A_4392, %swap3A_4393], %swap3A_4396 {strides = array<i32>} : memref<5x4x288x128xf32, #tpu.memory_space<vmem>>, vector<1x1x32x128xf32>,
    %get3A_4397 = arith.constant 3 : index
    %get3A_4398 = arith.constant 14 : index
    %get3A_4399 = arith.constant 0 : index
    %get3A_4400 = arith.constant 0 : index
    %get3A_4401 = vector.load %arg0[%get3A_4397, %get3A_4398, %get3A_4399, %get3A_4400] : memref<4x18x32x128xf32, #tpu.memory_space<vmem>>, vector<1x1x32x128xf32>
    %get3A_4402 = vector.shape_cast %get3A_4401 : vector<1x1x32x128xf32> to vector<32x128xf32>
    %swap3A_4403 = arith.constant 4 : index
    %swap3A_4404 = arith.constant 3 : index
    %swap3A_4405 = arith.constant 160 : index
    %swap3A_4406 = arith.constant 0 : index
    %swap3A_4407 = vector.load %arg4[%swap3A_4403, %swap3A_4404, %swap3A_4405, %swap3A_4406] : memref<5x4x288x128xf32, #tpu.memory_space<vmem>>, vector<1x1x32x128xf32>
    %swap3A_4408 = vector.shape_cast %swap3A_4407 : vector<1x1x32x128xf32> to vector<32x128xf32>
    %swap3A_4409 = vector.shape_cast %get3A_4402 : vector<32x128xf32> to vector<1x1x32x128xf32>
    tpu.vector_store %arg4[%swap3A_4403, %swap3A_4404, %swap3A_4405, %swap3A_4406], %swap3A_4409 {strides = array<i32>} : memref<5x4x288x128xf32, #tpu.memory_space<vmem>>, vector<1x1x32x128xf32>,
    %bitcast_convert_type3A_4410 = tpu.bitcast %get3A_4402 : vector<32x128xf32> -> vector<32x128xi32>
    %shift_right_arithmetic3A_4411 = arith.constant 31 : i32
    %shift_right_arithmetic3A_4412 = vector.broadcast %shift_right_arithmetic3A_4411 : i32 to vector<32x128xi32>
    %shift_right_arithmetic3A_4413 = arith.shrsi %bitcast_convert_type3A_4410, %shift_right_arithmetic3A_4412 : vector<32x128xi32>
    %and3A_4414 = arith.constant 2147483647 : i32
    %and3A_4415 = vector.broadcast %and3A_4414 : i32 to vector<32x128xi32>
    %and3A_4416 = arith.andi %shift_right_arithmetic3A_4413, %and3A_4415 : vector<32x128xi32>
    %xor3A_4417 = arith.xori %bitcast_convert_type3A_4410, %and3A_4416 : vector<32x128xi32>
    %swap3A_4418 = arith.constant 3 : index
    %swap3A_4419 = arith.constant 160 : index
    %swap3A_4420 = arith.constant 0 : index
    %swap3A_4421 = vector.load %arg5[%swap3A_4418, %swap3A_4419, %swap3A_4420] : memref<4x288x128xi32, #tpu.memory_space<vmem>>, vector<1x32x128xi32>
    %swap3A_4422 = vector.shape_cast %swap3A_4421 : vector<1x32x128xi32> to vector<32x128xi32>
    %swap3A_4423 = vector.shape_cast %xor3A_4417 : vector<32x128xi32> to vector<1x32x128xi32>
    tpu.vector_store %arg5[%swap3A_4418, %swap3A_4419, %swap3A_4420], %swap3A_4423 {strides = array<i32>} : memref<4x288x128xi32, #tpu.memory_space<vmem>>, vector<1x32x128xi32>,
    %get3A_4424 = arith.constant 3 : index
    %get3A_4425 = arith.constant 24 : index
    %get3A_4426 = arith.constant 0 : index
    %get3A_4427 = arith.constant 0 : index
    %get3A_4428 = vector.load %arg1[%get3A_4424, %get3A_4425, %get3A_4426, %get3A_4427] : memref<4x36x32x128xf32, #tpu.memory_space<vmem>>, vector<1x1x32x128xf32>
    %get3A_4429 = vector.shape_cast %get3A_4428 : vector<1x1x32x128xf32> to vector<32x128xf32>
    %mul3A_4430 = arith.mulf %get3A_4429, %add3A_248 : vector<32x128xf32>
    %add3A_4431 = arith.addf %mul3A_4430, %add3A_256 : vector<32x128xf32>
    %get3A_4432 = arith.constant 3 : index
    %get3A_4433 = arith.constant 25 : index
    %get3A_4434 = arith.constant 0 : index
    %get3A_4435 = arith.constant 0 : index
    %get3A_4436 = vector.load %arg1[%get3A_4432, %get3A_4433, %get3A_4434, %get3A_4435] : memref<4x36x32x128xf32, #tpu.memory_space<vmem>>, vector<1x1x32x128xf32>
    %get3A_4437 = vector.shape_cast %get3A_4436 : vector<1x1x32x128xf32> to vector<32x128xf32>
    %mul3A_4438 = arith.mulf %get3A_4437, %add3A_252 : vector<32x128xf32>
    %add3A_4439 = arith.addf %mul3A_4438, %add3A_260 : vector<32x128xf32>
    %get3A_4440 = arith.constant 3 : index
    %get3A_4441 = arith.constant 26 : index
    %get3A_4442 = arith.constant 0 : index
    %get3A_4443 = arith.constant 0 : index
    %get3A_4444 = vector.load %arg1[%get3A_4440, %get3A_4441, %get3A_4442, %get3A_4443] : memref<4x36x32x128xf32, #tpu.memory_space<vmem>>, vector<1x1x32x128xf32>
    %get3A_4445 = vector.shape_cast %get3A_4444 : vector<1x1x32x128xf32> to vector<32x128xf32>
    %exp3A_4446 = math.exp %get3A_4445 : vector<32x128xf32>
    %mul3A_4447 = arith.mulf %exp3A_4446, %add3A_248 : vector<32x128xf32>
    %get3A_4448 = arith.constant 3 : index
    %get3A_4449 = arith.constant 27 : index
    %get3A_4450 = arith.constant 0 : index
    %get3A_4451 = arith.constant 0 : index
    %get3A_4452 = vector.load %arg1[%get3A_4448, %get3A_4449, %get3A_4450, %get3A_4451] : memref<4x36x32x128xf32, #tpu.memory_space<vmem>>, vector<1x1x32x128xf32>
    %get3A_4453 = vector.shape_cast %get3A_4452 : vector<1x1x32x128xf32> to vector<32x128xf32>
    %exp3A_4454 = math.exp %get3A_4453 : vector<32x128xf32>
    %mul3A_4455 = arith.mulf %exp3A_4454, %add3A_252 : vector<32x128xf32>
    %mul3A_4456 = arith.constant 5.000000e-01 : f32
    %mul3A_4457 = vector.broadcast %mul3A_4456 : f32 to vector<32x128xf32>
    %mul3A_4458 = arith.mulf %mul3A_4457, %mul3A_4447 : vector<32x128xf32>
    %sub3A_4459 = arith.subf %add3A_4431, %mul3A_4458 : vector<32x128xf32>
    %jit3A_4460 = arith.constant 0.000000e+00 : f32
    %max3A_4461 = vector.broadcast %jit3A_4460 : f32 to vector<32x128xf32>
    %max3A_4462 = arith.maximumf %max3A_4461, %sub3A_4459 : vector<32x128xf32>
    %min3A_4463 = vector.broadcast %sub3A_3685 : f32 to vector<32x128xf32>
    %min3A_4464 = arith.minimumf %min3A_4463, %max3A_4462 : vector<32x128xf32>
    %swap3A_4465 = arith.constant 0 : index
    %swap3A_4466 = arith.constant 3 : index
    %swap3A_4467 = arith.constant 192 : index
    %swap3A_4468 = arith.constant 0 : index
    %swap3A_4469 = vector.load %arg4[%swap3A_4465, %swap3A_4466, %swap3A_4467, %swap3A_4468] : memref<5x4x288x128xf32, #tpu.memory_space<vmem>>, vector<1x1x32x128xf32>
    %swap3A_4470 = vector.shape_cast %swap3A_4469 : vector<1x1x32x128xf32> to vector<32x128xf32>
    %swap3A_4471 = vector.shape_cast %min3A_4464 : vector<32x128xf32> to vector<1x1x32x128xf32>
    tpu.vector_store %arg4[%swap3A_4465, %swap3A_4466, %swap3A_4467, %swap3A_4468], %swap3A_4471 {strides = array<i32>} : memref<5x4x288x128xf32, #tpu.memory_space<vmem>>, vector<1x1x32x128xf32>,
    %mul3A_4472 = arith.constant 5.000000e-01 : f32
    %mul3A_4473 = vector.broadcast %mul3A_4472 : f32 to vector<32x128xf32>
    %mul3A_4474 = arith.mulf %mul3A_4473, %mul3A_4455 : vector<32x128xf32>
    %sub3A_4475 = arith.subf %add3A_4439, %mul3A_4474 : vector<32x128xf32>
    %jit3A_4476 = arith.constant 0.000000e+00 : f32
    %max3A_4477 = vector.broadcast %jit3A_4476 : f32 to vector<32x128xf32>
    %max3A_4478 = arith.maximumf %max3A_4477, %sub3A_4475 : vector<32x128xf32>
    %min3A_4479 = vector.broadcast %sub3A_3680 : f32 to vector<32x128xf32>
    %min3A_4480 = arith.minimumf %min3A_4479, %max3A_4478 : vector<32x128xf32>
    %swap3A_4481 = arith.constant 1 : index
    %swap3A_4482 = arith.constant 3 : index
    %swap3A_4483 = arith.constant 192 : index
    %swap3A_4484 = arith.constant 0 : index
    %swap3A_4485 = vector.load %arg4[%swap3A_4481, %swap3A_4482, %swap3A_4483, %swap3A_4484] : memref<5x4x288x128xf32, #tpu.memory_space<vmem>>, vector<1x1x32x128xf32>
    %swap3A_4486 = vector.shape_cast %swap3A_4485 : vector<1x1x32x128xf32> to vector<32x128xf32>
    %swap3A_4487 = vector.shape_cast %min3A_4480 : vector<32x128xf32> to vector<1x1x32x128xf32>
    tpu.vector_store %arg4[%swap3A_4481, %swap3A_4482, %swap3A_4483, %swap3A_4484], %swap3A_4487 {strides = array<i32>} : memref<5x4x288x128xf32, #tpu.memory_space<vmem>>, vector<1x1x32x128xf32>,
    %mul3A_4488 = arith.constant 5.000000e-01 : f32
    %mul3A_4489 = vector.broadcast %mul3A_4488 : f32 to vector<32x128xf32>
    %mul3A_4490 = arith.mulf %mul3A_4489, %mul3A_4447 : vector<32x128xf32>
    %add3A_4491 = arith.addf %add3A_4431, %mul3A_4490 : vector<32x128xf32>
    %jit3A_4492 = arith.constant 0.000000e+00 : f32
    %max3A_4493 = vector.broadcast %jit3A_4492 : f32 to vector<32x128xf32>
    %max3A_4494 = arith.maximumf %max3A_4493, %add3A_4491 : vector<32x128xf32>
    %min3A_4495 = vector.broadcast %sub3A_3685 : f32 to vector<32x128xf32>
    %min3A_4496 = arith.minimumf %min3A_4495, %max3A_4494 : vector<32x128xf32>
    %swap3A_4497 = arith.constant 2 : index
    %swap3A_4498 = arith.constant 3 : index
    %swap3A_4499 = arith.constant 192 : index
    %swap3A_4500 = arith.constant 0 : index
    %swap3A_4501 = vector.load %arg4[%swap3A_4497, %swap3A_4498, %swap3A_4499, %swap3A_4500] : memref<5x4x288x128xf32, #tpu.memory_space<vmem>>, vector<1x1x32x128xf32>
    %swap3A_4502 = vector.shape_cast %swap3A_4501 : vector<1x1x32x128xf32> to vector<32x128xf32>
    %swap3A_4503 = vector.shape_cast %min3A_4496 : vector<32x128xf32> to vector<1x1x32x128xf32>
    tpu.vector_store %arg4[%swap3A_4497, %swap3A_4498, %swap3A_4499, %swap3A_4500], %swap3A_4503 {strides = array<i32>} : memref<5x4x288x128xf32, #tpu.memory_space<vmem>>, vector<1x1x32x128xf32>,
    %mul3A_4504 = arith.constant 5.000000e-01 : f32
    %mul3A_4505 = vector.broadcast %mul3A_4504 : f32 to vector<32x128xf32>
    %mul3A_4506 = arith.mulf %mul3A_4505, %mul3A_4455 : vector<32x128xf32>
    %add3A_4507 = arith.addf %add3A_4439, %mul3A_4506 : vector<32x128xf32>
    %jit3A_4508 = arith.constant 0.000000e+00 : f32
    %max3A_4509 = vector.broadcast %jit3A_4508 : f32 to vector<32x128xf32>
    %max3A_4510 = arith.maximumf %max3A_4509, %add3A_4507 : vector<32x128xf32>
    %min3A_4511 = vector.broadcast %sub3A_3680 : f32 to vector<32x128xf32>
    %min3A_4512 = arith.minimumf %min3A_4511, %max3A_4510 : vector<32x128xf32>
    %swap3A_4513 = arith.constant 3 : index
    %swap3A_4514 = arith.constant 3 : index
    %swap3A_4515 = arith.constant 192 : index
    %swap3A_4516 = arith.constant 0 : index
    %swap3A_4517 = vector.load %arg4[%swap3A_4513, %swap3A_4514, %swap3A_4515, %swap3A_4516] : memref<5x4x288x128xf32, #tpu.memory_space<vmem>>, vector<1x1x32x128xf32>
    %swap3A_4518 = vector.shape_cast %swap3A_4517 : vector<1x1x32x128xf32> to vector<32x128xf32>
    %swap3A_4519 = vector.shape_cast %min3A_4512 : vector<32x128xf32> to vector<1x1x32x128xf32>
    tpu.vector_store %arg4[%swap3A_4513, %swap3A_4514, %swap3A_4515, %swap3A_4516], %swap3A_4519 {strides = array<i32>} : memref<5x4x288x128xf32, #tpu.memory_space<vmem>>, vector<1x1x32x128xf32>,
    %get3A_4520 = arith.constant 3 : index
    %get3A_4521 = arith.constant 15 : index
    %get3A_4522 = arith.constant 0 : index
    %get3A_4523 = arith.constant 0 : index
    %get3A_4524 = vector.load %arg0[%get3A_4520, %get3A_4521, %get3A_4522, %get3A_4523] : memref<4x18x32x128xf32, #tpu.memory_space<vmem>>, vector<1x1x32x128xf32>
    %get3A_4525 = vector.shape_cast %get3A_4524 : vector<1x1x32x128xf32> to vector<32x128xf32>
    %swap3A_4526 = arith.constant 4 : index
    %swap3A_4527 = arith.constant 3 : index
    %swap3A_4528 = arith.constant 192 : index
    %swap3A_4529 = arith.constant 0 : index
    %swap3A_4530 = vector.load %arg4[%swap3A_4526, %swap3A_4527, %swap3A_4528, %swap3A_4529] : memref<5x4x288x128xf32, #tpu.memory_space<vmem>>, vector<1x1x32x128xf32>
    %swap3A_4531 = vector.shape_cast %swap3A_4530 : vector<1x1x32x128xf32> to vector<32x128xf32>
    %swap3A_4532 = vector.shape_cast %get3A_4525 : vector<32x128xf32> to vector<1x1x32x128xf32>
    tpu.vector_store %arg4[%swap3A_4526, %swap3A_4527, %swap3A_4528, %swap3A_4529], %swap3A_4532 {strides = array<i32>} : memref<5x4x288x128xf32, #tpu.memory_space<vmem>>, vector<1x1x32x128xf32>,
    %bitcast_convert_type3A_4533 = tpu.bitcast %get3A_4525 : vector<32x128xf32> -> vector<32x128xi32>
    %shift_right_arithmetic3A_4534 = arith.constant 31 : i32
    %shift_right_arithmetic3A_4535 = vector.broadcast %shift_right_arithmetic3A_4534 : i32 to vector<32x128xi32>
    %shift_right_arithmetic3A_4536 = arith.shrsi %bitcast_convert_type3A_4533, %shift_right_arithmetic3A_4535 : vector<32x128xi32>
    %and3A_4537 = arith.constant 2147483647 : i32
    %and3A_4538 = vector.broadcast %and3A_4537 : i32 to vector<32x128xi32>
    %and3A_4539 = arith.andi %shift_right_arithmetic3A_4536, %and3A_4538 : vector<32x128xi32>
    %xor3A_4540 = arith.xori %bitcast_convert_type3A_4533, %and3A_4539 : vector<32x128xi32>
    %swap3A_4541 = arith.constant 3 : index
    %swap3A_4542 = arith.constant 192 : index
    %swap3A_4543 = arith.constant 0 : index
    %swap3A_4544 = vector.load %arg5[%swap3A_4541, %swap3A_4542, %swap3A_4543] : memref<4x288x128xi32, #tpu.memory_space<vmem>>, vector<1x32x128xi32>
    %swap3A_4545 = vector.shape_cast %swap3A_4544 : vector<1x32x128xi32> to vector<32x128xi32>
    %swap3A_4546 = vector.shape_cast %xor3A_4540 : vector<32x128xi32> to vector<1x32x128xi32>
    tpu.vector_store %arg5[%swap3A_4541, %swap3A_4542, %swap3A_4543], %swap3A_4546 {strides = array<i32>} : memref<4x288x128xi32, #tpu.memory_space<vmem>>, vector<1x32x128xi32>,
    %get3A_4547 = arith.constant 3 : index
    %get3A_4548 = arith.constant 28 : index
    %get3A_4549 = arith.constant 0 : index
    %get3A_4550 = arith.constant 0 : index
    %get3A_4551 = vector.load %arg1[%get3A_4547, %get3A_4548, %get3A_4549, %get3A_4550] : memref<4x36x32x128xf32, #tpu.memory_space<vmem>>, vector<1x1x32x128xf32>
    %get3A_4552 = vector.shape_cast %get3A_4551 : vector<1x1x32x128xf32> to vector<32x128xf32>
    %mul3A_4553 = arith.mulf %get3A_4552, %add3A_284 : vector<32x128xf32>
    %add3A_4554 = arith.addf %mul3A_4553, %add3A_292 : vector<32x128xf32>
    %get3A_4555 = arith.constant 3 : index
    %get3A_4556 = arith.constant 29 : index
    %get3A_4557 = arith.constant 0 : index
    %get3A_4558 = arith.constant 0 : index
    %get3A_4559 = vector.load %arg1[%get3A_4555, %get3A_4556, %get3A_4557, %get3A_4558] : memref<4x36x32x128xf32, #tpu.memory_space<vmem>>, vector<1x1x32x128xf32>
    %get3A_4560 = vector.shape_cast %get3A_4559 : vector<1x1x32x128xf32> to vector<32x128xf32>
    %mul3A_4561 = arith.mulf %get3A_4560, %add3A_288 : vector<32x128xf32>
    %add3A_4562 = arith.addf %mul3A_4561, %add3A_296 : vector<32x128xf32>
    %get3A_4563 = arith.constant 3 : index
    %get3A_4564 = arith.constant 30 : index
    %get3A_4565 = arith.constant 0 : index
    %get3A_4566 = arith.constant 0 : index
    %get3A_4567 = vector.load %arg1[%get3A_4563, %get3A_4564, %get3A_4565, %get3A_4566] : memref<4x36x32x128xf32, #tpu.memory_space<vmem>>, vector<1x1x32x128xf32>
    %get3A_4568 = vector.shape_cast %get3A_4567 : vector<1x1x32x128xf32> to vector<32x128xf32>
    %exp3A_4569 = math.exp %get3A_4568 : vector<32x128xf32>
    %mul3A_4570 = arith.mulf %exp3A_4569, %add3A_284 : vector<32x128xf32>
    %get3A_4571 = arith.constant 3 : index
    %get3A_4572 = arith.constant 31 : index
    %get3A_4573 = arith.constant 0 : index
    %get3A_4574 = arith.constant 0 : index
    %get3A_4575 = vector.load %arg1[%get3A_4571, %get3A_4572, %get3A_4573, %get3A_4574] : memref<4x36x32x128xf32, #tpu.memory_space<vmem>>, vector<1x1x32x128xf32>
    %get3A_4576 = vector.shape_cast %get3A_4575 : vector<1x1x32x128xf32> to vector<32x128xf32>
    %exp3A_4577 = math.exp %get3A_4576 : vector<32x128xf32>
    %mul3A_4578 = arith.mulf %exp3A_4577, %add3A_288 : vector<32x128xf32>
    %mul3A_4579 = arith.constant 5.000000e-01 : f32
    %mul3A_4580 = vector.broadcast %mul3A_4579 : f32 to vector<32x128xf32>
    %mul3A_4581 = arith.mulf %mul3A_4580, %mul3A_4570 : vector<32x128xf32>
    %sub3A_4582 = arith.subf %add3A_4554, %mul3A_4581 : vector<32x128xf32>
    %jit3A_4583 = arith.constant 0.000000e+00 : f32
    %max3A_4584 = vector.broadcast %jit3A_4583 : f32 to vector<32x128xf32>
    %max3A_4585 = arith.maximumf %max3A_4584, %sub3A_4582 : vector<32x128xf32>
    %min3A_4586 = vector.broadcast %sub3A_3685 : f32 to vector<32x128xf32>
    %min3A_4587 = arith.minimumf %min3A_4586, %max3A_4585 : vector<32x128xf32>
    %swap3A_4588 = arith.constant 0 : index
    %swap3A_4589 = arith.constant 3 : index
    %swap3A_4590 = arith.constant 224 : index
    %swap3A_4591 = arith.constant 0 : index
    %swap3A_4592 = vector.load %arg4[%swap3A_4588, %swap3A_4589, %swap3A_4590, %swap3A_4591] : memref<5x4x288x128xf32, #tpu.memory_space<vmem>>, vector<1x1x32x128xf32>
    %swap3A_4593 = vector.shape_cast %swap3A_4592 : vector<1x1x32x128xf32> to vector<32x128xf32>
    %swap3A_4594 = vector.shape_cast %min3A_4587 : vector<32x128xf32> to vector<1x1x32x128xf32>
    tpu.vector_store %arg4[%swap3A_4588, %swap3A_4589, %swap3A_4590, %swap3A_4591], %swap3A_4594 {strides = array<i32>} : memref<5x4x288x128xf32, #tpu.memory_space<vmem>>, vector<1x1x32x128xf32>,
    %mul3A_4595 = arith.constant 5.000000e-01 : f32
    %mul3A_4596 = vector.broadcast %mul3A_4595 : f32 to vector<32x128xf32>
    %mul3A_4597 = arith.mulf %mul3A_4596, %mul3A_4578 : vector<32x128xf32>
    %sub3A_4598 = arith.subf %add3A_4562, %mul3A_4597 : vector<32x128xf32>
    %jit3A_4599 = arith.constant 0.000000e+00 : f32
    %max3A_4600 = vector.broadcast %jit3A_4599 : f32 to vector<32x128xf32>
    %max3A_4601 = arith.maximumf %max3A_4600, %sub3A_4598 : vector<32x128xf32>
    %min3A_4602 = vector.broadcast %sub3A_3680 : f32 to vector<32x128xf32>
    %min3A_4603 = arith.minimumf %min3A_4602, %max3A_4601 : vector<32x128xf32>
    %swap3A_4604 = arith.constant 1 : index
    %swap3A_4605 = arith.constant 3 : index
    %swap3A_4606 = arith.constant 224 : index
    %swap3A_4607 = arith.constant 0 : index
    %swap3A_4608 = vector.load %arg4[%swap3A_4604, %swap3A_4605, %swap3A_4606, %swap3A_4607] : memref<5x4x288x128xf32, #tpu.memory_space<vmem>>, vector<1x1x32x128xf32>
    %swap3A_4609 = vector.shape_cast %swap3A_4608 : vector<1x1x32x128xf32> to vector<32x128xf32>
    %swap3A_4610 = vector.shape_cast %min3A_4603 : vector<32x128xf32> to vector<1x1x32x128xf32>
    tpu.vector_store %arg4[%swap3A_4604, %swap3A_4605, %swap3A_4606, %swap3A_4607], %swap3A_4610 {strides = array<i32>} : memref<5x4x288x128xf32, #tpu.memory_space<vmem>>, vector<1x1x32x128xf32>,
    %mul3A_4611 = arith.constant 5.000000e-01 : f32
    %mul3A_4612 = vector.broadcast %mul3A_4611 : f32 to vector<32x128xf32>
    %mul3A_4613 = arith.mulf %mul3A_4612, %mul3A_4570 : vector<32x128xf32>
    %add3A_4614 = arith.addf %add3A_4554, %mul3A_4613 : vector<32x128xf32>
    %jit3A_4615 = arith.constant 0.000000e+00 : f32
    %max3A_4616 = vector.broadcast %jit3A_4615 : f32 to vector<32x128xf32>
    %max3A_4617 = arith.maximumf %max3A_4616, %add3A_4614 : vector<32x128xf32>
    %min3A_4618 = vector.broadcast %sub3A_3685 : f32 to vector<32x128xf32>
    %min3A_4619 = arith.minimumf %min3A_4618, %max3A_4617 : vector<32x128xf32>
    %swap3A_4620 = arith.constant 2 : index
    %swap3A_4621 = arith.constant 3 : index
    %swap3A_4622 = arith.constant 224 : index
    %swap3A_4623 = arith.constant 0 : index
    %swap3A_4624 = vector.load %arg4[%swap3A_4620, %swap3A_4621, %swap3A_4622, %swap3A_4623] : memref<5x4x288x128xf32, #tpu.memory_space<vmem>>, vector<1x1x32x128xf32>
    %swap3A_4625 = vector.shape_cast %swap3A_4624 : vector<1x1x32x128xf32> to vector<32x128xf32>
    %swap3A_4626 = vector.shape_cast %min3A_4619 : vector<32x128xf32> to vector<1x1x32x128xf32>
    tpu.vector_store %arg4[%swap3A_4620, %swap3A_4621, %swap3A_4622, %swap3A_4623], %swap3A_4626 {strides = array<i32>} : memref<5x4x288x128xf32, #tpu.memory_space<vmem>>, vector<1x1x32x128xf32>,
    %mul3A_4627 = arith.constant 5.000000e-01 : f32
    %mul3A_4628 = vector.broadcast %mul3A_4627 : f32 to vector<32x128xf32>
    %mul3A_4629 = arith.mulf %mul3A_4628, %mul3A_4578 : vector<32x128xf32>
    %add3A_4630 = arith.addf %add3A_4562, %mul3A_4629 : vector<32x128xf32>
    %jit3A_4631 = arith.constant 0.000000e+00 : f32
    %max3A_4632 = vector.broadcast %jit3A_4631 : f32 to vector<32x128xf32>
    %max3A_4633 = arith.maximumf %max3A_4632, %add3A_4630 : vector<32x128xf32>
    %min3A_4634 = vector.broadcast %sub3A_3680 : f32 to vector<32x128xf32>
    %min3A_4635 = arith.minimumf %min3A_4634, %max3A_4633 : vector<32x128xf32>
    %swap3A_4636 = arith.constant 3 : index
    %swap3A_4637 = arith.constant 3 : index
    %swap3A_4638 = arith.constant 224 : index
    %swap3A_4639 = arith.constant 0 : index
    %swap3A_4640 = vector.load %arg4[%swap3A_4636, %swap3A_4637, %swap3A_4638, %swap3A_4639] : memref<5x4x288x128xf32, #tpu.memory_space<vmem>>, vector<1x1x32x128xf32>
    %swap3A_4641 = vector.shape_cast %swap3A_4640 : vector<1x1x32x128xf32> to vector<32x128xf32>
    %swap3A_4642 = vector.shape_cast %min3A_4635 : vector<32x128xf32> to vector<1x1x32x128xf32>
    tpu.vector_store %arg4[%swap3A_4636, %swap3A_4637, %swap3A_4638, %swap3A_4639], %swap3A_4642 {strides = array<i32>} : memref<5x4x288x128xf32, #tpu.memory_space<vmem>>, vector<1x1x32x128xf32>,
    %get3A_4643 = arith.constant 3 : index
    %get3A_4644 = arith.constant 16 : index
    %get3A_4645 = arith.constant 0 : index
    %get3A_4646 = arith.constant 0 : index
    %get3A_4647 = vector.load %arg0[%get3A_4643, %get3A_4644, %get3A_4645, %get3A_4646] : memref<4x18x32x128xf32, #tpu.memory_space<vmem>>, vector<1x1x32x128xf32>
    %get3A_4648 = vector.shape_cast %get3A_4647 : vector<1x1x32x128xf32> to vector<32x128xf32>
    %swap3A_4649 = arith.constant 4 : index
    %swap3A_4650 = arith.constant 3 : index
    %swap3A_4651 = arith.constant 224 : index
    %swap3A_4652 = arith.constant 0 : index
    %swap3A_4653 = vector.load %arg4[%swap3A_4649, %swap3A_4650, %swap3A_4651, %swap3A_4652] : memref<5x4x288x128xf32, #tpu.memory_space<vmem>>, vector<1x1x32x128xf32>
    %swap3A_4654 = vector.shape_cast %swap3A_4653 : vector<1x1x32x128xf32> to vector<32x128xf32>
    %swap3A_4655 = vector.shape_cast %get3A_4648 : vector<32x128xf32> to vector<1x1x32x128xf32>
    tpu.vector_store %arg4[%swap3A_4649, %swap3A_4650, %swap3A_4651, %swap3A_4652], %swap3A_4655 {strides = array<i32>} : memref<5x4x288x128xf32, #tpu.memory_space<vmem>>, vector<1x1x32x128xf32>,
    %bitcast_convert_type3A_4656 = tpu.bitcast %get3A_4648 : vector<32x128xf32> -> vector<32x128xi32>
    %shift_right_arithmetic3A_4657 = arith.constant 31 : i32
    %shift_right_arithmetic3A_4658 = vector.broadcast %shift_right_arithmetic3A_4657 : i32 to vector<32x128xi32>
    %shift_right_arithmetic3A_4659 = arith.shrsi %bitcast_convert_type3A_4656, %shift_right_arithmetic3A_4658 : vector<32x128xi32>
    %and3A_4660 = arith.constant 2147483647 : i32
    %and3A_4661 = vector.broadcast %and3A_4660 : i32 to vector<32x128xi32>
    %and3A_4662 = arith.andi %shift_right_arithmetic3A_4659, %and3A_4661 : vector<32x128xi32>
    %xor3A_4663 = arith.xori %bitcast_convert_type3A_4656, %and3A_4662 : vector<32x128xi32>
    %swap3A_4664 = arith.constant 3 : index
    %swap3A_4665 = arith.constant 224 : index
    %swap3A_4666 = arith.constant 0 : index
    %swap3A_4667 = vector.load %arg5[%swap3A_4664, %swap3A_4665, %swap3A_4666] : memref<4x288x128xi32, #tpu.memory_space<vmem>>, vector<1x32x128xi32>
    %swap3A_4668 = vector.shape_cast %swap3A_4667 : vector<1x32x128xi32> to vector<32x128xi32>
    %swap3A_4669 = vector.shape_cast %xor3A_4663 : vector<32x128xi32> to vector<1x32x128xi32>
    tpu.vector_store %arg5[%swap3A_4664, %swap3A_4665, %swap3A_4666], %swap3A_4669 {strides = array<i32>} : memref<4x288x128xi32, #tpu.memory_space<vmem>>, vector<1x32x128xi32>,
    %get3A_4670 = arith.constant 3 : index
    %get3A_4671 = arith.constant 32 : index
    %get3A_4672 = arith.constant 0 : index
    %get3A_4673 = arith.constant 0 : index
    %get3A_4674 = vector.load %arg1[%get3A_4670, %get3A_4671, %get3A_4672, %get3A_4673] : memref<4x36x32x128xf32, #tpu.memory_space<vmem>>, vector<1x1x32x128xf32>
    %get3A_4675 = vector.shape_cast %get3A_4674 : vector<1x1x32x128xf32> to vector<32x128xf32>
    %mul3A_4676 = arith.mulf %get3A_4675, %add3A_320 : vector<32x128xf32>
    %add3A_4677 = arith.addf %mul3A_4676, %add3A_328 : vector<32x128xf32>
    %get3A_4678 = arith.constant 3 : index
    %get3A_4679 = arith.constant 33 : index
    %get3A_4680 = arith.constant 0 : index
    %get3A_4681 = arith.constant 0 : index
    %get3A_4682 = vector.load %arg1[%get3A_4678, %get3A_4679, %get3A_4680, %get3A_4681] : memref<4x36x32x128xf32, #tpu.memory_space<vmem>>, vector<1x1x32x128xf32>
    %get3A_4683 = vector.shape_cast %get3A_4682 : vector<1x1x32x128xf32> to vector<32x128xf32>
    %mul3A_4684 = arith.mulf %get3A_4683, %add3A_324 : vector<32x128xf32>
    %add3A_4685 = arith.addf %mul3A_4684, %add3A_332 : vector<32x128xf32>
    %get3A_4686 = arith.constant 3 : index
    %get3A_4687 = arith.constant 34 : index
    %get3A_4688 = arith.constant 0 : index
    %get3A_4689 = arith.constant 0 : index
    %get3A_4690 = vector.load %arg1[%get3A_4686, %get3A_4687, %get3A_4688, %get3A_4689] : memref<4x36x32x128xf32, #tpu.memory_space<vmem>>, vector<1x1x32x128xf32>
    %get3A_4691 = vector.shape_cast %get3A_4690 : vector<1x1x32x128xf32> to vector<32x128xf32>
    %exp3A_4692 = math.exp %get3A_4691 : vector<32x128xf32>
    %mul3A_4693 = arith.mulf %exp3A_4692, %add3A_320 : vector<32x128xf32>
    %get3A_4694 = arith.constant 3 : index
    %get3A_4695 = arith.constant 35 : index
    %get3A_4696 = arith.constant 0 : index
    %get3A_4697 = arith.constant 0 : index
    %get3A_4698 = vector.load %arg1[%get3A_4694, %get3A_4695, %get3A_4696, %get3A_4697] : memref<4x36x32x128xf32, #tpu.memory_space<vmem>>, vector<1x1x32x128xf32>
    %get3A_4699 = vector.shape_cast %get3A_4698 : vector<1x1x32x128xf32> to vector<32x128xf32>
    %exp3A_4700 = math.exp %get3A_4699 : vector<32x128xf32>
    %mul3A_4701 = arith.mulf %exp3A_4700, %add3A_324 : vector<32x128xf32>
    %mul3A_4702 = arith.constant 5.000000e-01 : f32
    %mul3A_4703 = vector.broadcast %mul3A_4702 : f32 to vector<32x128xf32>
    %mul3A_4704 = arith.mulf %mul3A_4703, %mul3A_4693 : vector<32x128xf32>
    %sub3A_4705 = arith.subf %add3A_4677, %mul3A_4704 : vector<32x128xf32>
    %jit3A_4706 = arith.constant 0.000000e+00 : f32
    %max3A_4707 = vector.broadcast %jit3A_4706 : f32 to vector<32x128xf32>
    %max3A_4708 = arith.maximumf %max3A_4707, %sub3A_4705 : vector<32x128xf32>
    %min3A_4709 = vector.broadcast %sub3A_3685 : f32 to vector<32x128xf32>
    %min3A_4710 = arith.minimumf %min3A_4709, %max3A_4708 : vector<32x128xf32>
    %swap3A_4711 = arith.constant 0 : index
    %swap3A_4712 = arith.constant 3 : index
    %swap3A_4713 = arith.constant 256 : index
    %swap3A_4714 = arith.constant 0 : index
    %swap3A_4715 = vector.load %arg4[%swap3A_4711, %swap3A_4712, %swap3A_4713, %swap3A_4714] : memref<5x4x288x128xf32, #tpu.memory_space<vmem>>, vector<1x1x32x128xf32>
    %swap3A_4716 = vector.shape_cast %swap3A_4715 : vector<1x1x32x128xf32> to vector<32x128xf32>
    %swap3A_4717 = vector.shape_cast %min3A_4710 : vector<32x128xf32> to vector<1x1x32x128xf32>
    tpu.vector_store %arg4[%swap3A_4711, %swap3A_4712, %swap3A_4713, %swap3A_4714], %swap3A_4717 {strides = array<i32>} : memref<5x4x288x128xf32, #tpu.memory_space<vmem>>, vector<1x1x32x128xf32>,
    %mul3A_4718 = arith.constant 5.000000e-01 : f32
    %mul3A_4719 = vector.broadcast %mul3A_4718 : f32 to vector<32x128xf32>
    %mul3A_4720 = arith.mulf %mul3A_4719, %mul3A_4701 : vector<32x128xf32>
    %sub3A_4721 = arith.subf %add3A_4685, %mul3A_4720 : vector<32x128xf32>
    %jit3A_4722 = arith.constant 0.000000e+00 : f32
    %max3A_4723 = vector.broadcast %jit3A_4722 : f32 to vector<32x128xf32>
    %max3A_4724 = arith.maximumf %max3A_4723, %sub3A_4721 : vector<32x128xf32>
    %min3A_4725 = vector.broadcast %sub3A_3680 : f32 to vector<32x128xf32>
    %min3A_4726 = arith.minimumf %min3A_4725, %max3A_4724 : vector<32x128xf32>
    %swap3A_4727 = arith.constant 1 : index
    %swap3A_4728 = arith.constant 3 : index
    %swap3A_4729 = arith.constant 256 : index
    %swap3A_4730 = arith.constant 0 : index
    %swap3A_4731 = vector.load %arg4[%swap3A_4727, %swap3A_4728, %swap3A_4729, %swap3A_4730] : memref<5x4x288x128xf32, #tpu.memory_space<vmem>>, vector<1x1x32x128xf32>
    %swap3A_4732 = vector.shape_cast %swap3A_4731 : vector<1x1x32x128xf32> to vector<32x128xf32>
    %swap3A_4733 = vector.shape_cast %min3A_4726 : vector<32x128xf32> to vector<1x1x32x128xf32>
    tpu.vector_store %arg4[%swap3A_4727, %swap3A_4728, %swap3A_4729, %swap3A_4730], %swap3A_4733 {strides = array<i32>} : memref<5x4x288x128xf32, #tpu.memory_space<vmem>>, vector<1x1x32x128xf32>,
    %mul3A_4734 = arith.constant 5.000000e-01 : f32
    %mul3A_4735 = vector.broadcast %mul3A_4734 : f32 to vector<32x128xf32>
    %mul3A_4736 = arith.mulf %mul3A_4735, %mul3A_4693 : vector<32x128xf32>
    %add3A_4737 = arith.addf %add3A_4677, %mul3A_4736 : vector<32x128xf32>
    %jit3A_4738 = arith.constant 0.000000e+00 : f32
    %max3A_4739 = vector.broadcast %jit3A_4738 : f32 to vector<32x128xf32>
    %max3A_4740 = arith.maximumf %max3A_4739, %add3A_4737 : vector<32x128xf32>
    %min3A_4741 = vector.broadcast %sub3A_3685 : f32 to vector<32x128xf32>
    %min3A_4742 = arith.minimumf %min3A_4741, %max3A_4740 : vector<32x128xf32>
    %swap3A_4743 = arith.constant 2 : index
    %swap3A_4744 = arith.constant 3 : index
    %swap3A_4745 = arith.constant 256 : index
    %swap3A_4746 = arith.constant 0 : index
    %swap3A_4747 = vector.load %arg4[%swap3A_4743, %swap3A_4744, %swap3A_4745, %swap3A_4746] : memref<5x4x288x128xf32, #tpu.memory_space<vmem>>, vector<1x1x32x128xf32>
    %swap3A_4748 = vector.shape_cast %swap3A_4747 : vector<1x1x32x128xf32> to vector<32x128xf32>
    %swap3A_4749 = vector.shape_cast %min3A_4742 : vector<32x128xf32> to vector<1x1x32x128xf32>
    tpu.vector_store %arg4[%swap3A_4743, %swap3A_4744, %swap3A_4745, %swap3A_4746], %swap3A_4749 {strides = array<i32>} : memref<5x4x288x128xf32, #tpu.memory_space<vmem>>, vector<1x1x32x128xf32>,
    %mul3A_4750 = arith.constant 5.000000e-01 : f32
    %mul3A_4751 = vector.broadcast %mul3A_4750 : f32 to vector<32x128xf32>
    %mul3A_4752 = arith.mulf %mul3A_4751, %mul3A_4701 : vector<32x128xf32>
    %add3A_4753 = arith.addf %add3A_4685, %mul3A_4752 : vector<32x128xf32>
    %jit3A_4754 = arith.constant 0.000000e+00 : f32
    %max3A_4755 = vector.broadcast %jit3A_4754 : f32 to vector<32x128xf32>
    %max3A_4756 = arith.maximumf %max3A_4755, %add3A_4753 : vector<32x128xf32>
    %min3A_4757 = vector.broadcast %sub3A_3680 : f32 to vector<32x128xf32>
    %min3A_4758 = arith.minimumf %min3A_4757, %max3A_4756 : vector<32x128xf32>
    %swap3A_4759 = arith.constant 3 : index
    %swap3A_4760 = arith.constant 3 : index
    %swap3A_4761 = arith.constant 256 : index
    %swap3A_4762 = arith.constant 0 : index
    %swap3A_4763 = vector.load %arg4[%swap3A_4759, %swap3A_4760, %swap3A_4761, %swap3A_4762] : memref<5x4x288x128xf32, #tpu.memory_space<vmem>>, vector<1x1x32x128xf32>
    %swap3A_4764 = vector.shape_cast %swap3A_4763 : vector<1x1x32x128xf32> to vector<32x128xf32>
    %swap3A_4765 = vector.shape_cast %min3A_4758 : vector<32x128xf32> to vector<1x1x32x128xf32>
    tpu.vector_store %arg4[%swap3A_4759, %swap3A_4760, %swap3A_4761, %swap3A_4762], %swap3A_4765 {strides = array<i32>} : memref<5x4x288x128xf32, #tpu.memory_space<vmem>>, vector<1x1x32x128xf32>,
    %get3A_4766 = arith.constant 3 : index
    %get3A_4767 = arith.constant 17 : index
    %get3A_4768 = arith.constant 0 : index
    %get3A_4769 = arith.constant 0 : index
    %get3A_4770 = vector.load %arg0[%get3A_4766, %get3A_4767, %get3A_4768, %get3A_4769] : memref<4x18x32x128xf32, #tpu.memory_space<vmem>>, vector<1x1x32x128xf32>
    %get3A_4771 = vector.shape_cast %get3A_4770 : vector<1x1x32x128xf32> to vector<32x128xf32>
    %swap3A_4772 = arith.constant 4 : index
    %swap3A_4773 = arith.constant 3 : index
    %swap3A_4774 = arith.constant 256 : index
    %swap3A_4775 = arith.constant 0 : index
    %swap3A_4776 = vector.load %arg4[%swap3A_4772, %swap3A_4773, %swap3A_4774, %swap3A_4775] : memref<5x4x288x128xf32, #tpu.memory_space<vmem>>, vector<1x1x32x128xf32>
    %swap3A_4777 = vector.shape_cast %swap3A_4776 : vector<1x1x32x128xf32> to vector<32x128xf32>
    %swap3A_4778 = vector.shape_cast %get3A_4771 : vector<32x128xf32> to vector<1x1x32x128xf32>
    tpu.vector_store %arg4[%swap3A_4772, %swap3A_4773, %swap3A_4774, %swap3A_4775], %swap3A_4778 {strides = array<i32>} : memref<5x4x288x128xf32, #tpu.memory_space<vmem>>, vector<1x1x32x128xf32>,
    %bitcast_convert_type3A_4779 = tpu.bitcast %get3A_4771 : vector<32x128xf32> -> vector<32x128xi32>
    %shift_right_arithmetic3A_4780 = arith.constant 31 : i32
    %shift_right_arithmetic3A_4781 = vector.broadcast %shift_right_arithmetic3A_4780 : i32 to vector<32x128xi32>
    %shift_right_arithmetic3A_4782 = arith.shrsi %bitcast_convert_type3A_4779, %shift_right_arithmetic3A_4781 : vector<32x128xi32>
    %and3A_4783 = arith.constant 2147483647 : i32
    %and3A_4784 = vector.broadcast %and3A_4783 : i32 to vector<32x128xi32>
    %and3A_4785 = arith.andi %shift_right_arithmetic3A_4782, %and3A_4784 : vector<32x128xi32>
    %xor3A_4786 = arith.xori %bitcast_convert_type3A_4779, %and3A_4785 : vector<32x128xi32>
    %swap3A_4787 = arith.constant 3 : index
    %swap3A_4788 = arith.constant 256 : index
    %swap3A_4789 = arith.constant 0 : index
    %swap3A_4790 = vector.load %arg5[%swap3A_4787, %swap3A_4788, %swap3A_4789] : memref<4x288x128xi32, #tpu.memory_space<vmem>>, vector<1x32x128xi32>
    %swap3A_4791 = vector.shape_cast %swap3A_4790 : vector<1x32x128xi32> to vector<32x128xi32>
    %swap3A_4792 = vector.shape_cast %xor3A_4786 : vector<32x128xi32> to vector<1x32x128xi32>
    tpu.vector_store %arg5[%swap3A_4787, %swap3A_4788, %swap3A_4789], %swap3A_4792 {strides = array<i32>} : memref<4x288x128xi32, #tpu.memory_space<vmem>>, vector<1x32x128xi32>,
    %get3A_4793 = arith.constant 0 : index
    %get3A_4794 = arith.constant 0 : index
    %get3A_4795 = arith.constant 0 : index
    %get3A_4796 = vector.load %arg5[%get3A_4793, %get3A_4794, %get3A_4795] : memref<4x288x128xi32, #tpu.memory_space<vmem>>, vector<4x288x128xi32>
    %ge3A = arith.constant 0 : i32
    %ge3A_4797 = vector.broadcast %ge3A : i32 to vector<4x288x128xi32>
    %ge3A_4798 = arith.cmpi sge, %get3A_4796, %ge3A_4797 : vector<4x288x128xi32>
    %convert_element_type3A = arith.extui %ge3A_4798 : vector<4x288x128xi1> to vector<4x288x128xi32>
    %reduce_sum3A = arith.constant dense<0> : vector<4xi32>
    %reduce_sum3A_4799 = vector.multi_reduction <add>, %convert_element_type3A, %reduce_sum3A [1, 2] : vector<4x288x128xi32> to vector<4xi32>
    %broadcast_in_dim3A = vector.shape_cast %reduce_sum3A_4799 : vector<4xi32> to vector<4x1x1xi32>
    %ge3A_4800 = arith.constant 6000 : i32
    %ge3A_4801 = vector.broadcast %ge3A_4800 : i32 to vector<4x1x1xi32>
    %ge3A_4802 = arith.cmpi sge, %broadcast_in_dim3A, %ge3A_4801 : vector<4x1x1xi32>
    %jit3A_4803 = arith.constant 0 : i32
    %jit3A_4804 = arith.constant -2147483648 : i32
    %broadcast_in_dim3A_4805 = vector.broadcast %jit3A_4803 : i32 to vector<4x1x1xi32>
    %broadcast_in_dim3A_4806 = vector.broadcast %jit3A_4804 : i32 to vector<4x1x1xi32>
    %select_n3A = arith.select %ge3A_4802, %broadcast_in_dim3A_4805, %broadcast_in_dim3A_4806 : vector<4x1x1xi1>, vector<4x1x1xi32>
    %scan3A = arith.constant 0 : i32
    %scan3A_4807 = arith.constant 31 : i32
    %scan3A_4808 = arith.addi %scan3A, %scan3A_4807 : i32
    %scan3A_4809 = arith.constant 1 : i32
    %scan3A_4810 = scf.for %scan3A_4836 = %scan3A to %scan3A_4808 step %scan3A_4809 iter_args(%scan3A_4837 = %select_n3A) -> (vector<4x1x1xi32>)  : i32 {
      %sub3A_4838 = arith.constant 30 : i32
      %sub3A_4839 = arith.subi %sub3A_4838, %scan3A_4836 : i32
      %shift_left3A = arith.constant 1 : i32
      %shift_left3A_4840 = arith.shli %shift_left3A, %sub3A_4839 : i32
      %or3A = vector.broadcast %shift_left3A_4840 : i32 to vector<4x1x1xi32>
      %or3A_4841 = arith.ori %scan3A_4837, %or3A : vector<4x1x1xi32>
      %ge3A_4842 = vector.broadcast %or3A_4841 : vector<4x1x1xi32> to vector<4x288x128xi32>
      %ge3A_4843 = arith.cmpi sge, %get3A_4796, %ge3A_4842 : vector<4x288x128xi32>
      %convert_element_type3A_4844 = arith.extui %ge3A_4843 : vector<4x288x128xi1> to vector<4x288x128xi32>
      %reduce_sum3A_4845 = arith.constant dense<0> : vector<4xi32>
      %reduce_sum3A_4846 = vector.multi_reduction <add>, %convert_element_type3A_4844, %reduce_sum3A_4845 [1, 2] : vector<4x288x128xi32> to vector<4xi32>
      %broadcast_in_dim3A_4847 = vector.shape_cast %reduce_sum3A_4846 : vector<4xi32> to vector<4x1x1xi32>
      %ge3A_4848 = arith.constant 6000 : i32
      %ge3A_4849 = vector.broadcast %ge3A_4848 : i32 to vector<4x1x1xi32>
      %ge3A_4850 = arith.cmpi sge, %broadcast_in_dim3A_4847, %ge3A_4849 : vector<4x1x1xi32>
      %select_n3A_4851 = arith.select %ge3A_4850, %or3A_4841, %scan3A_4837 : vector<4x1x1xi1>, vector<4x1x1xi32>
      scf.yield %select_n3A_4851 : vector<4x1x1xi32>
    }
    %scan3A_4811 = arith.constant 31 : i32
    %gt3A = vector.broadcast %scan3A_4810 : vector<4x1x1xi32> to vector<4x288x128xi32>
    %gt3A_4812 = arith.cmpi sgt, %get3A_4796, %gt3A : vector<4x288x128xi32>
    %convert_element_type3A_4813 = arith.extui %gt3A_4812 : vector<4x288x128xi1> to vector<4x288x128xi32>
    %reduce_sum3A_4814 = arith.constant dense<0> : vector<4xi32>
    %reduce_sum3A_4815 = vector.multi_reduction <add>, %convert_element_type3A_4813, %reduce_sum3A_4814 [1, 2] : vector<4x288x128xi32> to vector<4xi32>
    %broadcast_in_dim3A_4816 = vector.shape_cast %reduce_sum3A_4815 : vector<4xi32> to vector<4x1x1xi32>
    %eq3A = vector.broadcast %scan3A_4810 : vector<4x1x1xi32> to vector<4x288x128xi32>
    %eq3A_4817 = arith.cmpi eq, %get3A_4796, %eq3A : vector<4x288x128xi32>
    %sub3A_4818 = arith.constant 6000 : i32
    %sub3A_4819 = vector.broadcast %sub3A_4818 : i32 to vector<4x1x1xi32>
    %sub3A_4820 = arith.subi %sub3A_4819, %broadcast_in_dim3A_4816 : vector<4x1x1xi32>
    %broadcast_in_dim3A_4821 = arith.constant 0 : i32
    %broadcast_in_dim3A_4822 = vector.broadcast %broadcast_in_dim3A_4821 : i32 to vector<4x1x1xi32>
    %scan3A_4823 = arith.constant 0 : i32
    %scan3A_4824 = arith.constant 17 : i32
    %scan3A_4825 = arith.addi %scan3A_4823, %scan3A_4824 : i32
    %scan3A_4826 = arith.constant 1 : i32
    %scan3A_4827 = scf.for %scan3A_4836 = %scan3A_4823 to %scan3A_4825 step %scan3A_4826 iter_args(%scan3A_4837 = %broadcast_in_dim3A_4822) -> (vector<4x1x1xi32>)  : i32 {
      %sub3A_4838 = arith.constant 16 : i32
      %sub3A_4839 = arith.subi %sub3A_4838, %scan3A_4836 : i32
      %shift_left3A = arith.constant 1 : i32
      %shift_left3A_4840 = arith.shli %shift_left3A, %sub3A_4839 : i32
      %or3A = vector.broadcast %shift_left3A_4840 : i32 to vector<4x1x1xi32>
      %or3A_4841 = arith.ori %scan3A_4837, %or3A : vector<4x1x1xi32>
      %lt3A = vector.broadcast %add3A_10 : vector<1x288x128xi32> to vector<4x288x128xi32>
      %lt3A_4842 = vector.broadcast %or3A_4841 : vector<4x1x1xi32> to vector<4x288x128xi32>
      %lt3A_4843 = arith.cmpi slt, %lt3A, %lt3A_4842 : vector<4x288x128xi32>
      %and3A_4844 = arith.andi %eq3A_4817, %lt3A_4843 : vector<4x288x128xi1>
      %convert_element_type3A_4845 = arith.extui %and3A_4844 : vector<4x288x128xi1> to vector<4x288x128xi32>
      %reduce_sum3A_4846 = arith.constant dense<0> : vector<4xi32>
      %reduce_sum3A_4847 = vector.multi_reduction <add>, %convert_element_type3A_4845, %reduce_sum3A_4846 [1, 2] : vector<4x288x128xi32> to vector<4xi32>
      %broadcast_in_dim3A_4848 = vector.shape_cast %reduce_sum3A_4847 : vector<4xi32> to vector<4x1x1xi32>
      %le3A = arith.cmpi sle, %broadcast_in_dim3A_4848, %sub3A_4820 : vector<4x1x1xi32>
      %select_n3A_4849 = arith.select %le3A, %or3A_4841, %scan3A_4837 : vector<4x1x1xi1>, vector<4x1x1xi32>
      scf.yield %select_n3A_4849 : vector<4x1x1xi32>
    }
    %scan3A_4828 = arith.constant 17 : i32
    %broadcast_in_dim3A_4829 = vector.shape_cast %scan3A_4810 : vector<4x1x1xi32> to vector<4x1x1xi32>
    %broadcast_in_dim3A_4830 = vector.broadcast %broadcast_in_dim3A_4829 : vector<4x1x1xi32> to vector<4x1x128xi32>
    %broadcast_in_dim3A_4831 = vector.shape_cast %scan3A_4827 : vector<4x1x1xi32> to vector<4x1x1xi32>
    %broadcast_in_dim3A_4832 = vector.broadcast %broadcast_in_dim3A_4831 : vector<4x1x1xi32> to vector<4x1x128xi32>
    %concatenate3A = tpu.concatenate %broadcast_in_dim3A_4830, %broadcast_in_dim3A_4832 in 1 : vector<4x1x128xi32>, vector<4x1x128xi32> -> vector<4x2x128xi32>
    %reshape3A = vector.shape_cast %concatenate3A : vector<4x2x128xi32> to vector<8x128xi32>
    %swap3A_4833 = arith.constant 0 : index
    %swap3A_4834 = arith.constant 0 : index
    %swap3A_4835 = vector.load %arg6[%swap3A_4833, %swap3A_4834] : memref<8x128xi32, #tpu.memory_space<vmem>>, vector<8x128xi32>
    tpu.vector_store %arg6[%swap3A_4833, %swap3A_4834], %reshape3A {strides = array<i32>} : memref<8x128xi32, #tpu.memory_space<vmem>>, vector<8x128xi32>,
    return
  }
}

</mosaic_0001>

<sc_bundles>
// kernel: kernel.6.cloned.1.call-start
scs
__scs_entry_jumppad:
0x0: {  	(pc) =	sbr.rel $0x88, $3  }
0x1: {  	(tag) =	ssettag $0x0;
	lr =	simm.s32 $0x1  }
0x2: {  	[smem:$0x3F9E] =	sst lr;
	_ =	strace $0xD0000000  }
0x3: {  	_ = 	snop  }
0x4: {  	_ = 	snop  }
0x5: {  	_ = 	snop  }
0x6: {  	_ = 	snop  }
0x7: {  	_ = 	snop  }
__scs_overlays_trampoline_lowered:
0x8: {  	[smem:$0x3FAD] =	sst s0  }
0x9: {  	[smem:$0x3FAE] =	sst s1  }
0xa: {  	[smem:$0x3FAF] =	sst s2  }
0xb: {  	[smem:$0x3FB0] =	sst s3  }
0xc: {  	[smem:$0x3FB1] =	sst s4  }
0xd: {  	[smem:$0x3FB2] =	sst s5  }
0xe: {  	[smem:$0x3FB3] =	sst s6  }
0xf: {  	[smem:$0x3FB4] =	sst s7  }
0x10: {  	[smem:$0x3FB5] =	sst s8  }
0x11: {  	[smem:$0x3FB6] =	sst s9;
	s0 =	simm.s32 @!p0 $0x0  }
0x12: {  	s1 =	sld [smem:$0x3F9C];
	s0 =	simm.s32 @p0 $0x1  }
0x13: {  	[smem:$0x3FB7] =	sst s0;
	s0 =	simm.s32 @!p1 $0x0  }
0x14: {  	s2 =	sld [smem:$0x3F9B];
	s0 =	simm.s32 @p1 $0x1  }
0x15: {  	[smem:$0x3FB8] =	sst s0;
	s0 =	simm.s32 @!p2 $0x0  }
0x16: {  	s3 =	sld [smem:$0x3FDB];
	s0 =	simm.s32 @p2 $0x1  }
0x17: {  	s4 =	simm.s32 $0x1BF5;
	[smem:$0x3FBA] =	sst s0  }
0x18: {  	s0 =	sld [smem:$0x3F9D];
	_ =	swait.ge [sflag:s4], $0x0  }
0x19: {  	s7 =	sld [smem:$0x3F9E]  }
0x1a: {  	s8 =	sadd.s32 $0xFFFFE003, lr  }
0x1b: {  	s9 =	sadd.s32 $0xFFFFFEF7, lr;
	s5 =	simm.s32 $0xFFFFFFFF;
	p2 =	slt.u32 s8, $0xFFFFF086  }
0x1c: {  	p1 =	slt.u32 s9, $0xF7A;
	s5 =	simm.s32 @!p2 $0x0  }
0x1d: {  	s5 =	simm.s32 @p1 $0x1;
	p0 =	seq.s32 s7, s2  }
0x1e: {  	s7 =	smul.u32 @!p0 $0xF7A, s2;
	p2 =	seq.s32 @!p0 s5, $0x0  }
0x1f: {  	s9 =	smul.u32 $0xF7A, s1;
	s8 =	simm.s32 @!p0 $0x1BF5;
	p2 =	por !p2, p0  }
0x20: {  	[sflag:s8] =	ssyncset.s32 @!p0 $0xFFFFF086;
	s6 =	sadd.s32 @!p0 s3, s7;
	s7 =	simm.s32 @!p0 $0x108  }
0x21: {  	s3 =	sadd.s32 s3, s9;
	s6 =	sadd.s32 @!p0 $0x88, s6;
	s7 =	simm.s32 @p2 $0x1082  }
0x22: {  	[simem:s7], [sflag:s8] =	dma.local @!p0 [hbm:s6], $0xF7A  }
0x23: {  	s9 =	sor.u32 $0xD0000000, s2;
	s6 =	simm.s32 $0x108;
	_ =	swait.ge @!p0 [sflag:s8], $0x0  }
0x24: {  	s3 =	sadd.s32 $0x88, s3;
	s6 =	simm.s32 @!p1 $0x1082;
	[sflag:s4] =	ssyncset.s32 $0xFFFFF086  }
0x25: {  	[simem:s6], [sflag:s4] =	dma.local [hbm:s3], $0xF7A  }
0x26: {  	[smem:$0x3F9E] =	sst s1;
	(tag) =	ssettag s2;
	_ =	strace s9  }
0x27: {  	s1 =	sld [smem:$0x3FAE]  }
0x28: {  	s2 =	sld [smem:$0x3FAF]  }
0x29: {  	s4 =	sld [smem:$0x3FB1]  }
0x2a: {  	p0 =	seq.s32 s5, $0x0;
	s5 =	sld [smem:$0x3FB2]  }
0x2b: {  	s6 =	sld [smem:$0x3FB3]  }
0x2c: {  	s7 =	sld [smem:$0x3FB4]  }
0x2d: {  	s3 =	simm.s32 $0x108;
	s8 =	sld [smem:$0x3FB5]  }
0x2e: {  	s3 =	simm.s32 @!p0 $0x1082;
	s9 =	sld [smem:$0x3FB6]  }
0x2f: {  	lr =	sadd.s32 s0, s3;
	s0 =	sld [smem:$0x3FAD]  }
0x30: {  	s3 =	sld [smem:$0x3FB0]  }
0x31: {  	[smem:$0x3FB9] =	sst s10  }
0x32: {  	s10 =	sld [smem:$0x3FB7];
	_ =	sdelay $0x3  }
0x33: {  	p0 =	seq.s32 s10, $0x1;
	s10 =	sld [smem:$0x3FB9];
	_ =	sdelay $0x3  }
0x34: {  	[smem:$0x3FB9] =	sst s10  }
0x35: {  	s10 =	sld [smem:$0x3FB8];
	_ =	sdelay $0x3  }
0x36: {  	p1 =	seq.s32 s10, $0x1;
	s10 =	sld [smem:$0x3FB9];
	_ =	sdelay $0x3  }
0x37: {  	[smem:$0x3FB9] =	sst s10  }
0x38: {  	s10 =	sld [smem:$0x3FBA]  }
0x39: {  	_ = 	snop;
	(pc) =	sbr.ind lr, $3  }
0x3a: {  	_ = 	snop  }
0x3b: {  	_ = 	snop  }
0x3c: {  	p2 =	seq.s32 s10, $0x1;
	s10 =	sld [smem:$0x3FB9]  }
0x3d: {  	_ =	shalt  }
0x3e: {  	_ =	shalt  }
0x3f: {  	_ =	shalt  }
0x40: {  	_ =	shalt  }
0x41: {  	_ =	shalt  }
0x42: {  	_ =	shalt  }
0x43: {  	_ =	shalt  }
0x44: {  	_ =	shalt  }
0x45: {  	_ =	shalt  }
0x46: {  	_ =	shalt  }
0x47: {  	_ =	shalt  }
0x48: {  	_ =	shalt  }
0x49: {  	_ =	shalt  }
0x4a: {  	_ =	shalt  }
0x4b: {  	_ =	shalt  }
0x4c: {  	_ =	shalt  }
0x4d: {  	_ =	shalt  }
0x4e: {  	_ =	shalt  }
0x4f: {  	_ =	shalt  }
0x50: {  	_ =	shalt  }
0x51: {  	_ =	shalt  }
0x52: {  	_ =	shalt  }
0x53: {  	_ =	shalt  }
0x54: {  	_ =	shalt  }
0x55: {  	_ =	shalt  }
0x56: {  	_ =	shalt  }
0x57: {  	_ =	shalt  }
0x58: {  	_ =	shalt  }
0x59: {  	_ =	shalt  }
0x5a: {  	_ =	shalt  }
0x5b: {  	_ =	shalt  }
0x5c: {  	_ =	shalt  }
0x5d: {  	_ =	shalt  }
0x5e: {  	_ =	shalt  }
0x5f: {  	_ =	shalt  }
0x60: {  	_ =	shalt  }
0x61: {  	_ =	shalt  }
0x62: {  	_ =	shalt  }
0x63: {  	_ =	shalt  }
0x64: {  	_ =	shalt  }
0x65: {  	_ =	shalt  }
0x66: {  	_ =	shalt  }
0x67: {  	_ =	shalt  }
0x68: {  	_ =	shalt  }
0x69: {  	_ =	shalt  }
0x6a: {  	_ =	shalt  }
0x6b: {  	_ =	shalt  }
0x6c: {  	_ =	shalt  }
0x6d: {  	_ =	shalt  }
0x6e: {  	_ =	shalt  }
0x6f: {  	_ =	shalt  }
0x70: {  	_ =	shalt  }
0x71: {  	_ =	shalt  }
0x72: {  	_ =	shalt  }
0x73: {  	_ =	shalt  }
0x74: {  	_ =	shalt  }
0x75: {  	_ =	shalt  }
0x76: {  	_ =	shalt  }
0x77: {  	_ =	shalt  }
0x78: {  	_ =	shalt  }
0x79: {  	_ =	shalt  }
0x7a: {  	_ =	shalt  }
0x7b: {  	_ =	shalt  }
0x7c: {  	_ =	shalt  }
0x7d: {  	_ =	shalt  }
0x7e: {  	_ =	shalt  }
0x7f: {  	_ =	shalt  }
0x80: {  	_ =	shalt  }
0x81: {  	_ =	shalt  }
0x82: {  	_ =	shalt  }
0x83: {  	_ =	shalt  }
0x84: {  	_ =	shalt  }
0x85: {  	_ =	shalt  }
0x86: {  	_ =	shalt  }
0x87: {  	_ =	shalt  }
.Lfunc_end0:
.L_simem_size_0:
called_computation_lowered:
.L_overlay_start_0:
0x88: {  	s2 =	sld [smem:$0x3FD9]  }
0x89: {  	s3 =	sld [smem:$0x3FFE];
	_ =	sdelay $0x1  }
0x8a: {  	s1 =	srdreg.scid  }
0x8b: {  	s0 =	sand.u32 $0x1, s1  }
0x8c: {  	s17 =	sshll.u32 s0, $0xA;
	s2 =	sadd.s32 s3, s2  }
0x8d: {  	s2 =	sadd.s32 s2, s17  }
0x8e: {  	[smem:$0x3FC5] =	sst s2  }
0x8f: {  	_ = 	snop  }
0x90: {  	s2 =	sld [smem:$0x3FD0];
	(tm) =	ssettm $0x1  }
0x91: {  	s18 =	sld [smem:$0x3FFB];
	_ =	sdelay $0x3  }
0x92: {  	_ =	strace s18  }
0x93: {  	s3 =	sld [smem:$0x3FFC];
	_ =	sdelay $0x3  }
0x94: {  	_ =	strace s3  }
0x95: {  	s3 =	sld [smem:$0x3FFD];
	_ =	sdelay $0x3  }
0x96: {  	_ =	strace s3  }
0x97: {  	_ =	strace $0x8FFFFFFF  }
0x98: {  	s19 =	sld [smem:$0x3FDB];
	_ =	sdelay $0x1  }
0x99: {  	s4 =	simm.s32 $_scs_section_size  }
0x9a: {  	s5 =	simm.s32 $_size__tile_overlayer_lowered;
	s6 =	simm.s32 $_tile_overlayer_lowered  }
0x9b: {  	s22 =	simm.s32 $0x1BFF;
	s21 =	sshll.u32 s6, $0x1;
	s3 =	sadd.s32 s4, s19  }
0x9c: {  	s7 =	simm.s32 $0x0;
	s20 =	sshll.u32 s5, $0x1;
	s5 =	sadd.s32 s21, s3  }
0x9d: {  	[timem:s7], [sflag:s22] =	dma.local [hbm:s5], s20  }
0x9e: {  	_ =	swait.ge [sflag:s22], s20  }
0x9f: {  	s4 =	ssub.s32 $0x0, s20;
	[sflag:s22] =	ssyncset.done $0x0  }
0xa0: {  	[sflag:s22] =	ssyncadd.s32 s4;
	_ =	sdelay $0x1  }
0xa1: {  	s23 =	simm.s32 $0x1B8B  }
0xa2: {  	_ =	swait.ge [sflag:s23], $0x1  }
0xa3: {  	[sflag:s23] =	ssyncset.done $0x0  }
0xa4: {  	s25 =	simm.s32 $0x1B8E;
	s24 =	sld [smem:$0x3FFE];
	[sflag:s23] =	ssyncadd.s32 $0xFFFFFFFF  }
0xa5: {  	s26 =	simm.s32 $execute0_lowered;
	[smem:$0x3FD2] =	sst s25  }
0xa6: {  	s5 =	sshll.u32 s26, $0x1;
	_ =	strace $0x80000046;
	[dreg:$0x1] =	wrdreg $0xFFFFFFFF  }
0xa7: {  	s28 =	simm.s32 $_size_execute0_lowered;
	s3 =	sadd.s32 s3, s5;
	[dreg:$0x0] =	wrdreg $0x0  }
0xa8: {  	s5 =	sshll.u32 s28, $0x1;
	[dreg:$0x2] =	wrdreg s3  }
0xa9: {  	[dreg:$0x3] =	wrdreg s5  }
0xaa: {  	[dreg:$0x4] =	wrdreg $0xC0  }
0xab: {  	_ =	task [dreg:s7], $0x5FFFF  }
0xac: {  	[dreg:$0x1] =	wrdreg $0xFFFFFFFF  }
0xad: {  	[dreg:$0x0] =	wrdreg $0x60  }
0xae: {  	[dreg:$0x2] =	wrdreg s24  }
0xaf: {  	[dreg:$0x3] =	wrdreg s2  }
0xb0: {  	[dreg:$0x4] =	wrdreg $0x3E800  }
0xb1: {  	[dreg:$0x5] =	wrdreg $0x50A00  }
0xb2: {  	[dreg:$0x6] =	wrdreg $0x9  }
0xb3: {  	_ =	task.clear_ibuf [dreg:s7], $0x7FFFF;
	_ =	strace $0x90000046  }
0xb4: {  	s29 =	simm.s32 $0x9;
	_ =	strace $0x80000048  }
0xb5: {  	_ =	swait.ge [sflag:s29], $0x1  }
0xb6: {  	[sflag:s29] =	ssyncadd.s32 $0xFFFFFFFF  }
0xb7: {  	_ =	strace $0x90000048  }
0xb8: {  	_ =	sfence  }
0xb9: {  	s30 =	sld [smem:$0x0];
	_ =	sdelay $0x2  }
0xba: {  	s31 =	sshll.u32 s1, $0xD;
	s1 =	sshrl.u32 s1, $0x2  }
0xbb: {  	s3 =	sand.u32 $0x4000, s31;
	s1 =	sadd.s32 s1, s30  }
0xbc: {  	s0 =	sor.u32 s3, s0;
	s1 =	sshll.u32 s1, $0x11  }
0xbd: {  	s0 =	sor.u32 s1, s0  }
0xbe: {  	s0 =	sadd.s32 $0x8F2B, s0  }
0xbf: {  	[sflag:s0] =	ssyncadd.remote.s32 $0x1  }
0xc0: {  	_ =	sfence.sel $0xFFFF  }
0xc1: {  	[dreg:$0x0] =	wrdreg $0xFFFFFFFF;
	(pc) =	sbr.abs _section_cstart, $3  }
0xc2: {  	[dreg:$0x1] =	wrdreg $0xFFFFFFFF  }
0xc3: {  	_ =	task.clear_ibuf [dreg:s7], $0x2FFFF;
	_ =	strace $0x9FFFFFFF  }
0xc4: {  	(tm) =	ssettm $0x7FFFFFFF  }
0xc5: {  	_ =	shalt  }
tec
execute0_lowered:
.L_overlay_start_1:
0x0: {  	(tag) =	ssettag $0x1  }
0x1: {  	s1 =	rddreg [dreg:$0x0];
	s2 =	srdreg.scid  }
0x2: {  	s0 =	stileid.u32;
	s12 =	rddreg [dreg:$0x1]  }
0x3: {  	s16 =	rddreg [dreg:$0x3];
	s20 =	simm.s32 $0x900;
	s21 =	simm.s32 $0x910  }
0x4: {  	s22 =	simm.s32 $0x980;
	s23 =	simm.s32 $0x1300;
	s28 =	simm.s32 $0x0  }
0x5: {  	s7 =	sand.u32 $0x1, s2;
	s3 =	sshll.u32 s0, $0x1;
	s4 =	smul.u32 $0x900, s0  }
0x6: {  	s2 =	rddreg [dreg:$0x2];
	s11 =	sadd.s32 $0x18000, s1;
	s26 =	smul.u32 $0x2440, s0  }
0x7: {  	s14 =	sadd.s32 $0x10, s12;
	s17 =	sor.u32 $0x10, s0;
	s31 =	sshll.u32 s0, $0x8  }
0x8: {  	p0 =	sgt.u32 s0, $0x1;
	s3 =	sor.u32 s7, s3;
	s8 =	smul.u32 $0x9000, s7  }
0x9: {  	s6 =	ssub.s32 $0x2, s7;
	s25 =	sshll.u32 s7, $0x5;
	s19 =	smul.u32 $0x2440, s17  }
0xa: {  	s13 =	sor.u32 $0x2, s7;
	s30 =	sshll.u32 s17, $0x4;
	s5 =	smul.u32 $0x410, s3  }
0xb: {  	s3 =	simm.s32 $0x0;
	s9 =	sshrl.u32 s6, $0x1;
	s15 =	smul.u32 $0x9000, s13  }
0xc: {  	s7 =	sadd.s32 s25, s14;
	s13 =	sshll.u32 s13, $0x5;
	[smem:$0x7FF] =	sst s3  }
0xd: {  	s18 =	ssub.s32 s6, s9;
	s24 =	sadd.s32 s4, s8;
	s6 =	sadd.s32 s12, s25  }
0xe: {  	s9 =	sshrl.u32 s26, $0x2;
	s12 =	sadd.s32 s12, s13;
	s13 =	sadd.s32 s13, s14  }
0xf: {  	s29 =	sshrl.u32 s19, $0x2;
	s19 =	simm.s32 $0x1;
	s25 =	simm.s32 $0x1480  }
0x10: {  	s26 =	simm.s32 $0x1E00;
	_ =	strace $0x80000047;
	s1 =	sadd.s32 s5, s1  }
.Ltmp0:
0x11: {  	s5 =	sshrl.u32 s24, $0x3;
	s8 =	sadd.s32 s9, s2;
	(pc) =	sbr.rel .LBB2_1-.Ltmp0, $4  }
0x12: {  	s9 =	sshll.u32 s0, $0x4;
	s15 =	sadd.s32 s4, s15;
	s14 =	sadd.s32 s29, s2  }
0x13: {  	s18 =	smax.u32 s18, $0x1;
	s24 =	simm.s32 $0x1380;
	s5 =	sadd.s32 s11, s5  }
0x14: {  	v0 =	vlaneseq.u32;
	s10 =	sadd.s32 s9, s16;
	s15 =	sshrl.u32 s15, $0x3;
	s17 =	sadd.s32 $0x1C800, s1  }
0x15: {  	v1 =	vor.u32 $0x40000000, v0;
	s11 =	sadd.s32 s11, s15;
	s15 =	sadd.s32 s30, s16;
	s16 =	sadd.s32 s31, s16  }
.LBB2_11:
0x16: {  	s28 =	sadd.s32 $0x1, s28  }
0x17: {  	p1 =	sne.s32 s28, s18  }
.Ltmp1:
0x18: {  	_ = 	snop;
	(pc) =	sbr.rel @!p1 .LBB2_12-.Ltmp1, $1  }
0x19: {  	_ =	sdelay $0x3  }
.LBB2_1:
0x1a: {  	[tilespmem:s3], [sflag:$0x1] =	stream.linear.gather [hbm4b:s5+s3], $0x900, $0x38;
	[tilespmem:$0x50C0] =	vst v63  }
0x1b: {  	_ =	swait.ge [sflag:s19], $0x900  }
0x1c: {  	[sflag:s19] =	ssyncset.done $0x0  }
0x1d: {  	[sflag:s19] =	ssyncadd.s32 $0xFFFFF700  }
0x1e: {  	[tilespmem:s20], [sflag:$0x1] =	stream.linear.gather [hbm4b:s6+s3], $0x10, $0x38;
	[tilespmem:$0x50C0] =	vst v63  }
0x1f: {  	_ =	swait.ge [sflag:s19], $0x10  }
0x20: {  	[sflag:s19] =	ssyncset.done $0x0  }
0x21: {  	[sflag:s19] =	ssyncadd.s32 $0xFFFFFFF0  }
0x22: {  	[tilespmem:s21], [sflag:$0x1] =	stream.linear.gather [hbm4b:s7+s3], $0x10, $0x38;
	[tilespmem:$0x50C0] =	vst v63  }
0x23: {  	_ =	swait.ge [sflag:s19], $0x10  }
0x24: {  	[sflag:s19] =	ssyncset.done $0x0  }
0x25: {  	[sflag:s19] =	ssyncadd.s32 $0xFFFFFFF0  }
0x26: {  	v5 =	vld [tilespmem:$0x900]  }
0x27: {  	s1 =	simm.s32 $0x0;
	v6 =	vld [tilespmem:$0x910]  }
0x28: {  	v2 =	vor.u32 s4, v0;
	v4 =	vld [tilespmem:s1+$0x0]  }
0x29: {  	v3 =	vand.u32 $0xFFF, v2  }
0x2a: {  	v7 =	vmov s4;
	v3 =	vmul.u32 $0x9, v3  }
0x2b: {  	v7 =	vshrl.u32 v7, $0xC  }
0x2c: {  	v3 =	vadd.s32 v7, v3  }
0x2d: {  	vm0 =	veq.s32 v4, v5;
	vm1 =	vlt.s32 v3, v6  }
0x2e: {  	vm2 =	vgt.s32 v4, v5;
	vm0 =	vmand vm1, vm0  }
0x2f: {  	v4 =	vor.u32 s4, v1;
	vm0 =	vmor vm2, vm0  }
0x30: {  	v7 =	vsel vm0, v2, v4;
	v8 =	vmpcnt.ones.xlane vm0  }
0x31: {  	v7 =	vor.u32 $0x80000000, v7  }
0x32: {  	v8 =	vxor.u32 $0x80000000, v8;
	(xrf1) =	vsort.ascd.msk.u32 $0xffff, v7, v2  }
0x33: {  	(xrf0) =	vmax.scan.msk.u32 $0xffff, v8;
	_ =	sdelay $0x5  }
0x34: {  	v7, _, _ =	vpop (xrf0)  }
0x35: {  	(v2sf) =	vpush v7, $0xF;
	_ =	sdelay $0x5  }
0x36: {  	_, v7, _ =	vpop (xrf1)  }
0x37: {  	s31 =	simm.s32 $0x10;
	s29 =	sadd.s32 $0x10, s4;
	[tilespmem:s3+$0x980] =	vst v7  }
0x38: {  	v7 =	vor.u32 s29, v0;
	v8 =	vld [tilespmem:s31+$0x0]  }
0x39: {  	v9 =	vand.u32 $0xFFF, v7  }
0x3a: {  	v10 =	vmov s29;
	v9 =	vmul.u32 $0x9, v9  }
0x3b: {  	v10 =	vshrl.u32 v10, $0xC  }
0x3c: {  	v9 =	vadd.s32 v10, v9  }
0x3d: {  	vm14 =	vlt.s32 v9, v6;
	vm13 =	veq.s32 v8, v5  }
0x3e: {  	vm15 =	vgt.s32 v8, v5;
	vm0 =	vmand vm14, vm13  }
0x3f: {  	v8 =	vor.u32 s29, v1;
	vm0 =	vmor vm15, vm0;
	s31 =	spop (v2sf)  }
0x40: {  	s30 =	simm.s32 $0x80;
	v9 =	vsel vm0, v7, v8;
	v8 =	vmpcnt.ones.xlane vm0;
	s1 =	sadd.s32 $0x0, s31  }
.LBB2_2:
0x41: {  	p1 =	sne.s32 s30, $0x23C0  }
0x42: {  	v9 =	vor.u32 $0x80000000, v9;
	s1 =	sadd.s32 $0x80000000, s1;
	s31 =	smov.u32 s30;
	s30 =	sadd.s32 $0x40, s30  }
0x43: {  	v8 =	vxor.u32 $0x80000000, v8;
	(xrf1) =	vsort.ascd.msk.u32 $0xffff, v9, v7  }
0x44: {  	(xrf0) =	vmax.scan.msk.u32 $0xffff, v8;
	_ =	sdelay $0x5  }
0x45: {  	v7, _, _ =	vpop (xrf0)  }
0x46: {  	(v2sf) =	vpush v7, $0xF;
	_ =	sdelay $0x5  }
0x47: {  	_, v7, _ =	vpop (xrf1)  }
0x48: {  	s29 =	sadd.s32 $0x10, s29;
	s31 =	sshra.s32 s31, $0x2;
	[tilespmem:s1+$0x980] =	vst v7  }
0x49: {  	v7 =	vor.u32 s29, v0;
	v8 =	vld [tilespmem:s31+$0x0]  }
0x4a: {  	v9 =	vand.u32 $0xFFF, v7  }
0x4b: {  	v10 =	vmov s29;
	v9 =	vmul.u32 $0x9, v9  }
0x4c: {  	v10 =	vshrl.u32 v10, $0xC  }
.Ltmp2:
0x4d: {  	v9 =	vadd.s32 v10, v9;
	(pc) =	sbr.rel @p1 .LBB2_2-.Ltmp2, $4  }
0x4e: {  	vm1 =	vlt.s32 v9, v6;
	vm0 =	veq.s32 v8, v5  }
0x4f: {  	vm2 =	vgt.s32 v8, v5;
	vm0 =	vmand vm1, vm0  }
0x50: {  	v8 =	vor.u32 s29, v1;
	vm0 =	vmor vm2, vm0;
	s31 =	spop (v2sf)  }
0x51: {  	v9 =	vsel vm0, v7, v8;
	v8 =	vmpcnt.ones.xlane vm0;
	s1 =	sadd.s32 s31, s1  }
0x52: {  	_ = 	snop  }
0x53: {  	v5 =	vxor.u32 $0x80000000, v8  }
0x54: {  	(xrf0) =	vmax.scan.msk.u32 $0xffff, v5;
	_ =	sdelay $0x3  }
0x55: {  	v5 =	vor.u32 $0x80000000, v9  }
0x56: {  	(xrf1) =	vsort.ascd.msk.u32 $0xffff, v5, v7  }
0x57: {  	v6, _, _ =	vpop (xrf0)  }
0x58: {  	(v2sf) =	vpush v6, $0xF;
	_ =	sdelay $0xb  }
0x59: {  	s1 =	sadd.s32 $0x80000000, s1;
	_, v5, _ =	vpop (xrf1)  }
0x5a: {  	[tilespmem:s1+$0x980] =	vst v5  }
0x5b: {  	[spmem:s8] =	stream.linear.scatter [tilespmem:s22], [sflag:$0x1], $0x910, $0x38;
	[tilespmem:$0x50C0] =	vst v63  }
0x5c: {  	s29 =	spop (v2sf)  }
0x5d: {  	s1 =	sadd.s32 s29, s1;
	_ =	swait.ge [sflag:s19], $0x910  }
0x5e: {  	s1 =	sadd.s32 $0x80000000, s1;
	[sflag:s19] =	ssyncset.done $0x0  }
0x5f: {  	[sflag:s19] =	ssyncadd.s32 $0xFFFFF6F0;
	v5 =	vmov s1  }
0x60: {  	[tilespmem:$0x1300] =	vst v5  }
0x61: {  	[spmem:s10] =	stream.linear.scatter [tilespmem:s23], [sflag:$0x1], $0x10, $0x38;
	[tilespmem:$0x50C0] =	vst v63  }
0x62: {  	_ =	swait.ge [sflag:s19], $0x10  }
0x63: {  	[sflag:s19] =	ssyncset.done $0x0  }
0x64: {  	s31 =	simm.s32 $0x0;
	[sflag:s19] =	ssyncadd.s32 $0xFFFFFFF0  }
0x65: {  	[tilespmem:s31], [sflag:$0x1] =	stream.linear.gather [hbm4b:s11+s31], $0x900, $0x38;
	[tilespmem:$0x50C0] =	vst v63  }
0x66: {  	_ =	swait.ge [sflag:s19], $0x900  }
0x67: {  	[sflag:s19] =	ssyncset.done $0x0  }
0x68: {  	[sflag:s19] =	ssyncadd.s32 $0xFFFFF700  }
0x69: {  	[tilespmem:s20], [sflag:$0x1] =	stream.linear.gather [hbm4b:s12+s31], $0x10, $0x38;
	[tilespmem:$0x50C0] =	vst v63  }
0x6a: {  	_ =	swait.ge [sflag:s19], $0x10  }
0x6b: {  	[sflag:s19] =	ssyncset.done $0x0  }
0x6c: {  	[sflag:s19] =	ssyncadd.s32 $0xFFFFFFF0  }
0x6d: {  	[tilespmem:s21], [sflag:$0x1] =	stream.linear.gather [hbm4b:s13+s31], $0x10, $0x38;
	[tilespmem:$0x50C0] =	vst v63  }
0x6e: {  	_ =	swait.ge [sflag:s19], $0x10  }
0x6f: {  	[sflag:s19] =	ssyncset.done $0x0  }
0x70: {  	[sflag:s19] =	ssyncadd.s32 $0xFFFFFFF0  }
0x71: {  	v5 =	vld [tilespmem:$0x900]  }
0x72: {  	s29 =	simm.s32 $0x0;
	v6 =	vld [tilespmem:$0x910]  }
0x73: {  	v7 =	vld [tilespmem:s29+$0x0];
	_ =	sdelay $0x4  }
0x74: {  	vm0 =	veq.s32 v7, v5;
	vm1 =	vlt.s32 v3, v6  }
0x75: {  	vm2 =	vgt.s32 v7, v5;
	vm0 =	vmand vm1, vm0  }
0x76: {  	vm0 =	vmor vm2, vm0  }
0x77: {  	v3 =	vsel vm0, v2, v4;
	v4 =	vmpcnt.ones.xlane vm0  }
0x78: {  	v3 =	vor.u32 $0x80000000, v3  }
0x79: {  	v4 =	vxor.u32 $0x80000000, v4;
	(xrf1) =	vsort.ascd.msk.u32 $0xffff, v3, v2  }
0x7a: {  	(xrf0) =	vmax.scan.msk.u32 $0xffff, v4;
	_ =	sdelay $0x5  }
0x7b: {  	v2, _, _ =	vpop (xrf0)  }
0x7c: {  	(v2sf) =	vpush v2, $0xF;
	_ =	sdelay $0x5  }
0x7d: {  	_, v2, _ =	vpop (xrf1)  }
0x7e: {  	s30 =	simm.s32 $0x10;
	s29 =	sadd.s32 $0x10, s4;
	[tilespmem:s31+$0x980] =	vst v2  }
0x7f: {  	v2 =	vor.u32 s29, v0;
	v3 =	vld [tilespmem:s30+$0x0]  }
0x80: {  	v4 =	vand.u32 $0xFFF, v2  }
0x81: {  	v7 =	vmov s29;
	v4 =	vmul.u32 $0x9, v4  }
0x82: {  	v7 =	vshrl.u32 v7, $0xC  }
0x83: {  	v4 =	vadd.s32 v7, v4  }
0x84: {  	vm14 =	vlt.s32 v4, v6;
	vm13 =	veq.s32 v3, v5  }
0x85: {  	vm15 =	vgt.s32 v3, v5;
	vm0 =	vmand vm14, vm13  }
0x86: {  	v3 =	vor.u32 s29, v1;
	vm0 =	vmor vm15, vm0;
	s31 =	spop (v2sf)  }
0x87: {  	s30 =	simm.s32 $0x80;
	v4 =	vsel vm0, v2, v3;
	v3 =	vmpcnt.ones.xlane vm0;
	s1 =	sadd.s32 $0x0, s31  }
.LBB2_4:
0x88: {  	p1 =	sne.s32 s30, $0x23C0  }
0x89: {  	v4 =	vor.u32 $0x80000000, v4;
	s1 =	sadd.s32 $0x80000000, s1;
	s31 =	smov.u32 s30;
	s30 =	sadd.s32 $0x40, s30  }
0x8a: {  	v3 =	vxor.u32 $0x80000000, v3;
	(xrf1) =	vsort.ascd.msk.u32 $0xffff, v4, v2  }
0x8b: {  	(xrf0) =	vmax.scan.msk.u32 $0xffff, v3;
	_ =	sdelay $0x5  }
0x8c: {  	v2, _, _ =	vpop (xrf0)  }
0x8d: {  	(v2sf) =	vpush v2, $0xF;
	_ =	sdelay $0x5  }
0x8e: {  	_, v2, _ =	vpop (xrf1)  }
0x8f: {  	s29 =	sadd.s32 $0x10, s29;
	s31 =	sshra.s32 s31, $0x2;
	[tilespmem:s1+$0x980] =	vst v2  }
0x90: {  	v2 =	vor.u32 s29, v0;
	v3 =	vld [tilespmem:s31+$0x0]  }
0x91: {  	v4 =	vand.u32 $0xFFF, v2  }
0x92: {  	v7 =	vmov s29;
	v4 =	vmul.u32 $0x9, v4  }
0x93: {  	v7 =	vshrl.u32 v7, $0xC  }
.Ltmp3:
0x94: {  	v4 =	vadd.s32 v7, v4;
	(pc) =	sbr.rel @p1 .LBB2_4-.Ltmp3, $4  }
0x95: {  	vm1 =	vlt.s32 v4, v6;
	vm0 =	veq.s32 v3, v5  }
0x96: {  	vm2 =	vgt.s32 v3, v5;
	vm0 =	vmand vm1, vm0  }
0x97: {  	v3 =	vor.u32 s29, v1;
	vm0 =	vmor vm2, vm0;
	s31 =	spop (v2sf)  }
0x98: {  	v4 =	vsel vm0, v2, v3;
	v3 =	vmpcnt.ones.xlane vm0;
	s1 =	sadd.s32 s31, s1  }
0x99: {  	_ = 	snop  }
0x9a: {  	v3 =	vxor.u32 $0x80000000, v3  }
0x9b: {  	(xrf0) =	vmax.scan.msk.u32 $0xffff, v3;
	_ =	sdelay $0x3  }
0x9c: {  	v3 =	vor.u32 $0x80000000, v4  }
0x9d: {  	(xrf1) =	vsort.ascd.msk.u32 $0xffff, v3, v2  }
0x9e: {  	v63, _, _ =	vpop (xrf0)  }
0x9f: {  	(v2sf) =	vpush v63, $0xF;
	_ =	sdelay $0xb  }
0xa0: {  	s1 =	sadd.s32 $0x80000000, s1;
	_, v2, _ =	vpop (xrf1)  }
0xa1: {  	[tilespmem:s1+$0x980] =	vst v2  }
0xa2: {  	[spmem:s14] =	stream.linear.scatter [tilespmem:s22], [sflag:$0x1], $0x910, $0x38;
	[tilespmem:$0x50C0] =	vst v63  }
0xa3: {  	s29 =	spop (v2sf)  }
0xa4: {  	s1 =	sadd.s32 s29, s1;
	_ =	swait.ge [sflag:s19], $0x910  }
0xa5: {  	s1 =	sadd.s32 $0x80000000, s1;
	[sflag:s19] =	ssyncset.done $0x0  }
0xa6: {  	[sflag:s19] =	ssyncadd.s32 $0xFFFFF6F0;
	v2 =	vmov s1  }
0xa7: {  	[tilespmem:$0x1300] =	vst v2  }
0xa8: {  	[spmem:s15] =	stream.linear.scatter [tilespmem:s23], [sflag:$0x1], $0x10, $0x38;
	[tilespmem:$0x50C0] =	vst v63  }
.Ltmp4:
0xa9: {  	_ =	swait.ge [sflag:s19], $0x10;
	(pc) =	sbr.rel @p0 .LBB2_11-.Ltmp4, $3  }
0xaa: {  	[sflag:s19] =	ssyncset.done $0x0  }
0xab: {  	[sflag:s19] =	ssyncadd.s32 $0xFFFFFFF0  }
0xac: {  	[bflag:$0x0] =	sbarrier.arrive $0xFFFF;
	_ =	sdelay $0x1  }
0xad: {  	[tilespmem:s24], [sflag:$0x1] =	stream.linear.gather [spmem:s16], $0x100, $0x38;
	[tilespmem:$0x50C0] =	vst v63  }
0xae: {  	_ =	swait.ge [sflag:s19], $0x100  }
0xaf: {  	[sflag:s19] =	ssyncset.done $0x0  }
0xb0: {  	s30 =	simm.s32 $0x0;
	s29 =	simm.s32 $0x0;
	[sflag:s19] =	ssyncadd.s32 $0xFFFFFF00  }
.LBB2_7:
0xb1: {  	s1 =	sadd.s32 s9, s29  }
0xb2: {  	s1 =	smul.u32 $0x2440, s1;
	_ =	sdelay $0x1  }
0xb3: {  	s1 =	sshra.s32 s1, $0x2  }
0xb4: {  	s1 =	sadd.s32 s1, s2  }
0xb5: {  	[tilespmem:s25], [sflag:$0x1] =	stream.linear.gather [spmem:s1], $0x910, $0x38;
	[tilespmem:$0x50C0] =	vst v63  }
0xb6: {  	s1 =	sshll.u32 s30, $0x2  }
0xb7: {  	_ =	swait.ge [sflag:s19], $0x910;
	s1 =	sshra.s32 s1, $0x2  }
0xb8: {  	[sflag:s19] =	ssyncset.done $0x0;
	s1 =	sadd.s32 $0x1E20, s1  }
0xb9: {  	s31 =	simm.s32 $0x0;
	[sflag:s19] =	ssyncadd.s32 $0xFFFFF6F0;
	v2 =	vmov s1;
	s1 =	simm.s32 $0x100  }
.LBB2_8:
0xba: {  	p1 =	sne.s32 s1, $0x2300;
	v3 =	vld [tilespmem:s31+$0x1480];
	_ =	sdelay $0x4  }
0xbb: {  	[tilespmem:v2+s31+$0xFFFFFFE0 ss:$0x1] =	vst.idx.msk $0xffff, v3  }
0xbc: {  	v3 =	vld [tilespmem:s31+$0x1490];
	_ =	sdelay $0x4  }
0xbd: {  	[tilespmem:v2+s31+$0xFFFFFFF0 ss:$0x1] =	vst.idx.msk $0xffff, v3  }
0xbe: {  	v3 =	vld [tilespmem:s31+$0x14A0];
	_ =	sdelay $0x4  }
0xbf: {  	[tilespmem:v2+s31+$0x0 ss:$0x1] =	vst.idx.msk $0xffff, v3  }
0xc0: {  	v3 =	vld [tilespmem:s31+$0x14B0]  }
.Ltmp5:
0xc1: {  	(pc) =	sbr.rel @p1 .LBB2_8-.Ltmp5, $2  }
0xc2: {  	_ =	sdelay $0x2  }
0xc3: {  	[tilespmem:v2+s31+$0x10 ss:$0x1] =	vst.idx.msk $0xffff, v3;
	s31 =	sshra.s32 s1, $0x2;
	s1 =	sadd.s32 $0x100, s1  }
0xc4: {  	v3 =	vld [tilespmem:s31+$0x1480];
	_ =	sdelay $0x4  }
0xc5: {  	[tilespmem:v2+s31+$0xFFFFFFE0 ss:$0x1] =	vst.idx.msk $0xffff, v3  }
0xc6: {  	v3 =	vld [tilespmem:s31+$0x1490];
	_ =	sdelay $0x4  }
0xc7: {  	[tilespmem:v2+s31+$0xFFFFFFF0 ss:$0x1] =	vst.idx.msk $0xffff, v3  }
0xc8: {  	v3 =	vld [tilespmem:s31+$0x14A0];
	_ =	sdelay $0x4  }
0xc9: {  	[tilespmem:v2+s31+$0x0 ss:$0x1] =	vst.idx.msk $0xffff, v3  }
0xca: {  	v3 =	vld [tilespmem:s31+$0x14B0];
	_ =	sdelay $0x3  }
0xcb: {  	s1 =	sshll.u32 s29, $0x4  }
0xcc: {  	s1 =	sand.u32 $0x3FFFFFF0, s1;
	[tilespmem:v2+s31+$0x10 ss:$0x1] =	vst.idx.msk $0xffff, v3  }
0xcd: {  	v2 =	vld [tilespmem:s1+$0x1380];
	_ =	sdelay $0x4  }
0xce: {  	v2 =	vxor.u32 $0x80000000, v2  }
0xcf: {  	(xrf0) =	vmax.scan.msk.u32 $0xffff, v2;
	_ =	sdelay $0x5  }
0xd0: {  	v2, _, _ =	vpop (xrf0)  }
0xd1: {  	(v2sf) =	vpush v2, $0xF;
	_ =	sdelay $0xa  }
0xd2: {  	s29 =	sadd.s32 $0x1, s29  }
0xd3: {  	p1 =	sne.s32 s29, $0x10  }
.Ltmp6:
0xd4: {  	_ = 	snop;
	(pc) =	sbr.rel @p1 .LBB2_7-.Ltmp6, $4  }
0xd5: {  	_ = 	snop  }
0xd6: {  	s31 =	spop (v2sf)  }
0xd7: {  	s1 =	sadd.s32 s31, s30  }
0xd8: {  	s30 =	sadd.s32 $0x80000000, s1  }
.Ltmp7:
0xd9: {  	(pc) =	sbr.rel .LBB2_11-.Ltmp7, $4  }
0xda: {  	[hbm4b:s17+s3] =	stream.linear.scatter [tilespmem:s26], [sflag:$0x1], $0x2080, $0x38;
	[tilespmem:$0x50C0] =	vst v63  }
0xdb: {  	_ =	swait.ge [sflag:s19], $0x2080  }
0xdc: {  	[sflag:s19] =	ssyncset.done $0x0  }
0xdd: {  	[sflag:s19] =	ssyncadd.s32 $0xFFFFDF80  }
.LBB2_12:
0xde: {  	_ =	sfence.sel $0x180000  }
0xdf: {  	[bflag:$0x0] =	sbarrier.arrive $0xFFFF  }
0xe0: {  	_ =	strace $0x90000047  }
0xe1: {  	[bflag:$0x2] =	sbarrier.arrive $0xFFFF  }
0xe2: {  	p0 =	sne.s32 s0, $0x0;
	s0 =	rddreg [dreg:$0x4]  }
0xe3: {  	s0 =	sadd.s32 @!p0 $0x100000, s0  }
0xe4: {  	[sflag:s0] =	ssyncadd.tile.s32 @!p0 $0x1;
	_ =	shalt  }
.Lfunc_end2:
_tile_overlayer_lowered:
.L_overlay_start_2:
0xe5: {  	(tag) =	ssettag $0x2  }
0xe6: {  	s0 =	rddreg [dreg:$0x0];
	s2 =	stileid.u32  }
0xe7: {  	s1 =	rddreg [dreg:$0x1];
	p0 =	sne.s32 s2, $0x0  }
0xe8: {  	s3 =	rddreg [dreg:$0x2];
	[bflag:$0x3] =	sbarrier.arrive $0xFFFF;
	s2 =	simm.s32 @!p0 $0x1C01  }
0xe9: {  	[timem:s3], [sflag:s2] =	dma.local @!p0 [hbm:s0], s1  }
0xea: {  	s0 =	simm.s32 @!p0 $0x1  }
0xeb: {  	_ =	swait.ge @!p0 [sflag:s0], s1  }
0xec: {  	s1 =	ssub.s32 @!p0 $0x0, s1;
	[sflag:s0] =	ssyncset.done @!p0 $0x0  }
0xed: {  	[sflag:s0] =	ssyncadd.s32 @!p0 s1  }
0xee: {  	[bflag:$0x3] =	sbarrier.arrive $0xFFFF  }
0xef: {  	_ =	shalt  }

// kernel: kernel.9.cloned.1.call-start
scs
__scs_entry_jumppad:
0x0: {  	(pc) =	sbr.rel $0x88, $3  }
0x1: {  	(tag) =	ssettag $0x0;
	lr =	simm.s32 $0x1  }
0x2: {  	[smem:$0x3F9E] =	sst lr;
	_ =	strace $0xD0000000  }
0x3: {  	_ = 	snop  }
0x4: {  	_ = 	snop  }
0x5: {  	_ = 	snop  }
0x6: {  	_ = 	snop  }
0x7: {  	_ = 	snop  }
__scs_overlays_trampoline_lowered:
0x8: {  	[smem:$0x3FAD] =	sst s0  }
0x9: {  	[smem:$0x3FAE] =	sst s1  }
0xa: {  	[smem:$0x3FAF] =	sst s2  }
0xb: {  	[smem:$0x3FB0] =	sst s3  }
0xc: {  	[smem:$0x3FB1] =	sst s4  }
0xd: {  	[smem:$0x3FB2] =	sst s5  }
0xe: {  	[smem:$0x3FB3] =	sst s6  }
0xf: {  	[smem:$0x3FB4] =	sst s7  }
0x10: {  	[smem:$0x3FB5] =	sst s8  }
0x11: {  	[smem:$0x3FB6] =	sst s9;
	s0 =	simm.s32 @!p0 $0x0  }
0x12: {  	s1 =	sld [smem:$0x3F9C];
	s0 =	simm.s32 @p0 $0x1  }
0x13: {  	[smem:$0x3FB7] =	sst s0;
	s0 =	simm.s32 @!p1 $0x0  }
0x14: {  	s2 =	sld [smem:$0x3F9B];
	s0 =	simm.s32 @p1 $0x1  }
0x15: {  	[smem:$0x3FB8] =	sst s0;
	s0 =	simm.s32 @!p2 $0x0  }
0x16: {  	s3 =	sld [smem:$0x3FDB];
	s0 =	simm.s32 @p2 $0x1  }
0x17: {  	s4 =	simm.s32 $0x1BF5;
	[smem:$0x3FBA] =	sst s0  }
0x18: {  	s0 =	sld [smem:$0x3F9D];
	_ =	swait.ge [sflag:s4], $0x0  }
0x19: {  	s7 =	sld [smem:$0x3F9E]  }
0x1a: {  	s8 =	sadd.s32 $0xFFFFE003, lr  }
0x1b: {  	s9 =	sadd.s32 $0xFFFFFEF7, lr;
	s5 =	simm.s32 $0xFFFFFFFF;
	p2 =	slt.u32 s8, $0xFFFFF086  }
0x1c: {  	p1 =	slt.u32 s9, $0xF7A;
	s5 =	simm.s32 @!p2 $0x0  }
0x1d: {  	s5 =	simm.s32 @p1 $0x1;
	p0 =	seq.s32 s7, s2  }
0x1e: {  	s7 =	smul.u32 @!p0 $0xF7A, s2;
	p2 =	seq.s32 @!p0 s5, $0x0  }
0x1f: {  	s9 =	smul.u32 $0xF7A, s1;
	s8 =	simm.s32 @!p0 $0x1BF5;
	p2 =	por !p2, p0  }
0x20: {  	[sflag:s8] =	ssyncset.s32 @!p0 $0xFFFFF086;
	s6 =	sadd.s32 @!p0 s3, s7;
	s7 =	simm.s32 @!p0 $0x108  }
0x21: {  	s3 =	sadd.s32 s3, s9;
	s6 =	sadd.s32 @!p0 $0x88, s6;
	s7 =	simm.s32 @p2 $0x1082  }
0x22: {  	[simem:s7], [sflag:s8] =	dma.local @!p0 [hbm:s6], $0xF7A  }
0x23: {  	s9 =	sor.u32 $0xD0000000, s2;
	s6 =	simm.s32 $0x108;
	_ =	swait.ge @!p0 [sflag:s8], $0x0  }
0x24: {  	s3 =	sadd.s32 $0x88, s3;
	s6 =	simm.s32 @!p1 $0x1082;
	[sflag:s4] =	ssyncset.s32 $0xFFFFF086  }
0x25: {  	[simem:s6], [sflag:s4] =	dma.local [hbm:s3], $0xF7A  }
0x26: {  	[smem:$0x3F9E] =	sst s1;
	(tag) =	ssettag s2;
	_ =	strace s9  }
0x27: {  	s1 =	sld [smem:$0x3FAE]  }
0x28: {  	s2 =	sld [smem:$0x3FAF]  }
0x29: {  	s4 =	sld [smem:$0x3FB1]  }
0x2a: {  	p0 =	seq.s32 s5, $0x0;
	s5 =	sld [smem:$0x3FB2]  }
0x2b: {  	s6 =	sld [smem:$0x3FB3]  }
0x2c: {  	s7 =	sld [smem:$0x3FB4]  }
0x2d: {  	s3 =	simm.s32 $0x108;
	s8 =	sld [smem:$0x3FB5]  }
0x2e: {  	s3 =	simm.s32 @!p0 $0x1082;
	s9 =	sld [smem:$0x3FB6]  }
0x2f: {  	lr =	sadd.s32 s0, s3;
	s0 =	sld [smem:$0x3FAD]  }
0x30: {  	s3 =	sld [smem:$0x3FB0]  }
0x31: {  	[smem:$0x3FB9] =	sst s10  }
0x32: {  	s10 =	sld [smem:$0x3FB7];
	_ =	sdelay $0x3  }
0x33: {  	p0 =	seq.s32 s10, $0x1;
	s10 =	sld [smem:$0x3FB9];
	_ =	sdelay $0x3  }
0x34: {  	[smem:$0x3FB9] =	sst s10  }
0x35: {  	s10 =	sld [smem:$0x3FB8];
	_ =	sdelay $0x3  }
0x36: {  	p1 =	seq.s32 s10, $0x1;
	s10 =	sld [smem:$0x3FB9];
	_ =	sdelay $0x3  }
0x37: {  	[smem:$0x3FB9] =	sst s10  }
0x38: {  	s10 =	sld [smem:$0x3FBA]  }
0x39: {  	_ = 	snop;
	(pc) =	sbr.ind lr, $3  }
0x3a: {  	_ = 	snop  }
0x3b: {  	_ = 	snop  }
0x3c: {  	p2 =	seq.s32 s10, $0x1;
	s10 =	sld [smem:$0x3FB9]  }
0x3d: {  	_ =	shalt  }
0x3e: {  	_ =	shalt  }
0x3f: {  	_ =	shalt  }
0x40: {  	_ =	shalt  }
0x41: {  	_ =	shalt  }
0x42: {  	_ =	shalt  }
0x43: {  	_ =	shalt  }
0x44: {  	_ =	shalt  }
0x45: {  	_ =	shalt  }
0x46: {  	_ =	shalt  }
0x47: {  	_ =	shalt  }
0x48: {  	_ =	shalt  }
0x49: {  	_ =	shalt  }
0x4a: {  	_ =	shalt  }
0x4b: {  	_ =	shalt  }
0x4c: {  	_ =	shalt  }
0x4d: {  	_ =	shalt  }
0x4e: {  	_ =	shalt  }
0x4f: {  	_ =	shalt  }
0x50: {  	_ =	shalt  }
0x51: {  	_ =	shalt  }
0x52: {  	_ =	shalt  }
0x53: {  	_ =	shalt  }
0x54: {  	_ =	shalt  }
0x55: {  	_ =	shalt  }
0x56: {  	_ =	shalt  }
0x57: {  	_ =	shalt  }
0x58: {  	_ =	shalt  }
0x59: {  	_ =	shalt  }
0x5a: {  	_ =	shalt  }
0x5b: {  	_ =	shalt  }
0x5c: {  	_ =	shalt  }
0x5d: {  	_ =	shalt  }
0x5e: {  	_ =	shalt  }
0x5f: {  	_ =	shalt  }
0x60: {  	_ =	shalt  }
0x61: {  	_ =	shalt  }
0x62: {  	_ =	shalt  }
0x63: {  	_ =	shalt  }
0x64: {  	_ =	shalt  }
0x65: {  	_ =	shalt  }
0x66: {  	_ =	shalt  }
0x67: {  	_ =	shalt  }
0x68: {  	_ =	shalt  }
0x69: {  	_ =	shalt  }
0x6a: {  	_ =	shalt  }
0x6b: {  	_ =	shalt  }
0x6c: {  	_ =	shalt  }
0x6d: {  	_ =	shalt  }
0x6e: {  	_ =	shalt  }
0x6f: {  	_ =	shalt  }
0x70: {  	_ =	shalt  }
0x71: {  	_ =	shalt  }
0x72: {  	_ =	shalt  }
0x73: {  	_ =	shalt  }
0x74: {  	_ =	shalt  }
0x75: {  	_ =	shalt  }
0x76: {  	_ =	shalt  }
0x77: {  	_ =	shalt  }
0x78: {  	_ =	shalt  }
0x79: {  	_ =	shalt  }
0x7a: {  	_ =	shalt  }
0x7b: {  	_ =	shalt  }
0x7c: {  	_ =	shalt  }
0x7d: {  	_ =	shalt  }
0x7e: {  	_ =	shalt  }
0x7f: {  	_ =	shalt  }
0x80: {  	_ =	shalt  }
0x81: {  	_ =	shalt  }
0x82: {  	_ =	shalt  }
0x83: {  	_ =	shalt  }
0x84: {  	_ =	shalt  }
0x85: {  	_ =	shalt  }
0x86: {  	_ =	shalt  }
0x87: {  	_ =	shalt  }
.Lfunc_end0:
.L_simem_size_0:
called_computation.1_lowered:
.L_overlay_start_0:
0x88: {  	s2 =	sld [smem:$0x3FD9]  }
0x89: {  	s3 =	sld [smem:$0x3FFE];
	_ =	sdelay $0x1  }
0x8a: {  	s1 =	srdreg.scid  }
0x8b: {  	s0 =	sand.u32 $0x1, s1  }
0x8c: {  	s16 =	sshll.u32 s0, $0xA;
	s2 =	sadd.s32 s3, s2  }
0x8d: {  	s2 =	sadd.s32 s2, s16  }
0x8e: {  	[smem:$0x3FC5] =	sst s2  }
0x8f: {  	_ = 	snop  }
0x90: {  	(tm) =	ssettm $0x1  }
0x91: {  	s17 =	sld [smem:$0x3FFB];
	_ =	sdelay $0x3  }
0x92: {  	_ =	strace s17  }
0x93: {  	s2 =	sld [smem:$0x3FFC];
	_ =	sdelay $0x3  }
0x94: {  	_ =	strace s2  }
0x95: {  	s2 =	sld [smem:$0x3FFD];
	_ =	sdelay $0x3  }
0x96: {  	_ =	strace s2  }
0x97: {  	_ =	strace $0x8FFFFFFF  }
0x98: {  	s18 =	sld [smem:$0x3FDB];
	_ =	sdelay $0x1  }
0x99: {  	s19 =	simm.s32 $_scs_section_size  }
0x9a: {  	s4 =	simm.s32 $_size__tile_overlayer_lowered;
	s5 =	simm.s32 $_tile_overlayer_lowered  }
0x9b: {  	s22 =	simm.s32 $0x1BFF;
	s21 =	sshll.u32 s5, $0x1;
	s2 =	sadd.s32 s19, s18  }
0x9c: {  	s6 =	simm.s32 $0x0;
	s20 =	sshll.u32 s4, $0x1;
	s4 =	sadd.s32 s21, s2  }
0x9d: {  	[timem:s6], [sflag:s22] =	dma.local [hbm:s4], s20  }
0x9e: {  	_ =	swait.ge [sflag:s22], s20  }
0x9f: {  	s3 =	ssub.s32 $0x0, s20;
	[sflag:s22] =	ssyncset.done $0x0  }
0xa0: {  	[sflag:s22] =	ssyncadd.s32 s3;
	_ =	sdelay $0x1  }
0xa1: {  	s23 =	simm.s32 $0x1B8B  }
0xa2: {  	_ =	swait.ge [sflag:s23], $0x1  }
0xa3: {  	[sflag:s23] =	ssyncset.done $0x0  }
0xa4: {  	s25 =	simm.s32 $0x1B8E;
	s24 =	sld [smem:$0x3FFE];
	[sflag:s23] =	ssyncadd.s32 $0xFFFFFFFF  }
0xa5: {  	s26 =	simm.s32 $execute0_lowered;
	[smem:$0x3FD2] =	sst s25  }
0xa6: {  	s4 =	sshll.u32 s26, $0x1;
	_ =	strace $0x80000049;
	[dreg:$0x1] =	wrdreg $0xFFFFFFFF  }
0xa7: {  	s28 =	simm.s32 $_size_execute0_lowered;
	s2 =	sadd.s32 s2, s4;
	[dreg:$0x0] =	wrdreg $0x0  }
0xa8: {  	s4 =	sshll.u32 s28, $0x1;
	[dreg:$0x2] =	wrdreg s2  }
0xa9: {  	[dreg:$0x3] =	wrdreg s4  }
0xaa: {  	[dreg:$0x4] =	wrdreg $0xC0  }
0xab: {  	_ =	task [dreg:s6], $0x5FFFF  }
0xac: {  	[dreg:$0x1] =	wrdreg $0xFFFFFFFF  }
0xad: {  	[dreg:$0x0] =	wrdreg $0x60  }
0xae: {  	[dreg:$0x2] =	wrdreg s24  }
0xaf: {  	[dreg:$0x3] =	wrdreg $0x9  }
0xb0: {  	_ =	task.clear_ibuf [dreg:s6], $0x4FFFF;
	_ =	strace $0x90000049  }
0xb1: {  	s29 =	simm.s32 $0x9;
	_ =	strace $0x8000004B  }
0xb2: {  	_ =	swait.ge [sflag:s29], $0x1  }
0xb3: {  	[sflag:s29] =	ssyncadd.s32 $0xFFFFFFFF  }
0xb4: {  	_ =	strace $0x9000004B  }
0xb5: {  	_ =	sfence  }
0xb6: {  	s30 =	sld [smem:$0x0];
	_ =	sdelay $0x2  }
0xb7: {  	s31 =	sshll.u32 s1, $0xD;
	s1 =	sshrl.u32 s1, $0x2  }
0xb8: {  	s3 =	sand.u32 $0x4000, s31;
	s1 =	sadd.s32 s1, s30  }
0xb9: {  	s0 =	sor.u32 s3, s0;
	s1 =	sshll.u32 s1, $0x11  }
0xba: {  	s0 =	sor.u32 s1, s0  }
0xbb: {  	s0 =	sadd.s32 $0x8F2B, s0  }
0xbc: {  	[sflag:s0] =	ssyncadd.remote.s32 $0x1  }
0xbd: {  	_ =	sfence.sel $0xFFFF  }
0xbe: {  	[dreg:$0x0] =	wrdreg $0xFFFFFFFF;
	(pc) =	sbr.abs _section_cstart, $3  }
0xbf: {  	[dreg:$0x1] =	wrdreg $0xFFFFFFFF  }
0xc0: {  	_ =	task.clear_ibuf [dreg:s6], $0x2FFFF;
	_ =	strace $0x9FFFFFFF  }
0xc1: {  	(tm) =	ssettm $0x7FFFFFFF  }
tec
execute0_lowered:
.L_overlay_start_1:
0x0: {  	(tag) =	ssettag $0x1  }
0x1: {  	s1 =	stileid.u32  }
0x2: {  	p0 =	sgt.u32 s1, $0x9  }
.Ltmp0:
0x3: {  	_ = 	snop;
	(pc) =	sbr.rel @p0 .LBB2_5-.Ltmp0, $4  }
0x4: {  	_ = 	snop  }
0x5: {  	s3 =	rddreg [dreg:$0x0];
	s2 =	simm.s32 $0x0  }
0x6: {  	[smem:$0x7FF] =	sst s2  }
0x7: {  	s0 =	rddreg [dreg:$0x1];
	_ =	strace $0x8000004A  }
0x8: {  	s4 =	srdreg.scid  }
0x9: {  	s5 =	sshll.u32 s1, $0x1;
	s4 =	sand.u32 $0x1, s4  }
0xa: {  	s5 =	sor.u32 s4, s5  }
0xb: {  	s6 =	smul.u32 $0x34, s5;
	_ =	sdelay $0x1  }
0xc: {  	s6 =	sshrl.u32 s6, $0x8  }
0xd: {  	s7 =	smul.u32 $0x3FFFFFFB, s6;
	_ =	sdelay $0x1  }
0xe: {  	s9 =	sadd.s32 $0x1800, s3;
	s10 =	simm.s32 $0x0;
	s7 =	sadd.s32 s5, s7  }
0xf: {  	s26 =	ssub.s32 $0x2, s4;
	s8 =	smul.u32 $0x410, s6;
	s7 =	sshll.u32 s7, $0x2  }
0x10: {  	s29 =	sshrl.u32 s26, $0x1;
	s5 =	smul.u32 $0x2F0, s5;
	s6 =	sadd.s32 s6, s7  }
0x11: {  	s30 =	ssub.s32 s26, s29;
	s25 =	sadd.s32 s8, s3;
	s6 =	smul.u32 $0x9000, s6  }
0x12: {  	s8 =	simm.s32 $0x9000;
	s28 =	sadd.s32 s5, s3;
	s3 =	sadd.s32 $0x1C800, s25  }
0x13: {  	s7 =	simm.s32 $0x1;
	s4 =	sadd.s32 $0x18000, s28;
	s31 =	sshrl.u32 s6, $0x3  }
0x14: {  	s6 =	smax.u32 s30, $0x1;
	s5 =	sadd.s32 s9, s31;
	s9 =	simm.s32 $0xA780  }
.LBB2_2:
0x15: {  	s11 =	simm.s32 $0x0  }
0x16: {  	[tilespmem:s11], [sflag:$0x1] =	stream.linear.gather [hbm4b:s5+s11], $0x9000, $0x38;
	[tilespmem:$0xBF00] =	vst v63  }
0x17: {  	_ =	swait.ge [sflag:s7], $0x9000  }
0x18: {  	[sflag:s7] =	ssyncset.done $0x0  }
0x19: {  	[sflag:s7] =	ssyncadd.s32 $0xFFFF7000  }
0x1a: {  	[tilespmem:s8], [sflag:$0x1] =	stream.linear.gather [hbm4b:s3+s11], $0x1780, $0x38;
	[tilespmem:$0xBF00] =	vst v63  }
0x1b: {  	_ =	swait.ge [sflag:s7], $0x1780  }
0x1c: {  	[sflag:s7] =	ssyncset.done $0x0  }
0x1d: {  	s11 =	simm.s32 $0x0;
	[sflag:s7] =	ssyncadd.s32 $0xFFFFE880  }
0x1e: {  	v0 =	vld [tilespmem:s11+$0x9000];
	_ =	sdelay $0x4  }
0x1f: {  	vm0 =	vgt.s32 v0, $0x0  }
0x20: {  	v1 =	vld [tilespmem:s11+$0x9010];
	v0 =	vnsel vm0, $0x0, v0  }
0x21: {  	v0 =	vmin.u32 v0, $0x8FFF;
	_ =	sdelay $0x3  }
0x22: {  	vm13 =	vgt.s32 v1, $0x0  }
0x23: {  	v1 =	vnsel vm13, $0x0, v1;
	v0 =	vld.idx.msk [tilespmem:v0+s2+$0x0], $0xffff  }
0x24: {  	v2 =	vld [tilespmem:s11+$0x9020];
	v1 =	vmin.u32 v1, $0x8FFF;
	_ =	sdelay $0x3  }
0x25: {  	[tilespmem:s11+$0xA780] =	vst v0  }
0x26: {  	vm14 =	vgt.s32 v2, $0x0;
	v0 =	vld.idx.msk [tilespmem:v1+s2+$0x0], $0xffff  }
0x27: {  	v1 =	vnsel vm14, $0x0, v2;
	v2 =	vld [tilespmem:s11+$0x9030]  }
0x28: {  	v1 =	vmin.u32 v1, $0x8FFF;
	_ =	sdelay $0x3  }
0x29: {  	[tilespmem:s11+$0xA790] =	vst v0;
	vm15 =	vgt.s32 v2, $0x0  }
0x2a: {  	s13 =	simm.s32 $0x40;
	s12 =	simm.s32 $0x200;
	v0 =	vld.idx.msk [tilespmem:v1+s2+$0x0], $0xffff;
	v1 =	vnsel vm15, $0x0, v2  }
.LBB2_3:
0x2b: {  	p0 =	sne.s32 s12, $0x5D00;
	v2 =	vld [tilespmem:s13+$0x9000];
	v1 =	vmin.u32 v1, $0x8FFF;
	_ =	sdelay $0x3  }
0x2c: {  	[tilespmem:s11+$0xA7A0] =	vst v0  }
0x2d: {  	vm0 =	vgt.s32 v2, $0x0;
	v0 =	vld.idx.msk [tilespmem:v1+s2+$0x0], $0xffff  }
0x2e: {  	v1 =	vnsel vm0, $0x0, v2  }
0x2f: {  	v1 =	vmin.u32 v1, $0x8FFF;
	v2 =	vld [tilespmem:s13+$0x9010];
	_ =	sdelay $0x3  }
0x30: {  	[tilespmem:s11+$0xA7B0] =	vst v0;
	s11 =	smov.u32 s13  }
0x31: {  	v0 =	vld.idx.msk [tilespmem:v1+s2+$0x0], $0xffff;
	vm0 =	vgt.s32 v2, $0x0  }
0x32: {  	v1 =	vnsel vm0, $0x0, v2  }
0x33: {  	v1 =	vmin.u32 v1, $0x8FFF;
	v2 =	vld [tilespmem:s11+$0x9020];
	_ =	sdelay $0x3  }
0x34: {  	[tilespmem:s11+$0xA780] =	vst v0  }
0x35: {  	v0 =	vld.idx.msk [tilespmem:v1+s2+$0x0], $0xffff;
	vm0 =	vgt.s32 v2, $0x0  }
0x36: {  	v1 =	vnsel vm0, $0x0, v2  }
0x37: {  	v1 =	vmin.u32 v1, $0x8FFF;
	v2 =	vld [tilespmem:s11+$0x9030];
	_ =	sdelay $0x1  }
.Ltmp1:
0x38: {  	(pc) =	sbr.rel @p0 .LBB2_3-.Ltmp1, $4  }
0x39: {  	_ = 	snop  }
0x3a: {  	[tilespmem:s11+$0xA790] =	vst v0  }
0x3b: {  	v0 =	vld.idx.msk [tilespmem:v1+s2+$0x0], $0xffff;
	vm0 =	vgt.s32 v2, $0x0  }
0x3c: {  	s13 =	sshra.s32 s12, $0x2;
	s12 =	sadd.s32 $0x100, s12;
	v1 =	vnsel vm0, $0x0, v2  }
0x3d: {  	v2 =	vld [tilespmem:s13+$0x9000];
	v1 =	vmin.u32 v1, $0x8FFF;
	_ =	sdelay $0x3  }
0x3e: {  	[tilespmem:s11+$0xA7A0] =	vst v0  }
0x3f: {  	vm0 =	vgt.s32 v2, $0x0;
	v0 =	vld.idx.msk [tilespmem:v1+s2+$0x0], $0xffff  }
0x40: {  	v58 =	vld [tilespmem:s13+$0x9010];
	v57 =	vnsel vm0, $0x0, v2  }
0x41: {  	v1 =	vmin.u32 v57, $0x8FFF;
	_ =	sdelay $0x2  }
0x42: {  	[tilespmem:s11+$0xA7B0] =	vst v0  }
0x43: {  	vm13 =	vgt.s32 v58, $0x0;
	v60 =	vld [tilespmem:s13+$0x9020]  }
0x44: {  	v59 =	vnsel vm13, $0x0, v58;
	v0 =	vld.idx.msk [tilespmem:v1+s2+$0x0], $0xffff  }
0x45: {  	v1 =	vmin.u32 v59, $0x8FFF;
	_ =	sdelay $0x3  }
0x46: {  	v62 =	vld [tilespmem:s13+$0x9030];
	vm14 =	vgt.s32 v60, $0x0;
	[tilespmem:s13+$0xA780] =	vst v0  }
0x47: {  	v61 =	vnsel vm14, $0x0, v60;
	v0 =	vld.idx.msk [tilespmem:v1+s2+$0x0], $0xffff  }
0x48: {  	v1 =	vmin.u32 v61, $0x8FFF;
	_ =	sdelay $0x3  }
0x49: {  	vm15 =	vgt.s32 v62, $0x0;
	[tilespmem:s13+$0xA790] =	vst v0  }
0x4a: {  	v63 =	vnsel vm15, $0x0, v62;
	v0 =	vld.idx.msk [tilespmem:v1+s2+$0x0], $0xffff  }
0x4b: {  	v1 =	vmin.u32 v63, $0x8FFF;
	_ =	sdelay $0x3  }
0x4c: {  	[tilespmem:s13+$0xA7A0] =	vst v0  }
0x4d: {  	v0 =	vld.idx.msk [tilespmem:v1+s2+$0x0], $0xffff;
	_ =	sdelay $0x2  }
0x4e: {  	s10 =	sadd.s32 $0x1, s10  }
0x4f: {  	p0 =	sne.s32 s10, s6  }
.Ltmp2:
0x50: {  	[tilespmem:s13+$0xA7B0] =	vst v0;
	(pc) =	sbr.rel @p0 .LBB2_2-.Ltmp2, $4  }
0x51: {  	[hbm4b:s4+s2] =	stream.linear.scatter [tilespmem:s9], [sflag:$0x1], $0x1780, $0x38;
	[tilespmem:$0xBF00] =	vst v63  }
0x52: {  	_ =	swait.ge [sflag:s7], $0x1780  }
0x53: {  	[sflag:s7] =	ssyncset.done $0x0  }
0x54: {  	[sflag:s7] =	ssyncadd.s32 $0xFFFFE880  }
.LBB2_5:
0x55: {  	_ =	sfence.sel $0x180000  }
0x56: {  	[bflag:$0x0] =	sbarrier.arrive $0xFFFF  }
0x57: {  	p0 =	sne.s32 s1, $0x0;
	_ =	strace $0x9000004A  }
0x58: {  	s0 =	sadd.s32 @!p0 $0x100000, s0;
	[bflag:$0x2] =	sbarrier.arrive $0xFFFF  }
0x59: {  	[sflag:s0] =	ssyncadd.tile.s32 @!p0 $0x1;
	_ =	shalt  }
.Lfunc_end2:
_tile_overlayer_lowered:
.L_overlay_start_2:
0x5a: {  	(tag) =	ssettag $0x2  }
0x5b: {  	s0 =	rddreg [dreg:$0x0];
	s2 =	stileid.u32  }
0x5c: {  	s1 =	rddreg [dreg:$0x1];
	p0 =	sne.s32 s2, $0x0  }
0x5d: {  	s3 =	rddreg [dreg:$0x2];
	[bflag:$0x3] =	sbarrier.arrive $0xFFFF;
	s2 =	simm.s32 @!p0 $0x1C01  }
0x5e: {  	[timem:s3], [sflag:s2] =	dma.local @!p0 [hbm:s0], s1  }
0x5f: {  	s0 =	simm.s32 @!p0 $0x1  }
0x60: {  	_ =	swait.ge @!p0 [sflag:s0], s1  }
0x61: {  	s1 =	ssub.s32 @!p0 $0x0, s1;
	[sflag:s0] =	ssyncset.done @!p0 $0x0  }
0x62: {  	[sflag:s0] =	ssyncadd.s32 @!p0 s1  }
0x63: {  	[bflag:$0x3] =	sbarrier.arrive $0xFFFF  }
0x64: {  	_ =	shalt  }

</sc_bundles>
